<compile_context>
chip_gen: v7x
topology: tpu7x:2x2x1
jax: 0.10.2.dev20260603
libtpu: 0.0.44.dev20260713+nightly
codegen_flags: <defaults>
</compile_context>

<pallas_src>
import functools
import math

import jax
import jax.numpy as jnp
from jax import lax
from jax.experimental import pallas as pl
from jax.experimental.pallas import tpu as pltpu
from jax.experimental.pallas import tpu_sc as plsc

H = 4
CH = 128
D = 128
DE = 16
FF = 256

_INV_SQRT_CH = 1.0 / math.sqrt(CH)



def _proj_body(x_ref, wq_ref, bq_ref, wk_ref, bk_ref, wv_ref, bv_ref, we_ref,
               qp_ref, kv_ref):
    xb = x_ref[...]
    q = jnp.dot(xb, wq_ref[...], preferred_element_type=jnp.float32) + bq_ref[...]
    k = jnp.dot(xb, wk_ref[...], preferred_element_type=jnp.float32) + bk_ref[...]
    v = jnp.dot(xb, wv_ref[...], preferred_element_type=jnp.float32) + bv_ref[...]
    for h in range(H):
        sl = slice(h * CH, (h + 1) * CH)
        qh = q[:, sl]
        ph = lax.dot_general(qh, we_ref[:, sl], (((1,), (1,)), ((), ())),
                             preferred_element_type=jnp.float32)
        qp_ref[h] = jnp.concatenate([qh, ph], axis=1)
        kv_ref[h] = jnp.concatenate([k[:, sl], v[:, sl]], axis=1)


def _project(x, Wq, bq, Wk, bk, Wv, bv, We, n_pad):
    n = x.shape[0]
    R = 1000
    grid = (n // R,)
    full = lambda shape: pl.BlockSpec(shape, lambda i: (0,) * len(shape))
    return pl.pallas_call(
        _proj_body,
        grid=grid,
        in_specs=[
            pl.BlockSpec((R, D), lambda i: (i, 0)),
            full((D, H * CH)), full((1, H * CH)),
            full((D, H * CH)), full((1, H * CH)),
            full((D, H * CH)), full((1, H * CH)),
            full((DE, H * CH)),
        ],
        out_specs=[
            pl.BlockSpec((H, R, CH + DE), lambda i: (0, i, 0)),
            pl.BlockSpec((H, R, 2 * CH), lambda i: (0, i, 0)),
        ],
        out_shape=[
            jax.ShapeDtypeStruct((H, n_pad, CH + DE), jnp.float32),
            jax.ShapeDtypeStruct((H, n_pad, 2 * CH), jnp.float32),
        ],
    )(x, Wq, bq.reshape(1, -1), Wk, bk.reshape(1, -1), Wv, bv.reshape(1, -1), We)



_B = 16
_AW = CH + 2 * DE
_ZR = 64


def _sc_attention(qp_flat, kv_flat, src, dst, edge_attr, n):
    e = edge_attr.shape[0]
    num_tiles = 16
    rows_per_tile = n // num_tiles
    edges_per_tile = e // num_tiles
    num_batches = edges_per_tile // _B
    assert edges_per_tile % _B == 0 and rows_per_tile % _ZR == 0
    assert num_batches % 2 == 1

    mesh = plsc.VectorSubcoreMesh(core_axis_name="c", subcore_axis_name="s",
                                  num_cores=2, num_subcores=num_tiles)

    buf = lambda shape, dt: [pltpu.VMEM(shape, dt) for _ in range(2)]

    @functools.partial(
        pl.kernel,
        out_type=jax.ShapeDtypeStruct((H, n, _AW), jnp.float32),
        mesh=mesh,
        compiler_params=pltpu.CompilerParams(use_tc_tiling_on_sc=False),
        scratch_types=[
            buf((_B,), jnp.int32),
            buf((_B,), jnp.int32),
            buf((_B,), jnp.int32),
            buf((_B, DE), jnp.float32),
            buf((_B, CH + DE), jnp.float32),
            buf((_B, 2 * CH), jnp.float32),
            pltpu.VMEM((_B, _AW), jnp.float32),
            pltpu.VMEM((_ZR, _AW), jnp.float32),
            pltpu.VMEM_SHARED((n, _AW), jnp.float32),
            [pltpu.SemaphoreType.DMA for _ in range(2)],
            [pltpu.SemaphoreType.DMA for _ in range(2)],
            pltpu.SemaphoreType.DMA,
        ],
    )
    def sc_kernel(qp_hbm, kv_hbm, src_hbm, dst_hbm, ea_hbm, acc_out,
                  idx_src, idx_dst, idx_dst_g, ea_v, qp_v, kv_v, st_v, z_v,
                  acc_sh, sem_i, sem_g, sem_z):
        core = lax.axis_index("c")
        sid = lax.axis_index("s")
        tile_edge_base = sid * edges_per_tile
        row_base = sid * rows_per_tile

        zero16 = jnp.zeros((16,), jnp.float32)
        lanes = lax.iota(jnp.int32, 16)
        perms = [lanes ^ d for d in (1, 2, 4, 8)]

        def zfill(i, _):
            for j in range(_AW // 16):
                z_v[i, pl.ds(j * 16, 16)] = zero16
            return 0
        lax.fori_loop(0, _ZR, zfill, 0)

        def fire_idx(b, p):
            base = tile_edge_base + b * _B
            pltpu.make_async_copy(src_hbm.at[pl.ds(base, _B)],
                                  idx_src[p], sem_i[p]).start()
            pltpu.make_async_copy(dst_hbm.at[pl.ds(base, _B)],
                                  idx_dst[p], sem_i[p]).start()
            pltpu.make_async_copy(ea_hbm.at[pl.ds(base, _B)],
                                  ea_v[p], sem_i[p]).start()

        def fire_gather(p, off):
            pltpu.make_async_copy(src_hbm.at[pl.ds(0, _B)],
                                  idx_src[p], sem_i[p]).wait()
            pltpu.make_async_copy(dst_hbm.at[pl.ds(0, _B)],
                                  idx_dst[p], sem_i[p]).wait()
            pltpu.make_async_copy(ea_hbm.at[pl.ds(0, _B)],
                                  ea_v[p], sem_i[p]).wait()
            idx_src[p][...] = idx_src[p][...] + off
            idx_dst_g[p][...] = idx_dst[p][...] + off
            pltpu.make_async_copy(qp_hbm.at[idx_dst_g[p]],
                                  qp_v[p], sem_g[p]).start()
            pltpu.make_async_copy(kv_hbm.at[idx_src[p]],
                                  kv_v[p], sem_g[p]).start()

        def compute_scatter(b, p, off, prefetch):
            po = 1 - p
            if prefetch:
                fire_idx(b + 1, po)
            pltpu.make_async_copy(qp_hbm.at[idx_dst_g[p]],
                                  qp_v[p], sem_g[p]).wait()
            pltpu.make_async_copy(kv_hbm.at[idx_src[p]],
                                  kv_v[p], sem_g[p]).wait()

            def edge_body(i, _):
                ea_row = ea_v[p][i, pl.ds(0, 16)]
                pp = qp_v[p][i, pl.ds(CH, 16)]
                a0 = pp * ea_row
                a1 = qp_v[p][i, pl.ds(0, 16)] * kv_v[p][i, pl.ds(0, 16)]
                for j in range(1, CH // 16, 2):
                    a0 = a0 + qp_v[p][i, pl.ds(j * 16, 16)] * kv_v[p][i, pl.ds(j * 16, 16)]
                for j in range(2, CH // 16, 2):
                    a1 = a1 + qp_v[p][i, pl.ds(j * 16, 16)] * kv_v[p][i, pl.ds(j * 16, 16)]
                acc = a0 + a1
                for perm in perms:
                    acc = acc + acc.at[perm].get(mode="promise_in_bounds")
                w = jnp.exp(acc * _INV_SQRT_CH)
                for j in range(CH // 16):
                    ds = pl.ds(j * 16, 16)
                    st_v[i, ds] = w * kv_v[p][i, pl.ds(CH + j * 16, 16)]
                st_v[i, pl.ds(CH, 16)] = w * ea_row
                st_v[i, pl.ds(CH + DE, 16)] = jnp.where(lanes == 0, w, 0.0)
                return 0
            lax.fori_loop(0, _B, edge_body, 0)

            if prefetch:
                fire_gather(po, off)
            pltpu.sync_copy(st_v, acc_sh.at[idx_dst[p]], add=True)

        for r in range(2):
            head = core * 2 + r
            off = jnp.full((16,), head * n, jnp.int32)

            nz = rows_per_tile // _ZR
            for c in range(nz):
                pltpu.make_async_copy(
                    z_v, acc_sh.at[pl.ds(row_base + c * _ZR, _ZR)],
                    sem_z).start()
            for c in range(nz):
                pltpu.make_async_copy(
                    z_v, acc_sh.at[pl.ds(row_base + c * _ZR, _ZR)],
                    sem_z).wait()
            plsc.subcore_barrier()

            fire_idx(0, 0)
            fire_gather(0, off)

            def batch_pair(i, _):
                compute_scatter(2 * i, 0, off, True)
                compute_scatter(2 * i + 1, 1, off, True)
                return 0
            lax.fori_loop(0, num_batches // 2, batch_pair, 0)
            compute_scatter(num_batches - 1, 0, off, False)
            plsc.subcore_barrier()

            pltpu.sync_copy(acc_sh.at[pl.ds(row_base, rows_per_tile)],
                            acc_out.at[head, pl.ds(row_base, rows_per_tile)])
            plsc.subcore_barrier()

    return sc_kernel(qp_flat, kv_flat, src, dst, edge_attr)



def _ln(y, w, b):
    mu = jnp.mean(y, axis=-1, keepdims=True)
    var = jnp.mean((y - mu) ** 2, axis=-1, keepdims=True)
    return (y - mu) * lax.rsqrt(var + 1e-5) * w + b


def _epi_body(x_ref, a_ref, we_ref, wskip_ref, bskip_ref,
              ln1w_ref, ln1b_ref, w1_ref, b1_ref, w2_ref, b2_ref,
              ln2w_ref, ln2b_ref, out_ref):
    xb = x_ref[...]
    agg = jnp.zeros(xb.shape, jnp.float32)
    for h in range(H):
        sh = a_ref[h, :, CH:CH + DE]
        corr = jnp.dot(sh, we_ref[:, h * CH:(h + 1) * CH],
                       preferred_element_type=jnp.float32)
        den = a_ref[h, :, CH + DE:CH + DE + 1]
        agg = agg + (a_ref[h, :, 0:CH] + corr) / (den + 1e-16)
    attn = agg * (1.0 / H) + jnp.dot(xb, wskip_ref[...],
                                     preferred_element_type=jnp.float32) + bskip_ref[...]
    h1 = _ln(xb + attn, ln1w_ref[...], ln1b_ref[...])
    t = jnp.dot(h1, w1_ref[...], preferred_element_type=jnp.float32) + b1_ref[...]
    t = jnp.where(t > 0, t, 0.01 * t)
    f = jnp.dot(t, w2_ref[...], preferred_element_type=jnp.float32) + b2_ref[...]
    out_ref[...] = _ln(h1 + f, ln2w_ref[...], ln2b_ref[...])


def _epilogue(x, acc, We, Wskip, bskip, ln1_w, ln1_b, W1, b1, W2, b2,
              ln2_w, ln2_b):
    n = x.shape[0]
    R = 1000
    grid = (n // R,)
    full = lambda shape: pl.BlockSpec(shape, lambda i: (0,) * len(shape))
    return pl.pallas_call(
        _epi_body,
        grid=grid,
        in_specs=[
            pl.BlockSpec((R, D), lambda i: (i, 0)),
            pl.BlockSpec((H, R, _AW), lambda i: (0, i, 0)),
            full((DE, H * CH)),
            full((D, D)), full((1, D)),
            full((1, D)), full((1, D)),
            full((D, FF)), full((1, FF)),
            full((FF, D)), full((1, D)),
            full((1, D)), full((1, D)),
        ],
        out_specs=pl.BlockSpec((R, D), lambda i: (i, 0)),
        out_shape=jax.ShapeDtypeStruct((n, D), jnp.float32),
    )(x, acc, We, Wskip, bskip.reshape(1, -1), ln1_w.reshape(1, -1),
      ln1_b.reshape(1, -1), W1, b1.reshape(1, -1), W2, b2.reshape(1, -1),
      ln2_w.reshape(1, -1), ln2_b.reshape(1, -1))



def kernel(x, edge_index, edge_attr, Wq, bq, Wk, bk, Wv, bv, We, Wskip, bskip,
           ln1_w, ln1_b, W1, b1, W2, b2, ln2_w, ln2_b):
    n = x.shape[0]
    n_pad = ((n + 16 * _B - 1) // (16 * _B)) * (16 * _B)
    qp, kv = _project(x, Wq, bq, Wk, bk, Wv, bv, We, n_pad)
    qp_flat = qp.reshape(H * n_pad, CH + DE)
    kv_flat = kv.reshape(H * n_pad, 2 * CH)
    ei = edge_index.astype(jnp.int32)
    e = ei.shape[1]
    ept = ((e // 16 + _B - 1) // _B) * _B
    e_pad = 16 * ept
    src = jnp.concatenate([ei[0], jnp.zeros((e_pad - e,), jnp.int32)])
    dst = jnp.concatenate([ei[1], jnp.full((e_pad - e,), n_pad - 1, jnp.int32)])
    ea = jnp.concatenate([edge_attr,
                          jnp.zeros((e_pad - e, DE), jnp.float32)])
    acc = _sc_attention(qp_flat, kv_flat, src, dst, ea, n_pad)
    return _epilogue(x, acc, We, Wskip, bskip, ln1_w, ln1_b, W1, b1,
                     W2, b2, ln2_w, ln2_b)

# --- scband reference (transcript-rebuilt; emitter-appended) ---
"""Pipeline reference for scband-graph-transformer-block-15375982920263 (READ-ONLY COPY).

The authoritative reference and input builder live on the scoring server;
editing this copy changes nothing except your own understanding.
"""

import jax, jax.numpy as jnp
import numpy as np
import math

H = 4
CH = 128
N = 10000
E = 160000
D = 128
DE = 16
FF = 256

def _layer_norm(x, w, b, eps=1e-5):
    mu = jnp.mean(x, axis=-1, keepdims=True)
    var = jnp.mean((x - mu) ** 2, axis=-1, keepdims=True)
    return (x - mu) / jnp.sqrt(var + eps) * w + b

def setup_inputs(seed: int = 0):
    key = jax.random.key(seed)
    ks = jax.random.split(key, 16)
    s = 1.0 / math.sqrt(D)
    inp = {}
    inp["x"] = jax.random.normal(ks[0], (N, D), dtype=jnp.float32)
    inp["edge_index"] = jax.random.randint(ks[1], (2, E), 0, N)
    inp["edge_attr"] = jax.random.normal(ks[2], (E, DE), dtype=jnp.float32)
    inp["Wq"] = jax.random.normal(ks[3], (D, H * CH), dtype=jnp.float32) * s
    inp["bq"] = jnp.zeros((H * CH,), dtype=jnp.float32)
    inp["Wk"] = jax.random.normal(ks[4], (D, H * CH), dtype=jnp.float32) * s
    inp["bk"] = jnp.zeros((H * CH,), dtype=jnp.float32)
    inp["Wv"] = jax.random.normal(ks[5], (D, H * CH), dtype=jnp.float32) * s
    inp["bv"] = jnp.zeros((H * CH,), dtype=jnp.float32)
    inp["We"] = jax.random.normal(ks[6], (DE, H * CH), dtype=jnp.float32) * (1.0 / math.sqrt(DE))
    inp["Wskip"] = jax.random.normal(ks[7], (D, D), dtype=jnp.float32) * s
    inp["bskip"] = jnp.zeros((D,), dtype=jnp.float32)
    inp["ln1_w"] = jnp.ones((D,), dtype=jnp.float32)
    inp["ln1_b"] = jnp.zeros((D,), dtype=jnp.float32)
    inp["W1"] = jax.random.normal(ks[8], (D, FF), dtype=jnp.float32) * s
    inp["b1"] = jnp.zeros((FF,), dtype=jnp.float32)
    inp["W2"] = jax.random.normal(ks[9], (FF, D), dtype=jnp.float32) * (1.0 / math.sqrt(FF))
    inp["b2"] = jnp.zeros((D,), dtype=jnp.float32)
    inp["ln2_w"] = jnp.ones((D,), dtype=jnp.float32)
    inp["ln2_b"] = jnp.zeros((D,), dtype=jnp.float32)
    return inp

def reference(x, edge_index, edge_attr, Wq, bq, Wk, bk, Wv, bv, We, Wskip, bskip, ln1_w, ln1_b, W1, b1, W2, b2, ln2_w, ln2_b):
    # PyG TransformerConv (concat=False, beta=False, root_weight=True) + residual/LN/FFN block.
    # Dropout layers are identity (eval mode).
    src = edge_index[0]
    dst = edge_index[1]
    n = x.shape[0]
    q = (x @ Wq + bq).reshape(n, H, CH)
    k = (x @ Wk + bk).reshape(n, H, CH)
    v = (x @ Wv + bv).reshape(n, H, CH)
    e = (edge_attr @ We).reshape(-1, H, CH)
    qe = q[dst]
    ke = k[src] + e
    ve = v[src] + e
    alpha = jnp.sum(qe * ke, axis=-1) / math.sqrt(CH)
    amax = jax.ops.segment_max(alpha, dst, num_segments=n)
    aexp = jnp.exp(alpha - amax[dst])
    denom = jax.ops.segment_sum(aexp, dst, num_segments=n)
    attn = aexp / (denom[dst] + 1e-16)
    msg = ve * attn[:, :, None]
    agg = jax.ops.segment_sum(msg, dst, num_segments=n)
    attn_out = jnp.mean(agg, axis=1) + (x @ Wskip + bskip)
    h = _layer_norm(x + attn_out, ln1_w, ln1_b)
    t = h @ W1 + b1
    t = jnp.where(t > 0, t, 0.01 * t)
    f = t @ W2 + b2
    return _layer_norm(h + f, ln2_w, ln2_b)

if __name__ == "__main__":
    import jax
    _d = setup_inputs()
    print(jax.jit(kernel)(*tuple(_d.values())))

</pallas_src>

<mosaic_0001>
#map = affine_map<(d0, d1) -> (0, 0)>
#map1 = affine_map<(d0, d1) -> (0)>
#map2 = affine_map<(d0, d1) -> (0, 0, 0)>
module attributes {stable_mosaic.version = 14 : i64} {
  func.func @sc_kernel(%arg0: i32, %arg1: i32, %arg2: memref<40960x144xf32, #tpu.memory_space<hbm>>, %arg3: memref<40960x256xf32, #tpu.memory_space<hbm>>, %arg4: memref<160000xi32, #tpu.memory_space<hbm>>, %arg5: memref<160000xi32, #tpu.memory_space<hbm>>, %arg6: memref<160000x16xf32, #tpu.memory_space<hbm>>, %arg7: memref<4x10240x160xf32, #tpu.memory_space<hbm>>, %arg8: memref<16xi32, #tpu.memory_space<vmem>>, %arg9: memref<16xi32, #tpu.memory_space<vmem>>, %arg10: memref<16xi32, #tpu.memory_space<vmem>>, %arg11: memref<16xi32, #tpu.memory_space<vmem>>, %arg12: memref<16xi32, #tpu.memory_space<vmem>>, %arg13: memref<16xi32, #tpu.memory_space<vmem>>, %arg14: memref<16x16xf32, #tpu.memory_space<vmem>>, %arg15: memref<16x16xf32, #tpu.memory_space<vmem>>, %arg16: memref<16x144xf32, #tpu.memory_space<vmem>>, %arg17: memref<16x144xf32, #tpu.memory_space<vmem>>, %arg18: memref<16x256xf32, #tpu.memory_space<vmem>>, %arg19: memref<16x256xf32, #tpu.memory_space<vmem>>, %arg20: memref<16x160xf32, #tpu.memory_space<vmem>>, %arg21: memref<64x160xf32, #tpu.memory_space<vmem>>, %arg22: memref<10240x160xf32, #tpu.memory_space<vmem_shared>>, %arg23: memref<!tpu.dma_semaphore, #tpu.memory_space<semaphore_mem>>, %arg24: memref<!tpu.dma_semaphore, #tpu.memory_space<semaphore_mem>>, %arg25: memref<!tpu.dma_semaphore, #tpu.memory_space<semaphore_mem>>, %arg26: memref<!tpu.dma_semaphore, #tpu.memory_space<semaphore_mem>>, %arg27: memref<!tpu.dma_semaphore, #tpu.memory_space<semaphore_mem>>) attributes {dimension_semantics = [#tpu.dimension_semantics<core_parallel>, #tpu.dimension_semantics<subcore_parallel>], iteration_bounds = array<i64: 2, 16>, scalar_prefetch = 0 : i64, scratch_operands = 20 : i64, tpu.core_type = #tpu.core_type<sc_vector_subcore>, window_params = [{transform_indices = #map}, {transform_indices = #map}, {transform_indices = #map1}, {transform_indices = #map1}, {transform_indices = #map}, {transform_indices = #map2}]} {
    %mul3A = arith.constant 10000 : i32
    %mul3A_0 = arith.muli %arg1, %mul3A : i32
    %mul3A_1 = arith.constant 640 : i32
    %mul3A_2 = arith.muli %arg1, %mul3A_1 : i32
    %broadcast_in_dim3A = arith.constant 0.000000e+00 : f32
    %broadcast_in_dim3A_3 = vector.broadcast %broadcast_in_dim3A : f32 to vector<16xf32>
    %iota3A = tpu.iota {dimensions = array<i32: 0>} : vector<16xi32>
    %xor3A = arith.constant 1 : i32
    %xor3A_4 = vector.broadcast %xor3A : i32 to vector<16xi32>
    %xor3A_5 = arith.xori %iota3A, %xor3A_4 : vector<16xi32>
    %xor3A_6 = arith.constant 2 : i32
    %xor3A_7 = vector.broadcast %xor3A_6 : i32 to vector<16xi32>
    %xor3A_8 = arith.xori %iota3A, %xor3A_7 : vector<16xi32>
    %xor3A_9 = arith.constant 4 : i32
    %xor3A_10 = vector.broadcast %xor3A_9 : i32 to vector<16xi32>
    %xor3A_11 = arith.xori %iota3A, %xor3A_10 : vector<16xi32>
    %xor3A_12 = arith.constant 8 : i32
    %xor3A_13 = vector.broadcast %xor3A_12 : i32 to vector<16xi32>
    %xor3A_14 = arith.xori %iota3A, %xor3A_13 : vector<16xi32>
    %scan3A = arith.constant 0 : i32
    %scan3A_15 = arith.constant 0 : i32
    %scan3A_16 = arith.constant 64 : i32
    %scan3A_17 = arith.addi %scan3A_15, %scan3A_16 : i32
    %scan3A_18 = arith.constant 1 : i32
    %scan3A_19 = scf.for %scan3A_407 = %scan3A_15 to %scan3A_17 step %scan3A_18 iter_args(%scan3A_408 = %scan3A) -> (i32)  : i32 {
      %swap3A_409 = arith.index_cast %scan3A_407 : i32 to index
      %swap3A_410 = arith.constant 0 : index
      %swap3A_411 = tpu.vector_load %arg21[%swap3A_409, %swap3A_410] {strides = array<i32>} : memref<64x160xf32, #tpu.memory_space<vmem>>, vector<1x16xf32>,
      %swap3A_412 = vector.shape_cast %swap3A_411 : vector<1x16xf32> to vector<16xf32>
      %swap3A_413 = vector.shape_cast %broadcast_in_dim3A_3 : vector<16xf32> to vector<1x16xf32>
      tpu.vector_store %arg21[%swap3A_409, %swap3A_410], %swap3A_413 {strides = array<i32>} : memref<64x160xf32, #tpu.memory_space<vmem>>, vector<1x16xf32>,
      %swap3A_414 = arith.index_cast %scan3A_407 : i32 to index
      %swap3A_415 = arith.constant 16 : index
      %swap3A_416 = tpu.vector_load %arg21[%swap3A_414, %swap3A_415] {strides = array<i32>} : memref<64x160xf32, #tpu.memory_space<vmem>>, vector<1x16xf32>,
      %swap3A_417 = vector.shape_cast %swap3A_416 : vector<1x16xf32> to vector<16xf32>
      %swap3A_418 = vector.shape_cast %broadcast_in_dim3A_3 : vector<16xf32> to vector<1x16xf32>
      tpu.vector_store %arg21[%swap3A_414, %swap3A_415], %swap3A_418 {strides = array<i32>} : memref<64x160xf32, #tpu.memory_space<vmem>>, vector<1x16xf32>,
      %swap3A_419 = arith.index_cast %scan3A_407 : i32 to index
      %swap3A_420 = arith.constant 32 : index
      %swap3A_421 = tpu.vector_load %arg21[%swap3A_419, %swap3A_420] {strides = array<i32>} : memref<64x160xf32, #tpu.memory_space<vmem>>, vector<1x16xf32>,
      %swap3A_422 = vector.shape_cast %swap3A_421 : vector<1x16xf32> to vector<16xf32>
      %swap3A_423 = vector.shape_cast %broadcast_in_dim3A_3 : vector<16xf32> to vector<1x16xf32>
      tpu.vector_store %arg21[%swap3A_419, %swap3A_420], %swap3A_423 {strides = array<i32>} : memref<64x160xf32, #tpu.memory_space<vmem>>, vector<1x16xf32>,
      %swap3A_424 = arith.index_cast %scan3A_407 : i32 to index
      %swap3A_425 = arith.constant 48 : index
      %swap3A_426 = tpu.vector_load %arg21[%swap3A_424, %swap3A_425] {strides = array<i32>} : memref<64x160xf32, #tpu.memory_space<vmem>>, vector<1x16xf32>,
      %swap3A_427 = vector.shape_cast %swap3A_426 : vector<1x16xf32> to vector<16xf32>
      %swap3A_428 = vector.shape_cast %broadcast_in_dim3A_3 : vector<16xf32> to vector<1x16xf32>
      tpu.vector_store %arg21[%swap3A_424, %swap3A_425], %swap3A_428 {strides = array<i32>} : memref<64x160xf32, #tpu.memory_space<vmem>>, vector<1x16xf32>,
      %swap3A_429 = arith.index_cast %scan3A_407 : i32 to index
      %swap3A_430 = arith.constant 64 : index
      %swap3A_431 = tpu.vector_load %arg21[%swap3A_429, %swap3A_430] {strides = array<i32>} : memref<64x160xf32, #tpu.memory_space<vmem>>, vector<1x16xf32>,
      %swap3A_432 = vector.shape_cast %swap3A_431 : vector<1x16xf32> to vector<16xf32>
      %swap3A_433 = vector.shape_cast %broadcast_in_dim3A_3 : vector<16xf32> to vector<1x16xf32>
      tpu.vector_store %arg21[%swap3A_429, %swap3A_430], %swap3A_433 {strides = array<i32>} : memref<64x160xf32, #tpu.memory_space<vmem>>, vector<1x16xf32>,
      %swap3A_434 = arith.index_cast %scan3A_407 : i32 to index
      %swap3A_435 = arith.constant 80 : index
      %swap3A_436 = tpu.vector_load %arg21[%swap3A_434, %swap3A_435] {strides = array<i32>} : memref<64x160xf32, #tpu.memory_space<vmem>>, vector<1x16xf32>,
      %swap3A_437 = vector.shape_cast %swap3A_436 : vector<1x16xf32> to vector<16xf32>
      %swap3A_438 = vector.shape_cast %broadcast_in_dim3A_3 : vector<16xf32> to vector<1x16xf32>
      tpu.vector_store %arg21[%swap3A_434, %swap3A_435], %swap3A_438 {strides = array<i32>} : memref<64x160xf32, #tpu.memory_space<vmem>>, vector<1x16xf32>,
      %swap3A_439 = arith.index_cast %scan3A_407 : i32 to index
      %swap3A_440 = arith.constant 96 : index
      %swap3A_441 = tpu.vector_load %arg21[%swap3A_439, %swap3A_440] {strides = array<i32>} : memref<64x160xf32, #tpu.memory_space<vmem>>, vector<1x16xf32>,
      %swap3A_442 = vector.shape_cast %swap3A_441 : vector<1x16xf32> to vector<16xf32>
      %swap3A_443 = vector.shape_cast %broadcast_in_dim3A_3 : vector<16xf32> to vector<1x16xf32>
      tpu.vector_store %arg21[%swap3A_439, %swap3A_440], %swap3A_443 {strides = array<i32>} : memref<64x160xf32, #tpu.memory_space<vmem>>, vector<1x16xf32>,
      %swap3A_444 = arith.index_cast %scan3A_407 : i32 to index
      %swap3A_445 = arith.constant 112 : index
      %swap3A_446 = tpu.vector_load %arg21[%swap3A_444, %swap3A_445] {strides = array<i32>} : memref<64x160xf32, #tpu.memory_space<vmem>>, vector<1x16xf32>,
      %swap3A_447 = vector.shape_cast %swap3A_446 : vector<1x16xf32> to vector<16xf32>
      %swap3A_448 = vector.shape_cast %broadcast_in_dim3A_3 : vector<16xf32> to vector<1x16xf32>
      tpu.vector_store %arg21[%swap3A_444, %swap3A_445], %swap3A_448 {strides = array<i32>} : memref<64x160xf32, #tpu.memory_space<vmem>>, vector<1x16xf32>,
      %swap3A_449 = arith.index_cast %scan3A_407 : i32 to index
      %swap3A_450 = arith.constant 128 : index
      %swap3A_451 = tpu.vector_load %arg21[%swap3A_449, %swap3A_450] {strides = array<i32>} : memref<64x160xf32, #tpu.memory_space<vmem>>, vector<1x16xf32>,
      %swap3A_452 = vector.shape_cast %swap3A_451 : vector<1x16xf32> to vector<16xf32>
      %swap3A_453 = vector.shape_cast %broadcast_in_dim3A_3 : vector<16xf32> to vector<1x16xf32>
      tpu.vector_store %arg21[%swap3A_449, %swap3A_450], %swap3A_453 {strides = array<i32>} : memref<64x160xf32, #tpu.memory_space<vmem>>, vector<1x16xf32>,
      %swap3A_454 = arith.index_cast %scan3A_407 : i32 to index
      %swap3A_455 = arith.constant 144 : index
      %swap3A_456 = tpu.vector_load %arg21[%swap3A_454, %swap3A_455] {strides = array<i32>} : memref<64x160xf32, #tpu.memory_space<vmem>>, vector<1x16xf32>,
      %swap3A_457 = vector.shape_cast %swap3A_456 : vector<1x16xf32> to vector<16xf32>
      %swap3A_458 = vector.shape_cast %broadcast_in_dim3A_3 : vector<16xf32> to vector<1x16xf32>
      tpu.vector_store %arg21[%swap3A_454, %swap3A_455], %swap3A_458 {strides = array<i32>} : memref<64x160xf32, #tpu.memory_space<vmem>>, vector<1x16xf32>,
      %scan3A_459 = arith.constant 0 : i32
      scf.yield %scan3A_459 : i32
    }
    %scan3A_20 = arith.constant 64 : i32
    %mul3A_21 = arith.constant 2 : i32
    %mul3A_22 = arith.muli %arg0, %mul3A_21 : i32
    %add3A = arith.constant 0 : i32
    %add3A_23 = arith.addi %mul3A_22, %add3A : i32
    %mul3A_24 = arith.constant 10240 : i32
    %mul3A_25 = arith.muli %add3A_23, %mul3A_24 : i32
    %broadcast_in_dim3A_26 = vector.broadcast %mul3A_25 : i32 to vector<16xi32>
    %add3A_27 = arith.constant 0 : i32
    %add3A_28 = arith.addi %mul3A_2, %add3A_27 : i32
    %dma_start3A = arith.constant 0 : i32
    %dma_start3A_29 = tpu.memref_slice %arg22[%add3A_28, %dma_start3A] : memref<10240x160xf32, #tpu.memory_space<vmem_shared>> -> memref<64x160xf32, #tpu.memory_space<vmem_shared>>
    %dma_start3A_30 = arith.constant 0 : i32
    %dma_start3A_31 = tpu.memref_slice %arg22[%add3A_28, %dma_start3A_30] : memref<10240x160xf32, #tpu.memory_space<vmem_shared>> -> memref<64x160xf32, #tpu.memory_space<vmem_shared>>
    tpu.enqueue_dma source(%arg21 : memref<64x160xf32, #tpu.memory_space<vmem>>) target(%dma_start3A_31 : memref<64x160xf32, #tpu.memory_space<vmem_shared>>) target_semaphore(%arg27 : memref<!tpu.dma_semaphore, #tpu.memory_space<semaphore_mem>>)
    %add3A_32 = arith.constant 64 : i32
    %add3A_33 = arith.addi %mul3A_2, %add3A_32 : i32
    %dma_start3A_34 = arith.constant 0 : i32
    %dma_start3A_35 = tpu.memref_slice %arg22[%add3A_33, %dma_start3A_34] : memref<10240x160xf32, #tpu.memory_space<vmem_shared>> -> memref<64x160xf32, #tpu.memory_space<vmem_shared>>
    %dma_start3A_36 = arith.constant 0 : i32
    %dma_start3A_37 = tpu.memref_slice %arg22[%add3A_33, %dma_start3A_36] : memref<10240x160xf32, #tpu.memory_space<vmem_shared>> -> memref<64x160xf32, #tpu.memory_space<vmem_shared>>
    tpu.enqueue_dma source(%arg21 : memref<64x160xf32, #tpu.memory_space<vmem>>) target(%dma_start3A_37 : memref<64x160xf32, #tpu.memory_space<vmem_shared>>) target_semaphore(%arg27 : memref<!tpu.dma_semaphore, #tpu.memory_space<semaphore_mem>>)
    %add3A_38 = arith.constant 128 : i32
    %add3A_39 = arith.addi %mul3A_2, %add3A_38 : i32
    %dma_start3A_40 = arith.constant 0 : i32
    %dma_start3A_41 = tpu.memref_slice %arg22[%add3A_39, %dma_start3A_40] : memref<10240x160xf32, #tpu.memory_space<vmem_shared>> -> memref<64x160xf32, #tpu.memory_space<vmem_shared>>
    %dma_start3A_42 = arith.constant 0 : i32
    %dma_start3A_43 = tpu.memref_slice %arg22[%add3A_39, %dma_start3A_42] : memref<10240x160xf32, #tpu.memory_space<vmem_shared>> -> memref<64x160xf32, #tpu.memory_space<vmem_shared>>
    tpu.enqueue_dma source(%arg21 : memref<64x160xf32, #tpu.memory_space<vmem>>) target(%dma_start3A_43 : memref<64x160xf32, #tpu.memory_space<vmem_shared>>) target_semaphore(%arg27 : memref<!tpu.dma_semaphore, #tpu.memory_space<semaphore_mem>>)
    %add3A_44 = arith.constant 192 : i32
    %add3A_45 = arith.addi %mul3A_2, %add3A_44 : i32
    %dma_start3A_46 = arith.constant 0 : i32
    %dma_start3A_47 = tpu.memref_slice %arg22[%add3A_45, %dma_start3A_46] : memref<10240x160xf32, #tpu.memory_space<vmem_shared>> -> memref<64x160xf32, #tpu.memory_space<vmem_shared>>
    %dma_start3A_48 = arith.constant 0 : i32
    %dma_start3A_49 = tpu.memref_slice %arg22[%add3A_45, %dma_start3A_48] : memref<10240x160xf32, #tpu.memory_space<vmem_shared>> -> memref<64x160xf32, #tpu.memory_space<vmem_shared>>
    tpu.enqueue_dma source(%arg21 : memref<64x160xf32, #tpu.memory_space<vmem>>) target(%dma_start3A_49 : memref<64x160xf32, #tpu.memory_space<vmem_shared>>) target_semaphore(%arg27 : memref<!tpu.dma_semaphore, #tpu.memory_space<semaphore_mem>>)
    %add3A_50 = arith.constant 256 : i32
    %add3A_51 = arith.addi %mul3A_2, %add3A_50 : i32
    %dma_start3A_52 = arith.constant 0 : i32
    %dma_start3A_53 = tpu.memref_slice %arg22[%add3A_51, %dma_start3A_52] : memref<10240x160xf32, #tpu.memory_space<vmem_shared>> -> memref<64x160xf32, #tpu.memory_space<vmem_shared>>
    %dma_start3A_54 = arith.constant 0 : i32
    %dma_start3A_55 = tpu.memref_slice %arg22[%add3A_51, %dma_start3A_54] : memref<10240x160xf32, #tpu.memory_space<vmem_shared>> -> memref<64x160xf32, #tpu.memory_space<vmem_shared>>
    tpu.enqueue_dma source(%arg21 : memref<64x160xf32, #tpu.memory_space<vmem>>) target(%dma_start3A_55 : memref<64x160xf32, #tpu.memory_space<vmem_shared>>) target_semaphore(%arg27 : memref<!tpu.dma_semaphore, #tpu.memory_space<semaphore_mem>>)
    %add3A_56 = arith.constant 320 : i32
    %add3A_57 = arith.addi %mul3A_2, %add3A_56 : i32
    %dma_start3A_58 = arith.constant 0 : i32
    %dma_start3A_59 = tpu.memref_slice %arg22[%add3A_57, %dma_start3A_58] : memref<10240x160xf32, #tpu.memory_space<vmem_shared>> -> memref<64x160xf32, #tpu.memory_space<vmem_shared>>
    %dma_start3A_60 = arith.constant 0 : i32
    %dma_start3A_61 = tpu.memref_slice %arg22[%add3A_57, %dma_start3A_60] : memref<10240x160xf32, #tpu.memory_space<vmem_shared>> -> memref<64x160xf32, #tpu.memory_space<vmem_shared>>
    tpu.enqueue_dma source(%arg21 : memref<64x160xf32, #tpu.memory_space<vmem>>) target(%dma_start3A_61 : memref<64x160xf32, #tpu.memory_space<vmem_shared>>) target_semaphore(%arg27 : memref<!tpu.dma_semaphore, #tpu.memory_space<semaphore_mem>>)
    %add3A_62 = arith.constant 384 : i32
    %add3A_63 = arith.addi %mul3A_2, %add3A_62 : i32
    %dma_start3A_64 = arith.constant 0 : i32
    %dma_start3A_65 = tpu.memref_slice %arg22[%add3A_63, %dma_start3A_64] : memref<10240x160xf32, #tpu.memory_space<vmem_shared>> -> memref<64x160xf32, #tpu.memory_space<vmem_shared>>
    %dma_start3A_66 = arith.constant 0 : i32
    %dma_start3A_67 = tpu.memref_slice %arg22[%add3A_63, %dma_start3A_66] : memref<10240x160xf32, #tpu.memory_space<vmem_shared>> -> memref<64x160xf32, #tpu.memory_space<vmem_shared>>
    tpu.enqueue_dma source(%arg21 : memref<64x160xf32, #tpu.memory_space<vmem>>) target(%dma_start3A_67 : memref<64x160xf32, #tpu.memory_space<vmem_shared>>) target_semaphore(%arg27 : memref<!tpu.dma_semaphore, #tpu.memory_space<semaphore_mem>>)
    %add3A_68 = arith.constant 448 : i32
    %add3A_69 = arith.addi %mul3A_2, %add3A_68 : i32
    %dma_start3A_70 = arith.constant 0 : i32
    %dma_start3A_71 = tpu.memref_slice %arg22[%add3A_69, %dma_start3A_70] : memref<10240x160xf32, #tpu.memory_space<vmem_shared>> -> memref<64x160xf32, #tpu.memory_space<vmem_shared>>
    %dma_start3A_72 = arith.constant 0 : i32
    %dma_start3A_73 = tpu.memref_slice %arg22[%add3A_69, %dma_start3A_72] : memref<10240x160xf32, #tpu.memory_space<vmem_shared>> -> memref<64x160xf32, #tpu.memory_space<vmem_shared>>
    tpu.enqueue_dma source(%arg21 : memref<64x160xf32, #tpu.memory_space<vmem>>) target(%dma_start3A_73 : memref<64x160xf32, #tpu.memory_space<vmem_shared>>) target_semaphore(%arg27 : memref<!tpu.dma_semaphore, #tpu.memory_space<semaphore_mem>>)
    %add3A_74 = arith.constant 512 : i32
    %add3A_75 = arith.addi %mul3A_2, %add3A_74 : i32
    %dma_start3A_76 = arith.constant 0 : i32
    %dma_start3A_77 = tpu.memref_slice %arg22[%add3A_75, %dma_start3A_76] : memref<10240x160xf32, #tpu.memory_space<vmem_shared>> -> memref<64x160xf32, #tpu.memory_space<vmem_shared>>
    %dma_start3A_78 = arith.constant 0 : i32
    %dma_start3A_79 = tpu.memref_slice %arg22[%add3A_75, %dma_start3A_78] : memref<10240x160xf32, #tpu.memory_space<vmem_shared>> -> memref<64x160xf32, #tpu.memory_space<vmem_shared>>
    tpu.enqueue_dma source(%arg21 : memref<64x160xf32, #tpu.memory_space<vmem>>) target(%dma_start3A_79 : memref<64x160xf32, #tpu.memory_space<vmem_shared>>) target_semaphore(%arg27 : memref<!tpu.dma_semaphore, #tpu.memory_space<semaphore_mem>>)
    %add3A_80 = arith.constant 576 : i32
    %add3A_81 = arith.addi %mul3A_2, %add3A_80 : i32
    %dma_start3A_82 = arith.constant 0 : i32
    %dma_start3A_83 = tpu.memref_slice %arg22[%add3A_81, %dma_start3A_82] : memref<10240x160xf32, #tpu.memory_space<vmem_shared>> -> memref<64x160xf32, #tpu.memory_space<vmem_shared>>
    %dma_start3A_84 = arith.constant 0 : i32
    %dma_start3A_85 = tpu.memref_slice %arg22[%add3A_81, %dma_start3A_84] : memref<10240x160xf32, #tpu.memory_space<vmem_shared>> -> memref<64x160xf32, #tpu.memory_space<vmem_shared>>
    tpu.enqueue_dma source(%arg21 : memref<64x160xf32, #tpu.memory_space<vmem>>) target(%dma_start3A_85 : memref<64x160xf32, #tpu.memory_space<vmem_shared>>) target_semaphore(%arg27 : memref<!tpu.dma_semaphore, #tpu.memory_space<semaphore_mem>>)
    %add3A_86 = arith.constant 0 : i32
    %add3A_87 = arith.addi %mul3A_2, %add3A_86 : i32
    %dma_wait3A = arith.constant 0 : i32
    %dma_wait3A_88 = tpu.memref_slice %arg22[%add3A_87, %dma_wait3A] : memref<10240x160xf32, #tpu.memory_space<vmem_shared>> -> memref<64x160xf32, #tpu.memory_space<vmem_shared>>
    %dma_wait3A_89 = arith.constant 0 : i32
    %dma_wait3A_90 = tpu.memref_slice %arg22[%add3A_87, %dma_wait3A_89] : memref<10240x160xf32, #tpu.memory_space<vmem_shared>> -> memref<64x160xf32, #tpu.memory_space<vmem_shared>>
    tpu.wait_dma2 semaphore(%arg27 : memref<!tpu.dma_semaphore, #tpu.memory_space<semaphore_mem>>) src(%arg21 : memref<64x160xf32, #tpu.memory_space<vmem>>) dst(%dma_wait3A_90 : memref<64x160xf32, #tpu.memory_space<vmem_shared>>)
    %add3A_91 = arith.constant 64 : i32
    %add3A_92 = arith.addi %mul3A_2, %add3A_91 : i32
    %dma_wait3A_93 = arith.constant 0 : i32
    %dma_wait3A_94 = tpu.memref_slice %arg22[%add3A_92, %dma_wait3A_93] : memref<10240x160xf32, #tpu.memory_space<vmem_shared>> -> memref<64x160xf32, #tpu.memory_space<vmem_shared>>
    %dma_wait3A_95 = arith.constant 0 : i32
    %dma_wait3A_96 = tpu.memref_slice %arg22[%add3A_92, %dma_wait3A_95] : memref<10240x160xf32, #tpu.memory_space<vmem_shared>> -> memref<64x160xf32, #tpu.memory_space<vmem_shared>>
    tpu.wait_dma2 semaphore(%arg27 : memref<!tpu.dma_semaphore, #tpu.memory_space<semaphore_mem>>) src(%arg21 : memref<64x160xf32, #tpu.memory_space<vmem>>) dst(%dma_wait3A_96 : memref<64x160xf32, #tpu.memory_space<vmem_shared>>)
    %add3A_97 = arith.constant 128 : i32
    %add3A_98 = arith.addi %mul3A_2, %add3A_97 : i32
    %dma_wait3A_99 = arith.constant 0 : i32
    %dma_wait3A_100 = tpu.memref_slice %arg22[%add3A_98, %dma_wait3A_99] : memref<10240x160xf32, #tpu.memory_space<vmem_shared>> -> memref<64x160xf32, #tpu.memory_space<vmem_shared>>
    %dma_wait3A_101 = arith.constant 0 : i32
    %dma_wait3A_102 = tpu.memref_slice %arg22[%add3A_98, %dma_wait3A_101] : memref<10240x160xf32, #tpu.memory_space<vmem_shared>> -> memref<64x160xf32, #tpu.memory_space<vmem_shared>>
    tpu.wait_dma2 semaphore(%arg27 : memref<!tpu.dma_semaphore, #tpu.memory_space<semaphore_mem>>) src(%arg21 : memref<64x160xf32, #tpu.memory_space<vmem>>) dst(%dma_wait3A_102 : memref<64x160xf32, #tpu.memory_space<vmem_shared>>)
    %add3A_103 = arith.constant 192 : i32
    %add3A_104 = arith.addi %mul3A_2, %add3A_103 : i32
    %dma_wait3A_105 = arith.constant 0 : i32
    %dma_wait3A_106 = tpu.memref_slice %arg22[%add3A_104, %dma_wait3A_105] : memref<10240x160xf32, #tpu.memory_space<vmem_shared>> -> memref<64x160xf32, #tpu.memory_space<vmem_shared>>
    %dma_wait3A_107 = arith.constant 0 : i32
    %dma_wait3A_108 = tpu.memref_slice %arg22[%add3A_104, %dma_wait3A_107] : memref<10240x160xf32, #tpu.memory_space<vmem_shared>> -> memref<64x160xf32, #tpu.memory_space<vmem_shared>>
    tpu.wait_dma2 semaphore(%arg27 : memref<!tpu.dma_semaphore, #tpu.memory_space<semaphore_mem>>) src(%arg21 : memref<64x160xf32, #tpu.memory_space<vmem>>) dst(%dma_wait3A_108 : memref<64x160xf32, #tpu.memory_space<vmem_shared>>)
    %add3A_109 = arith.constant 256 : i32
    %add3A_110 = arith.addi %mul3A_2, %add3A_109 : i32
    %dma_wait3A_111 = arith.constant 0 : i32
    %dma_wait3A_112 = tpu.memref_slice %arg22[%add3A_110, %dma_wait3A_111] : memref<10240x160xf32, #tpu.memory_space<vmem_shared>> -> memref<64x160xf32, #tpu.memory_space<vmem_shared>>
    %dma_wait3A_113 = arith.constant 0 : i32
    %dma_wait3A_114 = tpu.memref_slice %arg22[%add3A_110, %dma_wait3A_113] : memref<10240x160xf32, #tpu.memory_space<vmem_shared>> -> memref<64x160xf32, #tpu.memory_space<vmem_shared>>
    tpu.wait_dma2 semaphore(%arg27 : memref<!tpu.dma_semaphore, #tpu.memory_space<semaphore_mem>>) src(%arg21 : memref<64x160xf32, #tpu.memory_space<vmem>>) dst(%dma_wait3A_114 : memref<64x160xf32, #tpu.memory_space<vmem_shared>>)
    %add3A_115 = arith.constant 320 : i32
    %add3A_116 = arith.addi %mul3A_2, %add3A_115 : i32
    %dma_wait3A_117 = arith.constant 0 : i32
    %dma_wait3A_118 = tpu.memref_slice %arg22[%add3A_116, %dma_wait3A_117] : memref<10240x160xf32, #tpu.memory_space<vmem_shared>> -> memref<64x160xf32, #tpu.memory_space<vmem_shared>>
    %dma_wait3A_119 = arith.constant 0 : i32
    %dma_wait3A_120 = tpu.memref_slice %arg22[%add3A_116, %dma_wait3A_119] : memref<10240x160xf32, #tpu.memory_space<vmem_shared>> -> memref<64x160xf32, #tpu.memory_space<vmem_shared>>
    tpu.wait_dma2 semaphore(%arg27 : memref<!tpu.dma_semaphore, #tpu.memory_space<semaphore_mem>>) src(%arg21 : memref<64x160xf32, #tpu.memory_space<vmem>>) dst(%dma_wait3A_120 : memref<64x160xf32, #tpu.memory_space<vmem_shared>>)
    %add3A_121 = arith.constant 384 : i32
    %add3A_122 = arith.addi %mul3A_2, %add3A_121 : i32
    %dma_wait3A_123 = arith.constant 0 : i32
    %dma_wait3A_124 = tpu.memref_slice %arg22[%add3A_122, %dma_wait3A_123] : memref<10240x160xf32, #tpu.memory_space<vmem_shared>> -> memref<64x160xf32, #tpu.memory_space<vmem_shared>>
    %dma_wait3A_125 = arith.constant 0 : i32
    %dma_wait3A_126 = tpu.memref_slice %arg22[%add3A_122, %dma_wait3A_125] : memref<10240x160xf32, #tpu.memory_space<vmem_shared>> -> memref<64x160xf32, #tpu.memory_space<vmem_shared>>
    tpu.wait_dma2 semaphore(%arg27 : memref<!tpu.dma_semaphore, #tpu.memory_space<semaphore_mem>>) src(%arg21 : memref<64x160xf32, #tpu.memory_space<vmem>>) dst(%dma_wait3A_126 : memref<64x160xf32, #tpu.memory_space<vmem_shared>>)
    %add3A_127 = arith.constant 448 : i32
    %add3A_128 = arith.addi %mul3A_2, %add3A_127 : i32
    %dma_wait3A_129 = arith.constant 0 : i32
    %dma_wait3A_130 = tpu.memref_slice %arg22[%add3A_128, %dma_wait3A_129] : memref<10240x160xf32, #tpu.memory_space<vmem_shared>> -> memref<64x160xf32, #tpu.memory_space<vmem_shared>>
    %dma_wait3A_131 = arith.constant 0 : i32
    %dma_wait3A_132 = tpu.memref_slice %arg22[%add3A_128, %dma_wait3A_131] : memref<10240x160xf32, #tpu.memory_space<vmem_shared>> -> memref<64x160xf32, #tpu.memory_space<vmem_shared>>
    tpu.wait_dma2 semaphore(%arg27 : memref<!tpu.dma_semaphore, #tpu.memory_space<semaphore_mem>>) src(%arg21 : memref<64x160xf32, #tpu.memory_space<vmem>>) dst(%dma_wait3A_132 : memref<64x160xf32, #tpu.memory_space<vmem_shared>>)
    %add3A_133 = arith.constant 512 : i32
    %add3A_134 = arith.addi %mul3A_2, %add3A_133 : i32
    %dma_wait3A_135 = arith.constant 0 : i32
    %dma_wait3A_136 = tpu.memref_slice %arg22[%add3A_134, %dma_wait3A_135] : memref<10240x160xf32, #tpu.memory_space<vmem_shared>> -> memref<64x160xf32, #tpu.memory_space<vmem_shared>>
    %dma_wait3A_137 = arith.constant 0 : i32
    %dma_wait3A_138 = tpu.memref_slice %arg22[%add3A_134, %dma_wait3A_137] : memref<10240x160xf32, #tpu.memory_space<vmem_shared>> -> memref<64x160xf32, #tpu.memory_space<vmem_shared>>
    tpu.wait_dma2 semaphore(%arg27 : memref<!tpu.dma_semaphore, #tpu.memory_space<semaphore_mem>>) src(%arg21 : memref<64x160xf32, #tpu.memory_space<vmem>>) dst(%dma_wait3A_138 : memref<64x160xf32, #tpu.memory_space<vmem_shared>>)
    %add3A_139 = arith.constant 576 : i32
    %add3A_140 = arith.addi %mul3A_2, %add3A_139 : i32
    %dma_wait3A_141 = arith.constant 0 : i32
    %dma_wait3A_142 = tpu.memref_slice %arg22[%add3A_140, %dma_wait3A_141] : memref<10240x160xf32, #tpu.memory_space<vmem_shared>> -> memref<64x160xf32, #tpu.memory_space<vmem_shared>>
    %dma_wait3A_143 = arith.constant 0 : i32
    %dma_wait3A_144 = tpu.memref_slice %arg22[%add3A_140, %dma_wait3A_143] : memref<10240x160xf32, #tpu.memory_space<vmem_shared>> -> memref<64x160xf32, #tpu.memory_space<vmem_shared>>
    tpu.wait_dma2 semaphore(%arg27 : memref<!tpu.dma_semaphore, #tpu.memory_space<semaphore_mem>>) src(%arg21 : memref<64x160xf32, #tpu.memory_space<vmem>>) dst(%dma_wait3A_144 : memref<64x160xf32, #tpu.memory_space<vmem_shared>>)
    %barrier3A = arith.constant 0 : index
    tpu.barrier barrier_id(%barrier3A)
    %add3A_145 = arith.constant 0 : i32
    %add3A_146 = arith.addi %mul3A_0, %add3A_145 : i32
    %dma_start3A_147 = tpu.memref_slice %arg4[%add3A_146] : memref<160000xi32, #tpu.memory_space<hbm>> -> memref<16xi32, #tpu.memory_space<hbm>>
    %dma_start3A_148 = tpu.memref_slice %arg4[%add3A_146] : memref<160000xi32, #tpu.memory_space<hbm>> -> memref<16xi32, #tpu.memory_space<hbm>>
    tpu.enqueue_dma source(%dma_start3A_148 : memref<16xi32, #tpu.memory_space<hbm>>) target(%arg8 : memref<16xi32, #tpu.memory_space<vmem>>) target_semaphore(%arg23 : memref<!tpu.dma_semaphore, #tpu.memory_space<semaphore_mem>>)
    %dma_start3A_149 = tpu.memref_slice %arg5[%add3A_146] : memref<160000xi32, #tpu.memory_space<hbm>> -> memref<16xi32, #tpu.memory_space<hbm>>
    %dma_start3A_150 = tpu.memref_slice %arg5[%add3A_146] : memref<160000xi32, #tpu.memory_space<hbm>> -> memref<16xi32, #tpu.memory_space<hbm>>
    tpu.enqueue_dma source(%dma_start3A_150 : memref<16xi32, #tpu.memory_space<hbm>>) target(%arg10 : memref<16xi32, #tpu.memory_space<vmem>>) target_semaphore(%arg23 : memref<!tpu.dma_semaphore, #tpu.memory_space<semaphore_mem>>)
    %dma_start3A_151 = arith.constant 0 : i32
    %dma_start3A_152 = tpu.memref_slice %arg6[%add3A_146, %dma_start3A_151] : memref<160000x16xf32, #tpu.memory_space<hbm>> -> memref<16x16xf32, #tpu.memory_space<hbm>>
    %dma_start3A_153 = arith.constant 0 : i32
    %dma_start3A_154 = tpu.memref_slice %arg6[%add3A_146, %dma_start3A_153] : memref<160000x16xf32, #tpu.memory_space<hbm>> -> memref<16x16xf32, #tpu.memory_space<hbm>>
    tpu.enqueue_dma source(%dma_start3A_154 : memref<16x16xf32, #tpu.memory_space<hbm>>) target(%arg14 : memref<16x16xf32, #tpu.memory_space<vmem>>) target_semaphore(%arg23 : memref<!tpu.dma_semaphore, #tpu.memory_space<semaphore_mem>>)
    %dma_wait3A_155 = arith.constant 0 : i32
    %dma_wait3A_156 = tpu.memref_slice %arg4[%dma_wait3A_155] : memref<160000xi32, #tpu.memory_space<hbm>> -> memref<16xi32, #tpu.memory_space<hbm>>
    %dma_wait3A_157 = arith.constant 0 : i32
    %dma_wait3A_158 = tpu.memref_slice %arg4[%dma_wait3A_157] : memref<160000xi32, #tpu.memory_space<hbm>> -> memref<16xi32, #tpu.memory_space<hbm>>
    tpu.wait_dma2 semaphore(%arg23 : memref<!tpu.dma_semaphore, #tpu.memory_space<semaphore_mem>>) src(%dma_wait3A_158 : memref<16xi32, #tpu.memory_space<hbm>>) dst(%arg8 : memref<16xi32, #tpu.memory_space<vmem>>)
    %dma_wait3A_159 = arith.constant 0 : i32
    %dma_wait3A_160 = tpu.memref_slice %arg5[%dma_wait3A_159] : memref<160000xi32, #tpu.memory_space<hbm>> -> memref<16xi32, #tpu.memory_space<hbm>>
    %dma_wait3A_161 = arith.constant 0 : i32
    %dma_wait3A_162 = tpu.memref_slice %arg5[%dma_wait3A_161] : memref<160000xi32, #tpu.memory_space<hbm>> -> memref<16xi32, #tpu.memory_space<hbm>>
    tpu.wait_dma2 semaphore(%arg23 : memref<!tpu.dma_semaphore, #tpu.memory_space<semaphore_mem>>) src(%dma_wait3A_162 : memref<16xi32, #tpu.memory_space<hbm>>) dst(%arg10 : memref<16xi32, #tpu.memory_space<vmem>>)
    %dma_wait3A_163 = arith.constant 0 : i32
    %dma_wait3A_164 = arith.constant 0 : i32
    %dma_wait3A_165 = tpu.memref_slice %arg6[%dma_wait3A_163, %dma_wait3A_164] : memref<160000x16xf32, #tpu.memory_space<hbm>> -> memref<16x16xf32, #tpu.memory_space<hbm>>
    %dma_wait3A_166 = arith.constant 0 : i32
    %dma_wait3A_167 = arith.constant 0 : i32
    %dma_wait3A_168 = tpu.memref_slice %arg6[%dma_wait3A_166, %dma_wait3A_167] : memref<160000x16xf32, #tpu.memory_space<hbm>> -> memref<16x16xf32, #tpu.memory_space<hbm>>
    tpu.wait_dma2 semaphore(%arg23 : memref<!tpu.dma_semaphore, #tpu.memory_space<semaphore_mem>>) src(%dma_wait3A_168 : memref<16x16xf32, #tpu.memory_space<hbm>>) dst(%arg14 : memref<16x16xf32, #tpu.memory_space<vmem>>)
    %get3A = arith.constant 0 : index
    %get3A_169 = tpu.vector_load %arg8[%get3A] {strides = array<i32>} : memref<16xi32, #tpu.memory_space<vmem>>, vector<16xi32>,
    %get3A_170 = vector.shape_cast %get3A_169 : vector<16xi32> to vector<16xi32>
    %add3A_171 = arith.addi %get3A_170, %broadcast_in_dim3A_26 : vector<16xi32>
    %swap3A = arith.constant 0 : index
    %swap3A_172 = tpu.vector_load %arg8[%swap3A] {strides = array<i32>} : memref<16xi32, #tpu.memory_space<vmem>>, vector<16xi32>,
    %swap3A_173 = vector.shape_cast %swap3A_172 : vector<16xi32> to vector<16xi32>
    %swap3A_174 = vector.shape_cast %add3A_171 : vector<16xi32> to vector<16xi32>
    tpu.vector_store %arg8[%swap3A], %swap3A_174 {strides = array<i32>} : memref<16xi32, #tpu.memory_space<vmem>>, vector<16xi32>,
    %get3A_175 = arith.constant 0 : index
    %get3A_176 = tpu.vector_load %arg10[%get3A_175] {strides = array<i32>} : memref<16xi32, #tpu.memory_space<vmem>>, vector<16xi32>,
    %get3A_177 = vector.shape_cast %get3A_176 : vector<16xi32> to vector<16xi32>
    %add3A_178 = arith.addi %get3A_177, %broadcast_in_dim3A_26 : vector<16xi32>
    %swap3A_179 = arith.constant 0 : index
    %swap3A_180 = tpu.vector_load %arg12[%swap3A_179] {strides = array<i32>} : memref<16xi32, #tpu.memory_space<vmem>>, vector<16xi32>,
    %swap3A_181 = vector.shape_cast %swap3A_180 : vector<16xi32> to vector<16xi32>
    %swap3A_182 = vector.shape_cast %add3A_178 : vector<16xi32> to vector<16xi32>
    tpu.vector_store %arg12[%swap3A_179], %swap3A_182 {strides = array<i32>} : memref<16xi32, #tpu.memory_space<vmem>>, vector<16xi32>,
    %dma_start3A_183 = arith.constant 0 : i32
    %dma_start3A_184 = arith.constant 0 : i32
    %dma_start3A_185 = tpu.memref_slice %arg2[%dma_start3A_183, %dma_start3A_184] : memref<40960x144xf32, #tpu.memory_space<hbm>> -> memref<40960x144xf32, #tpu.memory_space<hbm>>
    tpu.enqueue_indirect_dma source(%dma_start3A_185 : memref<40960x144xf32, #tpu.memory_space<hbm>>) target(%arg16 : memref<16x144xf32, #tpu.memory_space<vmem>>) offsets(%arg12 : memref<16xi32, #tpu.memory_space<vmem>>) semaphore(%arg25 : memref<!tpu.dma_semaphore, #tpu.memory_space<semaphore_mem>>)
    %dma_start3A_186 = arith.constant 0 : i32
    %dma_start3A_187 = arith.constant 0 : i32
    %dma_start3A_188 = tpu.memref_slice %arg3[%dma_start3A_186, %dma_start3A_187] : memref<40960x256xf32, #tpu.memory_space<hbm>> -> memref<40960x256xf32, #tpu.memory_space<hbm>>
    tpu.enqueue_indirect_dma source(%dma_start3A_188 : memref<40960x256xf32, #tpu.memory_space<hbm>>) target(%arg18 : memref<16x256xf32, #tpu.memory_space<vmem>>) offsets(%arg8 : memref<16xi32, #tpu.memory_space<vmem>>) semaphore(%arg25 : memref<!tpu.dma_semaphore, #tpu.memory_space<semaphore_mem>>)
    %scan3A_189 = arith.constant 0 : i32
    %scan3A_190 = arith.constant 0 : i32
    %scan3A_191 = arith.constant 312 : i32
    %scan3A_192 = arith.addi %scan3A_190, %scan3A_191 : i32
    %scan3A_193 = arith.constant 1 : i32
    %scan3A_194 = scf.for %scan3A_407 = %scan3A_190 to %scan3A_192 step %scan3A_193 iter_args(%scan3A_408 = %scan3A_189) -> (i32)  : i32 {
      %mul3A_409 = arith.constant 2 : i32
      %mul3A_410 = arith.muli %mul3A_409, %scan3A_407 : i32
      %add3A_411 = arith.constant 1 : i32
      %add3A_412 = arith.addi %mul3A_410, %add3A_411 : i32
      %mul3A_413 = arith.constant 16 : i32
      %mul3A_414 = arith.muli %add3A_412, %mul3A_413 : i32
      %add3A_415 = arith.addi %mul3A_0, %mul3A_414 : i32
      %dma_start3A_416 = tpu.memref_slice %arg4[%add3A_415] : memref<160000xi32, #tpu.memory_space<hbm>> -> memref<16xi32, #tpu.memory_space<hbm>>
      %dma_start3A_417 = tpu.memref_slice %arg4[%add3A_415] : memref<160000xi32, #tpu.memory_space<hbm>> -> memref<16xi32, #tpu.memory_space<hbm>>
      tpu.enqueue_dma source(%dma_start3A_417 : memref<16xi32, #tpu.memory_space<hbm>>) target(%arg9 : memref<16xi32, #tpu.memory_space<vmem>>) target_semaphore(%arg24 : memref<!tpu.dma_semaphore, #tpu.memory_space<semaphore_mem>>)
      %dma_start3A_418 = tpu.memref_slice %arg5[%add3A_415] : memref<160000xi32, #tpu.memory_space<hbm>> -> memref<16xi32, #tpu.memory_space<hbm>>
      %dma_start3A_419 = tpu.memref_slice %arg5[%add3A_415] : memref<160000xi32, #tpu.memory_space<hbm>> -> memref<16xi32, #tpu.memory_space<hbm>>
      tpu.enqueue_dma source(%dma_start3A_419 : memref<16xi32, #tpu.memory_space<hbm>>) target(%arg11 : memref<16xi32, #tpu.memory_space<vmem>>) target_semaphore(%arg24 : memref<!tpu.dma_semaphore, #tpu.memory_space<semaphore_mem>>)
      %dma_start3A_420 = arith.constant 0 : i32
      %dma_start3A_421 = tpu.memref_slice %arg6[%add3A_415, %dma_start3A_420] : memref<160000x16xf32, #tpu.memory_space<hbm>> -> memref<16x16xf32, #tpu.memory_space<hbm>>
      %dma_start3A_422 = arith.constant 0 : i32
      %dma_start3A_423 = tpu.memref_slice %arg6[%add3A_415, %dma_start3A_422] : memref<160000x16xf32, #tpu.memory_space<hbm>> -> memref<16x16xf32, #tpu.memory_space<hbm>>
      tpu.enqueue_dma source(%dma_start3A_423 : memref<16x16xf32, #tpu.memory_space<hbm>>) target(%arg15 : memref<16x16xf32, #tpu.memory_space<vmem>>) target_semaphore(%arg24 : memref<!tpu.dma_semaphore, #tpu.memory_space<semaphore_mem>>)
      %dma_wait3A_424 = arith.constant 0 : i32
      %dma_wait3A_425 = arith.constant 0 : i32
      %dma_wait3A_426 = tpu.memref_slice %arg2[%dma_wait3A_424, %dma_wait3A_425] : memref<40960x144xf32, #tpu.memory_space<hbm>> -> memref<40960x144xf32, #tpu.memory_space<hbm>>
      tpu.wait_indirect_dma semaphore(%arg25 : memref<!tpu.dma_semaphore, #tpu.memory_space<semaphore_mem>>) src(%dma_wait3A_426 : memref<40960x144xf32, #tpu.memory_space<hbm>>) dst(%arg16 : memref<16x144xf32, #tpu.memory_space<vmem>>)
      %dma_wait3A_427 = arith.constant 0 : i32
      %dma_wait3A_428 = arith.constant 0 : i32
      %dma_wait3A_429 = tpu.memref_slice %arg3[%dma_wait3A_427, %dma_wait3A_428] : memref<40960x256xf32, #tpu.memory_space<hbm>> -> memref<40960x256xf32, #tpu.memory_space<hbm>>
      tpu.wait_indirect_dma semaphore(%arg25 : memref<!tpu.dma_semaphore, #tpu.memory_space<semaphore_mem>>) src(%dma_wait3A_429 : memref<40960x256xf32, #tpu.memory_space<hbm>>) dst(%arg18 : memref<16x256xf32, #tpu.memory_space<vmem>>)
      %scan3A_430 = arith.constant 0 : i32
      %scan3A_431 = arith.constant 0 : i32
      %scan3A_432 = arith.constant 16 : i32
      %scan3A_433 = arith.addi %scan3A_431, %scan3A_432 : i32
      %scan3A_434 = arith.constant 1 : i32
      %scan3A_435 = scf.for %scan3A_540 = %scan3A_431 to %scan3A_433 step %scan3A_434 iter_args(%scan3A_541 = %scan3A_430) -> (i32)  : i32 {
        %get3A_542 = arith.index_cast %scan3A_540 : i32 to index
        %get3A_543 = arith.constant 0 : index
        %get3A_544 = tpu.vector_load %arg14[%get3A_542, %get3A_543] {strides = array<i32>} : memref<16x16xf32, #tpu.memory_space<vmem>>, vector<1x16xf32>,
        %get3A_545 = vector.shape_cast %get3A_544 : vector<1x16xf32> to vector<16xf32>
        %get3A_546 = arith.index_cast %scan3A_540 : i32 to index
        %get3A_547 = arith.constant 128 : index
        %get3A_548 = tpu.vector_load %arg16[%get3A_546, %get3A_547] {strides = array<i32>} : memref<16x144xf32, #tpu.memory_space<vmem>>, vector<1x16xf32>,
        %get3A_549 = vector.shape_cast %get3A_548 : vector<1x16xf32> to vector<16xf32>
        %mul3A_550 = arith.mulf %get3A_549, %get3A_545 : vector<16xf32>
        %get3A_551 = arith.index_cast %scan3A_540 : i32 to index
        %get3A_552 = arith.constant 0 : index
        %get3A_553 = tpu.vector_load %arg16[%get3A_551, %get3A_552] {strides = array<i32>} : memref<16x144xf32, #tpu.memory_space<vmem>>, vector<1x16xf32>,
        %get3A_554 = vector.shape_cast %get3A_553 : vector<1x16xf32> to vector<16xf32>
        %get3A_555 = arith.index_cast %scan3A_540 : i32 to index
        %get3A_556 = arith.constant 0 : index
        %get3A_557 = tpu.vector_load %arg18[%get3A_555, %get3A_556] {strides = array<i32>} : memref<16x256xf32, #tpu.memory_space<vmem>>, vector<1x16xf32>,
        %get3A_558 = vector.shape_cast %get3A_557 : vector<1x16xf32> to vector<16xf32>
        %mul3A_559 = arith.mulf %get3A_554, %get3A_558 : vector<16xf32>
        %get3A_560 = arith.index_cast %scan3A_540 : i32 to index
        %get3A_561 = arith.constant 16 : index
        %get3A_562 = tpu.vector_load %arg16[%get3A_560, %get3A_561] {strides = array<i32>} : memref<16x144xf32, #tpu.memory_space<vmem>>, vector<1x16xf32>,
        %get3A_563 = vector.shape_cast %get3A_562 : vector<1x16xf32> to vector<16xf32>
        %get3A_564 = arith.index_cast %scan3A_540 : i32 to index
        %get3A_565 = arith.constant 16 : index
        %get3A_566 = tpu.vector_load %arg18[%get3A_564, %get3A_565] {strides = array<i32>} : memref<16x256xf32, #tpu.memory_space<vmem>>, vector<1x16xf32>,
        %get3A_567 = vector.shape_cast %get3A_566 : vector<1x16xf32> to vector<16xf32>
        %mul3A_568 = arith.mulf %get3A_563, %get3A_567 : vector<16xf32>
        %add3A_569 = arith.addf %mul3A_550, %mul3A_568 : vector<16xf32>
        %get3A_570 = arith.index_cast %scan3A_540 : i32 to index
        %get3A_571 = arith.constant 48 : index
        %get3A_572 = tpu.vector_load %arg16[%get3A_570, %get3A_571] {strides = array<i32>} : memref<16x144xf32, #tpu.memory_space<vmem>>, vector<1x16xf32>,
        %get3A_573 = vector.shape_cast %get3A_572 : vector<1x16xf32> to vector<16xf32>
        %get3A_574 = arith.index_cast %scan3A_540 : i32 to index
        %get3A_575 = arith.constant 48 : index
        %get3A_576 = tpu.vector_load %arg18[%get3A_574, %get3A_575] {strides = array<i32>} : memref<16x256xf32, #tpu.memory_space<vmem>>, vector<1x16xf32>,
        %get3A_577 = vector.shape_cast %get3A_576 : vector<1x16xf32> to vector<16xf32>
        %mul3A_578 = arith.mulf %get3A_573, %get3A_577 : vector<16xf32>
        %add3A_579 = arith.addf %add3A_569, %mul3A_578 : vector<16xf32>
        %get3A_580 = arith.index_cast %scan3A_540 : i32 to index
        %get3A_581 = arith.constant 80 : index
        %get3A_582 = tpu.vector_load %arg16[%get3A_580, %get3A_581] {strides = array<i32>} : memref<16x144xf32, #tpu.memory_space<vmem>>, vector<1x16xf32>,
        %get3A_583 = vector.shape_cast %get3A_582 : vector<1x16xf32> to vector<16xf32>
        %get3A_584 = arith.index_cast %scan3A_540 : i32 to index
        %get3A_585 = arith.constant 80 : index
        %get3A_586 = tpu.vector_load %arg18[%get3A_584, %get3A_585] {strides = array<i32>} : memref<16x256xf32, #tpu.memory_space<vmem>>, vector<1x16xf32>,
        %get3A_587 = vector.shape_cast %get3A_586 : vector<1x16xf32> to vector<16xf32>
        %mul3A_588 = arith.mulf %get3A_583, %get3A_587 : vector<16xf32>
        %add3A_589 = arith.addf %add3A_579, %mul3A_588 : vector<16xf32>
        %get3A_590 = arith.index_cast %scan3A_540 : i32 to index
        %get3A_591 = arith.constant 112 : index
        %get3A_592 = tpu.vector_load %arg16[%get3A_590, %get3A_591] {strides = array<i32>} : memref<16x144xf32, #tpu.memory_space<vmem>>, vector<1x16xf32>,
        %get3A_593 = vector.shape_cast %get3A_592 : vector<1x16xf32> to vector<16xf32>
        %get3A_594 = arith.index_cast %scan3A_540 : i32 to index
        %get3A_595 = arith.constant 112 : index
        %get3A_596 = tpu.vector_load %arg18[%get3A_594, %get3A_595] {strides = array<i32>} : memref<16x256xf32, #tpu.memory_space<vmem>>, vector<1x16xf32>,
        %get3A_597 = vector.shape_cast %get3A_596 : vector<1x16xf32> to vector<16xf32>
        %mul3A_598 = arith.mulf %get3A_593, %get3A_597 : vector<16xf32>
        %add3A_599 = arith.addf %add3A_589, %mul3A_598 : vector<16xf32>
        %get3A_600 = arith.index_cast %scan3A_540 : i32 to index
        %get3A_601 = arith.constant 32 : index
        %get3A_602 = tpu.vector_load %arg16[%get3A_600, %get3A_601] {strides = array<i32>} : memref<16x144xf32, #tpu.memory_space<vmem>>, vector<1x16xf32>,
        %get3A_603 = vector.shape_cast %get3A_602 : vector<1x16xf32> to vector<16xf32>
        %get3A_604 = arith.index_cast %scan3A_540 : i32 to index
        %get3A_605 = arith.constant 32 : index
        %get3A_606 = tpu.vector_load %arg18[%get3A_604, %get3A_605] {strides = array<i32>} : memref<16x256xf32, #tpu.memory_space<vmem>>, vector<1x16xf32>,
        %get3A_607 = vector.shape_cast %get3A_606 : vector<1x16xf32> to vector<16xf32>
        %mul3A_608 = arith.mulf %get3A_603, %get3A_607 : vector<16xf32>
        %add3A_609 = arith.addf %mul3A_559, %mul3A_608 : vector<16xf32>
        %get3A_610 = arith.index_cast %scan3A_540 : i32 to index
        %get3A_611 = arith.constant 64 : index
        %get3A_612 = tpu.vector_load %arg16[%get3A_610, %get3A_611] {strides = array<i32>} : memref<16x144xf32, #tpu.memory_space<vmem>>, vector<1x16xf32>,
        %get3A_613 = vector.shape_cast %get3A_612 : vector<1x16xf32> to vector<16xf32>
        %get3A_614 = arith.index_cast %scan3A_540 : i32 to index
        %get3A_615 = arith.constant 64 : index
        %get3A_616 = tpu.vector_load %arg18[%get3A_614, %get3A_615] {strides = array<i32>} : memref<16x256xf32, #tpu.memory_space<vmem>>, vector<1x16xf32>,
        %get3A_617 = vector.shape_cast %get3A_616 : vector<1x16xf32> to vector<16xf32>
        %mul3A_618 = arith.mulf %get3A_613, %get3A_617 : vector<16xf32>
        %add3A_619 = arith.addf %add3A_609, %mul3A_618 : vector<16xf32>
        %get3A_620 = arith.index_cast %scan3A_540 : i32 to index
        %get3A_621 = arith.constant 96 : index
        %get3A_622 = tpu.vector_load %arg16[%get3A_620, %get3A_621] {strides = array<i32>} : memref<16x144xf32, #tpu.memory_space<vmem>>, vector<1x16xf32>,
        %get3A_623 = vector.shape_cast %get3A_622 : vector<1x16xf32> to vector<16xf32>
        %get3A_624 = arith.index_cast %scan3A_540 : i32 to index
        %get3A_625 = arith.constant 96 : index
        %get3A_626 = tpu.vector_load %arg18[%get3A_624, %get3A_625] {strides = array<i32>} : memref<16x256xf32, #tpu.memory_space<vmem>>, vector<1x16xf32>,
        %get3A_627 = vector.shape_cast %get3A_626 : vector<1x16xf32> to vector<16xf32>
        %mul3A_628 = arith.mulf %get3A_623, %get3A_627 : vector<16xf32>
        %add3A_629 = arith.addf %add3A_619, %mul3A_628 : vector<16xf32>
        %add3A_630 = arith.addf %add3A_599, %add3A_629 : vector<16xf32>
        %lt3A = arith.constant 0 : i32
        %lt3A_631 = vector.broadcast %lt3A : i32 to vector<16xi32>
        %lt3A_632 = arith.cmpi slt, %xor3A_5, %lt3A_631 : vector<16xi32>
        %add3A_633 = arith.constant 16 : i32
        %add3A_634 = vector.broadcast %add3A_633 : i32 to vector<16xi32>
        %add3A_635 = arith.addi %xor3A_5, %add3A_634 : vector<16xi32>
        %select_n3A = arith.select %lt3A_632, %add3A_635, %xor3A_5 : vector<16xi1>, vector<16xi32>
        %broadcast_in_dim3A_636 = vector.shape_cast %select_n3A : vector<16xi32> to vector<16x1xi32>
        %gather3A = vector.shape_cast %broadcast_in_dim3A_636 : vector<16x1xi32> to vector<16xi32>
        %gather3A_637 = tpu.dynamic_gather %add3A_630[%gather3A] in [0] : vector<16xf32>, vector<16xi32> -> vector<16xf32>
        %add3A_638 = arith.addf %add3A_630, %gather3A_637 : vector<16xf32>
        %lt3A_639 = arith.constant 0 : i32
        %lt3A_640 = vector.broadcast %lt3A_639 : i32 to vector<16xi32>
        %lt3A_641 = arith.cmpi slt, %xor3A_8, %lt3A_640 : vector<16xi32>
        %add3A_642 = arith.constant 16 : i32
        %add3A_643 = vector.broadcast %add3A_642 : i32 to vector<16xi32>
        %add3A_644 = arith.addi %xor3A_8, %add3A_643 : vector<16xi32>
        %select_n3A_645 = arith.select %lt3A_641, %add3A_644, %xor3A_8 : vector<16xi1>, vector<16xi32>
        %broadcast_in_dim3A_646 = vector.shape_cast %select_n3A_645 : vector<16xi32> to vector<16x1xi32>
        %gather3A_647 = vector.shape_cast %broadcast_in_dim3A_646 : vector<16x1xi32> to vector<16xi32>
        %gather3A_648 = tpu.dynamic_gather %add3A_638[%gather3A_647] in [0] : vector<16xf32>, vector<16xi32> -> vector<16xf32>
        %add3A_649 = arith.addf %add3A_638, %gather3A_648 : vector<16xf32>
        %lt3A_650 = arith.constant 0 : i32
        %lt3A_651 = vector.broadcast %lt3A_650 : i32 to vector<16xi32>
        %lt3A_652 = arith.cmpi slt, %xor3A_11, %lt3A_651 : vector<16xi32>
        %add3A_653 = arith.constant 16 : i32
        %add3A_654 = vector.broadcast %add3A_653 : i32 to vector<16xi32>
        %add3A_655 = arith.addi %xor3A_11, %add3A_654 : vector<16xi32>
        %select_n3A_656 = arith.select %lt3A_652, %add3A_655, %xor3A_11 : vector<16xi1>, vector<16xi32>
        %broadcast_in_dim3A_657 = vector.shape_cast %select_n3A_656 : vector<16xi32> to vector<16x1xi32>
        %gather3A_658 = vector.shape_cast %broadcast_in_dim3A_657 : vector<16x1xi32> to vector<16xi32>
        %gather3A_659 = tpu.dynamic_gather %add3A_649[%gather3A_658] in [0] : vector<16xf32>, vector<16xi32> -> vector<16xf32>
        %add3A_660 = arith.addf %add3A_649, %gather3A_659 : vector<16xf32>
        %lt3A_661 = arith.constant 0 : i32
        %lt3A_662 = vector.broadcast %lt3A_661 : i32 to vector<16xi32>
        %lt3A_663 = arith.cmpi slt, %xor3A_14, %lt3A_662 : vector<16xi32>
        %add3A_664 = arith.constant 16 : i32
        %add3A_665 = vector.broadcast %add3A_664 : i32 to vector<16xi32>
        %add3A_666 = arith.addi %xor3A_14, %add3A_665 : vector<16xi32>
        %select_n3A_667 = arith.select %lt3A_663, %add3A_666, %xor3A_14 : vector<16xi1>, vector<16xi32>
        %broadcast_in_dim3A_668 = vector.shape_cast %select_n3A_667 : vector<16xi32> to vector<16x1xi32>
        %gather3A_669 = vector.shape_cast %broadcast_in_dim3A_668 : vector<16x1xi32> to vector<16xi32>
        %gather3A_670 = tpu.dynamic_gather %add3A_660[%gather3A_669] in [0] : vector<16xf32>, vector<16xi32> -> vector<16xf32>
        %add3A_671 = arith.addf %add3A_660, %gather3A_670 : vector<16xf32>
        %mul3A_672 = arith.constant 0.0883883461 : f32
        %mul3A_673 = vector.broadcast %mul3A_672 : f32 to vector<16xf32>
        %mul3A_674 = arith.mulf %add3A_671, %mul3A_673 : vector<16xf32>
        %exp3A = math.exp %mul3A_674 : vector<16xf32>
        %get3A_675 = arith.index_cast %scan3A_540 : i32 to index
        %get3A_676 = arith.constant 128 : index
        %get3A_677 = tpu.vector_load %arg18[%get3A_675, %get3A_676] {strides = array<i32>} : memref<16x256xf32, #tpu.memory_space<vmem>>, vector<1x16xf32>,
        %get3A_678 = vector.shape_cast %get3A_677 : vector<1x16xf32> to vector<16xf32>
        %mul3A_679 = arith.mulf %exp3A, %get3A_678 : vector<16xf32>
        %swap3A_680 = arith.index_cast %scan3A_540 : i32 to index
        %swap3A_681 = arith.constant 0 : index
        %swap3A_682 = tpu.vector_load %arg20[%swap3A_680, %swap3A_681] {strides = array<i32>} : memref<16x160xf32, #tpu.memory_space<vmem>>, vector<1x16xf32>,
        %swap3A_683 = vector.shape_cast %swap3A_682 : vector<1x16xf32> to vector<16xf32>
        %swap3A_684 = vector.shape_cast %mul3A_679 : vector<16xf32> to vector<1x16xf32>
        tpu.vector_store %arg20[%swap3A_680, %swap3A_681], %swap3A_684 {strides = array<i32>} : memref<16x160xf32, #tpu.memory_space<vmem>>, vector<1x16xf32>,
        %get3A_685 = arith.index_cast %scan3A_540 : i32 to index
        %get3A_686 = arith.constant 144 : index
        %get3A_687 = tpu.vector_load %arg18[%get3A_685, %get3A_686] {strides = array<i32>} : memref<16x256xf32, #tpu.memory_space<vmem>>, vector<1x16xf32>,
        %get3A_688 = vector.shape_cast %get3A_687 : vector<1x16xf32> to vector<16xf32>
        %mul3A_689 = arith.mulf %exp3A, %get3A_688 : vector<16xf32>
        %swap3A_690 = arith.index_cast %scan3A_540 : i32 to index
        %swap3A_691 = arith.constant 16 : index
        %swap3A_692 = tpu.vector_load %arg20[%swap3A_690, %swap3A_691] {strides = array<i32>} : memref<16x160xf32, #tpu.memory_space<vmem>>, vector<1x16xf32>,
        %swap3A_693 = vector.shape_cast %swap3A_692 : vector<1x16xf32> to vector<16xf32>
        %swap3A_694 = vector.shape_cast %mul3A_689 : vector<16xf32> to vector<1x16xf32>
        tpu.vector_store %arg20[%swap3A_690, %swap3A_691], %swap3A_694 {strides = array<i32>} : memref<16x160xf32, #tpu.memory_space<vmem>>, vector<1x16xf32>,
        %get3A_695 = arith.index_cast %scan3A_540 : i32 to index
        %get3A_696 = arith.constant 160 : index
        %get3A_697 = tpu.vector_load %arg18[%get3A_695, %get3A_696] {strides = array<i32>} : memref<16x256xf32, #tpu.memory_space<vmem>>, vector<1x16xf32>,
        %get3A_698 = vector.shape_cast %get3A_697 : vector<1x16xf32> to vector<16xf32>
        %mul3A_699 = arith.mulf %exp3A, %get3A_698 : vector<16xf32>
        %swap3A_700 = arith.index_cast %scan3A_540 : i32 to index
        %swap3A_701 = arith.constant 32 : index
        %swap3A_702 = tpu.vector_load %arg20[%swap3A_700, %swap3A_701] {strides = array<i32>} : memref<16x160xf32, #tpu.memory_space<vmem>>, vector<1x16xf32>,
        %swap3A_703 = vector.shape_cast %swap3A_702 : vector<1x16xf32> to vector<16xf32>
        %swap3A_704 = vector.shape_cast %mul3A_699 : vector<16xf32> to vector<1x16xf32>
        tpu.vector_store %arg20[%swap3A_700, %swap3A_701], %swap3A_704 {strides = array<i32>} : memref<16x160xf32, #tpu.memory_space<vmem>>, vector<1x16xf32>,
        %get3A_705 = arith.index_cast %scan3A_540 : i32 to index
        %get3A_706 = arith.constant 176 : index
        %get3A_707 = tpu.vector_load %arg18[%get3A_705, %get3A_706] {strides = array<i32>} : memref<16x256xf32, #tpu.memory_space<vmem>>, vector<1x16xf32>,
        %get3A_708 = vector.shape_cast %get3A_707 : vector<1x16xf32> to vector<16xf32>
        %mul3A_709 = arith.mulf %exp3A, %get3A_708 : vector<16xf32>
        %swap3A_710 = arith.index_cast %scan3A_540 : i32 to index
        %swap3A_711 = arith.constant 48 : index
        %swap3A_712 = tpu.vector_load %arg20[%swap3A_710, %swap3A_711] {strides = array<i32>} : memref<16x160xf32, #tpu.memory_space<vmem>>, vector<1x16xf32>,
        %swap3A_713 = vector.shape_cast %swap3A_712 : vector<1x16xf32> to vector<16xf32>
        %swap3A_714 = vector.shape_cast %mul3A_709 : vector<16xf32> to vector<1x16xf32>
        tpu.vector_store %arg20[%swap3A_710, %swap3A_711], %swap3A_714 {strides = array<i32>} : memref<16x160xf32, #tpu.memory_space<vmem>>, vector<1x16xf32>,
        %get3A_715 = arith.index_cast %scan3A_540 : i32 to index
        %get3A_716 = arith.constant 192 : index
        %get3A_717 = tpu.vector_load %arg18[%get3A_715, %get3A_716] {strides = array<i32>} : memref<16x256xf32, #tpu.memory_space<vmem>>, vector<1x16xf32>,
        %get3A_718 = vector.shape_cast %get3A_717 : vector<1x16xf32> to vector<16xf32>
        %mul3A_719 = arith.mulf %exp3A, %get3A_718 : vector<16xf32>
        %swap3A_720 = arith.index_cast %scan3A_540 : i32 to index
        %swap3A_721 = arith.constant 64 : index
        %swap3A_722 = tpu.vector_load %arg20[%swap3A_720, %swap3A_721] {strides = array<i32>} : memref<16x160xf32, #tpu.memory_space<vmem>>, vector<1x16xf32>,
        %swap3A_723 = vector.shape_cast %swap3A_722 : vector<1x16xf32> to vector<16xf32>
        %swap3A_724 = vector.shape_cast %mul3A_719 : vector<16xf32> to vector<1x16xf32>
        tpu.vector_store %arg20[%swap3A_720, %swap3A_721], %swap3A_724 {strides = array<i32>} : memref<16x160xf32, #tpu.memory_space<vmem>>, vector<1x16xf32>,
        %get3A_725 = arith.index_cast %scan3A_540 : i32 to index
        %get3A_726 = arith.constant 208 : index
        %get3A_727 = tpu.vector_load %arg18[%get3A_725, %get3A_726] {strides = array<i32>} : memref<16x256xf32, #tpu.memory_space<vmem>>, vector<1x16xf32>,
        %get3A_728 = vector.shape_cast %get3A_727 : vector<1x16xf32> to vector<16xf32>
        %mul3A_729 = arith.mulf %exp3A, %get3A_728 : vector<16xf32>
        %swap3A_730 = arith.index_cast %scan3A_540 : i32 to index
        %swap3A_731 = arith.constant 80 : index
        %swap3A_732 = tpu.vector_load %arg20[%swap3A_730, %swap3A_731] {strides = array<i32>} : memref<16x160xf32, #tpu.memory_space<vmem>>, vector<1x16xf32>,
        %swap3A_733 = vector.shape_cast %swap3A_732 : vector<1x16xf32> to vector<16xf32>
        %swap3A_734 = vector.shape_cast %mul3A_729 : vector<16xf32> to vector<1x16xf32>
        tpu.vector_store %arg20[%swap3A_730, %swap3A_731], %swap3A_734 {strides = array<i32>} : memref<16x160xf32, #tpu.memory_space<vmem>>, vector<1x16xf32>,
        %get3A_735 = arith.index_cast %scan3A_540 : i32 to index
        %get3A_736 = arith.constant 224 : index
        %get3A_737 = tpu.vector_load %arg18[%get3A_735, %get3A_736] {strides = array<i32>} : memref<16x256xf32, #tpu.memory_space<vmem>>, vector<1x16xf32>,
        %get3A_738 = vector.shape_cast %get3A_737 : vector<1x16xf32> to vector<16xf32>
        %mul3A_739 = arith.mulf %exp3A, %get3A_738 : vector<16xf32>
        %swap3A_740 = arith.index_cast %scan3A_540 : i32 to index
        %swap3A_741 = arith.constant 96 : index
        %swap3A_742 = tpu.vector_load %arg20[%swap3A_740, %swap3A_741] {strides = array<i32>} : memref<16x160xf32, #tpu.memory_space<vmem>>, vector<1x16xf32>,
        %swap3A_743 = vector.shape_cast %swap3A_742 : vector<1x16xf32> to vector<16xf32>
        %swap3A_744 = vector.shape_cast %mul3A_739 : vector<16xf32> to vector<1x16xf32>
        tpu.vector_store %arg20[%swap3A_740, %swap3A_741], %swap3A_744 {strides = array<i32>} : memref<16x160xf32, #tpu.memory_space<vmem>>, vector<1x16xf32>,
        %get3A_745 = arith.index_cast %scan3A_540 : i32 to index
        %get3A_746 = arith.constant 240 : index
        %get3A_747 = tpu.vector_load %arg18[%get3A_745, %get3A_746] {strides = array<i32>} : memref<16x256xf32, #tpu.memory_space<vmem>>, vector<1x16xf32>,
        %get3A_748 = vector.shape_cast %get3A_747 : vector<1x16xf32> to vector<16xf32>
        %mul3A_749 = arith.mulf %exp3A, %get3A_748 : vector<16xf32>
        %swap3A_750 = arith.index_cast %scan3A_540 : i32 to index
        %swap3A_751 = arith.constant 112 : index
        %swap3A_752 = tpu.vector_load %arg20[%swap3A_750, %swap3A_751] {strides = array<i32>} : memref<16x160xf32, #tpu.memory_space<vmem>>, vector<1x16xf32>,
        %swap3A_753 = vector.shape_cast %swap3A_752 : vector<1x16xf32> to vector<16xf32>
        %swap3A_754 = vector.shape_cast %mul3A_749 : vector<16xf32> to vector<1x16xf32>
        tpu.vector_store %arg20[%swap3A_750, %swap3A_751], %swap3A_754 {strides = array<i32>} : memref<16x160xf32, #tpu.memory_space<vmem>>, vector<1x16xf32>,
        %mul3A_755 = arith.mulf %exp3A, %get3A_545 : vector<16xf32>
        %swap3A_756 = arith.index_cast %scan3A_540 : i32 to index
        %swap3A_757 = arith.constant 128 : index
        %swap3A_758 = tpu.vector_load %arg20[%swap3A_756, %swap3A_757] {strides = array<i32>} : memref<16x160xf32, #tpu.memory_space<vmem>>, vector<1x16xf32>,
        %swap3A_759 = vector.shape_cast %swap3A_758 : vector<1x16xf32> to vector<16xf32>
        %swap3A_760 = vector.shape_cast %mul3A_755 : vector<16xf32> to vector<1x16xf32>
        tpu.vector_store %arg20[%swap3A_756, %swap3A_757], %swap3A_760 {strides = array<i32>} : memref<16x160xf32, #tpu.memory_space<vmem>>, vector<1x16xf32>,
        %eq3A = arith.constant 0 : i32
        %eq3A_761 = vector.broadcast %eq3A : i32 to vector<16xi32>
        %eq3A_762 = arith.cmpi eq, %iota3A, %eq3A_761 : vector<16xi32>
        %jit3A = arith.constant 0.000000e+00 : f32
        %broadcast_in_dim3A_763 = vector.broadcast %jit3A : f32 to vector<16xf32>
        %select_n3A_764 = arith.select %eq3A_762, %exp3A, %broadcast_in_dim3A_763 : vector<16xi1>, vector<16xf32>
        %swap3A_765 = arith.index_cast %scan3A_540 : i32 to index
        %swap3A_766 = arith.constant 144 : index
        %swap3A_767 = tpu.vector_load %arg20[%swap3A_765, %swap3A_766] {strides = array<i32>} : memref<16x160xf32, #tpu.memory_space<vmem>>, vector<1x16xf32>,
        %swap3A_768 = vector.shape_cast %swap3A_767 : vector<1x16xf32> to vector<16xf32>
        %swap3A_769 = vector.shape_cast %select_n3A_764 : vector<16xf32> to vector<1x16xf32>
        tpu.vector_store %arg20[%swap3A_765, %swap3A_766], %swap3A_769 {strides = array<i32>} : memref<16x160xf32, #tpu.memory_space<vmem>>, vector<1x16xf32>,
        %scan3A_770 = arith.constant 0 : i32
        scf.yield %scan3A_770 : i32
      }
      %scan3A_436 = arith.constant 16 : i32
      %dma_wait3A_437 = arith.constant 0 : i32
      %dma_wait3A_438 = tpu.memref_slice %arg4[%dma_wait3A_437] : memref<160000xi32, #tpu.memory_space<hbm>> -> memref<16xi32, #tpu.memory_space<hbm>>
      %dma_wait3A_439 = arith.constant 0 : i32
      %dma_wait3A_440 = tpu.memref_slice %arg4[%dma_wait3A_439] : memref<160000xi32, #tpu.memory_space<hbm>> -> memref<16xi32, #tpu.memory_space<hbm>>
      tpu.wait_dma2 semaphore(%arg24 : memref<!tpu.dma_semaphore, #tpu.memory_space<semaphore_mem>>) src(%dma_wait3A_440 : memref<16xi32, #tpu.memory_space<hbm>>) dst(%arg9 : memref<16xi32, #tpu.memory_space<vmem>>)
      %dma_wait3A_441 = arith.constant 0 : i32
      %dma_wait3A_442 = tpu.memref_slice %arg5[%dma_wait3A_441] : memref<160000xi32, #tpu.memory_space<hbm>> -> memref<16xi32, #tpu.memory_space<hbm>>
      %dma_wait3A_443 = arith.constant 0 : i32
      %dma_wait3A_444 = tpu.memref_slice %arg5[%dma_wait3A_443] : memref<160000xi32, #tpu.memory_space<hbm>> -> memref<16xi32, #tpu.memory_space<hbm>>
      tpu.wait_dma2 semaphore(%arg24 : memref<!tpu.dma_semaphore, #tpu.memory_space<semaphore_mem>>) src(%dma_wait3A_444 : memref<16xi32, #tpu.memory_space<hbm>>) dst(%arg11 : memref<16xi32, #tpu.memory_space<vmem>>)
      %dma_wait3A_445 = arith.constant 0 : i32
      %dma_wait3A_446 = arith.constant 0 : i32
      %dma_wait3A_447 = tpu.memref_slice %arg6[%dma_wait3A_445, %dma_wait3A_446] : memref<160000x16xf32, #tpu.memory_space<hbm>> -> memref<16x16xf32, #tpu.memory_space<hbm>>
      %dma_wait3A_448 = arith.constant 0 : i32
      %dma_wait3A_449 = arith.constant 0 : i32
      %dma_wait3A_450 = tpu.memref_slice %arg6[%dma_wait3A_448, %dma_wait3A_449] : memref<160000x16xf32, #tpu.memory_space<hbm>> -> memref<16x16xf32, #tpu.memory_space<hbm>>
      tpu.wait_dma2 semaphore(%arg24 : memref<!tpu.dma_semaphore, #tpu.memory_space<semaphore_mem>>) src(%dma_wait3A_450 : memref<16x16xf32, #tpu.memory_space<hbm>>) dst(%arg15 : memref<16x16xf32, #tpu.memory_space<vmem>>)
      %get3A_451 = arith.constant 0 : index
      %get3A_452 = tpu.vector_load %arg9[%get3A_451] {strides = array<i32>} : memref<16xi32, #tpu.memory_space<vmem>>, vector<16xi32>,
      %get3A_453 = vector.shape_cast %get3A_452 : vector<16xi32> to vector<16xi32>
      %add3A_454 = arith.addi %get3A_453, %broadcast_in_dim3A_26 : vector<16xi32>
      %swap3A_455 = arith.constant 0 : index
      %swap3A_456 = tpu.vector_load %arg9[%swap3A_455] {strides = array<i32>} : memref<16xi32, #tpu.memory_space<vmem>>, vector<16xi32>,
      %swap3A_457 = vector.shape_cast %swap3A_456 : vector<16xi32> to vector<16xi32>
      %swap3A_458 = vector.shape_cast %add3A_454 : vector<16xi32> to vector<16xi32>
      tpu.vector_store %arg9[%swap3A_455], %swap3A_458 {strides = array<i32>} : memref<16xi32, #tpu.memory_space<vmem>>, vector<16xi32>,
      %get3A_459 = arith.constant 0 : index
      %get3A_460 = tpu.vector_load %arg11[%get3A_459] {strides = array<i32>} : memref<16xi32, #tpu.memory_space<vmem>>, vector<16xi32>,
      %get3A_461 = vector.shape_cast %get3A_460 : vector<16xi32> to vector<16xi32>
      %add3A_462 = arith.addi %get3A_461, %broadcast_in_dim3A_26 : vector<16xi32>
      %swap3A_463 = arith.constant 0 : index
      %swap3A_464 = tpu.vector_load %arg13[%swap3A_463] {strides = array<i32>} : memref<16xi32, #tpu.memory_space<vmem>>, vector<16xi32>,
      %swap3A_465 = vector.shape_cast %swap3A_464 : vector<16xi32> to vector<16xi32>
      %swap3A_466 = vector.shape_cast %add3A_462 : vector<16xi32> to vector<16xi32>
      tpu.vector_store %arg13[%swap3A_463], %swap3A_466 {strides = array<i32>} : memref<16xi32, #tpu.memory_space<vmem>>, vector<16xi32>,
      %dma_start3A_467 = arith.constant 0 : i32
      %dma_start3A_468 = arith.constant 0 : i32
      %dma_start3A_469 = tpu.memref_slice %arg2[%dma_start3A_467, %dma_start3A_468] : memref<40960x144xf32, #tpu.memory_space<hbm>> -> memref<40960x144xf32, #tpu.memory_space<hbm>>
      tpu.enqueue_indirect_dma source(%dma_start3A_469 : memref<40960x144xf32, #tpu.memory_space<hbm>>) target(%arg17 : memref<16x144xf32, #tpu.memory_space<vmem>>) offsets(%arg13 : memref<16xi32, #tpu.memory_space<vmem>>) semaphore(%arg26 : memref<!tpu.dma_semaphore, #tpu.memory_space<semaphore_mem>>)
      %dma_start3A_470 = arith.constant 0 : i32
      %dma_start3A_471 = arith.constant 0 : i32
      %dma_start3A_472 = tpu.memref_slice %arg3[%dma_start3A_470, %dma_start3A_471] : memref<40960x256xf32, #tpu.memory_space<hbm>> -> memref<40960x256xf32, #tpu.memory_space<hbm>>
      tpu.enqueue_indirect_dma source(%dma_start3A_472 : memref<40960x256xf32, #tpu.memory_space<hbm>>) target(%arg19 : memref<16x256xf32, #tpu.memory_space<vmem>>) offsets(%arg9 : memref<16xi32, #tpu.memory_space<vmem>>) semaphore(%arg26 : memref<!tpu.dma_semaphore, #tpu.memory_space<semaphore_mem>>)
      "tpu.region"() ({
        %run_scoped3A = tpu.sem_alloc : memref<!tpu.dma_semaphore, #tpu.memory_space<semaphore_mem>>
        %dma_start3A_540 = arith.constant 0 : i32
        %dma_start3A_541 = arith.constant 0 : i32
        %dma_start3A_542 = tpu.memref_slice %arg22[%dma_start3A_540, %dma_start3A_541] : memref<10240x160xf32, #tpu.memory_space<vmem_shared>> -> memref<10240x160xf32, #tpu.memory_space<vmem_shared>>
        tpu.enqueue_indirect_dma source(%arg20 : memref<16x160xf32, #tpu.memory_space<vmem>>) target(%dma_start3A_542 : memref<10240x160xf32, #tpu.memory_space<vmem_shared>>) offsets(%arg10 : memref<16xi32, #tpu.memory_space<vmem>>) semaphore(%run_scoped3A : memref<!tpu.dma_semaphore, #tpu.memory_space<semaphore_mem>>) {add = true}
        %dma_wait3A_543 = arith.constant 0 : i32
        %dma_wait3A_544 = arith.constant 0 : i32
        %dma_wait3A_545 = tpu.memref_slice %arg22[%dma_wait3A_543, %dma_wait3A_544] : memref<10240x160xf32, #tpu.memory_space<vmem_shared>> -> memref<10240x160xf32, #tpu.memory_space<vmem_shared>>
        tpu.wait_indirect_dma semaphore(%run_scoped3A : memref<!tpu.dma_semaphore, #tpu.memory_space<semaphore_mem>>) src(%arg20 : memref<16x160xf32, #tpu.memory_space<vmem>>) dst(%dma_wait3A_545 : memref<10240x160xf32, #tpu.memory_space<vmem_shared>>)
        tpu.yield
      }) : () -> ()
      %mul3A_473 = arith.constant 2 : i32
      %mul3A_474 = arith.muli %mul3A_473, %scan3A_407 : i32
      %add3A_475 = arith.constant 1 : i32
      %add3A_476 = arith.addi %mul3A_474, %add3A_475 : i32
      %add3A_477 = arith.constant 1 : i32
      %add3A_478 = arith.addi %add3A_476, %add3A_477 : i32
      %mul3A_479 = arith.constant 16 : i32
      %mul3A_480 = arith.muli %add3A_478, %mul3A_479 : i32
      %add3A_481 = arith.addi %mul3A_0, %mul3A_480 : i32
      %dma_start3A_482 = tpu.memref_slice %arg4[%add3A_481] : memref<160000xi32, #tpu.memory_space<hbm>> -> memref<16xi32, #tpu.memory_space<hbm>>
      %dma_start3A_483 = tpu.memref_slice %arg4[%add3A_481] : memref<160000xi32, #tpu.memory_space<hbm>> -> memref<16xi32, #tpu.memory_space<hbm>>
      tpu.enqueue_dma source(%dma_start3A_483 : memref<16xi32, #tpu.memory_space<hbm>>) target(%arg8 : memref<16xi32, #tpu.memory_space<vmem>>) target_semaphore(%arg23 : memref<!tpu.dma_semaphore, #tpu.memory_space<semaphore_mem>>)
      %dma_start3A_484 = tpu.memref_slice %arg5[%add3A_481] : memref<160000xi32, #tpu.memory_space<hbm>> -> memref<16xi32, #tpu.memory_space<hbm>>
      %dma_start3A_485 = tpu.memref_slice %arg5[%add3A_481] : memref<160000xi32, #tpu.memory_space<hbm>> -> memref<16xi32, #tpu.memory_space<hbm>>
      tpu.enqueue_dma source(%dma_start3A_485 : memref<16xi32, #tpu.memory_space<hbm>>) target(%arg10 : memref<16xi32, #tpu.memory_space<vmem>>) target_semaphore(%arg23 : memref<!tpu.dma_semaphore, #tpu.memory_space<semaphore_mem>>)
      %dma_start3A_486 = arith.constant 0 : i32
      %dma_start3A_487 = tpu.memref_slice %arg6[%add3A_481, %dma_start3A_486] : memref<160000x16xf32, #tpu.memory_space<hbm>> -> memref<16x16xf32, #tpu.memory_space<hbm>>
      %dma_start3A_488 = arith.constant 0 : i32
      %dma_start3A_489 = tpu.memref_slice %arg6[%add3A_481, %dma_start3A_488] : memref<160000x16xf32, #tpu.memory_space<hbm>> -> memref<16x16xf32, #tpu.memory_space<hbm>>
      tpu.enqueue_dma source(%dma_start3A_489 : memref<16x16xf32, #tpu.memory_space<hbm>>) target(%arg14 : memref<16x16xf32, #tpu.memory_space<vmem>>) target_semaphore(%arg23 : memref<!tpu.dma_semaphore, #tpu.memory_space<semaphore_mem>>)
      %dma_wait3A_490 = arith.constant 0 : i32
      %dma_wait3A_491 = arith.constant 0 : i32
      %dma_wait3A_492 = tpu.memref_slice %arg2[%dma_wait3A_490, %dma_wait3A_491] : memref<40960x144xf32, #tpu.memory_space<hbm>> -> memref<40960x144xf32, #tpu.memory_space<hbm>>
      tpu.wait_indirect_dma semaphore(%arg26 : memref<!tpu.dma_semaphore, #tpu.memory_space<semaphore_mem>>) src(%dma_wait3A_492 : memref<40960x144xf32, #tpu.memory_space<hbm>>) dst(%arg17 : memref<16x144xf32, #tpu.memory_space<vmem>>)
      %dma_wait3A_493 = arith.constant 0 : i32
      %dma_wait3A_494 = arith.constant 0 : i32
      %dma_wait3A_495 = tpu.memref_slice %arg3[%dma_wait3A_493, %dma_wait3A_494] : memref<40960x256xf32, #tpu.memory_space<hbm>> -> memref<40960x256xf32, #tpu.memory_space<hbm>>
      tpu.wait_indirect_dma semaphore(%arg26 : memref<!tpu.dma_semaphore, #tpu.memory_space<semaphore_mem>>) src(%dma_wait3A_495 : memref<40960x256xf32, #tpu.memory_space<hbm>>) dst(%arg19 : memref<16x256xf32, #tpu.memory_space<vmem>>)
      %scan3A_496 = arith.constant 0 : i32
      %scan3A_497 = arith.constant 0 : i32
      %scan3A_498 = arith.constant 16 : i32
      %scan3A_499 = arith.addi %scan3A_497, %scan3A_498 : i32
      %scan3A_500 = arith.constant 1 : i32
      %scan3A_501 = scf.for %scan3A_540 = %scan3A_497 to %scan3A_499 step %scan3A_500 iter_args(%scan3A_541 = %scan3A_496) -> (i32)  : i32 {
        %get3A_542 = arith.index_cast %scan3A_540 : i32 to index
        %get3A_543 = arith.constant 0 : index
        %get3A_544 = tpu.vector_load %arg15[%get3A_542, %get3A_543] {strides = array<i32>} : memref<16x16xf32, #tpu.memory_space<vmem>>, vector<1x16xf32>,
        %get3A_545 = vector.shape_cast %get3A_544 : vector<1x16xf32> to vector<16xf32>
        %get3A_546 = arith.index_cast %scan3A_540 : i32 to index
        %get3A_547 = arith.constant 128 : index
        %get3A_548 = tpu.vector_load %arg17[%get3A_546, %get3A_547] {strides = array<i32>} : memref<16x144xf32, #tpu.memory_space<vmem>>, vector<1x16xf32>,
        %get3A_549 = vector.shape_cast %get3A_548 : vector<1x16xf32> to vector<16xf32>
        %mul3A_550 = arith.mulf %get3A_549, %get3A_545 : vector<16xf32>
        %get3A_551 = arith.index_cast %scan3A_540 : i32 to index
        %get3A_552 = arith.constant 0 : index
        %get3A_553 = tpu.vector_load %arg17[%get3A_551, %get3A_552] {strides = array<i32>} : memref<16x144xf32, #tpu.memory_space<vmem>>, vector<1x16xf32>,
        %get3A_554 = vector.shape_cast %get3A_553 : vector<1x16xf32> to vector<16xf32>
        %get3A_555 = arith.index_cast %scan3A_540 : i32 to index
        %get3A_556 = arith.constant 0 : index
        %get3A_557 = tpu.vector_load %arg19[%get3A_555, %get3A_556] {strides = array<i32>} : memref<16x256xf32, #tpu.memory_space<vmem>>, vector<1x16xf32>,
        %get3A_558 = vector.shape_cast %get3A_557 : vector<1x16xf32> to vector<16xf32>
        %mul3A_559 = arith.mulf %get3A_554, %get3A_558 : vector<16xf32>
        %get3A_560 = arith.index_cast %scan3A_540 : i32 to index
        %get3A_561 = arith.constant 16 : index
        %get3A_562 = tpu.vector_load %arg17[%get3A_560, %get3A_561] {strides = array<i32>} : memref<16x144xf32, #tpu.memory_space<vmem>>, vector<1x16xf32>,
        %get3A_563 = vector.shape_cast %get3A_562 : vector<1x16xf32> to vector<16xf32>
        %get3A_564 = arith.index_cast %scan3A_540 : i32 to index
        %get3A_565 = arith.constant 16 : index
        %get3A_566 = tpu.vector_load %arg19[%get3A_564, %get3A_565] {strides = array<i32>} : memref<16x256xf32, #tpu.memory_space<vmem>>, vector<1x16xf32>,
        %get3A_567 = vector.shape_cast %get3A_566 : vector<1x16xf32> to vector<16xf32>
        %mul3A_568 = arith.mulf %get3A_563, %get3A_567 : vector<16xf32>
        %add3A_569 = arith.addf %mul3A_550, %mul3A_568 : vector<16xf32>
        %get3A_570 = arith.index_cast %scan3A_540 : i32 to index
        %get3A_571 = arith.constant 48 : index
        %get3A_572 = tpu.vector_load %arg17[%get3A_570, %get3A_571] {strides = array<i32>} : memref<16x144xf32, #tpu.memory_space<vmem>>, vector<1x16xf32>,
        %get3A_573 = vector.shape_cast %get3A_572 : vector<1x16xf32> to vector<16xf32>
        %get3A_574 = arith.index_cast %scan3A_540 : i32 to index
        %get3A_575 = arith.constant 48 : index
        %get3A_576 = tpu.vector_load %arg19[%get3A_574, %get3A_575] {strides = array<i32>} : memref<16x256xf32, #tpu.memory_space<vmem>>, vector<1x16xf32>,
        %get3A_577 = vector.shape_cast %get3A_576 : vector<1x16xf32> to vector<16xf32>
        %mul3A_578 = arith.mulf %get3A_573, %get3A_577 : vector<16xf32>
        %add3A_579 = arith.addf %add3A_569, %mul3A_578 : vector<16xf32>
        %get3A_580 = arith.index_cast %scan3A_540 : i32 to index
        %get3A_581 = arith.constant 80 : index
        %get3A_582 = tpu.vector_load %arg17[%get3A_580, %get3A_581] {strides = array<i32>} : memref<16x144xf32, #tpu.memory_space<vmem>>, vector<1x16xf32>,
        %get3A_583 = vector.shape_cast %get3A_582 : vector<1x16xf32> to vector<16xf32>
        %get3A_584 = arith.index_cast %scan3A_540 : i32 to index
        %get3A_585 = arith.constant 80 : index
        %get3A_586 = tpu.vector_load %arg19[%get3A_584, %get3A_585] {strides = array<i32>} : memref<16x256xf32, #tpu.memory_space<vmem>>, vector<1x16xf32>,
        %get3A_587 = vector.shape_cast %get3A_586 : vector<1x16xf32> to vector<16xf32>
        %mul3A_588 = arith.mulf %get3A_583, %get3A_587 : vector<16xf32>
        %add3A_589 = arith.addf %add3A_579, %mul3A_588 : vector<16xf32>
        %get3A_590 = arith.index_cast %scan3A_540 : i32 to index
        %get3A_591 = arith.constant 112 : index
        %get3A_592 = tpu.vector_load %arg17[%get3A_590, %get3A_591] {strides = array<i32>} : memref<16x144xf32, #tpu.memory_space<vmem>>, vector<1x16xf32>,
        %get3A_593 = vector.shape_cast %get3A_592 : vector<1x16xf32> to vector<16xf32>
        %get3A_594 = arith.index_cast %scan3A_540 : i32 to index
        %get3A_595 = arith.constant 112 : index
        %get3A_596 = tpu.vector_load %arg19[%get3A_594, %get3A_595] {strides = array<i32>} : memref<16x256xf32, #tpu.memory_space<vmem>>, vector<1x16xf32>,
        %get3A_597 = vector.shape_cast %get3A_596 : vector<1x16xf32> to vector<16xf32>
        %mul3A_598 = arith.mulf %get3A_593, %get3A_597 : vector<16xf32>
        %add3A_599 = arith.addf %add3A_589, %mul3A_598 : vector<16xf32>
        %get3A_600 = arith.index_cast %scan3A_540 : i32 to index
        %get3A_601 = arith.constant 32 : index
        %get3A_602 = tpu.vector_load %arg17[%get3A_600, %get3A_601] {strides = array<i32>} : memref<16x144xf32, #tpu.memory_space<vmem>>, vector<1x16xf32>,
        %get3A_603 = vector.shape_cast %get3A_602 : vector<1x16xf32> to vector<16xf32>
        %get3A_604 = arith.index_cast %scan3A_540 : i32 to index
        %get3A_605 = arith.constant 32 : index
        %get3A_606 = tpu.vector_load %arg19[%get3A_604, %get3A_605] {strides = array<i32>} : memref<16x256xf32, #tpu.memory_space<vmem>>, vector<1x16xf32>,
        %get3A_607 = vector.shape_cast %get3A_606 : vector<1x16xf32> to vector<16xf32>
        %mul3A_608 = arith.mulf %get3A_603, %get3A_607 : vector<16xf32>
        %add3A_609 = arith.addf %mul3A_559, %mul3A_608 : vector<16xf32>
        %get3A_610 = arith.index_cast %scan3A_540 : i32 to index
        %get3A_611 = arith.constant 64 : index
        %get3A_612 = tpu.vector_load %arg17[%get3A_610, %get3A_611] {strides = array<i32>} : memref<16x144xf32, #tpu.memory_space<vmem>>, vector<1x16xf32>,
        %get3A_613 = vector.shape_cast %get3A_612 : vector<1x16xf32> to vector<16xf32>
        %get3A_614 = arith.index_cast %scan3A_540 : i32 to index
        %get3A_615 = arith.constant 64 : index
        %get3A_616 = tpu.vector_load %arg19[%get3A_614, %get3A_615] {strides = array<i32>} : memref<16x256xf32, #tpu.memory_space<vmem>>, vector<1x16xf32>,
        %get3A_617 = vector.shape_cast %get3A_616 : vector<1x16xf32> to vector<16xf32>
        %mul3A_618 = arith.mulf %get3A_613, %get3A_617 : vector<16xf32>
        %add3A_619 = arith.addf %add3A_609, %mul3A_618 : vector<16xf32>
        %get3A_620 = arith.index_cast %scan3A_540 : i32 to index
        %get3A_621 = arith.constant 96 : index
        %get3A_622 = tpu.vector_load %arg17[%get3A_620, %get3A_621] {strides = array<i32>} : memref<16x144xf32, #tpu.memory_space<vmem>>, vector<1x16xf32>,
        %get3A_623 = vector.shape_cast %get3A_622 : vector<1x16xf32> to vector<16xf32>
        %get3A_624 = arith.index_cast %scan3A_540 : i32 to index
        %get3A_625 = arith.constant 96 : index
        %get3A_626 = tpu.vector_load %arg19[%get3A_624, %get3A_625] {strides = array<i32>} : memref<16x256xf32, #tpu.memory_space<vmem>>, vector<1x16xf32>,
        %get3A_627 = vector.shape_cast %get3A_626 : vector<1x16xf32> to vector<16xf32>
        %mul3A_628 = arith.mulf %get3A_623, %get3A_627 : vector<16xf32>
        %add3A_629 = arith.addf %add3A_619, %mul3A_628 : vector<16xf32>
        %add3A_630 = arith.addf %add3A_599, %add3A_629 : vector<16xf32>
        %lt3A = arith.constant 0 : i32
        %lt3A_631 = vector.broadcast %lt3A : i32 to vector<16xi32>
        %lt3A_632 = arith.cmpi slt, %xor3A_5, %lt3A_631 : vector<16xi32>
        %add3A_633 = arith.constant 16 : i32
        %add3A_634 = vector.broadcast %add3A_633 : i32 to vector<16xi32>
        %add3A_635 = arith.addi %xor3A_5, %add3A_634 : vector<16xi32>
        %select_n3A = arith.select %lt3A_632, %add3A_635, %xor3A_5 : vector<16xi1>, vector<16xi32>
        %broadcast_in_dim3A_636 = vector.shape_cast %select_n3A : vector<16xi32> to vector<16x1xi32>
        %gather3A = vector.shape_cast %broadcast_in_dim3A_636 : vector<16x1xi32> to vector<16xi32>
        %gather3A_637 = tpu.dynamic_gather %add3A_630[%gather3A] in [0] : vector<16xf32>, vector<16xi32> -> vector<16xf32>
        %add3A_638 = arith.addf %add3A_630, %gather3A_637 : vector<16xf32>
        %lt3A_639 = arith.constant 0 : i32
        %lt3A_640 = vector.broadcast %lt3A_639 : i32 to vector<16xi32>
        %lt3A_641 = arith.cmpi slt, %xor3A_8, %lt3A_640 : vector<16xi32>
        %add3A_642 = arith.constant 16 : i32
        %add3A_643 = vector.broadcast %add3A_642 : i32 to vector<16xi32>
        %add3A_644 = arith.addi %xor3A_8, %add3A_643 : vector<16xi32>
        %select_n3A_645 = arith.select %lt3A_641, %add3A_644, %xor3A_8 : vector<16xi1>, vector<16xi32>
        %broadcast_in_dim3A_646 = vector.shape_cast %select_n3A_645 : vector<16xi32> to vector<16x1xi32>
        %gather3A_647 = vector.shape_cast %broadcast_in_dim3A_646 : vector<16x1xi32> to vector<16xi32>
        %gather3A_648 = tpu.dynamic_gather %add3A_638[%gather3A_647] in [0] : vector<16xf32>, vector<16xi32> -> vector<16xf32>
        %add3A_649 = arith.addf %add3A_638, %gather3A_648 : vector<16xf32>
        %lt3A_650 = arith.constant 0 : i32
        %lt3A_651 = vector.broadcast %lt3A_650 : i32 to vector<16xi32>
        %lt3A_652 = arith.cmpi slt, %xor3A_11, %lt3A_651 : vector<16xi32>
        %add3A_653 = arith.constant 16 : i32
        %add3A_654 = vector.broadcast %add3A_653 : i32 to vector<16xi32>
        %add3A_655 = arith.addi %xor3A_11, %add3A_654 : vector<16xi32>
        %select_n3A_656 = arith.select %lt3A_652, %add3A_655, %xor3A_11 : vector<16xi1>, vector<16xi32>
        %broadcast_in_dim3A_657 = vector.shape_cast %select_n3A_656 : vector<16xi32> to vector<16x1xi32>
        %gather3A_658 = vector.shape_cast %broadcast_in_dim3A_657 : vector<16x1xi32> to vector<16xi32>
        %gather3A_659 = tpu.dynamic_gather %add3A_649[%gather3A_658] in [0] : vector<16xf32>, vector<16xi32> -> vector<16xf32>
        %add3A_660 = arith.addf %add3A_649, %gather3A_659 : vector<16xf32>
        %lt3A_661 = arith.constant 0 : i32
        %lt3A_662 = vector.broadcast %lt3A_661 : i32 to vector<16xi32>
        %lt3A_663 = arith.cmpi slt, %xor3A_14, %lt3A_662 : vector<16xi32>
        %add3A_664 = arith.constant 16 : i32
        %add3A_665 = vector.broadcast %add3A_664 : i32 to vector<16xi32>
        %add3A_666 = arith.addi %xor3A_14, %add3A_665 : vector<16xi32>
        %select_n3A_667 = arith.select %lt3A_663, %add3A_666, %xor3A_14 : vector<16xi1>, vector<16xi32>
        %broadcast_in_dim3A_668 = vector.shape_cast %select_n3A_667 : vector<16xi32> to vector<16x1xi32>
        %gather3A_669 = vector.shape_cast %broadcast_in_dim3A_668 : vector<16x1xi32> to vector<16xi32>
        %gather3A_670 = tpu.dynamic_gather %add3A_660[%gather3A_669] in [0] : vector<16xf32>, vector<16xi32> -> vector<16xf32>
        %add3A_671 = arith.addf %add3A_660, %gather3A_670 : vector<16xf32>
        %mul3A_672 = arith.constant 0.0883883461 : f32
        %mul3A_673 = vector.broadcast %mul3A_672 : f32 to vector<16xf32>
        %mul3A_674 = arith.mulf %add3A_671, %mul3A_673 : vector<16xf32>
        %exp3A = math.exp %mul3A_674 : vector<16xf32>
        %get3A_675 = arith.index_cast %scan3A_540 : i32 to index
        %get3A_676 = arith.constant 128 : index
        %get3A_677 = tpu.vector_load %arg19[%get3A_675, %get3A_676] {strides = array<i32>} : memref<16x256xf32, #tpu.memory_space<vmem>>, vector<1x16xf32>,
        %get3A_678 = vector.shape_cast %get3A_677 : vector<1x16xf32> to vector<16xf32>
        %mul3A_679 = arith.mulf %exp3A, %get3A_678 : vector<16xf32>
        %swap3A_680 = arith.index_cast %scan3A_540 : i32 to index
        %swap3A_681 = arith.constant 0 : index
        %swap3A_682 = tpu.vector_load %arg20[%swap3A_680, %swap3A_681] {strides = array<i32>} : memref<16x160xf32, #tpu.memory_space<vmem>>, vector<1x16xf32>,
        %swap3A_683 = vector.shape_cast %swap3A_682 : vector<1x16xf32> to vector<16xf32>
        %swap3A_684 = vector.shape_cast %mul3A_679 : vector<16xf32> to vector<1x16xf32>
        tpu.vector_store %arg20[%swap3A_680, %swap3A_681], %swap3A_684 {strides = array<i32>} : memref<16x160xf32, #tpu.memory_space<vmem>>, vector<1x16xf32>,
        %get3A_685 = arith.index_cast %scan3A_540 : i32 to index
        %get3A_686 = arith.constant 144 : index
        %get3A_687 = tpu.vector_load %arg19[%get3A_685, %get3A_686] {strides = array<i32>} : memref<16x256xf32, #tpu.memory_space<vmem>>, vector<1x16xf32>,
        %get3A_688 = vector.shape_cast %get3A_687 : vector<1x16xf32> to vector<16xf32>
        %mul3A_689 = arith.mulf %exp3A, %get3A_688 : vector<16xf32>
        %swap3A_690 = arith.index_cast %scan3A_540 : i32 to index
        %swap3A_691 = arith.constant 16 : index
        %swap3A_692 = tpu.vector_load %arg20[%swap3A_690, %swap3A_691] {strides = array<i32>} : memref<16x160xf32, #tpu.memory_space<vmem>>, vector<1x16xf32>,
        %swap3A_693 = vector.shape_cast %swap3A_692 : vector<1x16xf32> to vector<16xf32>
        %swap3A_694 = vector.shape_cast %mul3A_689 : vector<16xf32> to vector<1x16xf32>
        tpu.vector_store %arg20[%swap3A_690, %swap3A_691], %swap3A_694 {strides = array<i32>} : memref<16x160xf32, #tpu.memory_space<vmem>>, vector<1x16xf32>,
        %get3A_695 = arith.index_cast %scan3A_540 : i32 to index
        %get3A_696 = arith.constant 160 : index
        %get3A_697 = tpu.vector_load %arg19[%get3A_695, %get3A_696] {strides = array<i32>} : memref<16x256xf32, #tpu.memory_space<vmem>>, vector<1x16xf32>,
        %get3A_698 = vector.shape_cast %get3A_697 : vector<1x16xf32> to vector<16xf32>
        %mul3A_699 = arith.mulf %exp3A, %get3A_698 : vector<16xf32>
        %swap3A_700 = arith.index_cast %scan3A_540 : i32 to index
        %swap3A_701 = arith.constant 32 : index
        %swap3A_702 = tpu.vector_load %arg20[%swap3A_700, %swap3A_701] {strides = array<i32>} : memref<16x160xf32, #tpu.memory_space<vmem>>, vector<1x16xf32>,
        %swap3A_703 = vector.shape_cast %swap3A_702 : vector<1x16xf32> to vector<16xf32>
        %swap3A_704 = vector.shape_cast %mul3A_699 : vector<16xf32> to vector<1x16xf32>
        tpu.vector_store %arg20[%swap3A_700, %swap3A_701], %swap3A_704 {strides = array<i32>} : memref<16x160xf32, #tpu.memory_space<vmem>>, vector<1x16xf32>,
        %get3A_705 = arith.index_cast %scan3A_540 : i32 to index
        %get3A_706 = arith.constant 176 : index
        %get3A_707 = tpu.vector_load %arg19[%get3A_705, %get3A_706] {strides = array<i32>} : memref<16x256xf32, #tpu.memory_space<vmem>>, vector<1x16xf32>,
        %get3A_708 = vector.shape_cast %get3A_707 : vector<1x16xf32> to vector<16xf32>
        %mul3A_709 = arith.mulf %exp3A, %get3A_708 : vector<16xf32>
        %swap3A_710 = arith.index_cast %scan3A_540 : i32 to index
        %swap3A_711 = arith.constant 48 : index
        %swap3A_712 = tpu.vector_load %arg20[%swap3A_710, %swap3A_711] {strides = array<i32>} : memref<16x160xf32, #tpu.memory_space<vmem>>, vector<1x16xf32>,
        %swap3A_713 = vector.shape_cast %swap3A_712 : vector<1x16xf32> to vector<16xf32>
        %swap3A_714 = vector.shape_cast %mul3A_709 : vector<16xf32> to vector<1x16xf32>
        tpu.vector_store %arg20[%swap3A_710, %swap3A_711], %swap3A_714 {strides = array<i32>} : memref<16x160xf32, #tpu.memory_space<vmem>>, vector<1x16xf32>,
        %get3A_715 = arith.index_cast %scan3A_540 : i32 to index
        %get3A_716 = arith.constant 192 : index
        %get3A_717 = tpu.vector_load %arg19[%get3A_715, %get3A_716] {strides = array<i32>} : memref<16x256xf32, #tpu.memory_space<vmem>>, vector<1x16xf32>,
        %get3A_718 = vector.shape_cast %get3A_717 : vector<1x16xf32> to vector<16xf32>
        %mul3A_719 = arith.mulf %exp3A, %get3A_718 : vector<16xf32>
        %swap3A_720 = arith.index_cast %scan3A_540 : i32 to index
        %swap3A_721 = arith.constant 64 : index
        %swap3A_722 = tpu.vector_load %arg20[%swap3A_720, %swap3A_721] {strides = array<i32>} : memref<16x160xf32, #tpu.memory_space<vmem>>, vector<1x16xf32>,
        %swap3A_723 = vector.shape_cast %swap3A_722 : vector<1x16xf32> to vector<16xf32>
        %swap3A_724 = vector.shape_cast %mul3A_719 : vector<16xf32> to vector<1x16xf32>
        tpu.vector_store %arg20[%swap3A_720, %swap3A_721], %swap3A_724 {strides = array<i32>} : memref<16x160xf32, #tpu.memory_space<vmem>>, vector<1x16xf32>,
        %get3A_725 = arith.index_cast %scan3A_540 : i32 to index
        %get3A_726 = arith.constant 208 : index
        %get3A_727 = tpu.vector_load %arg19[%get3A_725, %get3A_726] {strides = array<i32>} : memref<16x256xf32, #tpu.memory_space<vmem>>, vector<1x16xf32>,
        %get3A_728 = vector.shape_cast %get3A_727 : vector<1x16xf32> to vector<16xf32>
        %mul3A_729 = arith.mulf %exp3A, %get3A_728 : vector<16xf32>
        %swap3A_730 = arith.index_cast %scan3A_540 : i32 to index
        %swap3A_731 = arith.constant 80 : index
        %swap3A_732 = tpu.vector_load %arg20[%swap3A_730, %swap3A_731] {strides = array<i32>} : memref<16x160xf32, #tpu.memory_space<vmem>>, vector<1x16xf32>,
        %swap3A_733 = vector.shape_cast %swap3A_732 : vector<1x16xf32> to vector<16xf32>
        %swap3A_734 = vector.shape_cast %mul3A_729 : vector<16xf32> to vector<1x16xf32>
        tpu.vector_store %arg20[%swap3A_730, %swap3A_731], %swap3A_734 {strides = array<i32>} : memref<16x160xf32, #tpu.memory_space<vmem>>, vector<1x16xf32>,
        %get3A_735 = arith.index_cast %scan3A_540 : i32 to index
        %get3A_736 = arith.constant 224 : index
        %get3A_737 = tpu.vector_load %arg19[%get3A_735, %get3A_736] {strides = array<i32>} : memref<16x256xf32, #tpu.memory_space<vmem>>, vector<1x16xf32>,
        %get3A_738 = vector.shape_cast %get3A_737 : vector<1x16xf32> to vector<16xf32>
        %mul3A_739 = arith.mulf %exp3A, %get3A_738 : vector<16xf32>
        %swap3A_740 = arith.index_cast %scan3A_540 : i32 to index
        %swap3A_741 = arith.constant 96 : index
        %swap3A_742 = tpu.vector_load %arg20[%swap3A_740, %swap3A_741] {strides = array<i32>} : memref<16x160xf32, #tpu.memory_space<vmem>>, vector<1x16xf32>,
        %swap3A_743 = vector.shape_cast %swap3A_742 : vector<1x16xf32> to vector<16xf32>
        %swap3A_744 = vector.shape_cast %mul3A_739 : vector<16xf32> to vector<1x16xf32>
        tpu.vector_store %arg20[%swap3A_740, %swap3A_741], %swap3A_744 {strides = array<i32>} : memref<16x160xf32, #tpu.memory_space<vmem>>, vector<1x16xf32>,
        %get3A_745 = arith.index_cast %scan3A_540 : i32 to index
        %get3A_746 = arith.constant 240 : index
        %get3A_747 = tpu.vector_load %arg19[%get3A_745, %get3A_746] {strides = array<i32>} : memref<16x256xf32, #tpu.memory_space<vmem>>, vector<1x16xf32>,
        %get3A_748 = vector.shape_cast %get3A_747 : vector<1x16xf32> to vector<16xf32>
        %mul3A_749 = arith.mulf %exp3A, %get3A_748 : vector<16xf32>
        %swap3A_750 = arith.index_cast %scan3A_540 : i32 to index
        %swap3A_751 = arith.constant 112 : index
        %swap3A_752 = tpu.vector_load %arg20[%swap3A_750, %swap3A_751] {strides = array<i32>} : memref<16x160xf32, #tpu.memory_space<vmem>>, vector<1x16xf32>,
        %swap3A_753 = vector.shape_cast %swap3A_752 : vector<1x16xf32> to vector<16xf32>
        %swap3A_754 = vector.shape_cast %mul3A_749 : vector<16xf32> to vector<1x16xf32>
        tpu.vector_store %arg20[%swap3A_750, %swap3A_751], %swap3A_754 {strides = array<i32>} : memref<16x160xf32, #tpu.memory_space<vmem>>, vector<1x16xf32>,
        %mul3A_755 = arith.mulf %exp3A, %get3A_545 : vector<16xf32>
        %swap3A_756 = arith.index_cast %scan3A_540 : i32 to index
        %swap3A_757 = arith.constant 128 : index
        %swap3A_758 = tpu.vector_load %arg20[%swap3A_756, %swap3A_757] {strides = array<i32>} : memref<16x160xf32, #tpu.memory_space<vmem>>, vector<1x16xf32>,
        %swap3A_759 = vector.shape_cast %swap3A_758 : vector<1x16xf32> to vector<16xf32>
        %swap3A_760 = vector.shape_cast %mul3A_755 : vector<16xf32> to vector<1x16xf32>
        tpu.vector_store %arg20[%swap3A_756, %swap3A_757], %swap3A_760 {strides = array<i32>} : memref<16x160xf32, #tpu.memory_space<vmem>>, vector<1x16xf32>,
        %eq3A = arith.constant 0 : i32
        %eq3A_761 = vector.broadcast %eq3A : i32 to vector<16xi32>
        %eq3A_762 = arith.cmpi eq, %iota3A, %eq3A_761 : vector<16xi32>
        %jit3A = arith.constant 0.000000e+00 : f32
        %broadcast_in_dim3A_763 = vector.broadcast %jit3A : f32 to vector<16xf32>
        %select_n3A_764 = arith.select %eq3A_762, %exp3A, %broadcast_in_dim3A_763 : vector<16xi1>, vector<16xf32>
        %swap3A_765 = arith.index_cast %scan3A_540 : i32 to index
        %swap3A_766 = arith.constant 144 : index
        %swap3A_767 = tpu.vector_load %arg20[%swap3A_765, %swap3A_766] {strides = array<i32>} : memref<16x160xf32, #tpu.memory_space<vmem>>, vector<1x16xf32>,
        %swap3A_768 = vector.shape_cast %swap3A_767 : vector<1x16xf32> to vector<16xf32>
        %swap3A_769 = vector.shape_cast %select_n3A_764 : vector<16xf32> to vector<1x16xf32>
        tpu.vector_store %arg20[%swap3A_765, %swap3A_766], %swap3A_769 {strides = array<i32>} : memref<16x160xf32, #tpu.memory_space<vmem>>, vector<1x16xf32>,
        %scan3A_770 = arith.constant 0 : i32
        scf.yield %scan3A_770 : i32
      }
      %scan3A_502 = arith.constant 16 : i32
      %dma_wait3A_503 = arith.constant 0 : i32
      %dma_wait3A_504 = tpu.memref_slice %arg4[%dma_wait3A_503] : memref<160000xi32, #tpu.memory_space<hbm>> -> memref<16xi32, #tpu.memory_space<hbm>>
      %dma_wait3A_505 = arith.constant 0 : i32
      %dma_wait3A_506 = tpu.memref_slice %arg4[%dma_wait3A_505] : memref<160000xi32, #tpu.memory_space<hbm>> -> memref<16xi32, #tpu.memory_space<hbm>>
      tpu.wait_dma2 semaphore(%arg23 : memref<!tpu.dma_semaphore, #tpu.memory_space<semaphore_mem>>) src(%dma_wait3A_506 : memref<16xi32, #tpu.memory_space<hbm>>) dst(%arg8 : memref<16xi32, #tpu.memory_space<vmem>>)
      %dma_wait3A_507 = arith.constant 0 : i32
      %dma_wait3A_508 = tpu.memref_slice %arg5[%dma_wait3A_507] : memref<160000xi32, #tpu.memory_space<hbm>> -> memref<16xi32, #tpu.memory_space<hbm>>
      %dma_wait3A_509 = arith.constant 0 : i32
      %dma_wait3A_510 = tpu.memref_slice %arg5[%dma_wait3A_509] : memref<160000xi32, #tpu.memory_space<hbm>> -> memref<16xi32, #tpu.memory_space<hbm>>
      tpu.wait_dma2 semaphore(%arg23 : memref<!tpu.dma_semaphore, #tpu.memory_space<semaphore_mem>>) src(%dma_wait3A_510 : memref<16xi32, #tpu.memory_space<hbm>>) dst(%arg10 : memref<16xi32, #tpu.memory_space<vmem>>)
      %dma_wait3A_511 = arith.constant 0 : i32
      %dma_wait3A_512 = arith.constant 0 : i32
      %dma_wait3A_513 = tpu.memref_slice %arg6[%dma_wait3A_511, %dma_wait3A_512] : memref<160000x16xf32, #tpu.memory_space<hbm>> -> memref<16x16xf32, #tpu.memory_space<hbm>>
      %dma_wait3A_514 = arith.constant 0 : i32
      %dma_wait3A_515 = arith.constant 0 : i32
      %dma_wait3A_516 = tpu.memref_slice %arg6[%dma_wait3A_514, %dma_wait3A_515] : memref<160000x16xf32, #tpu.memory_space<hbm>> -> memref<16x16xf32, #tpu.memory_space<hbm>>
      tpu.wait_dma2 semaphore(%arg23 : memref<!tpu.dma_semaphore, #tpu.memory_space<semaphore_mem>>) src(%dma_wait3A_516 : memref<16x16xf32, #tpu.memory_space<hbm>>) dst(%arg14 : memref<16x16xf32, #tpu.memory_space<vmem>>)
      %get3A_517 = arith.constant 0 : index
      %get3A_518 = tpu.vector_load %arg8[%get3A_517] {strides = array<i32>} : memref<16xi32, #tpu.memory_space<vmem>>, vector<16xi32>,
      %get3A_519 = vector.shape_cast %get3A_518 : vector<16xi32> to vector<16xi32>
      %add3A_520 = arith.addi %get3A_519, %broadcast_in_dim3A_26 : vector<16xi32>
      %swap3A_521 = arith.constant 0 : index
      %swap3A_522 = tpu.vector_load %arg8[%swap3A_521] {strides = array<i32>} : memref<16xi32, #tpu.memory_space<vmem>>, vector<16xi32>,
      %swap3A_523 = vector.shape_cast %swap3A_522 : vector<16xi32> to vector<16xi32>
      %swap3A_524 = vector.shape_cast %add3A_520 : vector<16xi32> to vector<16xi32>
      tpu.vector_store %arg8[%swap3A_521], %swap3A_524 {strides = array<i32>} : memref<16xi32, #tpu.memory_space<vmem>>, vector<16xi32>,
      %get3A_525 = arith.constant 0 : index
      %get3A_526 = tpu.vector_load %arg10[%get3A_525] {strides = array<i32>} : memref<16xi32, #tpu.memory_space<vmem>>, vector<16xi32>,
      %get3A_527 = vector.shape_cast %get3A_526 : vector<16xi32> to vector<16xi32>
      %add3A_528 = arith.addi %get3A_527, %broadcast_in_dim3A_26 : vector<16xi32>
      %swap3A_529 = arith.constant 0 : index
      %swap3A_530 = tpu.vector_load %arg12[%swap3A_529] {strides = array<i32>} : memref<16xi32, #tpu.memory_space<vmem>>, vector<16xi32>,
      %swap3A_531 = vector.shape_cast %swap3A_530 : vector<16xi32> to vector<16xi32>
      %swap3A_532 = vector.shape_cast %add3A_528 : vector<16xi32> to vector<16xi32>
      tpu.vector_store %arg12[%swap3A_529], %swap3A_532 {strides = array<i32>} : memref<16xi32, #tpu.memory_space<vmem>>, vector<16xi32>,
      %dma_start3A_533 = arith.constant 0 : i32
      %dma_start3A_534 = arith.constant 0 : i32
      %dma_start3A_535 = tpu.memref_slice %arg2[%dma_start3A_533, %dma_start3A_534] : memref<40960x144xf32, #tpu.memory_space<hbm>> -> memref<40960x144xf32, #tpu.memory_space<hbm>>
      tpu.enqueue_indirect_dma source(%dma_start3A_535 : memref<40960x144xf32, #tpu.memory_space<hbm>>) target(%arg16 : memref<16x144xf32, #tpu.memory_space<vmem>>) offsets(%arg12 : memref<16xi32, #tpu.memory_space<vmem>>) semaphore(%arg25 : memref<!tpu.dma_semaphore, #tpu.memory_space<semaphore_mem>>)
      %dma_start3A_536 = arith.constant 0 : i32
      %dma_start3A_537 = arith.constant 0 : i32
      %dma_start3A_538 = tpu.memref_slice %arg3[%dma_start3A_536, %dma_start3A_537] : memref<40960x256xf32, #tpu.memory_space<hbm>> -> memref<40960x256xf32, #tpu.memory_space<hbm>>
      tpu.enqueue_indirect_dma source(%dma_start3A_538 : memref<40960x256xf32, #tpu.memory_space<hbm>>) target(%arg18 : memref<16x256xf32, #tpu.memory_space<vmem>>) offsets(%arg8 : memref<16xi32, #tpu.memory_space<vmem>>) semaphore(%arg25 : memref<!tpu.dma_semaphore, #tpu.memory_space<semaphore_mem>>)
      "tpu.region"() ({
        %run_scoped3A = tpu.sem_alloc : memref<!tpu.dma_semaphore, #tpu.memory_space<semaphore_mem>>
        %dma_start3A_540 = arith.constant 0 : i32
        %dma_start3A_541 = arith.constant 0 : i32
        %dma_start3A_542 = tpu.memref_slice %arg22[%dma_start3A_540, %dma_start3A_541] : memref<10240x160xf32, #tpu.memory_space<vmem_shared>> -> memref<10240x160xf32, #tpu.memory_space<vmem_shared>>
        tpu.enqueue_indirect_dma source(%arg20 : memref<16x160xf32, #tpu.memory_space<vmem>>) target(%dma_start3A_542 : memref<10240x160xf32, #tpu.memory_space<vmem_shared>>) offsets(%arg11 : memref<16xi32, #tpu.memory_space<vmem>>) semaphore(%run_scoped3A : memref<!tpu.dma_semaphore, #tpu.memory_space<semaphore_mem>>) {add = true}
        %dma_wait3A_543 = arith.constant 0 : i32
        %dma_wait3A_544 = arith.constant 0 : i32
        %dma_wait3A_545 = tpu.memref_slice %arg22[%dma_wait3A_543, %dma_wait3A_544] : memref<10240x160xf32, #tpu.memory_space<vmem_shared>> -> memref<10240x160xf32, #tpu.memory_space<vmem_shared>>
        tpu.wait_indirect_dma semaphore(%run_scoped3A : memref<!tpu.dma_semaphore, #tpu.memory_space<semaphore_mem>>) src(%arg20 : memref<16x160xf32, #tpu.memory_space<vmem>>) dst(%dma_wait3A_545 : memref<10240x160xf32, #tpu.memory_space<vmem_shared>>)
        tpu.yield
      }) : () -> ()
      %scan3A_539 = arith.constant 0 : i32
      scf.yield %scan3A_539 : i32
    }
    %scan3A_195 = arith.constant 312 : i32
    %dma_wait3A_196 = arith.constant 0 : i32
    %dma_wait3A_197 = arith.constant 0 : i32
    %dma_wait3A_198 = tpu.memref_slice %arg2[%dma_wait3A_196, %dma_wait3A_197] : memref<40960x144xf32, #tpu.memory_space<hbm>> -> memref<40960x144xf32, #tpu.memory_space<hbm>>
    tpu.wait_indirect_dma semaphore(%arg25 : memref<!tpu.dma_semaphore, #tpu.memory_space<semaphore_mem>>) src(%dma_wait3A_198 : memref<40960x144xf32, #tpu.memory_space<hbm>>) dst(%arg16 : memref<16x144xf32, #tpu.memory_space<vmem>>)
    %dma_wait3A_199 = arith.constant 0 : i32
    %dma_wait3A_200 = arith.constant 0 : i32
    %dma_wait3A_201 = tpu.memref_slice %arg3[%dma_wait3A_199, %dma_wait3A_200] : memref<40960x256xf32, #tpu.memory_space<hbm>> -> memref<40960x256xf32, #tpu.memory_space<hbm>>
    tpu.wait_indirect_dma semaphore(%arg25 : memref<!tpu.dma_semaphore, #tpu.memory_space<semaphore_mem>>) src(%dma_wait3A_201 : memref<40960x256xf32, #tpu.memory_space<hbm>>) dst(%arg18 : memref<16x256xf32, #tpu.memory_space<vmem>>)
    %scan3A_202 = arith.constant 0 : i32
    %scan3A_203 = arith.constant 0 : i32
    %scan3A_204 = arith.constant 16 : i32
    %scan3A_205 = arith.addi %scan3A_203, %scan3A_204 : i32
    %scan3A_206 = arith.constant 1 : i32
    %scan3A_207 = scf.for %scan3A_407 = %scan3A_203 to %scan3A_205 step %scan3A_206 iter_args(%scan3A_408 = %scan3A_202) -> (i32)  : i32 {
      %get3A_409 = arith.index_cast %scan3A_407 : i32 to index
      %get3A_410 = arith.constant 0 : index
      %get3A_411 = tpu.vector_load %arg14[%get3A_409, %get3A_410] {strides = array<i32>} : memref<16x16xf32, #tpu.memory_space<vmem>>, vector<1x16xf32>,
      %get3A_412 = vector.shape_cast %get3A_411 : vector<1x16xf32> to vector<16xf32>
      %get3A_413 = arith.index_cast %scan3A_407 : i32 to index
      %get3A_414 = arith.constant 128 : index
      %get3A_415 = tpu.vector_load %arg16[%get3A_413, %get3A_414] {strides = array<i32>} : memref<16x144xf32, #tpu.memory_space<vmem>>, vector<1x16xf32>,
      %get3A_416 = vector.shape_cast %get3A_415 : vector<1x16xf32> to vector<16xf32>
      %mul3A_417 = arith.mulf %get3A_416, %get3A_412 : vector<16xf32>
      %get3A_418 = arith.index_cast %scan3A_407 : i32 to index
      %get3A_419 = arith.constant 0 : index
      %get3A_420 = tpu.vector_load %arg16[%get3A_418, %get3A_419] {strides = array<i32>} : memref<16x144xf32, #tpu.memory_space<vmem>>, vector<1x16xf32>,
      %get3A_421 = vector.shape_cast %get3A_420 : vector<1x16xf32> to vector<16xf32>
      %get3A_422 = arith.index_cast %scan3A_407 : i32 to index
      %get3A_423 = arith.constant 0 : index
      %get3A_424 = tpu.vector_load %arg18[%get3A_422, %get3A_423] {strides = array<i32>} : memref<16x256xf32, #tpu.memory_space<vmem>>, vector<1x16xf32>,
      %get3A_425 = vector.shape_cast %get3A_424 : vector<1x16xf32> to vector<16xf32>
      %mul3A_426 = arith.mulf %get3A_421, %get3A_425 : vector<16xf32>
      %get3A_427 = arith.index_cast %scan3A_407 : i32 to index
      %get3A_428 = arith.constant 16 : index
      %get3A_429 = tpu.vector_load %arg16[%get3A_427, %get3A_428] {strides = array<i32>} : memref<16x144xf32, #tpu.memory_space<vmem>>, vector<1x16xf32>,
      %get3A_430 = vector.shape_cast %get3A_429 : vector<1x16xf32> to vector<16xf32>
      %get3A_431 = arith.index_cast %scan3A_407 : i32 to index
      %get3A_432 = arith.constant 16 : index
      %get3A_433 = tpu.vector_load %arg18[%get3A_431, %get3A_432] {strides = array<i32>} : memref<16x256xf32, #tpu.memory_space<vmem>>, vector<1x16xf32>,
      %get3A_434 = vector.shape_cast %get3A_433 : vector<1x16xf32> to vector<16xf32>
      %mul3A_435 = arith.mulf %get3A_430, %get3A_434 : vector<16xf32>
      %add3A_436 = arith.addf %mul3A_417, %mul3A_435 : vector<16xf32>
      %get3A_437 = arith.index_cast %scan3A_407 : i32 to index
      %get3A_438 = arith.constant 48 : index
      %get3A_439 = tpu.vector_load %arg16[%get3A_437, %get3A_438] {strides = array<i32>} : memref<16x144xf32, #tpu.memory_space<vmem>>, vector<1x16xf32>,
      %get3A_440 = vector.shape_cast %get3A_439 : vector<1x16xf32> to vector<16xf32>
      %get3A_441 = arith.index_cast %scan3A_407 : i32 to index
      %get3A_442 = arith.constant 48 : index
      %get3A_443 = tpu.vector_load %arg18[%get3A_441, %get3A_442] {strides = array<i32>} : memref<16x256xf32, #tpu.memory_space<vmem>>, vector<1x16xf32>,
      %get3A_444 = vector.shape_cast %get3A_443 : vector<1x16xf32> to vector<16xf32>
      %mul3A_445 = arith.mulf %get3A_440, %get3A_444 : vector<16xf32>
      %add3A_446 = arith.addf %add3A_436, %mul3A_445 : vector<16xf32>
      %get3A_447 = arith.index_cast %scan3A_407 : i32 to index
      %get3A_448 = arith.constant 80 : index
      %get3A_449 = tpu.vector_load %arg16[%get3A_447, %get3A_448] {strides = array<i32>} : memref<16x144xf32, #tpu.memory_space<vmem>>, vector<1x16xf32>,
      %get3A_450 = vector.shape_cast %get3A_449 : vector<1x16xf32> to vector<16xf32>
      %get3A_451 = arith.index_cast %scan3A_407 : i32 to index
      %get3A_452 = arith.constant 80 : index
      %get3A_453 = tpu.vector_load %arg18[%get3A_451, %get3A_452] {strides = array<i32>} : memref<16x256xf32, #tpu.memory_space<vmem>>, vector<1x16xf32>,
      %get3A_454 = vector.shape_cast %get3A_453 : vector<1x16xf32> to vector<16xf32>
      %mul3A_455 = arith.mulf %get3A_450, %get3A_454 : vector<16xf32>
      %add3A_456 = arith.addf %add3A_446, %mul3A_455 : vector<16xf32>
      %get3A_457 = arith.index_cast %scan3A_407 : i32 to index
      %get3A_458 = arith.constant 112 : index
      %get3A_459 = tpu.vector_load %arg16[%get3A_457, %get3A_458] {strides = array<i32>} : memref<16x144xf32, #tpu.memory_space<vmem>>, vector<1x16xf32>,
      %get3A_460 = vector.shape_cast %get3A_459 : vector<1x16xf32> to vector<16xf32>
      %get3A_461 = arith.index_cast %scan3A_407 : i32 to index
      %get3A_462 = arith.constant 112 : index
      %get3A_463 = tpu.vector_load %arg18[%get3A_461, %get3A_462] {strides = array<i32>} : memref<16x256xf32, #tpu.memory_space<vmem>>, vector<1x16xf32>,
      %get3A_464 = vector.shape_cast %get3A_463 : vector<1x16xf32> to vector<16xf32>
      %mul3A_465 = arith.mulf %get3A_460, %get3A_464 : vector<16xf32>
      %add3A_466 = arith.addf %add3A_456, %mul3A_465 : vector<16xf32>
      %get3A_467 = arith.index_cast %scan3A_407 : i32 to index
      %get3A_468 = arith.constant 32 : index
      %get3A_469 = tpu.vector_load %arg16[%get3A_467, %get3A_468] {strides = array<i32>} : memref<16x144xf32, #tpu.memory_space<vmem>>, vector<1x16xf32>,
      %get3A_470 = vector.shape_cast %get3A_469 : vector<1x16xf32> to vector<16xf32>
      %get3A_471 = arith.index_cast %scan3A_407 : i32 to index
      %get3A_472 = arith.constant 32 : index
      %get3A_473 = tpu.vector_load %arg18[%get3A_471, %get3A_472] {strides = array<i32>} : memref<16x256xf32, #tpu.memory_space<vmem>>, vector<1x16xf32>,
      %get3A_474 = vector.shape_cast %get3A_473 : vector<1x16xf32> to vector<16xf32>
      %mul3A_475 = arith.mulf %get3A_470, %get3A_474 : vector<16xf32>
      %add3A_476 = arith.addf %mul3A_426, %mul3A_475 : vector<16xf32>
      %get3A_477 = arith.index_cast %scan3A_407 : i32 to index
      %get3A_478 = arith.constant 64 : index
      %get3A_479 = tpu.vector_load %arg16[%get3A_477, %get3A_478] {strides = array<i32>} : memref<16x144xf32, #tpu.memory_space<vmem>>, vector<1x16xf32>,
      %get3A_480 = vector.shape_cast %get3A_479 : vector<1x16xf32> to vector<16xf32>
      %get3A_481 = arith.index_cast %scan3A_407 : i32 to index
      %get3A_482 = arith.constant 64 : index
      %get3A_483 = tpu.vector_load %arg18[%get3A_481, %get3A_482] {strides = array<i32>} : memref<16x256xf32, #tpu.memory_space<vmem>>, vector<1x16xf32>,
      %get3A_484 = vector.shape_cast %get3A_483 : vector<1x16xf32> to vector<16xf32>
      %mul3A_485 = arith.mulf %get3A_480, %get3A_484 : vector<16xf32>
      %add3A_486 = arith.addf %add3A_476, %mul3A_485 : vector<16xf32>
      %get3A_487 = arith.index_cast %scan3A_407 : i32 to index
      %get3A_488 = arith.constant 96 : index
      %get3A_489 = tpu.vector_load %arg16[%get3A_487, %get3A_488] {strides = array<i32>} : memref<16x144xf32, #tpu.memory_space<vmem>>, vector<1x16xf32>,
      %get3A_490 = vector.shape_cast %get3A_489 : vector<1x16xf32> to vector<16xf32>
      %get3A_491 = arith.index_cast %scan3A_407 : i32 to index
      %get3A_492 = arith.constant 96 : index
      %get3A_493 = tpu.vector_load %arg18[%get3A_491, %get3A_492] {strides = array<i32>} : memref<16x256xf32, #tpu.memory_space<vmem>>, vector<1x16xf32>,
      %get3A_494 = vector.shape_cast %get3A_493 : vector<1x16xf32> to vector<16xf32>
      %mul3A_495 = arith.mulf %get3A_490, %get3A_494 : vector<16xf32>
      %add3A_496 = arith.addf %add3A_486, %mul3A_495 : vector<16xf32>
      %add3A_497 = arith.addf %add3A_466, %add3A_496 : vector<16xf32>
      %lt3A = arith.constant 0 : i32
      %lt3A_498 = vector.broadcast %lt3A : i32 to vector<16xi32>
      %lt3A_499 = arith.cmpi slt, %xor3A_5, %lt3A_498 : vector<16xi32>
      %add3A_500 = arith.constant 16 : i32
      %add3A_501 = vector.broadcast %add3A_500 : i32 to vector<16xi32>
      %add3A_502 = arith.addi %xor3A_5, %add3A_501 : vector<16xi32>
      %select_n3A = arith.select %lt3A_499, %add3A_502, %xor3A_5 : vector<16xi1>, vector<16xi32>
      %broadcast_in_dim3A_503 = vector.shape_cast %select_n3A : vector<16xi32> to vector<16x1xi32>
      %gather3A = vector.shape_cast %broadcast_in_dim3A_503 : vector<16x1xi32> to vector<16xi32>
      %gather3A_504 = tpu.dynamic_gather %add3A_497[%gather3A] in [0] : vector<16xf32>, vector<16xi32> -> vector<16xf32>
      %add3A_505 = arith.addf %add3A_497, %gather3A_504 : vector<16xf32>
      %lt3A_506 = arith.constant 0 : i32
      %lt3A_507 = vector.broadcast %lt3A_506 : i32 to vector<16xi32>
      %lt3A_508 = arith.cmpi slt, %xor3A_8, %lt3A_507 : vector<16xi32>
      %add3A_509 = arith.constant 16 : i32
      %add3A_510 = vector.broadcast %add3A_509 : i32 to vector<16xi32>
      %add3A_511 = arith.addi %xor3A_8, %add3A_510 : vector<16xi32>
      %select_n3A_512 = arith.select %lt3A_508, %add3A_511, %xor3A_8 : vector<16xi1>, vector<16xi32>
      %broadcast_in_dim3A_513 = vector.shape_cast %select_n3A_512 : vector<16xi32> to vector<16x1xi32>
      %gather3A_514 = vector.shape_cast %broadcast_in_dim3A_513 : vector<16x1xi32> to vector<16xi32>
      %gather3A_515 = tpu.dynamic_gather %add3A_505[%gather3A_514] in [0] : vector<16xf32>, vector<16xi32> -> vector<16xf32>
      %add3A_516 = arith.addf %add3A_505, %gather3A_515 : vector<16xf32>
      %lt3A_517 = arith.constant 0 : i32
      %lt3A_518 = vector.broadcast %lt3A_517 : i32 to vector<16xi32>
      %lt3A_519 = arith.cmpi slt, %xor3A_11, %lt3A_518 : vector<16xi32>
      %add3A_520 = arith.constant 16 : i32
      %add3A_521 = vector.broadcast %add3A_520 : i32 to vector<16xi32>
      %add3A_522 = arith.addi %xor3A_11, %add3A_521 : vector<16xi32>
      %select_n3A_523 = arith.select %lt3A_519, %add3A_522, %xor3A_11 : vector<16xi1>, vector<16xi32>
      %broadcast_in_dim3A_524 = vector.shape_cast %select_n3A_523 : vector<16xi32> to vector<16x1xi32>
      %gather3A_525 = vector.shape_cast %broadcast_in_dim3A_524 : vector<16x1xi32> to vector<16xi32>
      %gather3A_526 = tpu.dynamic_gather %add3A_516[%gather3A_525] in [0] : vector<16xf32>, vector<16xi32> -> vector<16xf32>
      %add3A_527 = arith.addf %add3A_516, %gather3A_526 : vector<16xf32>
      %lt3A_528 = arith.constant 0 : i32
      %lt3A_529 = vector.broadcast %lt3A_528 : i32 to vector<16xi32>
      %lt3A_530 = arith.cmpi slt, %xor3A_14, %lt3A_529 : vector<16xi32>
      %add3A_531 = arith.constant 16 : i32
      %add3A_532 = vector.broadcast %add3A_531 : i32 to vector<16xi32>
      %add3A_533 = arith.addi %xor3A_14, %add3A_532 : vector<16xi32>
      %select_n3A_534 = arith.select %lt3A_530, %add3A_533, %xor3A_14 : vector<16xi1>, vector<16xi32>
      %broadcast_in_dim3A_535 = vector.shape_cast %select_n3A_534 : vector<16xi32> to vector<16x1xi32>
      %gather3A_536 = vector.shape_cast %broadcast_in_dim3A_535 : vector<16x1xi32> to vector<16xi32>
      %gather3A_537 = tpu.dynamic_gather %add3A_527[%gather3A_536] in [0] : vector<16xf32>, vector<16xi32> -> vector<16xf32>
      %add3A_538 = arith.addf %add3A_527, %gather3A_537 : vector<16xf32>
      %mul3A_539 = arith.constant 0.0883883461 : f32
      %mul3A_540 = vector.broadcast %mul3A_539 : f32 to vector<16xf32>
      %mul3A_541 = arith.mulf %add3A_538, %mul3A_540 : vector<16xf32>
      %exp3A = math.exp %mul3A_541 : vector<16xf32>
      %get3A_542 = arith.index_cast %scan3A_407 : i32 to index
      %get3A_543 = arith.constant 128 : index
      %get3A_544 = tpu.vector_load %arg18[%get3A_542, %get3A_543] {strides = array<i32>} : memref<16x256xf32, #tpu.memory_space<vmem>>, vector<1x16xf32>,
      %get3A_545 = vector.shape_cast %get3A_544 : vector<1x16xf32> to vector<16xf32>
      %mul3A_546 = arith.mulf %exp3A, %get3A_545 : vector<16xf32>
      %swap3A_547 = arith.index_cast %scan3A_407 : i32 to index
      %swap3A_548 = arith.constant 0 : index
      %swap3A_549 = tpu.vector_load %arg20[%swap3A_547, %swap3A_548] {strides = array<i32>} : memref<16x160xf32, #tpu.memory_space<vmem>>, vector<1x16xf32>,
      %swap3A_550 = vector.shape_cast %swap3A_549 : vector<1x16xf32> to vector<16xf32>
      %swap3A_551 = vector.shape_cast %mul3A_546 : vector<16xf32> to vector<1x16xf32>
      tpu.vector_store %arg20[%swap3A_547, %swap3A_548], %swap3A_551 {strides = array<i32>} : memref<16x160xf32, #tpu.memory_space<vmem>>, vector<1x16xf32>,
      %get3A_552 = arith.index_cast %scan3A_407 : i32 to index
      %get3A_553 = arith.constant 144 : index
      %get3A_554 = tpu.vector_load %arg18[%get3A_552, %get3A_553] {strides = array<i32>} : memref<16x256xf32, #tpu.memory_space<vmem>>, vector<1x16xf32>,
      %get3A_555 = vector.shape_cast %get3A_554 : vector<1x16xf32> to vector<16xf32>
      %mul3A_556 = arith.mulf %exp3A, %get3A_555 : vector<16xf32>
      %swap3A_557 = arith.index_cast %scan3A_407 : i32 to index
      %swap3A_558 = arith.constant 16 : index
      %swap3A_559 = tpu.vector_load %arg20[%swap3A_557, %swap3A_558] {strides = array<i32>} : memref<16x160xf32, #tpu.memory_space<vmem>>, vector<1x16xf32>,
      %swap3A_560 = vector.shape_cast %swap3A_559 : vector<1x16xf32> to vector<16xf32>
      %swap3A_561 = vector.shape_cast %mul3A_556 : vector<16xf32> to vector<1x16xf32>
      tpu.vector_store %arg20[%swap3A_557, %swap3A_558], %swap3A_561 {strides = array<i32>} : memref<16x160xf32, #tpu.memory_space<vmem>>, vector<1x16xf32>,
      %get3A_562 = arith.index_cast %scan3A_407 : i32 to index
      %get3A_563 = arith.constant 160 : index
      %get3A_564 = tpu.vector_load %arg18[%get3A_562, %get3A_563] {strides = array<i32>} : memref<16x256xf32, #tpu.memory_space<vmem>>, vector<1x16xf32>,
      %get3A_565 = vector.shape_cast %get3A_564 : vector<1x16xf32> to vector<16xf32>
      %mul3A_566 = arith.mulf %exp3A, %get3A_565 : vector<16xf32>
      %swap3A_567 = arith.index_cast %scan3A_407 : i32 to index
      %swap3A_568 = arith.constant 32 : index
      %swap3A_569 = tpu.vector_load %arg20[%swap3A_567, %swap3A_568] {strides = array<i32>} : memref<16x160xf32, #tpu.memory_space<vmem>>, vector<1x16xf32>,
      %swap3A_570 = vector.shape_cast %swap3A_569 : vector<1x16xf32> to vector<16xf32>
      %swap3A_571 = vector.shape_cast %mul3A_566 : vector<16xf32> to vector<1x16xf32>
      tpu.vector_store %arg20[%swap3A_567, %swap3A_568], %swap3A_571 {strides = array<i32>} : memref<16x160xf32, #tpu.memory_space<vmem>>, vector<1x16xf32>,
      %get3A_572 = arith.index_cast %scan3A_407 : i32 to index
      %get3A_573 = arith.constant 176 : index
      %get3A_574 = tpu.vector_load %arg18[%get3A_572, %get3A_573] {strides = array<i32>} : memref<16x256xf32, #tpu.memory_space<vmem>>, vector<1x16xf32>,
      %get3A_575 = vector.shape_cast %get3A_574 : vector<1x16xf32> to vector<16xf32>
      %mul3A_576 = arith.mulf %exp3A, %get3A_575 : vector<16xf32>
      %swap3A_577 = arith.index_cast %scan3A_407 : i32 to index
      %swap3A_578 = arith.constant 48 : index
      %swap3A_579 = tpu.vector_load %arg20[%swap3A_577, %swap3A_578] {strides = array<i32>} : memref<16x160xf32, #tpu.memory_space<vmem>>, vector<1x16xf32>,
      %swap3A_580 = vector.shape_cast %swap3A_579 : vector<1x16xf32> to vector<16xf32>
      %swap3A_581 = vector.shape_cast %mul3A_576 : vector<16xf32> to vector<1x16xf32>
      tpu.vector_store %arg20[%swap3A_577, %swap3A_578], %swap3A_581 {strides = array<i32>} : memref<16x160xf32, #tpu.memory_space<vmem>>, vector<1x16xf32>,
      %get3A_582 = arith.index_cast %scan3A_407 : i32 to index
      %get3A_583 = arith.constant 192 : index
      %get3A_584 = tpu.vector_load %arg18[%get3A_582, %get3A_583] {strides = array<i32>} : memref<16x256xf32, #tpu.memory_space<vmem>>, vector<1x16xf32>,
      %get3A_585 = vector.shape_cast %get3A_584 : vector<1x16xf32> to vector<16xf32>
      %mul3A_586 = arith.mulf %exp3A, %get3A_585 : vector<16xf32>
      %swap3A_587 = arith.index_cast %scan3A_407 : i32 to index
      %swap3A_588 = arith.constant 64 : index
      %swap3A_589 = tpu.vector_load %arg20[%swap3A_587, %swap3A_588] {strides = array<i32>} : memref<16x160xf32, #tpu.memory_space<vmem>>, vector<1x16xf32>,
      %swap3A_590 = vector.shape_cast %swap3A_589 : vector<1x16xf32> to vector<16xf32>
      %swap3A_591 = vector.shape_cast %mul3A_586 : vector<16xf32> to vector<1x16xf32>
      tpu.vector_store %arg20[%swap3A_587, %swap3A_588], %swap3A_591 {strides = array<i32>} : memref<16x160xf32, #tpu.memory_space<vmem>>, vector<1x16xf32>,
      %get3A_592 = arith.index_cast %scan3A_407 : i32 to index
      %get3A_593 = arith.constant 208 : index
      %get3A_594 = tpu.vector_load %arg18[%get3A_592, %get3A_593] {strides = array<i32>} : memref<16x256xf32, #tpu.memory_space<vmem>>, vector<1x16xf32>,
      %get3A_595 = vector.shape_cast %get3A_594 : vector<1x16xf32> to vector<16xf32>
      %mul3A_596 = arith.mulf %exp3A, %get3A_595 : vector<16xf32>
      %swap3A_597 = arith.index_cast %scan3A_407 : i32 to index
      %swap3A_598 = arith.constant 80 : index
      %swap3A_599 = tpu.vector_load %arg20[%swap3A_597, %swap3A_598] {strides = array<i32>} : memref<16x160xf32, #tpu.memory_space<vmem>>, vector<1x16xf32>,
      %swap3A_600 = vector.shape_cast %swap3A_599 : vector<1x16xf32> to vector<16xf32>
      %swap3A_601 = vector.shape_cast %mul3A_596 : vector<16xf32> to vector<1x16xf32>
      tpu.vector_store %arg20[%swap3A_597, %swap3A_598], %swap3A_601 {strides = array<i32>} : memref<16x160xf32, #tpu.memory_space<vmem>>, vector<1x16xf32>,
      %get3A_602 = arith.index_cast %scan3A_407 : i32 to index
      %get3A_603 = arith.constant 224 : index
      %get3A_604 = tpu.vector_load %arg18[%get3A_602, %get3A_603] {strides = array<i32>} : memref<16x256xf32, #tpu.memory_space<vmem>>, vector<1x16xf32>,
      %get3A_605 = vector.shape_cast %get3A_604 : vector<1x16xf32> to vector<16xf32>
      %mul3A_606 = arith.mulf %exp3A, %get3A_605 : vector<16xf32>
      %swap3A_607 = arith.index_cast %scan3A_407 : i32 to index
      %swap3A_608 = arith.constant 96 : index
      %swap3A_609 = tpu.vector_load %arg20[%swap3A_607, %swap3A_608] {strides = array<i32>} : memref<16x160xf32, #tpu.memory_space<vmem>>, vector<1x16xf32>,
      %swap3A_610 = vector.shape_cast %swap3A_609 : vector<1x16xf32> to vector<16xf32>
      %swap3A_611 = vector.shape_cast %mul3A_606 : vector<16xf32> to vector<1x16xf32>
      tpu.vector_store %arg20[%swap3A_607, %swap3A_608], %swap3A_611 {strides = array<i32>} : memref<16x160xf32, #tpu.memory_space<vmem>>, vector<1x16xf32>,
      %get3A_612 = arith.index_cast %scan3A_407 : i32 to index
      %get3A_613 = arith.constant 240 : index
      %get3A_614 = tpu.vector_load %arg18[%get3A_612, %get3A_613] {strides = array<i32>} : memref<16x256xf32, #tpu.memory_space<vmem>>, vector<1x16xf32>,
      %get3A_615 = vector.shape_cast %get3A_614 : vector<1x16xf32> to vector<16xf32>
      %mul3A_616 = arith.mulf %exp3A, %get3A_615 : vector<16xf32>
      %swap3A_617 = arith.index_cast %scan3A_407 : i32 to index
      %swap3A_618 = arith.constant 112 : index
      %swap3A_619 = tpu.vector_load %arg20[%swap3A_617, %swap3A_618] {strides = array<i32>} : memref<16x160xf32, #tpu.memory_space<vmem>>, vector<1x16xf32>,
      %swap3A_620 = vector.shape_cast %swap3A_619 : vector<1x16xf32> to vector<16xf32>
      %swap3A_621 = vector.shape_cast %mul3A_616 : vector<16xf32> to vector<1x16xf32>
      tpu.vector_store %arg20[%swap3A_617, %swap3A_618], %swap3A_621 {strides = array<i32>} : memref<16x160xf32, #tpu.memory_space<vmem>>, vector<1x16xf32>,
      %mul3A_622 = arith.mulf %exp3A, %get3A_412 : vector<16xf32>
      %swap3A_623 = arith.index_cast %scan3A_407 : i32 to index
      %swap3A_624 = arith.constant 128 : index
      %swap3A_625 = tpu.vector_load %arg20[%swap3A_623, %swap3A_624] {strides = array<i32>} : memref<16x160xf32, #tpu.memory_space<vmem>>, vector<1x16xf32>,
      %swap3A_626 = vector.shape_cast %swap3A_625 : vector<1x16xf32> to vector<16xf32>
      %swap3A_627 = vector.shape_cast %mul3A_622 : vector<16xf32> to vector<1x16xf32>
      tpu.vector_store %arg20[%swap3A_623, %swap3A_624], %swap3A_627 {strides = array<i32>} : memref<16x160xf32, #tpu.memory_space<vmem>>, vector<1x16xf32>,
      %eq3A = arith.constant 0 : i32
      %eq3A_628 = vector.broadcast %eq3A : i32 to vector<16xi32>
      %eq3A_629 = arith.cmpi eq, %iota3A, %eq3A_628 : vector<16xi32>
      %jit3A = arith.constant 0.000000e+00 : f32
      %broadcast_in_dim3A_630 = vector.broadcast %jit3A : f32 to vector<16xf32>
      %select_n3A_631 = arith.select %eq3A_629, %exp3A, %broadcast_in_dim3A_630 : vector<16xi1>, vector<16xf32>
      %swap3A_632 = arith.index_cast %scan3A_407 : i32 to index
      %swap3A_633 = arith.constant 144 : index
      %swap3A_634 = tpu.vector_load %arg20[%swap3A_632, %swap3A_633] {strides = array<i32>} : memref<16x160xf32, #tpu.memory_space<vmem>>, vector<1x16xf32>,
      %swap3A_635 = vector.shape_cast %swap3A_634 : vector<1x16xf32> to vector<16xf32>
      %swap3A_636 = vector.shape_cast %select_n3A_631 : vector<16xf32> to vector<1x16xf32>
      tpu.vector_store %arg20[%swap3A_632, %swap3A_633], %swap3A_636 {strides = array<i32>} : memref<16x160xf32, #tpu.memory_space<vmem>>, vector<1x16xf32>,
      %scan3A_637 = arith.constant 0 : i32
      scf.yield %scan3A_637 : i32
    }
    %scan3A_208 = arith.constant 16 : i32
    "tpu.region"() ({
      %run_scoped3A = tpu.sem_alloc : memref<!tpu.dma_semaphore, #tpu.memory_space<semaphore_mem>>
      %dma_start3A_407 = arith.constant 0 : i32
      %dma_start3A_408 = arith.constant 0 : i32
      %dma_start3A_409 = tpu.memref_slice %arg22[%dma_start3A_407, %dma_start3A_408] : memref<10240x160xf32, #tpu.memory_space<vmem_shared>> -> memref<10240x160xf32, #tpu.memory_space<vmem_shared>>
      tpu.enqueue_indirect_dma source(%arg20 : memref<16x160xf32, #tpu.memory_space<vmem>>) target(%dma_start3A_409 : memref<10240x160xf32, #tpu.memory_space<vmem_shared>>) offsets(%arg10 : memref<16xi32, #tpu.memory_space<vmem>>) semaphore(%run_scoped3A : memref<!tpu.dma_semaphore, #tpu.memory_space<semaphore_mem>>) {add = true}
      %dma_wait3A_410 = arith.constant 0 : i32
      %dma_wait3A_411 = arith.constant 0 : i32
      %dma_wait3A_412 = tpu.memref_slice %arg22[%dma_wait3A_410, %dma_wait3A_411] : memref<10240x160xf32, #tpu.memory_space<vmem_shared>> -> memref<10240x160xf32, #tpu.memory_space<vmem_shared>>
      tpu.wait_indirect_dma semaphore(%run_scoped3A : memref<!tpu.dma_semaphore, #tpu.memory_space<semaphore_mem>>) src(%arg20 : memref<16x160xf32, #tpu.memory_space<vmem>>) dst(%dma_wait3A_412 : memref<10240x160xf32, #tpu.memory_space<vmem_shared>>)
      tpu.yield
    }) : () -> ()
    %barrier3A_209 = arith.constant 0 : index
    tpu.barrier barrier_id(%barrier3A_209)
    "tpu.region"() ({
      %run_scoped3A = tpu.sem_alloc : memref<!tpu.dma_semaphore, #tpu.memory_space<semaphore_mem>>
      %dma_start3A_407 = arith.constant 0 : i32
      %dma_start3A_408 = tpu.memref_slice %arg7[%add3A_23, %mul3A_2, %dma_start3A_407] : memref<4x10240x160xf32, #tpu.memory_space<hbm>> -> memref<1x640x160xf32, #tpu.memory_space<hbm>>
      %dma_start3A_409 = tpu.memref_squeeze %dma_start3A_408 : memref<1x640x160xf32, #tpu.memory_space<hbm>> -> memref<640x160xf32, #tpu.memory_space<hbm>>
      %dma_start3A_410 = arith.constant 0 : i32
      %dma_start3A_411 = tpu.memref_slice %arg22[%mul3A_2, %dma_start3A_410] : memref<10240x160xf32, #tpu.memory_space<vmem_shared>> -> memref<640x160xf32, #tpu.memory_space<vmem_shared>>
      tpu.enqueue_dma source(%dma_start3A_411 : memref<640x160xf32, #tpu.memory_space<vmem_shared>>) target(%dma_start3A_409 : memref<640x160xf32, #tpu.memory_space<hbm>>) target_semaphore(%run_scoped3A : memref<!tpu.dma_semaphore, #tpu.memory_space<semaphore_mem>>)
      %dma_wait3A_412 = arith.constant 0 : i32
      %dma_wait3A_413 = tpu.memref_slice %arg7[%add3A_23, %mul3A_2, %dma_wait3A_412] : memref<4x10240x160xf32, #tpu.memory_space<hbm>> -> memref<1x640x160xf32, #tpu.memory_space<hbm>>
      %dma_wait3A_414 = tpu.memref_squeeze %dma_wait3A_413 : memref<1x640x160xf32, #tpu.memory_space<hbm>> -> memref<640x160xf32, #tpu.memory_space<hbm>>
      %dma_wait3A_415 = arith.constant 0 : i32
      %dma_wait3A_416 = tpu.memref_slice %arg22[%mul3A_2, %dma_wait3A_415] : memref<10240x160xf32, #tpu.memory_space<vmem_shared>> -> memref<640x160xf32, #tpu.memory_space<vmem_shared>>
      tpu.wait_dma2 semaphore(%run_scoped3A : memref<!tpu.dma_semaphore, #tpu.memory_space<semaphore_mem>>) src(%dma_wait3A_416 : memref<640x160xf32, #tpu.memory_space<vmem_shared>>) dst(%dma_wait3A_414 : memref<640x160xf32, #tpu.memory_space<hbm>>)
      tpu.yield
    }) : () -> ()
    %barrier3A_210 = arith.constant 0 : index
    tpu.barrier barrier_id(%barrier3A_210)
    %mul3A_211 = arith.constant 2 : i32
    %mul3A_212 = arith.muli %arg0, %mul3A_211 : i32
    %add3A_213 = arith.constant 1 : i32
    %add3A_214 = arith.addi %mul3A_212, %add3A_213 : i32
    %mul3A_215 = arith.constant 10240 : i32
    %mul3A_216 = arith.muli %add3A_214, %mul3A_215 : i32
    %broadcast_in_dim3A_217 = vector.broadcast %mul3A_216 : i32 to vector<16xi32>
    %add3A_218 = arith.constant 0 : i32
    %add3A_219 = arith.addi %mul3A_2, %add3A_218 : i32
    %dma_start3A_220 = arith.constant 0 : i32
    %dma_start3A_221 = tpu.memref_slice %arg22[%add3A_219, %dma_start3A_220] : memref<10240x160xf32, #tpu.memory_space<vmem_shared>> -> memref<64x160xf32, #tpu.memory_space<vmem_shared>>
    %dma_start3A_222 = arith.constant 0 : i32
    %dma_start3A_223 = tpu.memref_slice %arg22[%add3A_219, %dma_start3A_222] : memref<10240x160xf32, #tpu.memory_space<vmem_shared>> -> memref<64x160xf32, #tpu.memory_space<vmem_shared>>
    tpu.enqueue_dma source(%arg21 : memref<64x160xf32, #tpu.memory_space<vmem>>) target(%dma_start3A_223 : memref<64x160xf32, #tpu.memory_space<vmem_shared>>) target_semaphore(%arg27 : memref<!tpu.dma_semaphore, #tpu.memory_space<semaphore_mem>>)
    %add3A_224 = arith.constant 64 : i32
    %add3A_225 = arith.addi %mul3A_2, %add3A_224 : i32
    %dma_start3A_226 = arith.constant 0 : i32
    %dma_start3A_227 = tpu.memref_slice %arg22[%add3A_225, %dma_start3A_226] : memref<10240x160xf32, #tpu.memory_space<vmem_shared>> -> memref<64x160xf32, #tpu.memory_space<vmem_shared>>
    %dma_start3A_228 = arith.constant 0 : i32
    %dma_start3A_229 = tpu.memref_slice %arg22[%add3A_225, %dma_start3A_228] : memref<10240x160xf32, #tpu.memory_space<vmem_shared>> -> memref<64x160xf32, #tpu.memory_space<vmem_shared>>
    tpu.enqueue_dma source(%arg21 : memref<64x160xf32, #tpu.memory_space<vmem>>) target(%dma_start3A_229 : memref<64x160xf32, #tpu.memory_space<vmem_shared>>) target_semaphore(%arg27 : memref<!tpu.dma_semaphore, #tpu.memory_space<semaphore_mem>>)
    %add3A_230 = arith.constant 128 : i32
    %add3A_231 = arith.addi %mul3A_2, %add3A_230 : i32
    %dma_start3A_232 = arith.constant 0 : i32
    %dma_start3A_233 = tpu.memref_slice %arg22[%add3A_231, %dma_start3A_232] : memref<10240x160xf32, #tpu.memory_space<vmem_shared>> -> memref<64x160xf32, #tpu.memory_space<vmem_shared>>
    %dma_start3A_234 = arith.constant 0 : i32
    %dma_start3A_235 = tpu.memref_slice %arg22[%add3A_231, %dma_start3A_234] : memref<10240x160xf32, #tpu.memory_space<vmem_shared>> -> memref<64x160xf32, #tpu.memory_space<vmem_shared>>
    tpu.enqueue_dma source(%arg21 : memref<64x160xf32, #tpu.memory_space<vmem>>) target(%dma_start3A_235 : memref<64x160xf32, #tpu.memory_space<vmem_shared>>) target_semaphore(%arg27 : memref<!tpu.dma_semaphore, #tpu.memory_space<semaphore_mem>>)
    %add3A_236 = arith.constant 192 : i32
    %add3A_237 = arith.addi %mul3A_2, %add3A_236 : i32
    %dma_start3A_238 = arith.constant 0 : i32
    %dma_start3A_239 = tpu.memref_slice %arg22[%add3A_237, %dma_start3A_238] : memref<10240x160xf32, #tpu.memory_space<vmem_shared>> -> memref<64x160xf32, #tpu.memory_space<vmem_shared>>
    %dma_start3A_240 = arith.constant 0 : i32
    %dma_start3A_241 = tpu.memref_slice %arg22[%add3A_237, %dma_start3A_240] : memref<10240x160xf32, #tpu.memory_space<vmem_shared>> -> memref<64x160xf32, #tpu.memory_space<vmem_shared>>
    tpu.enqueue_dma source(%arg21 : memref<64x160xf32, #tpu.memory_space<vmem>>) target(%dma_start3A_241 : memref<64x160xf32, #tpu.memory_space<vmem_shared>>) target_semaphore(%arg27 : memref<!tpu.dma_semaphore, #tpu.memory_space<semaphore_mem>>)
    %add3A_242 = arith.constant 256 : i32
    %add3A_243 = arith.addi %mul3A_2, %add3A_242 : i32
    %dma_start3A_244 = arith.constant 0 : i32
    %dma_start3A_245 = tpu.memref_slice %arg22[%add3A_243, %dma_start3A_244] : memref<10240x160xf32, #tpu.memory_space<vmem_shared>> -> memref<64x160xf32, #tpu.memory_space<vmem_shared>>
    %dma_start3A_246 = arith.constant 0 : i32
    %dma_start3A_247 = tpu.memref_slice %arg22[%add3A_243, %dma_start3A_246] : memref<10240x160xf32, #tpu.memory_space<vmem_shared>> -> memref<64x160xf32, #tpu.memory_space<vmem_shared>>
    tpu.enqueue_dma source(%arg21 : memref<64x160xf32, #tpu.memory_space<vmem>>) target(%dma_start3A_247 : memref<64x160xf32, #tpu.memory_space<vmem_shared>>) target_semaphore(%arg27 : memref<!tpu.dma_semaphore, #tpu.memory_space<semaphore_mem>>)
    %add3A_248 = arith.constant 320 : i32
    %add3A_249 = arith.addi %mul3A_2, %add3A_248 : i32
    %dma_start3A_250 = arith.constant 0 : i32
    %dma_start3A_251 = tpu.memref_slice %arg22[%add3A_249, %dma_start3A_250] : memref<10240x160xf32, #tpu.memory_space<vmem_shared>> -> memref<64x160xf32, #tpu.memory_space<vmem_shared>>
    %dma_start3A_252 = arith.constant 0 : i32
    %dma_start3A_253 = tpu.memref_slice %arg22[%add3A_249, %dma_start3A_252] : memref<10240x160xf32, #tpu.memory_space<vmem_shared>> -> memref<64x160xf32, #tpu.memory_space<vmem_shared>>
    tpu.enqueue_dma source(%arg21 : memref<64x160xf32, #tpu.memory_space<vmem>>) target(%dma_start3A_253 : memref<64x160xf32, #tpu.memory_space<vmem_shared>>) target_semaphore(%arg27 : memref<!tpu.dma_semaphore, #tpu.memory_space<semaphore_mem>>)
    %add3A_254 = arith.constant 384 : i32
    %add3A_255 = arith.addi %mul3A_2, %add3A_254 : i32
    %dma_start3A_256 = arith.constant 0 : i32
    %dma_start3A_257 = tpu.memref_slice %arg22[%add3A_255, %dma_start3A_256] : memref<10240x160xf32, #tpu.memory_space<vmem_shared>> -> memref<64x160xf32, #tpu.memory_space<vmem_shared>>
    %dma_start3A_258 = arith.constant 0 : i32
    %dma_start3A_259 = tpu.memref_slice %arg22[%add3A_255, %dma_start3A_258] : memref<10240x160xf32, #tpu.memory_space<vmem_shared>> -> memref<64x160xf32, #tpu.memory_space<vmem_shared>>
    tpu.enqueue_dma source(%arg21 : memref<64x160xf32, #tpu.memory_space<vmem>>) target(%dma_start3A_259 : memref<64x160xf32, #tpu.memory_space<vmem_shared>>) target_semaphore(%arg27 : memref<!tpu.dma_semaphore, #tpu.memory_space<semaphore_mem>>)
    %add3A_260 = arith.constant 448 : i32
    %add3A_261 = arith.addi %mul3A_2, %add3A_260 : i32
    %dma_start3A_262 = arith.constant 0 : i32
    %dma_start3A_263 = tpu.memref_slice %arg22[%add3A_261, %dma_start3A_262] : memref<10240x160xf32, #tpu.memory_space<vmem_shared>> -> memref<64x160xf32, #tpu.memory_space<vmem_shared>>
    %dma_start3A_264 = arith.constant 0 : i32
    %dma_start3A_265 = tpu.memref_slice %arg22[%add3A_261, %dma_start3A_264] : memref<10240x160xf32, #tpu.memory_space<vmem_shared>> -> memref<64x160xf32, #tpu.memory_space<vmem_shared>>
    tpu.enqueue_dma source(%arg21 : memref<64x160xf32, #tpu.memory_space<vmem>>) target(%dma_start3A_265 : memref<64x160xf32, #tpu.memory_space<vmem_shared>>) target_semaphore(%arg27 : memref<!tpu.dma_semaphore, #tpu.memory_space<semaphore_mem>>)
    %add3A_266 = arith.constant 512 : i32
    %add3A_267 = arith.addi %mul3A_2, %add3A_266 : i32
    %dma_start3A_268 = arith.constant 0 : i32
    %dma_start3A_269 = tpu.memref_slice %arg22[%add3A_267, %dma_start3A_268] : memref<10240x160xf32, #tpu.memory_space<vmem_shared>> -> memref<64x160xf32, #tpu.memory_space<vmem_shared>>
    %dma_start3A_270 = arith.constant 0 : i32
    %dma_start3A_271 = tpu.memref_slice %arg22[%add3A_267, %dma_start3A_270] : memref<10240x160xf32, #tpu.memory_space<vmem_shared>> -> memref<64x160xf32, #tpu.memory_space<vmem_shared>>
    tpu.enqueue_dma source(%arg21 : memref<64x160xf32, #tpu.memory_space<vmem>>) target(%dma_start3A_271 : memref<64x160xf32, #tpu.memory_space<vmem_shared>>) target_semaphore(%arg27 : memref<!tpu.dma_semaphore, #tpu.memory_space<semaphore_mem>>)
    %add3A_272 = arith.constant 576 : i32
    %add3A_273 = arith.addi %mul3A_2, %add3A_272 : i32
    %dma_start3A_274 = arith.constant 0 : i32
    %dma_start3A_275 = tpu.memref_slice %arg22[%add3A_273, %dma_start3A_274] : memref<10240x160xf32, #tpu.memory_space<vmem_shared>> -> memref<64x160xf32, #tpu.memory_space<vmem_shared>>
    %dma_start3A_276 = arith.constant 0 : i32
    %dma_start3A_277 = tpu.memref_slice %arg22[%add3A_273, %dma_start3A_276] : memref<10240x160xf32, #tpu.memory_space<vmem_shared>> -> memref<64x160xf32, #tpu.memory_space<vmem_shared>>
    tpu.enqueue_dma source(%arg21 : memref<64x160xf32, #tpu.memory_space<vmem>>) target(%dma_start3A_277 : memref<64x160xf32, #tpu.memory_space<vmem_shared>>) target_semaphore(%arg27 : memref<!tpu.dma_semaphore, #tpu.memory_space<semaphore_mem>>)
    %add3A_278 = arith.constant 0 : i32
    %add3A_279 = arith.addi %mul3A_2, %add3A_278 : i32
    %dma_wait3A_280 = arith.constant 0 : i32
    %dma_wait3A_281 = tpu.memref_slice %arg22[%add3A_279, %dma_wait3A_280] : memref<10240x160xf32, #tpu.memory_space<vmem_shared>> -> memref<64x160xf32, #tpu.memory_space<vmem_shared>>
    %dma_wait3A_282 = arith.constant 0 : i32
    %dma_wait3A_283 = tpu.memref_slice %arg22[%add3A_279, %dma_wait3A_282] : memref<10240x160xf32, #tpu.memory_space<vmem_shared>> -> memref<64x160xf32, #tpu.memory_space<vmem_shared>>
    tpu.wait_dma2 semaphore(%arg27 : memref<!tpu.dma_semaphore, #tpu.memory_space<semaphore_mem>>) src(%arg21 : memref<64x160xf32, #tpu.memory_space<vmem>>) dst(%dma_wait3A_283 : memref<64x160xf32, #tpu.memory_space<vmem_shared>>)
    %add3A_284 = arith.constant 64 : i32
    %add3A_285 = arith.addi %mul3A_2, %add3A_284 : i32
    %dma_wait3A_286 = arith.constant 0 : i32
    %dma_wait3A_287 = tpu.memref_slice %arg22[%add3A_285, %dma_wait3A_286] : memref<10240x160xf32, #tpu.memory_space<vmem_shared>> -> memref<64x160xf32, #tpu.memory_space<vmem_shared>>
    %dma_wait3A_288 = arith.constant 0 : i32
    %dma_wait3A_289 = tpu.memref_slice %arg22[%add3A_285, %dma_wait3A_288] : memref<10240x160xf32, #tpu.memory_space<vmem_shared>> -> memref<64x160xf32, #tpu.memory_space<vmem_shared>>
    tpu.wait_dma2 semaphore(%arg27 : memref<!tpu.dma_semaphore, #tpu.memory_space<semaphore_mem>>) src(%arg21 : memref<64x160xf32, #tpu.memory_space<vmem>>) dst(%dma_wait3A_289 : memref<64x160xf32, #tpu.memory_space<vmem_shared>>)
    %add3A_290 = arith.constant 128 : i32
    %add3A_291 = arith.addi %mul3A_2, %add3A_290 : i32
    %dma_wait3A_292 = arith.constant 0 : i32
    %dma_wait3A_293 = tpu.memref_slice %arg22[%add3A_291, %dma_wait3A_292] : memref<10240x160xf32, #tpu.memory_space<vmem_shared>> -> memref<64x160xf32, #tpu.memory_space<vmem_shared>>
    %dma_wait3A_294 = arith.constant 0 : i32
    %dma_wait3A_295 = tpu.memref_slice %arg22[%add3A_291, %dma_wait3A_294] : memref<10240x160xf32, #tpu.memory_space<vmem_shared>> -> memref<64x160xf32, #tpu.memory_space<vmem_shared>>
    tpu.wait_dma2 semaphore(%arg27 : memref<!tpu.dma_semaphore, #tpu.memory_space<semaphore_mem>>) src(%arg21 : memref<64x160xf32, #tpu.memory_space<vmem>>) dst(%dma_wait3A_295 : memref<64x160xf32, #tpu.memory_space<vmem_shared>>)
    %add3A_296 = arith.constant 192 : i32
    %add3A_297 = arith.addi %mul3A_2, %add3A_296 : i32
    %dma_wait3A_298 = arith.constant 0 : i32
    %dma_wait3A_299 = tpu.memref_slice %arg22[%add3A_297, %dma_wait3A_298] : memref<10240x160xf32, #tpu.memory_space<vmem_shared>> -> memref<64x160xf32, #tpu.memory_space<vmem_shared>>
    %dma_wait3A_300 = arith.constant 0 : i32
    %dma_wait3A_301 = tpu.memref_slice %arg22[%add3A_297, %dma_wait3A_300] : memref<10240x160xf32, #tpu.memory_space<vmem_shared>> -> memref<64x160xf32, #tpu.memory_space<vmem_shared>>
    tpu.wait_dma2 semaphore(%arg27 : memref<!tpu.dma_semaphore, #tpu.memory_space<semaphore_mem>>) src(%arg21 : memref<64x160xf32, #tpu.memory_space<vmem>>) dst(%dma_wait3A_301 : memref<64x160xf32, #tpu.memory_space<vmem_shared>>)
    %add3A_302 = arith.constant 256 : i32
    %add3A_303 = arith.addi %mul3A_2, %add3A_302 : i32
    %dma_wait3A_304 = arith.constant 0 : i32
    %dma_wait3A_305 = tpu.memref_slice %arg22[%add3A_303, %dma_wait3A_304] : memref<10240x160xf32, #tpu.memory_space<vmem_shared>> -> memref<64x160xf32, #tpu.memory_space<vmem_shared>>
    %dma_wait3A_306 = arith.constant 0 : i32
    %dma_wait3A_307 = tpu.memref_slice %arg22[%add3A_303, %dma_wait3A_306] : memref<10240x160xf32, #tpu.memory_space<vmem_shared>> -> memref<64x160xf32, #tpu.memory_space<vmem_shared>>
    tpu.wait_dma2 semaphore(%arg27 : memref<!tpu.dma_semaphore, #tpu.memory_space<semaphore_mem>>) src(%arg21 : memref<64x160xf32, #tpu.memory_space<vmem>>) dst(%dma_wait3A_307 : memref<64x160xf32, #tpu.memory_space<vmem_shared>>)
    %add3A_308 = arith.constant 320 : i32
    %add3A_309 = arith.addi %mul3A_2, %add3A_308 : i32
    %dma_wait3A_310 = arith.constant 0 : i32
    %dma_wait3A_311 = tpu.memref_slice %arg22[%add3A_309, %dma_wait3A_310] : memref<10240x160xf32, #tpu.memory_space<vmem_shared>> -> memref<64x160xf32, #tpu.memory_space<vmem_shared>>
    %dma_wait3A_312 = arith.constant 0 : i32
    %dma_wait3A_313 = tpu.memref_slice %arg22[%add3A_309, %dma_wait3A_312] : memref<10240x160xf32, #tpu.memory_space<vmem_shared>> -> memref<64x160xf32, #tpu.memory_space<vmem_shared>>
    tpu.wait_dma2 semaphore(%arg27 : memref<!tpu.dma_semaphore, #tpu.memory_space<semaphore_mem>>) src(%arg21 : memref<64x160xf32, #tpu.memory_space<vmem>>) dst(%dma_wait3A_313 : memref<64x160xf32, #tpu.memory_space<vmem_shared>>)
    %add3A_314 = arith.constant 384 : i32
    %add3A_315 = arith.addi %mul3A_2, %add3A_314 : i32
    %dma_wait3A_316 = arith.constant 0 : i32
    %dma_wait3A_317 = tpu.memref_slice %arg22[%add3A_315, %dma_wait3A_316] : memref<10240x160xf32, #tpu.memory_space<vmem_shared>> -> memref<64x160xf32, #tpu.memory_space<vmem_shared>>
    %dma_wait3A_318 = arith.constant 0 : i32
    %dma_wait3A_319 = tpu.memref_slice %arg22[%add3A_315, %dma_wait3A_318] : memref<10240x160xf32, #tpu.memory_space<vmem_shared>> -> memref<64x160xf32, #tpu.memory_space<vmem_shared>>
    tpu.wait_dma2 semaphore(%arg27 : memref<!tpu.dma_semaphore, #tpu.memory_space<semaphore_mem>>) src(%arg21 : memref<64x160xf32, #tpu.memory_space<vmem>>) dst(%dma_wait3A_319 : memref<64x160xf32, #tpu.memory_space<vmem_shared>>)
    %add3A_320 = arith.constant 448 : i32
    %add3A_321 = arith.addi %mul3A_2, %add3A_320 : i32
    %dma_wait3A_322 = arith.constant 0 : i32
    %dma_wait3A_323 = tpu.memref_slice %arg22[%add3A_321, %dma_wait3A_322] : memref<10240x160xf32, #tpu.memory_space<vmem_shared>> -> memref<64x160xf32, #tpu.memory_space<vmem_shared>>
    %dma_wait3A_324 = arith.constant 0 : i32
    %dma_wait3A_325 = tpu.memref_slice %arg22[%add3A_321, %dma_wait3A_324] : memref<10240x160xf32, #tpu.memory_space<vmem_shared>> -> memref<64x160xf32, #tpu.memory_space<vmem_shared>>
    tpu.wait_dma2 semaphore(%arg27 : memref<!tpu.dma_semaphore, #tpu.memory_space<semaphore_mem>>) src(%arg21 : memref<64x160xf32, #tpu.memory_space<vmem>>) dst(%dma_wait3A_325 : memref<64x160xf32, #tpu.memory_space<vmem_shared>>)
    %add3A_326 = arith.constant 512 : i32
    %add3A_327 = arith.addi %mul3A_2, %add3A_326 : i32
    %dma_wait3A_328 = arith.constant 0 : i32
    %dma_wait3A_329 = tpu.memref_slice %arg22[%add3A_327, %dma_wait3A_328] : memref<10240x160xf32, #tpu.memory_space<vmem_shared>> -> memref<64x160xf32, #tpu.memory_space<vmem_shared>>
    %dma_wait3A_330 = arith.constant 0 : i32
    %dma_wait3A_331 = tpu.memref_slice %arg22[%add3A_327, %dma_wait3A_330] : memref<10240x160xf32, #tpu.memory_space<vmem_shared>> -> memref<64x160xf32, #tpu.memory_space<vmem_shared>>
    tpu.wait_dma2 semaphore(%arg27 : memref<!tpu.dma_semaphore, #tpu.memory_space<semaphore_mem>>) src(%arg21 : memref<64x160xf32, #tpu.memory_space<vmem>>) dst(%dma_wait3A_331 : memref<64x160xf32, #tpu.memory_space<vmem_shared>>)
    %add3A_332 = arith.constant 576 : i32
    %add3A_333 = arith.addi %mul3A_2, %add3A_332 : i32
    %dma_wait3A_334 = arith.constant 0 : i32
    %dma_wait3A_335 = tpu.memref_slice %arg22[%add3A_333, %dma_wait3A_334] : memref<10240x160xf32, #tpu.memory_space<vmem_shared>> -> memref<64x160xf32, #tpu.memory_space<vmem_shared>>
    %dma_wait3A_336 = arith.constant 0 : i32
    %dma_wait3A_337 = tpu.memref_slice %arg22[%add3A_333, %dma_wait3A_336] : memref<10240x160xf32, #tpu.memory_space<vmem_shared>> -> memref<64x160xf32, #tpu.memory_space<vmem_shared>>
    tpu.wait_dma2 semaphore(%arg27 : memref<!tpu.dma_semaphore, #tpu.memory_space<semaphore_mem>>) src(%arg21 : memref<64x160xf32, #tpu.memory_space<vmem>>) dst(%dma_wait3A_337 : memref<64x160xf32, #tpu.memory_space<vmem_shared>>)
    %barrier3A_338 = arith.constant 0 : index
    tpu.barrier barrier_id(%barrier3A_338)
    %add3A_339 = arith.constant 0 : i32
    %add3A_340 = arith.addi %mul3A_0, %add3A_339 : i32
    %dma_start3A_341 = tpu.memref_slice %arg4[%add3A_340] : memref<160000xi32, #tpu.memory_space<hbm>> -> memref<16xi32, #tpu.memory_space<hbm>>
    %dma_start3A_342 = tpu.memref_slice %arg4[%add3A_340] : memref<160000xi32, #tpu.memory_space<hbm>> -> memref<16xi32, #tpu.memory_space<hbm>>
    tpu.enqueue_dma source(%dma_start3A_342 : memref<16xi32, #tpu.memory_space<hbm>>) target(%arg8 : memref<16xi32, #tpu.memory_space<vmem>>) target_semaphore(%arg23 : memref<!tpu.dma_semaphore, #tpu.memory_space<semaphore_mem>>)
    %dma_start3A_343 = tpu.memref_slice %arg5[%add3A_340] : memref<160000xi32, #tpu.memory_space<hbm>> -> memref<16xi32, #tpu.memory_space<hbm>>
    %dma_start3A_344 = tpu.memref_slice %arg5[%add3A_340] : memref<160000xi32, #tpu.memory_space<hbm>> -> memref<16xi32, #tpu.memory_space<hbm>>
    tpu.enqueue_dma source(%dma_start3A_344 : memref<16xi32, #tpu.memory_space<hbm>>) target(%arg10 : memref<16xi32, #tpu.memory_space<vmem>>) target_semaphore(%arg23 : memref<!tpu.dma_semaphore, #tpu.memory_space<semaphore_mem>>)
    %dma_start3A_345 = arith.constant 0 : i32
    %dma_start3A_346 = tpu.memref_slice %arg6[%add3A_340, %dma_start3A_345] : memref<160000x16xf32, #tpu.memory_space<hbm>> -> memref<16x16xf32, #tpu.memory_space<hbm>>
    %dma_start3A_347 = arith.constant 0 : i32
    %dma_start3A_348 = tpu.memref_slice %arg6[%add3A_340, %dma_start3A_347] : memref<160000x16xf32, #tpu.memory_space<hbm>> -> memref<16x16xf32, #tpu.memory_space<hbm>>
    tpu.enqueue_dma source(%dma_start3A_348 : memref<16x16xf32, #tpu.memory_space<hbm>>) target(%arg14 : memref<16x16xf32, #tpu.memory_space<vmem>>) target_semaphore(%arg23 : memref<!tpu.dma_semaphore, #tpu.memory_space<semaphore_mem>>)
    %dma_wait3A_349 = arith.constant 0 : i32
    %dma_wait3A_350 = tpu.memref_slice %arg4[%dma_wait3A_349] : memref<160000xi32, #tpu.memory_space<hbm>> -> memref<16xi32, #tpu.memory_space<hbm>>
    %dma_wait3A_351 = arith.constant 0 : i32
    %dma_wait3A_352 = tpu.memref_slice %arg4[%dma_wait3A_351] : memref<160000xi32, #tpu.memory_space<hbm>> -> memref<16xi32, #tpu.memory_space<hbm>>
    tpu.wait_dma2 semaphore(%arg23 : memref<!tpu.dma_semaphore, #tpu.memory_space<semaphore_mem>>) src(%dma_wait3A_352 : memref<16xi32, #tpu.memory_space<hbm>>) dst(%arg8 : memref<16xi32, #tpu.memory_space<vmem>>)
    %dma_wait3A_353 = arith.constant 0 : i32
    %dma_wait3A_354 = tpu.memref_slice %arg5[%dma_wait3A_353] : memref<160000xi32, #tpu.memory_space<hbm>> -> memref<16xi32, #tpu.memory_space<hbm>>
    %dma_wait3A_355 = arith.constant 0 : i32
    %dma_wait3A_356 = tpu.memref_slice %arg5[%dma_wait3A_355] : memref<160000xi32, #tpu.memory_space<hbm>> -> memref<16xi32, #tpu.memory_space<hbm>>
    tpu.wait_dma2 semaphore(%arg23 : memref<!tpu.dma_semaphore, #tpu.memory_space<semaphore_mem>>) src(%dma_wait3A_356 : memref<16xi32, #tpu.memory_space<hbm>>) dst(%arg10 : memref<16xi32, #tpu.memory_space<vmem>>)
    %dma_wait3A_357 = arith.constant 0 : i32
    %dma_wait3A_358 = arith.constant 0 : i32
    %dma_wait3A_359 = tpu.memref_slice %arg6[%dma_wait3A_357, %dma_wait3A_358] : memref<160000x16xf32, #tpu.memory_space<hbm>> -> memref<16x16xf32, #tpu.memory_space<hbm>>
    %dma_wait3A_360 = arith.constant 0 : i32
    %dma_wait3A_361 = arith.constant 0 : i32
    %dma_wait3A_362 = tpu.memref_slice %arg6[%dma_wait3A_360, %dma_wait3A_361] : memref<160000x16xf32, #tpu.memory_space<hbm>> -> memref<16x16xf32, #tpu.memory_space<hbm>>
    tpu.wait_dma2 semaphore(%arg23 : memref<!tpu.dma_semaphore, #tpu.memory_space<semaphore_mem>>) src(%dma_wait3A_362 : memref<16x16xf32, #tpu.memory_space<hbm>>) dst(%arg14 : memref<16x16xf32, #tpu.memory_space<vmem>>)
    %get3A_363 = arith.constant 0 : index
    %get3A_364 = tpu.vector_load %arg8[%get3A_363] {strides = array<i32>} : memref<16xi32, #tpu.memory_space<vmem>>, vector<16xi32>,
    %get3A_365 = vector.shape_cast %get3A_364 : vector<16xi32> to vector<16xi32>
    %add3A_366 = arith.addi %get3A_365, %broadcast_in_dim3A_217 : vector<16xi32>
    %swap3A_367 = arith.constant 0 : index
    %swap3A_368 = tpu.vector_load %arg8[%swap3A_367] {strides = array<i32>} : memref<16xi32, #tpu.memory_space<vmem>>, vector<16xi32>,
    %swap3A_369 = vector.shape_cast %swap3A_368 : vector<16xi32> to vector<16xi32>
    %swap3A_370 = vector.shape_cast %add3A_366 : vector<16xi32> to vector<16xi32>
    tpu.vector_store %arg8[%swap3A_367], %swap3A_370 {strides = array<i32>} : memref<16xi32, #tpu.memory_space<vmem>>, vector<16xi32>,
    %get3A_371 = arith.constant 0 : index
    %get3A_372 = tpu.vector_load %arg10[%get3A_371] {strides = array<i32>} : memref<16xi32, #tpu.memory_space<vmem>>, vector<16xi32>,
    %get3A_373 = vector.shape_cast %get3A_372 : vector<16xi32> to vector<16xi32>
    %add3A_374 = arith.addi %get3A_373, %broadcast_in_dim3A_217 : vector<16xi32>
    %swap3A_375 = arith.constant 0 : index
    %swap3A_376 = tpu.vector_load %arg12[%swap3A_375] {strides = array<i32>} : memref<16xi32, #tpu.memory_space<vmem>>, vector<16xi32>,
    %swap3A_377 = vector.shape_cast %swap3A_376 : vector<16xi32> to vector<16xi32>
    %swap3A_378 = vector.shape_cast %add3A_374 : vector<16xi32> to vector<16xi32>
    tpu.vector_store %arg12[%swap3A_375], %swap3A_378 {strides = array<i32>} : memref<16xi32, #tpu.memory_space<vmem>>, vector<16xi32>,
    %dma_start3A_379 = arith.constant 0 : i32
    %dma_start3A_380 = arith.constant 0 : i32
    %dma_start3A_381 = tpu.memref_slice %arg2[%dma_start3A_379, %dma_start3A_380] : memref<40960x144xf32, #tpu.memory_space<hbm>> -> memref<40960x144xf32, #tpu.memory_space<hbm>>
    tpu.enqueue_indirect_dma source(%dma_start3A_381 : memref<40960x144xf32, #tpu.memory_space<hbm>>) target(%arg16 : memref<16x144xf32, #tpu.memory_space<vmem>>) offsets(%arg12 : memref<16xi32, #tpu.memory_space<vmem>>) semaphore(%arg25 : memref<!tpu.dma_semaphore, #tpu.memory_space<semaphore_mem>>)
    %dma_start3A_382 = arith.constant 0 : i32
    %dma_start3A_383 = arith.constant 0 : i32
    %dma_start3A_384 = tpu.memref_slice %arg3[%dma_start3A_382, %dma_start3A_383] : memref<40960x256xf32, #tpu.memory_space<hbm>> -> memref<40960x256xf32, #tpu.memory_space<hbm>>
    tpu.enqueue_indirect_dma source(%dma_start3A_384 : memref<40960x256xf32, #tpu.memory_space<hbm>>) target(%arg18 : memref<16x256xf32, #tpu.memory_space<vmem>>) offsets(%arg8 : memref<16xi32, #tpu.memory_space<vmem>>) semaphore(%arg25 : memref<!tpu.dma_semaphore, #tpu.memory_space<semaphore_mem>>)
    %scan3A_385 = arith.constant 0 : i32
    %scan3A_386 = arith.constant 0 : i32
    %scan3A_387 = arith.constant 312 : i32
    %scan3A_388 = arith.addi %scan3A_386, %scan3A_387 : i32
    %scan3A_389 = arith.constant 1 : i32
    %scan3A_390 = scf.for %scan3A_407 = %scan3A_386 to %scan3A_388 step %scan3A_389 iter_args(%scan3A_408 = %scan3A_385) -> (i32)  : i32 {
      %mul3A_409 = arith.constant 2 : i32
      %mul3A_410 = arith.muli %mul3A_409, %scan3A_407 : i32
      %add3A_411 = arith.constant 1 : i32
      %add3A_412 = arith.addi %mul3A_410, %add3A_411 : i32
      %mul3A_413 = arith.constant 16 : i32
      %mul3A_414 = arith.muli %add3A_412, %mul3A_413 : i32
      %add3A_415 = arith.addi %mul3A_0, %mul3A_414 : i32
      %dma_start3A_416 = tpu.memref_slice %arg4[%add3A_415] : memref<160000xi32, #tpu.memory_space<hbm>> -> memref<16xi32, #tpu.memory_space<hbm>>
      %dma_start3A_417 = tpu.memref_slice %arg4[%add3A_415] : memref<160000xi32, #tpu.memory_space<hbm>> -> memref<16xi32, #tpu.memory_space<hbm>>
      tpu.enqueue_dma source(%dma_start3A_417 : memref<16xi32, #tpu.memory_space<hbm>>) target(%arg9 : memref<16xi32, #tpu.memory_space<vmem>>) target_semaphore(%arg24 : memref<!tpu.dma_semaphore, #tpu.memory_space<semaphore_mem>>)
      %dma_start3A_418 = tpu.memref_slice %arg5[%add3A_415] : memref<160000xi32, #tpu.memory_space<hbm>> -> memref<16xi32, #tpu.memory_space<hbm>>
      %dma_start3A_419 = tpu.memref_slice %arg5[%add3A_415] : memref<160000xi32, #tpu.memory_space<hbm>> -> memref<16xi32, #tpu.memory_space<hbm>>
      tpu.enqueue_dma source(%dma_start3A_419 : memref<16xi32, #tpu.memory_space<hbm>>) target(%arg11 : memref<16xi32, #tpu.memory_space<vmem>>) target_semaphore(%arg24 : memref<!tpu.dma_semaphore, #tpu.memory_space<semaphore_mem>>)
      %dma_start3A_420 = arith.constant 0 : i32
      %dma_start3A_421 = tpu.memref_slice %arg6[%add3A_415, %dma_start3A_420] : memref<160000x16xf32, #tpu.memory_space<hbm>> -> memref<16x16xf32, #tpu.memory_space<hbm>>
      %dma_start3A_422 = arith.constant 0 : i32
      %dma_start3A_423 = tpu.memref_slice %arg6[%add3A_415, %dma_start3A_422] : memref<160000x16xf32, #tpu.memory_space<hbm>> -> memref<16x16xf32, #tpu.memory_space<hbm>>
      tpu.enqueue_dma source(%dma_start3A_423 : memref<16x16xf32, #tpu.memory_space<hbm>>) target(%arg15 : memref<16x16xf32, #tpu.memory_space<vmem>>) target_semaphore(%arg24 : memref<!tpu.dma_semaphore, #tpu.memory_space<semaphore_mem>>)
      %dma_wait3A_424 = arith.constant 0 : i32
      %dma_wait3A_425 = arith.constant 0 : i32
      %dma_wait3A_426 = tpu.memref_slice %arg2[%dma_wait3A_424, %dma_wait3A_425] : memref<40960x144xf32, #tpu.memory_space<hbm>> -> memref<40960x144xf32, #tpu.memory_space<hbm>>
      tpu.wait_indirect_dma semaphore(%arg25 : memref<!tpu.dma_semaphore, #tpu.memory_space<semaphore_mem>>) src(%dma_wait3A_426 : memref<40960x144xf32, #tpu.memory_space<hbm>>) dst(%arg16 : memref<16x144xf32, #tpu.memory_space<vmem>>)
      %dma_wait3A_427 = arith.constant 0 : i32
      %dma_wait3A_428 = arith.constant 0 : i32
      %dma_wait3A_429 = tpu.memref_slice %arg3[%dma_wait3A_427, %dma_wait3A_428] : memref<40960x256xf32, #tpu.memory_space<hbm>> -> memref<40960x256xf32, #tpu.memory_space<hbm>>
      tpu.wait_indirect_dma semaphore(%arg25 : memref<!tpu.dma_semaphore, #tpu.memory_space<semaphore_mem>>) src(%dma_wait3A_429 : memref<40960x256xf32, #tpu.memory_space<hbm>>) dst(%arg18 : memref<16x256xf32, #tpu.memory_space<vmem>>)
      %scan3A_430 = arith.constant 0 : i32
      %scan3A_431 = arith.constant 0 : i32
      %scan3A_432 = arith.constant 16 : i32
      %scan3A_433 = arith.addi %scan3A_431, %scan3A_432 : i32
      %scan3A_434 = arith.constant 1 : i32
      %scan3A_435 = scf.for %scan3A_540 = %scan3A_431 to %scan3A_433 step %scan3A_434 iter_args(%scan3A_541 = %scan3A_430) -> (i32)  : i32 {
        %get3A_542 = arith.index_cast %scan3A_540 : i32 to index
        %get3A_543 = arith.constant 0 : index
        %get3A_544 = tpu.vector_load %arg14[%get3A_542, %get3A_543] {strides = array<i32>} : memref<16x16xf32, #tpu.memory_space<vmem>>, vector<1x16xf32>,
        %get3A_545 = vector.shape_cast %get3A_544 : vector<1x16xf32> to vector<16xf32>
        %get3A_546 = arith.index_cast %scan3A_540 : i32 to index
        %get3A_547 = arith.constant 128 : index
        %get3A_548 = tpu.vector_load %arg16[%get3A_546, %get3A_547] {strides = array<i32>} : memref<16x144xf32, #tpu.memory_space<vmem>>, vector<1x16xf32>,
        %get3A_549 = vector.shape_cast %get3A_548 : vector<1x16xf32> to vector<16xf32>
        %mul3A_550 = arith.mulf %get3A_549, %get3A_545 : vector<16xf32>
        %get3A_551 = arith.index_cast %scan3A_540 : i32 to index
        %get3A_552 = arith.constant 0 : index
        %get3A_553 = tpu.vector_load %arg16[%get3A_551, %get3A_552] {strides = array<i32>} : memref<16x144xf32, #tpu.memory_space<vmem>>, vector<1x16xf32>,
        %get3A_554 = vector.shape_cast %get3A_553 : vector<1x16xf32> to vector<16xf32>
        %get3A_555 = arith.index_cast %scan3A_540 : i32 to index
        %get3A_556 = arith.constant 0 : index
        %get3A_557 = tpu.vector_load %arg18[%get3A_555, %get3A_556] {strides = array<i32>} : memref<16x256xf32, #tpu.memory_space<vmem>>, vector<1x16xf32>,
        %get3A_558 = vector.shape_cast %get3A_557 : vector<1x16xf32> to vector<16xf32>
        %mul3A_559 = arith.mulf %get3A_554, %get3A_558 : vector<16xf32>
        %get3A_560 = arith.index_cast %scan3A_540 : i32 to index
        %get3A_561 = arith.constant 16 : index
        %get3A_562 = tpu.vector_load %arg16[%get3A_560, %get3A_561] {strides = array<i32>} : memref<16x144xf32, #tpu.memory_space<vmem>>, vector<1x16xf32>,
        %get3A_563 = vector.shape_cast %get3A_562 : vector<1x16xf32> to vector<16xf32>
        %get3A_564 = arith.index_cast %scan3A_540 : i32 to index
        %get3A_565 = arith.constant 16 : index
        %get3A_566 = tpu.vector_load %arg18[%get3A_564, %get3A_565] {strides = array<i32>} : memref<16x256xf32, #tpu.memory_space<vmem>>, vector<1x16xf32>,
        %get3A_567 = vector.shape_cast %get3A_566 : vector<1x16xf32> to vector<16xf32>
        %mul3A_568 = arith.mulf %get3A_563, %get3A_567 : vector<16xf32>
        %add3A_569 = arith.addf %mul3A_550, %mul3A_568 : vector<16xf32>
        %get3A_570 = arith.index_cast %scan3A_540 : i32 to index
        %get3A_571 = arith.constant 48 : index
        %get3A_572 = tpu.vector_load %arg16[%get3A_570, %get3A_571] {strides = array<i32>} : memref<16x144xf32, #tpu.memory_space<vmem>>, vector<1x16xf32>,
        %get3A_573 = vector.shape_cast %get3A_572 : vector<1x16xf32> to vector<16xf32>
        %get3A_574 = arith.index_cast %scan3A_540 : i32 to index
        %get3A_575 = arith.constant 48 : index
        %get3A_576 = tpu.vector_load %arg18[%get3A_574, %get3A_575] {strides = array<i32>} : memref<16x256xf32, #tpu.memory_space<vmem>>, vector<1x16xf32>,
        %get3A_577 = vector.shape_cast %get3A_576 : vector<1x16xf32> to vector<16xf32>
        %mul3A_578 = arith.mulf %get3A_573, %get3A_577 : vector<16xf32>
        %add3A_579 = arith.addf %add3A_569, %mul3A_578 : vector<16xf32>
        %get3A_580 = arith.index_cast %scan3A_540 : i32 to index
        %get3A_581 = arith.constant 80 : index
        %get3A_582 = tpu.vector_load %arg16[%get3A_580, %get3A_581] {strides = array<i32>} : memref<16x144xf32, #tpu.memory_space<vmem>>, vector<1x16xf32>,
        %get3A_583 = vector.shape_cast %get3A_582 : vector<1x16xf32> to vector<16xf32>
        %get3A_584 = arith.index_cast %scan3A_540 : i32 to index
        %get3A_585 = arith.constant 80 : index
        %get3A_586 = tpu.vector_load %arg18[%get3A_584, %get3A_585] {strides = array<i32>} : memref<16x256xf32, #tpu.memory_space<vmem>>, vector<1x16xf32>,
        %get3A_587 = vector.shape_cast %get3A_586 : vector<1x16xf32> to vector<16xf32>
        %mul3A_588 = arith.mulf %get3A_583, %get3A_587 : vector<16xf32>
        %add3A_589 = arith.addf %add3A_579, %mul3A_588 : vector<16xf32>
        %get3A_590 = arith.index_cast %scan3A_540 : i32 to index
        %get3A_591 = arith.constant 112 : index
        %get3A_592 = tpu.vector_load %arg16[%get3A_590, %get3A_591] {strides = array<i32>} : memref<16x144xf32, #tpu.memory_space<vmem>>, vector<1x16xf32>,
        %get3A_593 = vector.shape_cast %get3A_592 : vector<1x16xf32> to vector<16xf32>
        %get3A_594 = arith.index_cast %scan3A_540 : i32 to index
        %get3A_595 = arith.constant 112 : index
        %get3A_596 = tpu.vector_load %arg18[%get3A_594, %get3A_595] {strides = array<i32>} : memref<16x256xf32, #tpu.memory_space<vmem>>, vector<1x16xf32>,
        %get3A_597 = vector.shape_cast %get3A_596 : vector<1x16xf32> to vector<16xf32>
        %mul3A_598 = arith.mulf %get3A_593, %get3A_597 : vector<16xf32>
        %add3A_599 = arith.addf %add3A_589, %mul3A_598 : vector<16xf32>
        %get3A_600 = arith.index_cast %scan3A_540 : i32 to index
        %get3A_601 = arith.constant 32 : index
        %get3A_602 = tpu.vector_load %arg16[%get3A_600, %get3A_601] {strides = array<i32>} : memref<16x144xf32, #tpu.memory_space<vmem>>, vector<1x16xf32>,
        %get3A_603 = vector.shape_cast %get3A_602 : vector<1x16xf32> to vector<16xf32>
        %get3A_604 = arith.index_cast %scan3A_540 : i32 to index
        %get3A_605 = arith.constant 32 : index
        %get3A_606 = tpu.vector_load %arg18[%get3A_604, %get3A_605] {strides = array<i32>} : memref<16x256xf32, #tpu.memory_space<vmem>>, vector<1x16xf32>,
        %get3A_607 = vector.shape_cast %get3A_606 : vector<1x16xf32> to vector<16xf32>
        %mul3A_608 = arith.mulf %get3A_603, %get3A_607 : vector<16xf32>
        %add3A_609 = arith.addf %mul3A_559, %mul3A_608 : vector<16xf32>
        %get3A_610 = arith.index_cast %scan3A_540 : i32 to index
        %get3A_611 = arith.constant 64 : index
        %get3A_612 = tpu.vector_load %arg16[%get3A_610, %get3A_611] {strides = array<i32>} : memref<16x144xf32, #tpu.memory_space<vmem>>, vector<1x16xf32>,
        %get3A_613 = vector.shape_cast %get3A_612 : vector<1x16xf32> to vector<16xf32>
        %get3A_614 = arith.index_cast %scan3A_540 : i32 to index
        %get3A_615 = arith.constant 64 : index
        %get3A_616 = tpu.vector_load %arg18[%get3A_614, %get3A_615] {strides = array<i32>} : memref<16x256xf32, #tpu.memory_space<vmem>>, vector<1x16xf32>,
        %get3A_617 = vector.shape_cast %get3A_616 : vector<1x16xf32> to vector<16xf32>
        %mul3A_618 = arith.mulf %get3A_613, %get3A_617 : vector<16xf32>
        %add3A_619 = arith.addf %add3A_609, %mul3A_618 : vector<16xf32>
        %get3A_620 = arith.index_cast %scan3A_540 : i32 to index
        %get3A_621 = arith.constant 96 : index
        %get3A_622 = tpu.vector_load %arg16[%get3A_620, %get3A_621] {strides = array<i32>} : memref<16x144xf32, #tpu.memory_space<vmem>>, vector<1x16xf32>,
        %get3A_623 = vector.shape_cast %get3A_622 : vector<1x16xf32> to vector<16xf32>
        %get3A_624 = arith.index_cast %scan3A_540 : i32 to index
        %get3A_625 = arith.constant 96 : index
        %get3A_626 = tpu.vector_load %arg18[%get3A_624, %get3A_625] {strides = array<i32>} : memref<16x256xf32, #tpu.memory_space<vmem>>, vector<1x16xf32>,
        %get3A_627 = vector.shape_cast %get3A_626 : vector<1x16xf32> to vector<16xf32>
        %mul3A_628 = arith.mulf %get3A_623, %get3A_627 : vector<16xf32>
        %add3A_629 = arith.addf %add3A_619, %mul3A_628 : vector<16xf32>
        %add3A_630 = arith.addf %add3A_599, %add3A_629 : vector<16xf32>
        %lt3A = arith.constant 0 : i32
        %lt3A_631 = vector.broadcast %lt3A : i32 to vector<16xi32>
        %lt3A_632 = arith.cmpi slt, %xor3A_5, %lt3A_631 : vector<16xi32>
        %add3A_633 = arith.constant 16 : i32
        %add3A_634 = vector.broadcast %add3A_633 : i32 to vector<16xi32>
        %add3A_635 = arith.addi %xor3A_5, %add3A_634 : vector<16xi32>
        %select_n3A = arith.select %lt3A_632, %add3A_635, %xor3A_5 : vector<16xi1>, vector<16xi32>
        %broadcast_in_dim3A_636 = vector.shape_cast %select_n3A : vector<16xi32> to vector<16x1xi32>
        %gather3A = vector.shape_cast %broadcast_in_dim3A_636 : vector<16x1xi32> to vector<16xi32>
        %gather3A_637 = tpu.dynamic_gather %add3A_630[%gather3A] in [0] : vector<16xf32>, vector<16xi32> -> vector<16xf32>
        %add3A_638 = arith.addf %add3A_630, %gather3A_637 : vector<16xf32>
        %lt3A_639 = arith.constant 0 : i32
        %lt3A_640 = vector.broadcast %lt3A_639 : i32 to vector<16xi32>
        %lt3A_641 = arith.cmpi slt, %xor3A_8, %lt3A_640 : vector<16xi32>
        %add3A_642 = arith.constant 16 : i32
        %add3A_643 = vector.broadcast %add3A_642 : i32 to vector<16xi32>
        %add3A_644 = arith.addi %xor3A_8, %add3A_643 : vector<16xi32>
        %select_n3A_645 = arith.select %lt3A_641, %add3A_644, %xor3A_8 : vector<16xi1>, vector<16xi32>
        %broadcast_in_dim3A_646 = vector.shape_cast %select_n3A_645 : vector<16xi32> to vector<16x1xi32>
        %gather3A_647 = vector.shape_cast %broadcast_in_dim3A_646 : vector<16x1xi32> to vector<16xi32>
        %gather3A_648 = tpu.dynamic_gather %add3A_638[%gather3A_647] in [0] : vector<16xf32>, vector<16xi32> -> vector<16xf32>
        %add3A_649 = arith.addf %add3A_638, %gather3A_648 : vector<16xf32>
        %lt3A_650 = arith.constant 0 : i32
        %lt3A_651 = vector.broadcast %lt3A_650 : i32 to vector<16xi32>
        %lt3A_652 = arith.cmpi slt, %xor3A_11, %lt3A_651 : vector<16xi32>
        %add3A_653 = arith.constant 16 : i32
        %add3A_654 = vector.broadcast %add3A_653 : i32 to vector<16xi32>
        %add3A_655 = arith.addi %xor3A_11, %add3A_654 : vector<16xi32>
        %select_n3A_656 = arith.select %lt3A_652, %add3A_655, %xor3A_11 : vector<16xi1>, vector<16xi32>
        %broadcast_in_dim3A_657 = vector.shape_cast %select_n3A_656 : vector<16xi32> to vector<16x1xi32>
        %gather3A_658 = vector.shape_cast %broadcast_in_dim3A_657 : vector<16x1xi32> to vector<16xi32>
        %gather3A_659 = tpu.dynamic_gather %add3A_649[%gather3A_658] in [0] : vector<16xf32>, vector<16xi32> -> vector<16xf32>
        %add3A_660 = arith.addf %add3A_649, %gather3A_659 : vector<16xf32>
        %lt3A_661 = arith.constant 0 : i32
        %lt3A_662 = vector.broadcast %lt3A_661 : i32 to vector<16xi32>
        %lt3A_663 = arith.cmpi slt, %xor3A_14, %lt3A_662 : vector<16xi32>
        %add3A_664 = arith.constant 16 : i32
        %add3A_665 = vector.broadcast %add3A_664 : i32 to vector<16xi32>
        %add3A_666 = arith.addi %xor3A_14, %add3A_665 : vector<16xi32>
        %select_n3A_667 = arith.select %lt3A_663, %add3A_666, %xor3A_14 : vector<16xi1>, vector<16xi32>
        %broadcast_in_dim3A_668 = vector.shape_cast %select_n3A_667 : vector<16xi32> to vector<16x1xi32>
        %gather3A_669 = vector.shape_cast %broadcast_in_dim3A_668 : vector<16x1xi32> to vector<16xi32>
        %gather3A_670 = tpu.dynamic_gather %add3A_660[%gather3A_669] in [0] : vector<16xf32>, vector<16xi32> -> vector<16xf32>
        %add3A_671 = arith.addf %add3A_660, %gather3A_670 : vector<16xf32>
        %mul3A_672 = arith.constant 0.0883883461 : f32
        %mul3A_673 = vector.broadcast %mul3A_672 : f32 to vector<16xf32>
        %mul3A_674 = arith.mulf %add3A_671, %mul3A_673 : vector<16xf32>
        %exp3A = math.exp %mul3A_674 : vector<16xf32>
        %get3A_675 = arith.index_cast %scan3A_540 : i32 to index
        %get3A_676 = arith.constant 128 : index
        %get3A_677 = tpu.vector_load %arg18[%get3A_675, %get3A_676] {strides = array<i32>} : memref<16x256xf32, #tpu.memory_space<vmem>>, vector<1x16xf32>,
        %get3A_678 = vector.shape_cast %get3A_677 : vector<1x16xf32> to vector<16xf32>
        %mul3A_679 = arith.mulf %exp3A, %get3A_678 : vector<16xf32>
        %swap3A_680 = arith.index_cast %scan3A_540 : i32 to index
        %swap3A_681 = arith.constant 0 : index
        %swap3A_682 = tpu.vector_load %arg20[%swap3A_680, %swap3A_681] {strides = array<i32>} : memref<16x160xf32, #tpu.memory_space<vmem>>, vector<1x16xf32>,
        %swap3A_683 = vector.shape_cast %swap3A_682 : vector<1x16xf32> to vector<16xf32>
        %swap3A_684 = vector.shape_cast %mul3A_679 : vector<16xf32> to vector<1x16xf32>
        tpu.vector_store %arg20[%swap3A_680, %swap3A_681], %swap3A_684 {strides = array<i32>} : memref<16x160xf32, #tpu.memory_space<vmem>>, vector<1x16xf32>,
        %get3A_685 = arith.index_cast %scan3A_540 : i32 to index
        %get3A_686 = arith.constant 144 : index
        %get3A_687 = tpu.vector_load %arg18[%get3A_685, %get3A_686] {strides = array<i32>} : memref<16x256xf32, #tpu.memory_space<vmem>>, vector<1x16xf32>,
        %get3A_688 = vector.shape_cast %get3A_687 : vector<1x16xf32> to vector<16xf32>
        %mul3A_689 = arith.mulf %exp3A, %get3A_688 : vector<16xf32>
        %swap3A_690 = arith.index_cast %scan3A_540 : i32 to index
        %swap3A_691 = arith.constant 16 : index
        %swap3A_692 = tpu.vector_load %arg20[%swap3A_690, %swap3A_691] {strides = array<i32>} : memref<16x160xf32, #tpu.memory_space<vmem>>, vector<1x16xf32>,
        %swap3A_693 = vector.shape_cast %swap3A_692 : vector<1x16xf32> to vector<16xf32>
        %swap3A_694 = vector.shape_cast %mul3A_689 : vector<16xf32> to vector<1x16xf32>
        tpu.vector_store %arg20[%swap3A_690, %swap3A_691], %swap3A_694 {strides = array<i32>} : memref<16x160xf32, #tpu.memory_space<vmem>>, vector<1x16xf32>,
        %get3A_695 = arith.index_cast %scan3A_540 : i32 to index
        %get3A_696 = arith.constant 160 : index
        %get3A_697 = tpu.vector_load %arg18[%get3A_695, %get3A_696] {strides = array<i32>} : memref<16x256xf32, #tpu.memory_space<vmem>>, vector<1x16xf32>,
        %get3A_698 = vector.shape_cast %get3A_697 : vector<1x16xf32> to vector<16xf32>
        %mul3A_699 = arith.mulf %exp3A, %get3A_698 : vector<16xf32>
        %swap3A_700 = arith.index_cast %scan3A_540 : i32 to index
        %swap3A_701 = arith.constant 32 : index
        %swap3A_702 = tpu.vector_load %arg20[%swap3A_700, %swap3A_701] {strides = array<i32>} : memref<16x160xf32, #tpu.memory_space<vmem>>, vector<1x16xf32>,
        %swap3A_703 = vector.shape_cast %swap3A_702 : vector<1x16xf32> to vector<16xf32>
        %swap3A_704 = vector.shape_cast %mul3A_699 : vector<16xf32> to vector<1x16xf32>
        tpu.vector_store %arg20[%swap3A_700, %swap3A_701], %swap3A_704 {strides = array<i32>} : memref<16x160xf32, #tpu.memory_space<vmem>>, vector<1x16xf32>,
        %get3A_705 = arith.index_cast %scan3A_540 : i32 to index
        %get3A_706 = arith.constant 176 : index
        %get3A_707 = tpu.vector_load %arg18[%get3A_705, %get3A_706] {strides = array<i32>} : memref<16x256xf32, #tpu.memory_space<vmem>>, vector<1x16xf32>,
        %get3A_708 = vector.shape_cast %get3A_707 : vector<1x16xf32> to vector<16xf32>
        %mul3A_709 = arith.mulf %exp3A, %get3A_708 : vector<16xf32>
        %swap3A_710 = arith.index_cast %scan3A_540 : i32 to index
        %swap3A_711 = arith.constant 48 : index
        %swap3A_712 = tpu.vector_load %arg20[%swap3A_710, %swap3A_711] {strides = array<i32>} : memref<16x160xf32, #tpu.memory_space<vmem>>, vector<1x16xf32>,
        %swap3A_713 = vector.shape_cast %swap3A_712 : vector<1x16xf32> to vector<16xf32>
        %swap3A_714 = vector.shape_cast %mul3A_709 : vector<16xf32> to vector<1x16xf32>
        tpu.vector_store %arg20[%swap3A_710, %swap3A_711], %swap3A_714 {strides = array<i32>} : memref<16x160xf32, #tpu.memory_space<vmem>>, vector<1x16xf32>,
        %get3A_715 = arith.index_cast %scan3A_540 : i32 to index
        %get3A_716 = arith.constant 192 : index
        %get3A_717 = tpu.vector_load %arg18[%get3A_715, %get3A_716] {strides = array<i32>} : memref<16x256xf32, #tpu.memory_space<vmem>>, vector<1x16xf32>,
        %get3A_718 = vector.shape_cast %get3A_717 : vector<1x16xf32> to vector<16xf32>
        %mul3A_719 = arith.mulf %exp3A, %get3A_718 : vector<16xf32>
        %swap3A_720 = arith.index_cast %scan3A_540 : i32 to index
        %swap3A_721 = arith.constant 64 : index
        %swap3A_722 = tpu.vector_load %arg20[%swap3A_720, %swap3A_721] {strides = array<i32>} : memref<16x160xf32, #tpu.memory_space<vmem>>, vector<1x16xf32>,
        %swap3A_723 = vector.shape_cast %swap3A_722 : vector<1x16xf32> to vector<16xf32>
        %swap3A_724 = vector.shape_cast %mul3A_719 : vector<16xf32> to vector<1x16xf32>
        tpu.vector_store %arg20[%swap3A_720, %swap3A_721], %swap3A_724 {strides = array<i32>} : memref<16x160xf32, #tpu.memory_space<vmem>>, vector<1x16xf32>,
        %get3A_725 = arith.index_cast %scan3A_540 : i32 to index
        %get3A_726 = arith.constant 208 : index
        %get3A_727 = tpu.vector_load %arg18[%get3A_725, %get3A_726] {strides = array<i32>} : memref<16x256xf32, #tpu.memory_space<vmem>>, vector<1x16xf32>,
        %get3A_728 = vector.shape_cast %get3A_727 : vector<1x16xf32> to vector<16xf32>
        %mul3A_729 = arith.mulf %exp3A, %get3A_728 : vector<16xf32>
        %swap3A_730 = arith.index_cast %scan3A_540 : i32 to index
        %swap3A_731 = arith.constant 80 : index
        %swap3A_732 = tpu.vector_load %arg20[%swap3A_730, %swap3A_731] {strides = array<i32>} : memref<16x160xf32, #tpu.memory_space<vmem>>, vector<1x16xf32>,
        %swap3A_733 = vector.shape_cast %swap3A_732 : vector<1x16xf32> to vector<16xf32>
        %swap3A_734 = vector.shape_cast %mul3A_729 : vector<16xf32> to vector<1x16xf32>
        tpu.vector_store %arg20[%swap3A_730, %swap3A_731], %swap3A_734 {strides = array<i32>} : memref<16x160xf32, #tpu.memory_space<vmem>>, vector<1x16xf32>,
        %get3A_735 = arith.index_cast %scan3A_540 : i32 to index
        %get3A_736 = arith.constant 224 : index
        %get3A_737 = tpu.vector_load %arg18[%get3A_735, %get3A_736] {strides = array<i32>} : memref<16x256xf32, #tpu.memory_space<vmem>>, vector<1x16xf32>,
        %get3A_738 = vector.shape_cast %get3A_737 : vector<1x16xf32> to vector<16xf32>
        %mul3A_739 = arith.mulf %exp3A, %get3A_738 : vector<16xf32>
        %swap3A_740 = arith.index_cast %scan3A_540 : i32 to index
        %swap3A_741 = arith.constant 96 : index
        %swap3A_742 = tpu.vector_load %arg20[%swap3A_740, %swap3A_741] {strides = array<i32>} : memref<16x160xf32, #tpu.memory_space<vmem>>, vector<1x16xf32>,
        %swap3A_743 = vector.shape_cast %swap3A_742 : vector<1x16xf32> to vector<16xf32>
        %swap3A_744 = vector.shape_cast %mul3A_739 : vector<16xf32> to vector<1x16xf32>
        tpu.vector_store %arg20[%swap3A_740, %swap3A_741], %swap3A_744 {strides = array<i32>} : memref<16x160xf32, #tpu.memory_space<vmem>>, vector<1x16xf32>,
        %get3A_745 = arith.index_cast %scan3A_540 : i32 to index
        %get3A_746 = arith.constant 240 : index
        %get3A_747 = tpu.vector_load %arg18[%get3A_745, %get3A_746] {strides = array<i32>} : memref<16x256xf32, #tpu.memory_space<vmem>>, vector<1x16xf32>,
        %get3A_748 = vector.shape_cast %get3A_747 : vector<1x16xf32> to vector<16xf32>
        %mul3A_749 = arith.mulf %exp3A, %get3A_748 : vector<16xf32>
        %swap3A_750 = arith.index_cast %scan3A_540 : i32 to index
        %swap3A_751 = arith.constant 112 : index
        %swap3A_752 = tpu.vector_load %arg20[%swap3A_750, %swap3A_751] {strides = array<i32>} : memref<16x160xf32, #tpu.memory_space<vmem>>, vector<1x16xf32>,
        %swap3A_753 = vector.shape_cast %swap3A_752 : vector<1x16xf32> to vector<16xf32>
        %swap3A_754 = vector.shape_cast %mul3A_749 : vector<16xf32> to vector<1x16xf32>
        tpu.vector_store %arg20[%swap3A_750, %swap3A_751], %swap3A_754 {strides = array<i32>} : memref<16x160xf32, #tpu.memory_space<vmem>>, vector<1x16xf32>,
        %mul3A_755 = arith.mulf %exp3A, %get3A_545 : vector<16xf32>
        %swap3A_756 = arith.index_cast %scan3A_540 : i32 to index
        %swap3A_757 = arith.constant 128 : index
        %swap3A_758 = tpu.vector_load %arg20[%swap3A_756, %swap3A_757] {strides = array<i32>} : memref<16x160xf32, #tpu.memory_space<vmem>>, vector<1x16xf32>,
        %swap3A_759 = vector.shape_cast %swap3A_758 : vector<1x16xf32> to vector<16xf32>
        %swap3A_760 = vector.shape_cast %mul3A_755 : vector<16xf32> to vector<1x16xf32>
        tpu.vector_store %arg20[%swap3A_756, %swap3A_757], %swap3A_760 {strides = array<i32>} : memref<16x160xf32, #tpu.memory_space<vmem>>, vector<1x16xf32>,
        %eq3A = arith.constant 0 : i32
        %eq3A_761 = vector.broadcast %eq3A : i32 to vector<16xi32>
        %eq3A_762 = arith.cmpi eq, %iota3A, %eq3A_761 : vector<16xi32>
        %jit3A = arith.constant 0.000000e+00 : f32
        %broadcast_in_dim3A_763 = vector.broadcast %jit3A : f32 to vector<16xf32>
        %select_n3A_764 = arith.select %eq3A_762, %exp3A, %broadcast_in_dim3A_763 : vector<16xi1>, vector<16xf32>
        %swap3A_765 = arith.index_cast %scan3A_540 : i32 to index
        %swap3A_766 = arith.constant 144 : index
        %swap3A_767 = tpu.vector_load %arg20[%swap3A_765, %swap3A_766] {strides = array<i32>} : memref<16x160xf32, #tpu.memory_space<vmem>>, vector<1x16xf32>,
        %swap3A_768 = vector.shape_cast %swap3A_767 : vector<1x16xf32> to vector<16xf32>
        %swap3A_769 = vector.shape_cast %select_n3A_764 : vector<16xf32> to vector<1x16xf32>
        tpu.vector_store %arg20[%swap3A_765, %swap3A_766], %swap3A_769 {strides = array<i32>} : memref<16x160xf32, #tpu.memory_space<vmem>>, vector<1x16xf32>,
        %scan3A_770 = arith.constant 0 : i32
        scf.yield %scan3A_770 : i32
      }
      %scan3A_436 = arith.constant 16 : i32
      %dma_wait3A_437 = arith.constant 0 : i32
      %dma_wait3A_438 = tpu.memref_slice %arg4[%dma_wait3A_437] : memref<160000xi32, #tpu.memory_space<hbm>> -> memref<16xi32, #tpu.memory_space<hbm>>
      %dma_wait3A_439 = arith.constant 0 : i32
      %dma_wait3A_440 = tpu.memref_slice %arg4[%dma_wait3A_439] : memref<160000xi32, #tpu.memory_space<hbm>> -> memref<16xi32, #tpu.memory_space<hbm>>
      tpu.wait_dma2 semaphore(%arg24 : memref<!tpu.dma_semaphore, #tpu.memory_space<semaphore_mem>>) src(%dma_wait3A_440 : memref<16xi32, #tpu.memory_space<hbm>>) dst(%arg9 : memref<16xi32, #tpu.memory_space<vmem>>)
      %dma_wait3A_441 = arith.constant 0 : i32
      %dma_wait3A_442 = tpu.memref_slice %arg5[%dma_wait3A_441] : memref<160000xi32, #tpu.memory_space<hbm>> -> memref<16xi32, #tpu.memory_space<hbm>>
      %dma_wait3A_443 = arith.constant 0 : i32
      %dma_wait3A_444 = tpu.memref_slice %arg5[%dma_wait3A_443] : memref<160000xi32, #tpu.memory_space<hbm>> -> memref<16xi32, #tpu.memory_space<hbm>>
      tpu.wait_dma2 semaphore(%arg24 : memref<!tpu.dma_semaphore, #tpu.memory_space<semaphore_mem>>) src(%dma_wait3A_444 : memref<16xi32, #tpu.memory_space<hbm>>) dst(%arg11 : memref<16xi32, #tpu.memory_space<vmem>>)
      %dma_wait3A_445 = arith.constant 0 : i32
      %dma_wait3A_446 = arith.constant 0 : i32
      %dma_wait3A_447 = tpu.memref_slice %arg6[%dma_wait3A_445, %dma_wait3A_446] : memref<160000x16xf32, #tpu.memory_space<hbm>> -> memref<16x16xf32, #tpu.memory_space<hbm>>
      %dma_wait3A_448 = arith.constant 0 : i32
      %dma_wait3A_449 = arith.constant 0 : i32
      %dma_wait3A_450 = tpu.memref_slice %arg6[%dma_wait3A_448, %dma_wait3A_449] : memref<160000x16xf32, #tpu.memory_space<hbm>> -> memref<16x16xf32, #tpu.memory_space<hbm>>
      tpu.wait_dma2 semaphore(%arg24 : memref<!tpu.dma_semaphore, #tpu.memory_space<semaphore_mem>>) src(%dma_wait3A_450 : memref<16x16xf32, #tpu.memory_space<hbm>>) dst(%arg15 : memref<16x16xf32, #tpu.memory_space<vmem>>)
      %get3A_451 = arith.constant 0 : index
      %get3A_452 = tpu.vector_load %arg9[%get3A_451] {strides = array<i32>} : memref<16xi32, #tpu.memory_space<vmem>>, vector<16xi32>,
      %get3A_453 = vector.shape_cast %get3A_452 : vector<16xi32> to vector<16xi32>
      %add3A_454 = arith.addi %get3A_453, %broadcast_in_dim3A_217 : vector<16xi32>
      %swap3A_455 = arith.constant 0 : index
      %swap3A_456 = tpu.vector_load %arg9[%swap3A_455] {strides = array<i32>} : memref<16xi32, #tpu.memory_space<vmem>>, vector<16xi32>,
      %swap3A_457 = vector.shape_cast %swap3A_456 : vector<16xi32> to vector<16xi32>
      %swap3A_458 = vector.shape_cast %add3A_454 : vector<16xi32> to vector<16xi32>
      tpu.vector_store %arg9[%swap3A_455], %swap3A_458 {strides = array<i32>} : memref<16xi32, #tpu.memory_space<vmem>>, vector<16xi32>,
      %get3A_459 = arith.constant 0 : index
      %get3A_460 = tpu.vector_load %arg11[%get3A_459] {strides = array<i32>} : memref<16xi32, #tpu.memory_space<vmem>>, vector<16xi32>,
      %get3A_461 = vector.shape_cast %get3A_460 : vector<16xi32> to vector<16xi32>
      %add3A_462 = arith.addi %get3A_461, %broadcast_in_dim3A_217 : vector<16xi32>
      %swap3A_463 = arith.constant 0 : index
      %swap3A_464 = tpu.vector_load %arg13[%swap3A_463] {strides = array<i32>} : memref<16xi32, #tpu.memory_space<vmem>>, vector<16xi32>,
      %swap3A_465 = vector.shape_cast %swap3A_464 : vector<16xi32> to vector<16xi32>
      %swap3A_466 = vector.shape_cast %add3A_462 : vector<16xi32> to vector<16xi32>
      tpu.vector_store %arg13[%swap3A_463], %swap3A_466 {strides = array<i32>} : memref<16xi32, #tpu.memory_space<vmem>>, vector<16xi32>,
      %dma_start3A_467 = arith.constant 0 : i32
      %dma_start3A_468 = arith.constant 0 : i32
      %dma_start3A_469 = tpu.memref_slice %arg2[%dma_start3A_467, %dma_start3A_468] : memref<40960x144xf32, #tpu.memory_space<hbm>> -> memref<40960x144xf32, #tpu.memory_space<hbm>>
      tpu.enqueue_indirect_dma source(%dma_start3A_469 : memref<40960x144xf32, #tpu.memory_space<hbm>>) target(%arg17 : memref<16x144xf32, #tpu.memory_space<vmem>>) offsets(%arg13 : memref<16xi32, #tpu.memory_space<vmem>>) semaphore(%arg26 : memref<!tpu.dma_semaphore, #tpu.memory_space<semaphore_mem>>)
      %dma_start3A_470 = arith.constant 0 : i32
      %dma_start3A_471 = arith.constant 0 : i32
      %dma_start3A_472 = tpu.memref_slice %arg3[%dma_start3A_470, %dma_start3A_471] : memref<40960x256xf32, #tpu.memory_space<hbm>> -> memref<40960x256xf32, #tpu.memory_space<hbm>>
      tpu.enqueue_indirect_dma source(%dma_start3A_472 : memref<40960x256xf32, #tpu.memory_space<hbm>>) target(%arg19 : memref<16x256xf32, #tpu.memory_space<vmem>>) offsets(%arg9 : memref<16xi32, #tpu.memory_space<vmem>>) semaphore(%arg26 : memref<!tpu.dma_semaphore, #tpu.memory_space<semaphore_mem>>)
      "tpu.region"() ({
        %run_scoped3A = tpu.sem_alloc : memref<!tpu.dma_semaphore, #tpu.memory_space<semaphore_mem>>
        %dma_start3A_540 = arith.constant 0 : i32
        %dma_start3A_541 = arith.constant 0 : i32
        %dma_start3A_542 = tpu.memref_slice %arg22[%dma_start3A_540, %dma_start3A_541] : memref<10240x160xf32, #tpu.memory_space<vmem_shared>> -> memref<10240x160xf32, #tpu.memory_space<vmem_shared>>
        tpu.enqueue_indirect_dma source(%arg20 : memref<16x160xf32, #tpu.memory_space<vmem>>) target(%dma_start3A_542 : memref<10240x160xf32, #tpu.memory_space<vmem_shared>>) offsets(%arg10 : memref<16xi32, #tpu.memory_space<vmem>>) semaphore(%run_scoped3A : memref<!tpu.dma_semaphore, #tpu.memory_space<semaphore_mem>>) {add = true}
        %dma_wait3A_543 = arith.constant 0 : i32
        %dma_wait3A_544 = arith.constant 0 : i32
        %dma_wait3A_545 = tpu.memref_slice %arg22[%dma_wait3A_543, %dma_wait3A_544] : memref<10240x160xf32, #tpu.memory_space<vmem_shared>> -> memref<10240x160xf32, #tpu.memory_space<vmem_shared>>
        tpu.wait_indirect_dma semaphore(%run_scoped3A : memref<!tpu.dma_semaphore, #tpu.memory_space<semaphore_mem>>) src(%arg20 : memref<16x160xf32, #tpu.memory_space<vmem>>) dst(%dma_wait3A_545 : memref<10240x160xf32, #tpu.memory_space<vmem_shared>>)
        tpu.yield
      }) : () -> ()
      %mul3A_473 = arith.constant 2 : i32
      %mul3A_474 = arith.muli %mul3A_473, %scan3A_407 : i32
      %add3A_475 = arith.constant 1 : i32
      %add3A_476 = arith.addi %mul3A_474, %add3A_475 : i32
      %add3A_477 = arith.constant 1 : i32
      %add3A_478 = arith.addi %add3A_476, %add3A_477 : i32
      %mul3A_479 = arith.constant 16 : i32
      %mul3A_480 = arith.muli %add3A_478, %mul3A_479 : i32
      %add3A_481 = arith.addi %mul3A_0, %mul3A_480 : i32
      %dma_start3A_482 = tpu.memref_slice %arg4[%add3A_481] : memref<160000xi32, #tpu.memory_space<hbm>> -> memref<16xi32, #tpu.memory_space<hbm>>
      %dma_start3A_483 = tpu.memref_slice %arg4[%add3A_481] : memref<160000xi32, #tpu.memory_space<hbm>> -> memref<16xi32, #tpu.memory_space<hbm>>
      tpu.enqueue_dma source(%dma_start3A_483 : memref<16xi32, #tpu.memory_space<hbm>>) target(%arg8 : memref<16xi32, #tpu.memory_space<vmem>>) target_semaphore(%arg23 : memref<!tpu.dma_semaphore, #tpu.memory_space<semaphore_mem>>)
      %dma_start3A_484 = tpu.memref_slice %arg5[%add3A_481] : memref<160000xi32, #tpu.memory_space<hbm>> -> memref<16xi32, #tpu.memory_space<hbm>>
      %dma_start3A_485 = tpu.memref_slice %arg5[%add3A_481] : memref<160000xi32, #tpu.memory_space<hbm>> -> memref<16xi32, #tpu.memory_space<hbm>>
      tpu.enqueue_dma source(%dma_start3A_485 : memref<16xi32, #tpu.memory_space<hbm>>) target(%arg10 : memref<16xi32, #tpu.memory_space<vmem>>) target_semaphore(%arg23 : memref<!tpu.dma_semaphore, #tpu.memory_space<semaphore_mem>>)
      %dma_start3A_486 = arith.constant 0 : i32
      %dma_start3A_487 = tpu.memref_slice %arg6[%add3A_481, %dma_start3A_486] : memref<160000x16xf32, #tpu.memory_space<hbm>> -> memref<16x16xf32, #tpu.memory_space<hbm>>
      %dma_start3A_488 = arith.constant 0 : i32
      %dma_start3A_489 = tpu.memref_slice %arg6[%add3A_481, %dma_start3A_488] : memref<160000x16xf32, #tpu.memory_space<hbm>> -> memref<16x16xf32, #tpu.memory_space<hbm>>
      tpu.enqueue_dma source(%dma_start3A_489 : memref<16x16xf32, #tpu.memory_space<hbm>>) target(%arg14 : memref<16x16xf32, #tpu.memory_space<vmem>>) target_semaphore(%arg23 : memref<!tpu.dma_semaphore, #tpu.memory_space<semaphore_mem>>)
      %dma_wait3A_490 = arith.constant 0 : i32
      %dma_wait3A_491 = arith.constant 0 : i32
      %dma_wait3A_492 = tpu.memref_slice %arg2[%dma_wait3A_490, %dma_wait3A_491] : memref<40960x144xf32, #tpu.memory_space<hbm>> -> memref<40960x144xf32, #tpu.memory_space<hbm>>
      tpu.wait_indirect_dma semaphore(%arg26 : memref<!tpu.dma_semaphore, #tpu.memory_space<semaphore_mem>>) src(%dma_wait3A_492 : memref<40960x144xf32, #tpu.memory_space<hbm>>) dst(%arg17 : memref<16x144xf32, #tpu.memory_space<vmem>>)
      %dma_wait3A_493 = arith.constant 0 : i32
      %dma_wait3A_494 = arith.constant 0 : i32
      %dma_wait3A_495 = tpu.memref_slice %arg3[%dma_wait3A_493, %dma_wait3A_494] : memref<40960x256xf32, #tpu.memory_space<hbm>> -> memref<40960x256xf32, #tpu.memory_space<hbm>>
      tpu.wait_indirect_dma semaphore(%arg26 : memref<!tpu.dma_semaphore, #tpu.memory_space<semaphore_mem>>) src(%dma_wait3A_495 : memref<40960x256xf32, #tpu.memory_space<hbm>>) dst(%arg19 : memref<16x256xf32, #tpu.memory_space<vmem>>)
      %scan3A_496 = arith.constant 0 : i32
      %scan3A_497 = arith.constant 0 : i32
      %scan3A_498 = arith.constant 16 : i32
      %scan3A_499 = arith.addi %scan3A_497, %scan3A_498 : i32
      %scan3A_500 = arith.constant 1 : i32
      %scan3A_501 = scf.for %scan3A_540 = %scan3A_497 to %scan3A_499 step %scan3A_500 iter_args(%scan3A_541 = %scan3A_496) -> (i32)  : i32 {
        %get3A_542 = arith.index_cast %scan3A_540 : i32 to index
        %get3A_543 = arith.constant 0 : index
        %get3A_544 = tpu.vector_load %arg15[%get3A_542, %get3A_543] {strides = array<i32>} : memref<16x16xf32, #tpu.memory_space<vmem>>, vector<1x16xf32>,
        %get3A_545 = vector.shape_cast %get3A_544 : vector<1x16xf32> to vector<16xf32>
        %get3A_546 = arith.index_cast %scan3A_540 : i32 to index
        %get3A_547 = arith.constant 128 : index
        %get3A_548 = tpu.vector_load %arg17[%get3A_546, %get3A_547] {strides = array<i32>} : memref<16x144xf32, #tpu.memory_space<vmem>>, vector<1x16xf32>,
        %get3A_549 = vector.shape_cast %get3A_548 : vector<1x16xf32> to vector<16xf32>
        %mul3A_550 = arith.mulf %get3A_549, %get3A_545 : vector<16xf32>
        %get3A_551 = arith.index_cast %scan3A_540 : i32 to index
        %get3A_552 = arith.constant 0 : index
        %get3A_553 = tpu.vector_load %arg17[%get3A_551, %get3A_552] {strides = array<i32>} : memref<16x144xf32, #tpu.memory_space<vmem>>, vector<1x16xf32>,
        %get3A_554 = vector.shape_cast %get3A_553 : vector<1x16xf32> to vector<16xf32>
        %get3A_555 = arith.index_cast %scan3A_540 : i32 to index
        %get3A_556 = arith.constant 0 : index
        %get3A_557 = tpu.vector_load %arg19[%get3A_555, %get3A_556] {strides = array<i32>} : memref<16x256xf32, #tpu.memory_space<vmem>>, vector<1x16xf32>,
        %get3A_558 = vector.shape_cast %get3A_557 : vector<1x16xf32> to vector<16xf32>
        %mul3A_559 = arith.mulf %get3A_554, %get3A_558 : vector<16xf32>
        %get3A_560 = arith.index_cast %scan3A_540 : i32 to index
        %get3A_561 = arith.constant 16 : index
        %get3A_562 = tpu.vector_load %arg17[%get3A_560, %get3A_561] {strides = array<i32>} : memref<16x144xf32, #tpu.memory_space<vmem>>, vector<1x16xf32>,
        %get3A_563 = vector.shape_cast %get3A_562 : vector<1x16xf32> to vector<16xf32>
        %get3A_564 = arith.index_cast %scan3A_540 : i32 to index
        %get3A_565 = arith.constant 16 : index
        %get3A_566 = tpu.vector_load %arg19[%get3A_564, %get3A_565] {strides = array<i32>} : memref<16x256xf32, #tpu.memory_space<vmem>>, vector<1x16xf32>,
        %get3A_567 = vector.shape_cast %get3A_566 : vector<1x16xf32> to vector<16xf32>
        %mul3A_568 = arith.mulf %get3A_563, %get3A_567 : vector<16xf32>
        %add3A_569 = arith.addf %mul3A_550, %mul3A_568 : vector<16xf32>
        %get3A_570 = arith.index_cast %scan3A_540 : i32 to index
        %get3A_571 = arith.constant 48 : index
        %get3A_572 = tpu.vector_load %arg17[%get3A_570, %get3A_571] {strides = array<i32>} : memref<16x144xf32, #tpu.memory_space<vmem>>, vector<1x16xf32>,
        %get3A_573 = vector.shape_cast %get3A_572 : vector<1x16xf32> to vector<16xf32>
        %get3A_574 = arith.index_cast %scan3A_540 : i32 to index
        %get3A_575 = arith.constant 48 : index
        %get3A_576 = tpu.vector_load %arg19[%get3A_574, %get3A_575] {strides = array<i32>} : memref<16x256xf32, #tpu.memory_space<vmem>>, vector<1x16xf32>,
        %get3A_577 = vector.shape_cast %get3A_576 : vector<1x16xf32> to vector<16xf32>
        %mul3A_578 = arith.mulf %get3A_573, %get3A_577 : vector<16xf32>
        %add3A_579 = arith.addf %add3A_569, %mul3A_578 : vector<16xf32>
        %get3A_580 = arith.index_cast %scan3A_540 : i32 to index
        %get3A_581 = arith.constant 80 : index
        %get3A_582 = tpu.vector_load %arg17[%get3A_580, %get3A_581] {strides = array<i32>} : memref<16x144xf32, #tpu.memory_space<vmem>>, vector<1x16xf32>,
        %get3A_583 = vector.shape_cast %get3A_582 : vector<1x16xf32> to vector<16xf32>
        %get3A_584 = arith.index_cast %scan3A_540 : i32 to index
        %get3A_585 = arith.constant 80 : index
        %get3A_586 = tpu.vector_load %arg19[%get3A_584, %get3A_585] {strides = array<i32>} : memref<16x256xf32, #tpu.memory_space<vmem>>, vector<1x16xf32>,
        %get3A_587 = vector.shape_cast %get3A_586 : vector<1x16xf32> to vector<16xf32>
        %mul3A_588 = arith.mulf %get3A_583, %get3A_587 : vector<16xf32>
        %add3A_589 = arith.addf %add3A_579, %mul3A_588 : vector<16xf32>
        %get3A_590 = arith.index_cast %scan3A_540 : i32 to index
        %get3A_591 = arith.constant 112 : index
        %get3A_592 = tpu.vector_load %arg17[%get3A_590, %get3A_591] {strides = array<i32>} : memref<16x144xf32, #tpu.memory_space<vmem>>, vector<1x16xf32>,
        %get3A_593 = vector.shape_cast %get3A_592 : vector<1x16xf32> to vector<16xf32>
        %get3A_594 = arith.index_cast %scan3A_540 : i32 to index
        %get3A_595 = arith.constant 112 : index
        %get3A_596 = tpu.vector_load %arg19[%get3A_594, %get3A_595] {strides = array<i32>} : memref<16x256xf32, #tpu.memory_space<vmem>>, vector<1x16xf32>,
        %get3A_597 = vector.shape_cast %get3A_596 : vector<1x16xf32> to vector<16xf32>
        %mul3A_598 = arith.mulf %get3A_593, %get3A_597 : vector<16xf32>
        %add3A_599 = arith.addf %add3A_589, %mul3A_598 : vector<16xf32>
        %get3A_600 = arith.index_cast %scan3A_540 : i32 to index
        %get3A_601 = arith.constant 32 : index
        %get3A_602 = tpu.vector_load %arg17[%get3A_600, %get3A_601] {strides = array<i32>} : memref<16x144xf32, #tpu.memory_space<vmem>>, vector<1x16xf32>,
        %get3A_603 = vector.shape_cast %get3A_602 : vector<1x16xf32> to vector<16xf32>
        %get3A_604 = arith.index_cast %scan3A_540 : i32 to index
        %get3A_605 = arith.constant 32 : index
        %get3A_606 = tpu.vector_load %arg19[%get3A_604, %get3A_605] {strides = array<i32>} : memref<16x256xf32, #tpu.memory_space<vmem>>, vector<1x16xf32>,
        %get3A_607 = vector.shape_cast %get3A_606 : vector<1x16xf32> to vector<16xf32>
        %mul3A_608 = arith.mulf %get3A_603, %get3A_607 : vector<16xf32>
        %add3A_609 = arith.addf %mul3A_559, %mul3A_608 : vector<16xf32>
        %get3A_610 = arith.index_cast %scan3A_540 : i32 to index
        %get3A_611 = arith.constant 64 : index
        %get3A_612 = tpu.vector_load %arg17[%get3A_610, %get3A_611] {strides = array<i32>} : memref<16x144xf32, #tpu.memory_space<vmem>>, vector<1x16xf32>,
        %get3A_613 = vector.shape_cast %get3A_612 : vector<1x16xf32> to vector<16xf32>
        %get3A_614 = arith.index_cast %scan3A_540 : i32 to index
        %get3A_615 = arith.constant 64 : index
        %get3A_616 = tpu.vector_load %arg19[%get3A_614, %get3A_615] {strides = array<i32>} : memref<16x256xf32, #tpu.memory_space<vmem>>, vector<1x16xf32>,
        %get3A_617 = vector.shape_cast %get3A_616 : vector<1x16xf32> to vector<16xf32>
        %mul3A_618 = arith.mulf %get3A_613, %get3A_617 : vector<16xf32>
        %add3A_619 = arith.addf %add3A_609, %mul3A_618 : vector<16xf32>
        %get3A_620 = arith.index_cast %scan3A_540 : i32 to index
        %get3A_621 = arith.constant 96 : index
        %get3A_622 = tpu.vector_load %arg17[%get3A_620, %get3A_621] {strides = array<i32>} : memref<16x144xf32, #tpu.memory_space<vmem>>, vector<1x16xf32>,
        %get3A_623 = vector.shape_cast %get3A_622 : vector<1x16xf32> to vector<16xf32>
        %get3A_624 = arith.index_cast %scan3A_540 : i32 to index
        %get3A_625 = arith.constant 96 : index
        %get3A_626 = tpu.vector_load %arg19[%get3A_624, %get3A_625] {strides = array<i32>} : memref<16x256xf32, #tpu.memory_space<vmem>>, vector<1x16xf32>,
        %get3A_627 = vector.shape_cast %get3A_626 : vector<1x16xf32> to vector<16xf32>
        %mul3A_628 = arith.mulf %get3A_623, %get3A_627 : vector<16xf32>
        %add3A_629 = arith.addf %add3A_619, %mul3A_628 : vector<16xf32>
        %add3A_630 = arith.addf %add3A_599, %add3A_629 : vector<16xf32>
        %lt3A = arith.constant 0 : i32
        %lt3A_631 = vector.broadcast %lt3A : i32 to vector<16xi32>
        %lt3A_632 = arith.cmpi slt, %xor3A_5, %lt3A_631 : vector<16xi32>
        %add3A_633 = arith.constant 16 : i32
        %add3A_634 = vector.broadcast %add3A_633 : i32 to vector<16xi32>
        %add3A_635 = arith.addi %xor3A_5, %add3A_634 : vector<16xi32>
        %select_n3A = arith.select %lt3A_632, %add3A_635, %xor3A_5 : vector<16xi1>, vector<16xi32>
        %broadcast_in_dim3A_636 = vector.shape_cast %select_n3A : vector<16xi32> to vector<16x1xi32>
        %gather3A = vector.shape_cast %broadcast_in_dim3A_636 : vector<16x1xi32> to vector<16xi32>
        %gather3A_637 = tpu.dynamic_gather %add3A_630[%gather3A] in [0] : vector<16xf32>, vector<16xi32> -> vector<16xf32>
        %add3A_638 = arith.addf %add3A_630, %gather3A_637 : vector<16xf32>
        %lt3A_639 = arith.constant 0 : i32
        %lt3A_640 = vector.broadcast %lt3A_639 : i32 to vector<16xi32>
        %lt3A_641 = arith.cmpi slt, %xor3A_8, %lt3A_640 : vector<16xi32>
        %add3A_642 = arith.constant 16 : i32
        %add3A_643 = vector.broadcast %add3A_642 : i32 to vector<16xi32>
        %add3A_644 = arith.addi %xor3A_8, %add3A_643 : vector<16xi32>
        %select_n3A_645 = arith.select %lt3A_641, %add3A_644, %xor3A_8 : vector<16xi1>, vector<16xi32>
        %broadcast_in_dim3A_646 = vector.shape_cast %select_n3A_645 : vector<16xi32> to vector<16x1xi32>
        %gather3A_647 = vector.shape_cast %broadcast_in_dim3A_646 : vector<16x1xi32> to vector<16xi32>
        %gather3A_648 = tpu.dynamic_gather %add3A_638[%gather3A_647] in [0] : vector<16xf32>, vector<16xi32> -> vector<16xf32>
        %add3A_649 = arith.addf %add3A_638, %gather3A_648 : vector<16xf32>
        %lt3A_650 = arith.constant 0 : i32
        %lt3A_651 = vector.broadcast %lt3A_650 : i32 to vector<16xi32>
        %lt3A_652 = arith.cmpi slt, %xor3A_11, %lt3A_651 : vector<16xi32>
        %add3A_653 = arith.constant 16 : i32
        %add3A_654 = vector.broadcast %add3A_653 : i32 to vector<16xi32>
        %add3A_655 = arith.addi %xor3A_11, %add3A_654 : vector<16xi32>
        %select_n3A_656 = arith.select %lt3A_652, %add3A_655, %xor3A_11 : vector<16xi1>, vector<16xi32>
        %broadcast_in_dim3A_657 = vector.shape_cast %select_n3A_656 : vector<16xi32> to vector<16x1xi32>
        %gather3A_658 = vector.shape_cast %broadcast_in_dim3A_657 : vector<16x1xi32> to vector<16xi32>
        %gather3A_659 = tpu.dynamic_gather %add3A_649[%gather3A_658] in [0] : vector<16xf32>, vector<16xi32> -> vector<16xf32>
        %add3A_660 = arith.addf %add3A_649, %gather3A_659 : vector<16xf32>
        %lt3A_661 = arith.constant 0 : i32
        %lt3A_662 = vector.broadcast %lt3A_661 : i32 to vector<16xi32>
        %lt3A_663 = arith.cmpi slt, %xor3A_14, %lt3A_662 : vector<16xi32>
        %add3A_664 = arith.constant 16 : i32
        %add3A_665 = vector.broadcast %add3A_664 : i32 to vector<16xi32>
        %add3A_666 = arith.addi %xor3A_14, %add3A_665 : vector<16xi32>
        %select_n3A_667 = arith.select %lt3A_663, %add3A_666, %xor3A_14 : vector<16xi1>, vector<16xi32>
        %broadcast_in_dim3A_668 = vector.shape_cast %select_n3A_667 : vector<16xi32> to vector<16x1xi32>
        %gather3A_669 = vector.shape_cast %broadcast_in_dim3A_668 : vector<16x1xi32> to vector<16xi32>
        %gather3A_670 = tpu.dynamic_gather %add3A_660[%gather3A_669] in [0] : vector<16xf32>, vector<16xi32> -> vector<16xf32>
        %add3A_671 = arith.addf %add3A_660, %gather3A_670 : vector<16xf32>
        %mul3A_672 = arith.constant 0.0883883461 : f32
        %mul3A_673 = vector.broadcast %mul3A_672 : f32 to vector<16xf32>
        %mul3A_674 = arith.mulf %add3A_671, %mul3A_673 : vector<16xf32>
        %exp3A = math.exp %mul3A_674 : vector<16xf32>
        %get3A_675 = arith.index_cast %scan3A_540 : i32 to index
        %get3A_676 = arith.constant 128 : index
        %get3A_677 = tpu.vector_load %arg19[%get3A_675, %get3A_676] {strides = array<i32>} : memref<16x256xf32, #tpu.memory_space<vmem>>, vector<1x16xf32>,
        %get3A_678 = vector.shape_cast %get3A_677 : vector<1x16xf32> to vector<16xf32>
        %mul3A_679 = arith.mulf %exp3A, %get3A_678 : vector<16xf32>
        %swap3A_680 = arith.index_cast %scan3A_540 : i32 to index
        %swap3A_681 = arith.constant 0 : index
        %swap3A_682 = tpu.vector_load %arg20[%swap3A_680, %swap3A_681] {strides = array<i32>} : memref<16x160xf32, #tpu.memory_space<vmem>>, vector<1x16xf32>,
        %swap3A_683 = vector.shape_cast %swap3A_682 : vector<1x16xf32> to vector<16xf32>
        %swap3A_684 = vector.shape_cast %mul3A_679 : vector<16xf32> to vector<1x16xf32>
        tpu.vector_store %arg20[%swap3A_680, %swap3A_681], %swap3A_684 {strides = array<i32>} : memref<16x160xf32, #tpu.memory_space<vmem>>, vector<1x16xf32>,
        %get3A_685 = arith.index_cast %scan3A_540 : i32 to index
        %get3A_686 = arith.constant 144 : index
        %get3A_687 = tpu.vector_load %arg19[%get3A_685, %get3A_686] {strides = array<i32>} : memref<16x256xf32, #tpu.memory_space<vmem>>, vector<1x16xf32>,
        %get3A_688 = vector.shape_cast %get3A_687 : vector<1x16xf32> to vector<16xf32>
        %mul3A_689 = arith.mulf %exp3A, %get3A_688 : vector<16xf32>
        %swap3A_690 = arith.index_cast %scan3A_540 : i32 to index
        %swap3A_691 = arith.constant 16 : index
        %swap3A_692 = tpu.vector_load %arg20[%swap3A_690, %swap3A_691] {strides = array<i32>} : memref<16x160xf32, #tpu.memory_space<vmem>>, vector<1x16xf32>,
        %swap3A_693 = vector.shape_cast %swap3A_692 : vector<1x16xf32> to vector<16xf32>
        %swap3A_694 = vector.shape_cast %mul3A_689 : vector<16xf32> to vector<1x16xf32>
        tpu.vector_store %arg20[%swap3A_690, %swap3A_691], %swap3A_694 {strides = array<i32>} : memref<16x160xf32, #tpu.memory_space<vmem>>, vector<1x16xf32>,
        %get3A_695 = arith.index_cast %scan3A_540 : i32 to index
        %get3A_696 = arith.constant 160 : index
        %get3A_697 = tpu.vector_load %arg19[%get3A_695, %get3A_696] {strides = array<i32>} : memref<16x256xf32, #tpu.memory_space<vmem>>, vector<1x16xf32>,
        %get3A_698 = vector.shape_cast %get3A_697 : vector<1x16xf32> to vector<16xf32>
        %mul3A_699 = arith.mulf %exp3A, %get3A_698 : vector<16xf32>
        %swap3A_700 = arith.index_cast %scan3A_540 : i32 to index
        %swap3A_701 = arith.constant 32 : index
        %swap3A_702 = tpu.vector_load %arg20[%swap3A_700, %swap3A_701] {strides = array<i32>} : memref<16x160xf32, #tpu.memory_space<vmem>>, vector<1x16xf32>,
        %swap3A_703 = vector.shape_cast %swap3A_702 : vector<1x16xf32> to vector<16xf32>
        %swap3A_704 = vector.shape_cast %mul3A_699 : vector<16xf32> to vector<1x16xf32>
        tpu.vector_store %arg20[%swap3A_700, %swap3A_701], %swap3A_704 {strides = array<i32>} : memref<16x160xf32, #tpu.memory_space<vmem>>, vector<1x16xf32>,
        %get3A_705 = arith.index_cast %scan3A_540 : i32 to index
        %get3A_706 = arith.constant 176 : index
        %get3A_707 = tpu.vector_load %arg19[%get3A_705, %get3A_706] {strides = array<i32>} : memref<16x256xf32, #tpu.memory_space<vmem>>, vector<1x16xf32>,
        %get3A_708 = vector.shape_cast %get3A_707 : vector<1x16xf32> to vector<16xf32>
        %mul3A_709 = arith.mulf %exp3A, %get3A_708 : vector<16xf32>
        %swap3A_710 = arith.index_cast %scan3A_540 : i32 to index
        %swap3A_711 = arith.constant 48 : index
        %swap3A_712 = tpu.vector_load %arg20[%swap3A_710, %swap3A_711] {strides = array<i32>} : memref<16x160xf32, #tpu.memory_space<vmem>>, vector<1x16xf32>,
        %swap3A_713 = vector.shape_cast %swap3A_712 : vector<1x16xf32> to vector<16xf32>
        %swap3A_714 = vector.shape_cast %mul3A_709 : vector<16xf32> to vector<1x16xf32>
        tpu.vector_store %arg20[%swap3A_710, %swap3A_711], %swap3A_714 {strides = array<i32>} : memref<16x160xf32, #tpu.memory_space<vmem>>, vector<1x16xf32>,
        %get3A_715 = arith.index_cast %scan3A_540 : i32 to index
        %get3A_716 = arith.constant 192 : index
        %get3A_717 = tpu.vector_load %arg19[%get3A_715, %get3A_716] {strides = array<i32>} : memref<16x256xf32, #tpu.memory_space<vmem>>, vector<1x16xf32>,
        %get3A_718 = vector.shape_cast %get3A_717 : vector<1x16xf32> to vector<16xf32>
        %mul3A_719 = arith.mulf %exp3A, %get3A_718 : vector<16xf32>
        %swap3A_720 = arith.index_cast %scan3A_540 : i32 to index
        %swap3A_721 = arith.constant 64 : index
        %swap3A_722 = tpu.vector_load %arg20[%swap3A_720, %swap3A_721] {strides = array<i32>} : memref<16x160xf32, #tpu.memory_space<vmem>>, vector<1x16xf32>,
        %swap3A_723 = vector.shape_cast %swap3A_722 : vector<1x16xf32> to vector<16xf32>
        %swap3A_724 = vector.shape_cast %mul3A_719 : vector<16xf32> to vector<1x16xf32>
        tpu.vector_store %arg20[%swap3A_720, %swap3A_721], %swap3A_724 {strides = array<i32>} : memref<16x160xf32, #tpu.memory_space<vmem>>, vector<1x16xf32>,
        %get3A_725 = arith.index_cast %scan3A_540 : i32 to index
        %get3A_726 = arith.constant 208 : index
        %get3A_727 = tpu.vector_load %arg19[%get3A_725, %get3A_726] {strides = array<i32>} : memref<16x256xf32, #tpu.memory_space<vmem>>, vector<1x16xf32>,
        %get3A_728 = vector.shape_cast %get3A_727 : vector<1x16xf32> to vector<16xf32>
        %mul3A_729 = arith.mulf %exp3A, %get3A_728 : vector<16xf32>
        %swap3A_730 = arith.index_cast %scan3A_540 : i32 to index
        %swap3A_731 = arith.constant 80 : index
        %swap3A_732 = tpu.vector_load %arg20[%swap3A_730, %swap3A_731] {strides = array<i32>} : memref<16x160xf32, #tpu.memory_space<vmem>>, vector<1x16xf32>,
        %swap3A_733 = vector.shape_cast %swap3A_732 : vector<1x16xf32> to vector<16xf32>
        %swap3A_734 = vector.shape_cast %mul3A_729 : vector<16xf32> to vector<1x16xf32>
        tpu.vector_store %arg20[%swap3A_730, %swap3A_731], %swap3A_734 {strides = array<i32>} : memref<16x160xf32, #tpu.memory_space<vmem>>, vector<1x16xf32>,
        %get3A_735 = arith.index_cast %scan3A_540 : i32 to index
        %get3A_736 = arith.constant 224 : index
        %get3A_737 = tpu.vector_load %arg19[%get3A_735, %get3A_736] {strides = array<i32>} : memref<16x256xf32, #tpu.memory_space<vmem>>, vector<1x16xf32>,
        %get3A_738 = vector.shape_cast %get3A_737 : vector<1x16xf32> to vector<16xf32>
        %mul3A_739 = arith.mulf %exp3A, %get3A_738 : vector<16xf32>
        %swap3A_740 = arith.index_cast %scan3A_540 : i32 to index
        %swap3A_741 = arith.constant 96 : index
        %swap3A_742 = tpu.vector_load %arg20[%swap3A_740, %swap3A_741] {strides = array<i32>} : memref<16x160xf32, #tpu.memory_space<vmem>>, vector<1x16xf32>,
        %swap3A_743 = vector.shape_cast %swap3A_742 : vector<1x16xf32> to vector<16xf32>
        %swap3A_744 = vector.shape_cast %mul3A_739 : vector<16xf32> to vector<1x16xf32>
        tpu.vector_store %arg20[%swap3A_740, %swap3A_741], %swap3A_744 {strides = array<i32>} : memref<16x160xf32, #tpu.memory_space<vmem>>, vector<1x16xf32>,
        %get3A_745 = arith.index_cast %scan3A_540 : i32 to index
        %get3A_746 = arith.constant 240 : index
        %get3A_747 = tpu.vector_load %arg19[%get3A_745, %get3A_746] {strides = array<i32>} : memref<16x256xf32, #tpu.memory_space<vmem>>, vector<1x16xf32>,
        %get3A_748 = vector.shape_cast %get3A_747 : vector<1x16xf32> to vector<16xf32>
        %mul3A_749 = arith.mulf %exp3A, %get3A_748 : vector<16xf32>
        %swap3A_750 = arith.index_cast %scan3A_540 : i32 to index
        %swap3A_751 = arith.constant 112 : index
        %swap3A_752 = tpu.vector_load %arg20[%swap3A_750, %swap3A_751] {strides = array<i32>} : memref<16x160xf32, #tpu.memory_space<vmem>>, vector<1x16xf32>,
        %swap3A_753 = vector.shape_cast %swap3A_752 : vector<1x16xf32> to vector<16xf32>
        %swap3A_754 = vector.shape_cast %mul3A_749 : vector<16xf32> to vector<1x16xf32>
        tpu.vector_store %arg20[%swap3A_750, %swap3A_751], %swap3A_754 {strides = array<i32>} : memref<16x160xf32, #tpu.memory_space<vmem>>, vector<1x16xf32>,
        %mul3A_755 = arith.mulf %exp3A, %get3A_545 : vector<16xf32>
        %swap3A_756 = arith.index_cast %scan3A_540 : i32 to index
        %swap3A_757 = arith.constant 128 : index
        %swap3A_758 = tpu.vector_load %arg20[%swap3A_756, %swap3A_757] {strides = array<i32>} : memref<16x160xf32, #tpu.memory_space<vmem>>, vector<1x16xf32>,
        %swap3A_759 = vector.shape_cast %swap3A_758 : vector<1x16xf32> to vector<16xf32>
        %swap3A_760 = vector.shape_cast %mul3A_755 : vector<16xf32> to vector<1x16xf32>
        tpu.vector_store %arg20[%swap3A_756, %swap3A_757], %swap3A_760 {strides = array<i32>} : memref<16x160xf32, #tpu.memory_space<vmem>>, vector<1x16xf32>,
        %eq3A = arith.constant 0 : i32
        %eq3A_761 = vector.broadcast %eq3A : i32 to vector<16xi32>
        %eq3A_762 = arith.cmpi eq, %iota3A, %eq3A_761 : vector<16xi32>
        %jit3A = arith.constant 0.000000e+00 : f32
        %broadcast_in_dim3A_763 = vector.broadcast %jit3A : f32 to vector<16xf32>
        %select_n3A_764 = arith.select %eq3A_762, %exp3A, %broadcast_in_dim3A_763 : vector<16xi1>, vector<16xf32>
        %swap3A_765 = arith.index_cast %scan3A_540 : i32 to index
        %swap3A_766 = arith.constant 144 : index
        %swap3A_767 = tpu.vector_load %arg20[%swap3A_765, %swap3A_766] {strides = array<i32>} : memref<16x160xf32, #tpu.memory_space<vmem>>, vector<1x16xf32>,
        %swap3A_768 = vector.shape_cast %swap3A_767 : vector<1x16xf32> to vector<16xf32>
        %swap3A_769 = vector.shape_cast %select_n3A_764 : vector<16xf32> to vector<1x16xf32>
        tpu.vector_store %arg20[%swap3A_765, %swap3A_766], %swap3A_769 {strides = array<i32>} : memref<16x160xf32, #tpu.memory_space<vmem>>, vector<1x16xf32>,
        %scan3A_770 = arith.constant 0 : i32
        scf.yield %scan3A_770 : i32
      }
      %scan3A_502 = arith.constant 16 : i32
      %dma_wait3A_503 = arith.constant 0 : i32
      %dma_wait3A_504 = tpu.memref_slice %arg4[%dma_wait3A_503] : memref<160000xi32, #tpu.memory_space<hbm>> -> memref<16xi32, #tpu.memory_space<hbm>>
      %dma_wait3A_505 = arith.constant 0 : i32
      %dma_wait3A_506 = tpu.memref_slice %arg4[%dma_wait3A_505] : memref<160000xi32, #tpu.memory_space<hbm>> -> memref<16xi32, #tpu.memory_space<hbm>>
      tpu.wait_dma2 semaphore(%arg23 : memref<!tpu.dma_semaphore, #tpu.memory_space<semaphore_mem>>) src(%dma_wait3A_506 : memref<16xi32, #tpu.memory_space<hbm>>) dst(%arg8 : memref<16xi32, #tpu.memory_space<vmem>>)
      %dma_wait3A_507 = arith.constant 0 : i32
      %dma_wait3A_508 = tpu.memref_slice %arg5[%dma_wait3A_507] : memref<160000xi32, #tpu.memory_space<hbm>> -> memref<16xi32, #tpu.memory_space<hbm>>
      %dma_wait3A_509 = arith.constant 0 : i32
      %dma_wait3A_510 = tpu.memref_slice %arg5[%dma_wait3A_509] : memref<160000xi32, #tpu.memory_space<hbm>> -> memref<16xi32, #tpu.memory_space<hbm>>
      tpu.wait_dma2 semaphore(%arg23 : memref<!tpu.dma_semaphore, #tpu.memory_space<semaphore_mem>>) src(%dma_wait3A_510 : memref<16xi32, #tpu.memory_space<hbm>>) dst(%arg10 : memref<16xi32, #tpu.memory_space<vmem>>)
      %dma_wait3A_511 = arith.constant 0 : i32
      %dma_wait3A_512 = arith.constant 0 : i32
      %dma_wait3A_513 = tpu.memref_slice %arg6[%dma_wait3A_511, %dma_wait3A_512] : memref<160000x16xf32, #tpu.memory_space<hbm>> -> memref<16x16xf32, #tpu.memory_space<hbm>>
      %dma_wait3A_514 = arith.constant 0 : i32
      %dma_wait3A_515 = arith.constant 0 : i32
      %dma_wait3A_516 = tpu.memref_slice %arg6[%dma_wait3A_514, %dma_wait3A_515] : memref<160000x16xf32, #tpu.memory_space<hbm>> -> memref<16x16xf32, #tpu.memory_space<hbm>>
      tpu.wait_dma2 semaphore(%arg23 : memref<!tpu.dma_semaphore, #tpu.memory_space<semaphore_mem>>) src(%dma_wait3A_516 : memref<16x16xf32, #tpu.memory_space<hbm>>) dst(%arg14 : memref<16x16xf32, #tpu.memory_space<vmem>>)
      %get3A_517 = arith.constant 0 : index
      %get3A_518 = tpu.vector_load %arg8[%get3A_517] {strides = array<i32>} : memref<16xi32, #tpu.memory_space<vmem>>, vector<16xi32>,
      %get3A_519 = vector.shape_cast %get3A_518 : vector<16xi32> to vector<16xi32>
      %add3A_520 = arith.addi %get3A_519, %broadcast_in_dim3A_217 : vector<16xi32>
      %swap3A_521 = arith.constant 0 : index
      %swap3A_522 = tpu.vector_load %arg8[%swap3A_521] {strides = array<i32>} : memref<16xi32, #tpu.memory_space<vmem>>, vector<16xi32>,
      %swap3A_523 = vector.shape_cast %swap3A_522 : vector<16xi32> to vector<16xi32>
      %swap3A_524 = vector.shape_cast %add3A_520 : vector<16xi32> to vector<16xi32>
      tpu.vector_store %arg8[%swap3A_521], %swap3A_524 {strides = array<i32>} : memref<16xi32, #tpu.memory_space<vmem>>, vector<16xi32>,
      %get3A_525 = arith.constant 0 : index
      %get3A_526 = tpu.vector_load %arg10[%get3A_525] {strides = array<i32>} : memref<16xi32, #tpu.memory_space<vmem>>, vector<16xi32>,
      %get3A_527 = vector.shape_cast %get3A_526 : vector<16xi32> to vector<16xi32>
      %add3A_528 = arith.addi %get3A_527, %broadcast_in_dim3A_217 : vector<16xi32>
      %swap3A_529 = arith.constant 0 : index
      %swap3A_530 = tpu.vector_load %arg12[%swap3A_529] {strides = array<i32>} : memref<16xi32, #tpu.memory_space<vmem>>, vector<16xi32>,
      %swap3A_531 = vector.shape_cast %swap3A_530 : vector<16xi32> to vector<16xi32>
      %swap3A_532 = vector.shape_cast %add3A_528 : vector<16xi32> to vector<16xi32>
      tpu.vector_store %arg12[%swap3A_529], %swap3A_532 {strides = array<i32>} : memref<16xi32, #tpu.memory_space<vmem>>, vector<16xi32>,
      %dma_start3A_533 = arith.constant 0 : i32
      %dma_start3A_534 = arith.constant 0 : i32
      %dma_start3A_535 = tpu.memref_slice %arg2[%dma_start3A_533, %dma_start3A_534] : memref<40960x144xf32, #tpu.memory_space<hbm>> -> memref<40960x144xf32, #tpu.memory_space<hbm>>
      tpu.enqueue_indirect_dma source(%dma_start3A_535 : memref<40960x144xf32, #tpu.memory_space<hbm>>) target(%arg16 : memref<16x144xf32, #tpu.memory_space<vmem>>) offsets(%arg12 : memref<16xi32, #tpu.memory_space<vmem>>) semaphore(%arg25 : memref<!tpu.dma_semaphore, #tpu.memory_space<semaphore_mem>>)
      %dma_start3A_536 = arith.constant 0 : i32
      %dma_start3A_537 = arith.constant 0 : i32
      %dma_start3A_538 = tpu.memref_slice %arg3[%dma_start3A_536, %dma_start3A_537] : memref<40960x256xf32, #tpu.memory_space<hbm>> -> memref<40960x256xf32, #tpu.memory_space<hbm>>
      tpu.enqueue_indirect_dma source(%dma_start3A_538 : memref<40960x256xf32, #tpu.memory_space<hbm>>) target(%arg18 : memref<16x256xf32, #tpu.memory_space<vmem>>) offsets(%arg8 : memref<16xi32, #tpu.memory_space<vmem>>) semaphore(%arg25 : memref<!tpu.dma_semaphore, #tpu.memory_space<semaphore_mem>>)
      "tpu.region"() ({
        %run_scoped3A = tpu.sem_alloc : memref<!tpu.dma_semaphore, #tpu.memory_space<semaphore_mem>>
        %dma_start3A_540 = arith.constant 0 : i32
        %dma_start3A_541 = arith.constant 0 : i32
        %dma_start3A_542 = tpu.memref_slice %arg22[%dma_start3A_540, %dma_start3A_541] : memref<10240x160xf32, #tpu.memory_space<vmem_shared>> -> memref<10240x160xf32, #tpu.memory_space<vmem_shared>>
        tpu.enqueue_indirect_dma source(%arg20 : memref<16x160xf32, #tpu.memory_space<vmem>>) target(%dma_start3A_542 : memref<10240x160xf32, #tpu.memory_space<vmem_shared>>) offsets(%arg11 : memref<16xi32, #tpu.memory_space<vmem>>) semaphore(%run_scoped3A : memref<!tpu.dma_semaphore, #tpu.memory_space<semaphore_mem>>) {add = true}
        %dma_wait3A_543 = arith.constant 0 : i32
        %dma_wait3A_544 = arith.constant 0 : i32
        %dma_wait3A_545 = tpu.memref_slice %arg22[%dma_wait3A_543, %dma_wait3A_544] : memref<10240x160xf32, #tpu.memory_space<vmem_shared>> -> memref<10240x160xf32, #tpu.memory_space<vmem_shared>>
        tpu.wait_indirect_dma semaphore(%run_scoped3A : memref<!tpu.dma_semaphore, #tpu.memory_space<semaphore_mem>>) src(%arg20 : memref<16x160xf32, #tpu.memory_space<vmem>>) dst(%dma_wait3A_545 : memref<10240x160xf32, #tpu.memory_space<vmem_shared>>)
        tpu.yield
      }) : () -> ()
      %scan3A_539 = arith.constant 0 : i32
      scf.yield %scan3A_539 : i32
    }
    %scan3A_391 = arith.constant 312 : i32
    %dma_wait3A_392 = arith.constant 0 : i32
    %dma_wait3A_393 = arith.constant 0 : i32
    %dma_wait3A_394 = tpu.memref_slice %arg2[%dma_wait3A_392, %dma_wait3A_393] : memref<40960x144xf32, #tpu.memory_space<hbm>> -> memref<40960x144xf32, #tpu.memory_space<hbm>>
    tpu.wait_indirect_dma semaphore(%arg25 : memref<!tpu.dma_semaphore, #tpu.memory_space<semaphore_mem>>) src(%dma_wait3A_394 : memref<40960x144xf32, #tpu.memory_space<hbm>>) dst(%arg16 : memref<16x144xf32, #tpu.memory_space<vmem>>)
    %dma_wait3A_395 = arith.constant 0 : i32
    %dma_wait3A_396 = arith.constant 0 : i32
    %dma_wait3A_397 = tpu.memref_slice %arg3[%dma_wait3A_395, %dma_wait3A_396] : memref<40960x256xf32, #tpu.memory_space<hbm>> -> memref<40960x256xf32, #tpu.memory_space<hbm>>
    tpu.wait_indirect_dma semaphore(%arg25 : memref<!tpu.dma_semaphore, #tpu.memory_space<semaphore_mem>>) src(%dma_wait3A_397 : memref<40960x256xf32, #tpu.memory_space<hbm>>) dst(%arg18 : memref<16x256xf32, #tpu.memory_space<vmem>>)
    %scan3A_398 = arith.constant 0 : i32
    %scan3A_399 = arith.constant 0 : i32
    %scan3A_400 = arith.constant 16 : i32
    %scan3A_401 = arith.addi %scan3A_399, %scan3A_400 : i32
    %scan3A_402 = arith.constant 1 : i32
    %scan3A_403 = scf.for %scan3A_407 = %scan3A_399 to %scan3A_401 step %scan3A_402 iter_args(%scan3A_408 = %scan3A_398) -> (i32)  : i32 {
      %get3A_409 = arith.index_cast %scan3A_407 : i32 to index
      %get3A_410 = arith.constant 0 : index
      %get3A_411 = tpu.vector_load %arg14[%get3A_409, %get3A_410] {strides = array<i32>} : memref<16x16xf32, #tpu.memory_space<vmem>>, vector<1x16xf32>,
      %get3A_412 = vector.shape_cast %get3A_411 : vector<1x16xf32> to vector<16xf32>
      %get3A_413 = arith.index_cast %scan3A_407 : i32 to index
      %get3A_414 = arith.constant 128 : index
      %get3A_415 = tpu.vector_load %arg16[%get3A_413, %get3A_414] {strides = array<i32>} : memref<16x144xf32, #tpu.memory_space<vmem>>, vector<1x16xf32>,
      %get3A_416 = vector.shape_cast %get3A_415 : vector<1x16xf32> to vector<16xf32>
      %mul3A_417 = arith.mulf %get3A_416, %get3A_412 : vector<16xf32>
      %get3A_418 = arith.index_cast %scan3A_407 : i32 to index
      %get3A_419 = arith.constant 0 : index
      %get3A_420 = tpu.vector_load %arg16[%get3A_418, %get3A_419] {strides = array<i32>} : memref<16x144xf32, #tpu.memory_space<vmem>>, vector<1x16xf32>,
      %get3A_421 = vector.shape_cast %get3A_420 : vector<1x16xf32> to vector<16xf32>
      %get3A_422 = arith.index_cast %scan3A_407 : i32 to index
      %get3A_423 = arith.constant 0 : index
      %get3A_424 = tpu.vector_load %arg18[%get3A_422, %get3A_423] {strides = array<i32>} : memref<16x256xf32, #tpu.memory_space<vmem>>, vector<1x16xf32>,
      %get3A_425 = vector.shape_cast %get3A_424 : vector<1x16xf32> to vector<16xf32>
      %mul3A_426 = arith.mulf %get3A_421, %get3A_425 : vector<16xf32>
      %get3A_427 = arith.index_cast %scan3A_407 : i32 to index
      %get3A_428 = arith.constant 16 : index
      %get3A_429 = tpu.vector_load %arg16[%get3A_427, %get3A_428] {strides = array<i32>} : memref<16x144xf32, #tpu.memory_space<vmem>>, vector<1x16xf32>,
      %get3A_430 = vector.shape_cast %get3A_429 : vector<1x16xf32> to vector<16xf32>
      %get3A_431 = arith.index_cast %scan3A_407 : i32 to index
      %get3A_432 = arith.constant 16 : index
      %get3A_433 = tpu.vector_load %arg18[%get3A_431, %get3A_432] {strides = array<i32>} : memref<16x256xf32, #tpu.memory_space<vmem>>, vector<1x16xf32>,
      %get3A_434 = vector.shape_cast %get3A_433 : vector<1x16xf32> to vector<16xf32>
      %mul3A_435 = arith.mulf %get3A_430, %get3A_434 : vector<16xf32>
      %add3A_436 = arith.addf %mul3A_417, %mul3A_435 : vector<16xf32>
      %get3A_437 = arith.index_cast %scan3A_407 : i32 to index
      %get3A_438 = arith.constant 48 : index
      %get3A_439 = tpu.vector_load %arg16[%get3A_437, %get3A_438] {strides = array<i32>} : memref<16x144xf32, #tpu.memory_space<vmem>>, vector<1x16xf32>,
      %get3A_440 = vector.shape_cast %get3A_439 : vector<1x16xf32> to vector<16xf32>
      %get3A_441 = arith.index_cast %scan3A_407 : i32 to index
      %get3A_442 = arith.constant 48 : index
      %get3A_443 = tpu.vector_load %arg18[%get3A_441, %get3A_442] {strides = array<i32>} : memref<16x256xf32, #tpu.memory_space<vmem>>, vector<1x16xf32>,
      %get3A_444 = vector.shape_cast %get3A_443 : vector<1x16xf32> to vector<16xf32>
      %mul3A_445 = arith.mulf %get3A_440, %get3A_444 : vector<16xf32>
      %add3A_446 = arith.addf %add3A_436, %mul3A_445 : vector<16xf32>
      %get3A_447 = arith.index_cast %scan3A_407 : i32 to index
      %get3A_448 = arith.constant 80 : index
      %get3A_449 = tpu.vector_load %arg16[%get3A_447, %get3A_448] {strides = array<i32>} : memref<16x144xf32, #tpu.memory_space<vmem>>, vector<1x16xf32>,
      %get3A_450 = vector.shape_cast %get3A_449 : vector<1x16xf32> to vector<16xf32>
      %get3A_451 = arith.index_cast %scan3A_407 : i32 to index
      %get3A_452 = arith.constant 80 : index
      %get3A_453 = tpu.vector_load %arg18[%get3A_451, %get3A_452] {strides = array<i32>} : memref<16x256xf32, #tpu.memory_space<vmem>>, vector<1x16xf32>,
      %get3A_454 = vector.shape_cast %get3A_453 : vector<1x16xf32> to vector<16xf32>
      %mul3A_455 = arith.mulf %get3A_450, %get3A_454 : vector<16xf32>
      %add3A_456 = arith.addf %add3A_446, %mul3A_455 : vector<16xf32>
      %get3A_457 = arith.index_cast %scan3A_407 : i32 to index
      %get3A_458 = arith.constant 112 : index
      %get3A_459 = tpu.vector_load %arg16[%get3A_457, %get3A_458] {strides = array<i32>} : memref<16x144xf32, #tpu.memory_space<vmem>>, vector<1x16xf32>,
      %get3A_460 = vector.shape_cast %get3A_459 : vector<1x16xf32> to vector<16xf32>
      %get3A_461 = arith.index_cast %scan3A_407 : i32 to index
      %get3A_462 = arith.constant 112 : index
      %get3A_463 = tpu.vector_load %arg18[%get3A_461, %get3A_462] {strides = array<i32>} : memref<16x256xf32, #tpu.memory_space<vmem>>, vector<1x16xf32>,
      %get3A_464 = vector.shape_cast %get3A_463 : vector<1x16xf32> to vector<16xf32>
      %mul3A_465 = arith.mulf %get3A_460, %get3A_464 : vector<16xf32>
      %add3A_466 = arith.addf %add3A_456, %mul3A_465 : vector<16xf32>
      %get3A_467 = arith.index_cast %scan3A_407 : i32 to index
      %get3A_468 = arith.constant 32 : index
      %get3A_469 = tpu.vector_load %arg16[%get3A_467, %get3A_468] {strides = array<i32>} : memref<16x144xf32, #tpu.memory_space<vmem>>, vector<1x16xf32>,
      %get3A_470 = vector.shape_cast %get3A_469 : vector<1x16xf32> to vector<16xf32>
      %get3A_471 = arith.index_cast %scan3A_407 : i32 to index
      %get3A_472 = arith.constant 32 : index
      %get3A_473 = tpu.vector_load %arg18[%get3A_471, %get3A_472] {strides = array<i32>} : memref<16x256xf32, #tpu.memory_space<vmem>>, vector<1x16xf32>,
      %get3A_474 = vector.shape_cast %get3A_473 : vector<1x16xf32> to vector<16xf32>
      %mul3A_475 = arith.mulf %get3A_470, %get3A_474 : vector<16xf32>
      %add3A_476 = arith.addf %mul3A_426, %mul3A_475 : vector<16xf32>
      %get3A_477 = arith.index_cast %scan3A_407 : i32 to index
      %get3A_478 = arith.constant 64 : index
      %get3A_479 = tpu.vector_load %arg16[%get3A_477, %get3A_478] {strides = array<i32>} : memref<16x144xf32, #tpu.memory_space<vmem>>, vector<1x16xf32>,
      %get3A_480 = vector.shape_cast %get3A_479 : vector<1x16xf32> to vector<16xf32>
      %get3A_481 = arith.index_cast %scan3A_407 : i32 to index
      %get3A_482 = arith.constant 64 : index
      %get3A_483 = tpu.vector_load %arg18[%get3A_481, %get3A_482] {strides = array<i32>} : memref<16x256xf32, #tpu.memory_space<vmem>>, vector<1x16xf32>,
      %get3A_484 = vector.shape_cast %get3A_483 : vector<1x16xf32> to vector<16xf32>
      %mul3A_485 = arith.mulf %get3A_480, %get3A_484 : vector<16xf32>
      %add3A_486 = arith.addf %add3A_476, %mul3A_485 : vector<16xf32>
      %get3A_487 = arith.index_cast %scan3A_407 : i32 to index
      %get3A_488 = arith.constant 96 : index
      %get3A_489 = tpu.vector_load %arg16[%get3A_487, %get3A_488] {strides = array<i32>} : memref<16x144xf32, #tpu.memory_space<vmem>>, vector<1x16xf32>,
      %get3A_490 = vector.shape_cast %get3A_489 : vector<1x16xf32> to vector<16xf32>
      %get3A_491 = arith.index_cast %scan3A_407 : i32 to index
      %get3A_492 = arith.constant 96 : index
      %get3A_493 = tpu.vector_load %arg18[%get3A_491, %get3A_492] {strides = array<i32>} : memref<16x256xf32, #tpu.memory_space<vmem>>, vector<1x16xf32>,
      %get3A_494 = vector.shape_cast %get3A_493 : vector<1x16xf32> to vector<16xf32>
      %mul3A_495 = arith.mulf %get3A_490, %get3A_494 : vector<16xf32>
      %add3A_496 = arith.addf %add3A_486, %mul3A_495 : vector<16xf32>
      %add3A_497 = arith.addf %add3A_466, %add3A_496 : vector<16xf32>
      %lt3A = arith.constant 0 : i32
      %lt3A_498 = vector.broadcast %lt3A : i32 to vector<16xi32>
      %lt3A_499 = arith.cmpi slt, %xor3A_5, %lt3A_498 : vector<16xi32>
      %add3A_500 = arith.constant 16 : i32
      %add3A_501 = vector.broadcast %add3A_500 : i32 to vector<16xi32>
      %add3A_502 = arith.addi %xor3A_5, %add3A_501 : vector<16xi32>
      %select_n3A = arith.select %lt3A_499, %add3A_502, %xor3A_5 : vector<16xi1>, vector<16xi32>
      %broadcast_in_dim3A_503 = vector.shape_cast %select_n3A : vector<16xi32> to vector<16x1xi32>
      %gather3A = vector.shape_cast %broadcast_in_dim3A_503 : vector<16x1xi32> to vector<16xi32>
      %gather3A_504 = tpu.dynamic_gather %add3A_497[%gather3A] in [0] : vector<16xf32>, vector<16xi32> -> vector<16xf32>
      %add3A_505 = arith.addf %add3A_497, %gather3A_504 : vector<16xf32>
      %lt3A_506 = arith.constant 0 : i32
      %lt3A_507 = vector.broadcast %lt3A_506 : i32 to vector<16xi32>
      %lt3A_508 = arith.cmpi slt, %xor3A_8, %lt3A_507 : vector<16xi32>
      %add3A_509 = arith.constant 16 : i32
      %add3A_510 = vector.broadcast %add3A_509 : i32 to vector<16xi32>
      %add3A_511 = arith.addi %xor3A_8, %add3A_510 : vector<16xi32>
      %select_n3A_512 = arith.select %lt3A_508, %add3A_511, %xor3A_8 : vector<16xi1>, vector<16xi32>
      %broadcast_in_dim3A_513 = vector.shape_cast %select_n3A_512 : vector<16xi32> to vector<16x1xi32>
      %gather3A_514 = vector.shape_cast %broadcast_in_dim3A_513 : vector<16x1xi32> to vector<16xi32>
      %gather3A_515 = tpu.dynamic_gather %add3A_505[%gather3A_514] in [0] : vector<16xf32>, vector<16xi32> -> vector<16xf32>
      %add3A_516 = arith.addf %add3A_505, %gather3A_515 : vector<16xf32>
      %lt3A_517 = arith.constant 0 : i32
      %lt3A_518 = vector.broadcast %lt3A_517 : i32 to vector<16xi32>
      %lt3A_519 = arith.cmpi slt, %xor3A_11, %lt3A_518 : vector<16xi32>
      %add3A_520 = arith.constant 16 : i32
      %add3A_521 = vector.broadcast %add3A_520 : i32 to vector<16xi32>
      %add3A_522 = arith.addi %xor3A_11, %add3A_521 : vector<16xi32>
      %select_n3A_523 = arith.select %lt3A_519, %add3A_522, %xor3A_11 : vector<16xi1>, vector<16xi32>
      %broadcast_in_dim3A_524 = vector.shape_cast %select_n3A_523 : vector<16xi32> to vector<16x1xi32>
      %gather3A_525 = vector.shape_cast %broadcast_in_dim3A_524 : vector<16x1xi32> to vector<16xi32>
      %gather3A_526 = tpu.dynamic_gather %add3A_516[%gather3A_525] in [0] : vector<16xf32>, vector<16xi32> -> vector<16xf32>
      %add3A_527 = arith.addf %add3A_516, %gather3A_526 : vector<16xf32>
      %lt3A_528 = arith.constant 0 : i32
      %lt3A_529 = vector.broadcast %lt3A_528 : i32 to vector<16xi32>
      %lt3A_530 = arith.cmpi slt, %xor3A_14, %lt3A_529 : vector<16xi32>
      %add3A_531 = arith.constant 16 : i32
      %add3A_532 = vector.broadcast %add3A_531 : i32 to vector<16xi32>
      %add3A_533 = arith.addi %xor3A_14, %add3A_532 : vector<16xi32>
      %select_n3A_534 = arith.select %lt3A_530, %add3A_533, %xor3A_14 : vector<16xi1>, vector<16xi32>
      %broadcast_in_dim3A_535 = vector.shape_cast %select_n3A_534 : vector<16xi32> to vector<16x1xi32>
      %gather3A_536 = vector.shape_cast %broadcast_in_dim3A_535 : vector<16x1xi32> to vector<16xi32>
      %gather3A_537 = tpu.dynamic_gather %add3A_527[%gather3A_536] in [0] : vector<16xf32>, vector<16xi32> -> vector<16xf32>
      %add3A_538 = arith.addf %add3A_527, %gather3A_537 : vector<16xf32>
      %mul3A_539 = arith.constant 0.0883883461 : f32
      %mul3A_540 = vector.broadcast %mul3A_539 : f32 to vector<16xf32>
      %mul3A_541 = arith.mulf %add3A_538, %mul3A_540 : vector<16xf32>
      %exp3A = math.exp %mul3A_541 : vector<16xf32>
      %get3A_542 = arith.index_cast %scan3A_407 : i32 to index
      %get3A_543 = arith.constant 128 : index
      %get3A_544 = tpu.vector_load %arg18[%get3A_542, %get3A_543] {strides = array<i32>} : memref<16x256xf32, #tpu.memory_space<vmem>>, vector<1x16xf32>,
      %get3A_545 = vector.shape_cast %get3A_544 : vector<1x16xf32> to vector<16xf32>
      %mul3A_546 = arith.mulf %exp3A, %get3A_545 : vector<16xf32>
      %swap3A_547 = arith.index_cast %scan3A_407 : i32 to index
      %swap3A_548 = arith.constant 0 : index
      %swap3A_549 = tpu.vector_load %arg20[%swap3A_547, %swap3A_548] {strides = array<i32>} : memref<16x160xf32, #tpu.memory_space<vmem>>, vector<1x16xf32>,
      %swap3A_550 = vector.shape_cast %swap3A_549 : vector<1x16xf32> to vector<16xf32>
      %swap3A_551 = vector.shape_cast %mul3A_546 : vector<16xf32> to vector<1x16xf32>
      tpu.vector_store %arg20[%swap3A_547, %swap3A_548], %swap3A_551 {strides = array<i32>} : memref<16x160xf32, #tpu.memory_space<vmem>>, vector<1x16xf32>,
      %get3A_552 = arith.index_cast %scan3A_407 : i32 to index
      %get3A_553 = arith.constant 144 : index
      %get3A_554 = tpu.vector_load %arg18[%get3A_552, %get3A_553] {strides = array<i32>} : memref<16x256xf32, #tpu.memory_space<vmem>>, vector<1x16xf32>,
      %get3A_555 = vector.shape_cast %get3A_554 : vector<1x16xf32> to vector<16xf32>
      %mul3A_556 = arith.mulf %exp3A, %get3A_555 : vector<16xf32>
      %swap3A_557 = arith.index_cast %scan3A_407 : i32 to index
      %swap3A_558 = arith.constant 16 : index
      %swap3A_559 = tpu.vector_load %arg20[%swap3A_557, %swap3A_558] {strides = array<i32>} : memref<16x160xf32, #tpu.memory_space<vmem>>, vector<1x16xf32>,
      %swap3A_560 = vector.shape_cast %swap3A_559 : vector<1x16xf32> to vector<16xf32>
      %swap3A_561 = vector.shape_cast %mul3A_556 : vector<16xf32> to vector<1x16xf32>
      tpu.vector_store %arg20[%swap3A_557, %swap3A_558], %swap3A_561 {strides = array<i32>} : memref<16x160xf32, #tpu.memory_space<vmem>>, vector<1x16xf32>,
      %get3A_562 = arith.index_cast %scan3A_407 : i32 to index
      %get3A_563 = arith.constant 160 : index
      %get3A_564 = tpu.vector_load %arg18[%get3A_562, %get3A_563] {strides = array<i32>} : memref<16x256xf32, #tpu.memory_space<vmem>>, vector<1x16xf32>,
      %get3A_565 = vector.shape_cast %get3A_564 : vector<1x16xf32> to vector<16xf32>
      %mul3A_566 = arith.mulf %exp3A, %get3A_565 : vector<16xf32>
      %swap3A_567 = arith.index_cast %scan3A_407 : i32 to index
      %swap3A_568 = arith.constant 32 : index
      %swap3A_569 = tpu.vector_load %arg20[%swap3A_567, %swap3A_568] {strides = array<i32>} : memref<16x160xf32, #tpu.memory_space<vmem>>, vector<1x16xf32>,
      %swap3A_570 = vector.shape_cast %swap3A_569 : vector<1x16xf32> to vector<16xf32>
      %swap3A_571 = vector.shape_cast %mul3A_566 : vector<16xf32> to vector<1x16xf32>
      tpu.vector_store %arg20[%swap3A_567, %swap3A_568], %swap3A_571 {strides = array<i32>} : memref<16x160xf32, #tpu.memory_space<vmem>>, vector<1x16xf32>,
      %get3A_572 = arith.index_cast %scan3A_407 : i32 to index
      %get3A_573 = arith.constant 176 : index
      %get3A_574 = tpu.vector_load %arg18[%get3A_572, %get3A_573] {strides = array<i32>} : memref<16x256xf32, #tpu.memory_space<vmem>>, vector<1x16xf32>,
      %get3A_575 = vector.shape_cast %get3A_574 : vector<1x16xf32> to vector<16xf32>
      %mul3A_576 = arith.mulf %exp3A, %get3A_575 : vector<16xf32>
      %swap3A_577 = arith.index_cast %scan3A_407 : i32 to index
      %swap3A_578 = arith.constant 48 : index
      %swap3A_579 = tpu.vector_load %arg20[%swap3A_577, %swap3A_578] {strides = array<i32>} : memref<16x160xf32, #tpu.memory_space<vmem>>, vector<1x16xf32>,
      %swap3A_580 = vector.shape_cast %swap3A_579 : vector<1x16xf32> to vector<16xf32>
      %swap3A_581 = vector.shape_cast %mul3A_576 : vector<16xf32> to vector<1x16xf32>
      tpu.vector_store %arg20[%swap3A_577, %swap3A_578], %swap3A_581 {strides = array<i32>} : memref<16x160xf32, #tpu.memory_space<vmem>>, vector<1x16xf32>,
      %get3A_582 = arith.index_cast %scan3A_407 : i32 to index
      %get3A_583 = arith.constant 192 : index
      %get3A_584 = tpu.vector_load %arg18[%get3A_582, %get3A_583] {strides = array<i32>} : memref<16x256xf32, #tpu.memory_space<vmem>>, vector<1x16xf32>,
      %get3A_585 = vector.shape_cast %get3A_584 : vector<1x16xf32> to vector<16xf32>
      %mul3A_586 = arith.mulf %exp3A, %get3A_585 : vector<16xf32>
      %swap3A_587 = arith.index_cast %scan3A_407 : i32 to index
      %swap3A_588 = arith.constant 64 : index
      %swap3A_589 = tpu.vector_load %arg20[%swap3A_587, %swap3A_588] {strides = array<i32>} : memref<16x160xf32, #tpu.memory_space<vmem>>, vector<1x16xf32>,
      %swap3A_590 = vector.shape_cast %swap3A_589 : vector<1x16xf32> to vector<16xf32>
      %swap3A_591 = vector.shape_cast %mul3A_586 : vector<16xf32> to vector<1x16xf32>
      tpu.vector_store %arg20[%swap3A_587, %swap3A_588], %swap3A_591 {strides = array<i32>} : memref<16x160xf32, #tpu.memory_space<vmem>>, vector<1x16xf32>,
      %get3A_592 = arith.index_cast %scan3A_407 : i32 to index
      %get3A_593 = arith.constant 208 : index
      %get3A_594 = tpu.vector_load %arg18[%get3A_592, %get3A_593] {strides = array<i32>} : memref<16x256xf32, #tpu.memory_space<vmem>>, vector<1x16xf32>,
      %get3A_595 = vector.shape_cast %get3A_594 : vector<1x16xf32> to vector<16xf32>
      %mul3A_596 = arith.mulf %exp3A, %get3A_595 : vector<16xf32>
      %swap3A_597 = arith.index_cast %scan3A_407 : i32 to index
      %swap3A_598 = arith.constant 80 : index
      %swap3A_599 = tpu.vector_load %arg20[%swap3A_597, %swap3A_598] {strides = array<i32>} : memref<16x160xf32, #tpu.memory_space<vmem>>, vector<1x16xf32>,
      %swap3A_600 = vector.shape_cast %swap3A_599 : vector<1x16xf32> to vector<16xf32>
      %swap3A_601 = vector.shape_cast %mul3A_596 : vector<16xf32> to vector<1x16xf32>
      tpu.vector_store %arg20[%swap3A_597, %swap3A_598], %swap3A_601 {strides = array<i32>} : memref<16x160xf32, #tpu.memory_space<vmem>>, vector<1x16xf32>,
      %get3A_602 = arith.index_cast %scan3A_407 : i32 to index
      %get3A_603 = arith.constant 224 : index
      %get3A_604 = tpu.vector_load %arg18[%get3A_602, %get3A_603] {strides = array<i32>} : memref<16x256xf32, #tpu.memory_space<vmem>>, vector<1x16xf32>,
      %get3A_605 = vector.shape_cast %get3A_604 : vector<1x16xf32> to vector<16xf32>
      %mul3A_606 = arith.mulf %exp3A, %get3A_605 : vector<16xf32>
      %swap3A_607 = arith.index_cast %scan3A_407 : i32 to index
      %swap3A_608 = arith.constant 96 : index
      %swap3A_609 = tpu.vector_load %arg20[%swap3A_607, %swap3A_608] {strides = array<i32>} : memref<16x160xf32, #tpu.memory_space<vmem>>, vector<1x16xf32>,
      %swap3A_610 = vector.shape_cast %swap3A_609 : vector<1x16xf32> to vector<16xf32>
      %swap3A_611 = vector.shape_cast %mul3A_606 : vector<16xf32> to vector<1x16xf32>
      tpu.vector_store %arg20[%swap3A_607, %swap3A_608], %swap3A_611 {strides = array<i32>} : memref<16x160xf32, #tpu.memory_space<vmem>>, vector<1x16xf32>,
      %get3A_612 = arith.index_cast %scan3A_407 : i32 to index
      %get3A_613 = arith.constant 240 : index
      %get3A_614 = tpu.vector_load %arg18[%get3A_612, %get3A_613] {strides = array<i32>} : memref<16x256xf32, #tpu.memory_space<vmem>>, vector<1x16xf32>,
      %get3A_615 = vector.shape_cast %get3A_614 : vector<1x16xf32> to vector<16xf32>
      %mul3A_616 = arith.mulf %exp3A, %get3A_615 : vector<16xf32>
      %swap3A_617 = arith.index_cast %scan3A_407 : i32 to index
      %swap3A_618 = arith.constant 112 : index
      %swap3A_619 = tpu.vector_load %arg20[%swap3A_617, %swap3A_618] {strides = array<i32>} : memref<16x160xf32, #tpu.memory_space<vmem>>, vector<1x16xf32>,
      %swap3A_620 = vector.shape_cast %swap3A_619 : vector<1x16xf32> to vector<16xf32>
      %swap3A_621 = vector.shape_cast %mul3A_616 : vector<16xf32> to vector<1x16xf32>
      tpu.vector_store %arg20[%swap3A_617, %swap3A_618], %swap3A_621 {strides = array<i32>} : memref<16x160xf32, #tpu.memory_space<vmem>>, vector<1x16xf32>,
      %mul3A_622 = arith.mulf %exp3A, %get3A_412 : vector<16xf32>
      %swap3A_623 = arith.index_cast %scan3A_407 : i32 to index
      %swap3A_624 = arith.constant 128 : index
      %swap3A_625 = tpu.vector_load %arg20[%swap3A_623, %swap3A_624] {strides = array<i32>} : memref<16x160xf32, #tpu.memory_space<vmem>>, vector<1x16xf32>,
      %swap3A_626 = vector.shape_cast %swap3A_625 : vector<1x16xf32> to vector<16xf32>
      %swap3A_627 = vector.shape_cast %mul3A_622 : vector<16xf32> to vector<1x16xf32>
      tpu.vector_store %arg20[%swap3A_623, %swap3A_624], %swap3A_627 {strides = array<i32>} : memref<16x160xf32, #tpu.memory_space<vmem>>, vector<1x16xf32>,
      %eq3A = arith.constant 0 : i32
      %eq3A_628 = vector.broadcast %eq3A : i32 to vector<16xi32>
      %eq3A_629 = arith.cmpi eq, %iota3A, %eq3A_628 : vector<16xi32>
      %jit3A = arith.constant 0.000000e+00 : f32
      %broadcast_in_dim3A_630 = vector.broadcast %jit3A : f32 to vector<16xf32>
      %select_n3A_631 = arith.select %eq3A_629, %exp3A, %broadcast_in_dim3A_630 : vector<16xi1>, vector<16xf32>
      %swap3A_632 = arith.index_cast %scan3A_407 : i32 to index
      %swap3A_633 = arith.constant 144 : index
      %swap3A_634 = tpu.vector_load %arg20[%swap3A_632, %swap3A_633] {strides = array<i32>} : memref<16x160xf32, #tpu.memory_space<vmem>>, vector<1x16xf32>,
      %swap3A_635 = vector.shape_cast %swap3A_634 : vector<1x16xf32> to vector<16xf32>
      %swap3A_636 = vector.shape_cast %select_n3A_631 : vector<16xf32> to vector<1x16xf32>
      tpu.vector_store %arg20[%swap3A_632, %swap3A_633], %swap3A_636 {strides = array<i32>} : memref<16x160xf32, #tpu.memory_space<vmem>>, vector<1x16xf32>,
      %scan3A_637 = arith.constant 0 : i32
      scf.yield %scan3A_637 : i32
    }
    %scan3A_404 = arith.constant 16 : i32
    "tpu.region"() ({
      %run_scoped3A = tpu.sem_alloc : memref<!tpu.dma_semaphore, #tpu.memory_space<semaphore_mem>>
      %dma_start3A_407 = arith.constant 0 : i32
      %dma_start3A_408 = arith.constant 0 : i32
      %dma_start3A_409 = tpu.memref_slice %arg22[%dma_start3A_407, %dma_start3A_408] : memref<10240x160xf32, #tpu.memory_space<vmem_shared>> -> memref<10240x160xf32, #tpu.memory_space<vmem_shared>>
      tpu.enqueue_indirect_dma source(%arg20 : memref<16x160xf32, #tpu.memory_space<vmem>>) target(%dma_start3A_409 : memref<10240x160xf32, #tpu.memory_space<vmem_shared>>) offsets(%arg10 : memref<16xi32, #tpu.memory_space<vmem>>) semaphore(%run_scoped3A : memref<!tpu.dma_semaphore, #tpu.memory_space<semaphore_mem>>) {add = true}
      %dma_wait3A_410 = arith.constant 0 : i32
      %dma_wait3A_411 = arith.constant 0 : i32
      %dma_wait3A_412 = tpu.memref_slice %arg22[%dma_wait3A_410, %dma_wait3A_411] : memref<10240x160xf32, #tpu.memory_space<vmem_shared>> -> memref<10240x160xf32, #tpu.memory_space<vmem_shared>>
      tpu.wait_indirect_dma semaphore(%run_scoped3A : memref<!tpu.dma_semaphore, #tpu.memory_space<semaphore_mem>>) src(%arg20 : memref<16x160xf32, #tpu.memory_space<vmem>>) dst(%dma_wait3A_412 : memref<10240x160xf32, #tpu.memory_space<vmem_shared>>)
      tpu.yield
    }) : () -> ()
    %barrier3A_405 = arith.constant 0 : index
    tpu.barrier barrier_id(%barrier3A_405)
    "tpu.region"() ({
      %run_scoped3A = tpu.sem_alloc : memref<!tpu.dma_semaphore, #tpu.memory_space<semaphore_mem>>
      %dma_start3A_407 = arith.constant 0 : i32
      %dma_start3A_408 = tpu.memref_slice %arg7[%add3A_214, %mul3A_2, %dma_start3A_407] : memref<4x10240x160xf32, #tpu.memory_space<hbm>> -> memref<1x640x160xf32, #tpu.memory_space<hbm>>
      %dma_start3A_409 = tpu.memref_squeeze %dma_start3A_408 : memref<1x640x160xf32, #tpu.memory_space<hbm>> -> memref<640x160xf32, #tpu.memory_space<hbm>>
      %dma_start3A_410 = arith.constant 0 : i32
      %dma_start3A_411 = tpu.memref_slice %arg22[%mul3A_2, %dma_start3A_410] : memref<10240x160xf32, #tpu.memory_space<vmem_shared>> -> memref<640x160xf32, #tpu.memory_space<vmem_shared>>
      tpu.enqueue_dma source(%dma_start3A_411 : memref<640x160xf32, #tpu.memory_space<vmem_shared>>) target(%dma_start3A_409 : memref<640x160xf32, #tpu.memory_space<hbm>>) target_semaphore(%run_scoped3A : memref<!tpu.dma_semaphore, #tpu.memory_space<semaphore_mem>>)
      %dma_wait3A_412 = arith.constant 0 : i32
      %dma_wait3A_413 = tpu.memref_slice %arg7[%add3A_214, %mul3A_2, %dma_wait3A_412] : memref<4x10240x160xf32, #tpu.memory_space<hbm>> -> memref<1x640x160xf32, #tpu.memory_space<hbm>>
      %dma_wait3A_414 = tpu.memref_squeeze %dma_wait3A_413 : memref<1x640x160xf32, #tpu.memory_space<hbm>> -> memref<640x160xf32, #tpu.memory_space<hbm>>
      %dma_wait3A_415 = arith.constant 0 : i32
      %dma_wait3A_416 = tpu.memref_slice %arg22[%mul3A_2, %dma_wait3A_415] : memref<10240x160xf32, #tpu.memory_space<vmem_shared>> -> memref<640x160xf32, #tpu.memory_space<vmem_shared>>
      tpu.wait_dma2 semaphore(%run_scoped3A : memref<!tpu.dma_semaphore, #tpu.memory_space<semaphore_mem>>) src(%dma_wait3A_416 : memref<640x160xf32, #tpu.memory_space<vmem_shared>>) dst(%dma_wait3A_414 : memref<640x160xf32, #tpu.memory_space<hbm>>)
      tpu.yield
    }) : () -> ()
    %barrier3A_406 = arith.constant 0 : index
    tpu.barrier barrier_id(%barrier3A_406)
    return
  }
}

module attributes {stable_mosaic.version = 14 : i64} {
  func.func @_proj_body(%arg0: i32, %arg1: memref<1000x128xf32, #tpu.memory_space<vmem>>, %arg2: memref<128x512xf32, #tpu.memory_space<vmem>>, %arg3: memref<1x512xf32, #tpu.memory_space<vmem>>, %arg4: memref<128x512xf32, #tpu.memory_space<vmem>>, %arg5: memref<1x512xf32, #tpu.memory_space<vmem>>, %arg6: memref<128x512xf32, #tpu.memory_space<vmem>>, %arg7: memref<1x512xf32, #tpu.memory_space<vmem>>, %arg8: memref<16x512xf32, #tpu.memory_space<vmem>>, %arg9: memref<4x1000x144xf32, #tpu.memory_space<vmem>>, %arg10: memref<4x1000x256xf32, #tpu.memory_space<vmem>>) attributes {dimension_semantics = [#tpu.dimension_semantics<arbitrary>], iteration_bounds = array<i64: 10>, scalar_prefetch = 0 : i64, scratch_operands = 0 : i64, tpu.core_type = #tpu.core_type<tc>, window_params = [{transform_indices = @transform_0, window_bounds = array<i64: 1000, 128>}, {pipeline_mode = #tpu.pipeline_mode<synchronous>, transform_indices = @transform_1, window_bounds = array<i64: 128, 512>}, {pipeline_mode = #tpu.pipeline_mode<synchronous>, transform_indices = @transform_2, window_bounds = array<i64: 1, 512>}, {pipeline_mode = #tpu.pipeline_mode<synchronous>, transform_indices = @transform_3, window_bounds = array<i64: 128, 512>}, {pipeline_mode = #tpu.pipeline_mode<synchronous>, transform_indices = @transform_4, window_bounds = array<i64: 1, 512>}, {pipeline_mode = #tpu.pipeline_mode<synchronous>, transform_indices = @transform_5, window_bounds = array<i64: 128, 512>}, {pipeline_mode = #tpu.pipeline_mode<synchronous>, transform_indices = @transform_6, window_bounds = array<i64: 1, 512>}, {pipeline_mode = #tpu.pipeline_mode<synchronous>, transform_indices = @transform_7, window_bounds = array<i64: 16, 512>}, {transform_indices = @transform_8, window_bounds = array<i64: 4, 1000, 144>}, {transform_indices = @transform_9, window_bounds = array<i64: 4, 1000, 256>}]} {
    %get3A = arith.constant 0 : index
    %get3A_0 = arith.constant 0 : index
    %get3A_1 = vector.load %arg1[%get3A, %get3A_0] : memref<1000x128xf32, #tpu.memory_space<vmem>>, vector<1000x128xf32>
    %get3A_2 = arith.constant 0 : index
    %get3A_3 = arith.constant 0 : index
    %get3A_4 = vector.load %arg2[%get3A_2, %get3A_3] : memref<128x512xf32, #tpu.memory_space<vmem>>, vector<128x512xf32>
    %dot_general3A = arith.constant dense<0.000000e+00> : vector<1000x512xf32>
    %dot_general3A_5 = tpu.matmul %get3A_1, %get3A_4, %dot_general3A {dimension_numbers = #tpu.dot_dimension_numbers<[1], [0], [0], [1], [0, 0, 1, 1], [], []>, transpose_lhs_hint = false} : vector<1000x128xf32>, vector<128x512xf32>, vector<1000x512xf32> -> vector<1000x512xf32>
    %get3A_6 = arith.constant 0 : index
    %get3A_7 = arith.constant 0 : index
    %get3A_8 = vector.load %arg3[%get3A_6, %get3A_7] : memref<1x512xf32, #tpu.memory_space<vmem>>, vector<1x512xf32>
    %add3A = vector.broadcast %get3A_8 : vector<1x512xf32> to vector<1000x512xf32>
    %add3A_9 = arith.addf %dot_general3A_5, %add3A : vector<1000x512xf32>
    %get3A_10 = arith.constant 0 : index
    %get3A_11 = arith.constant 0 : index
    %get3A_12 = vector.load %arg4[%get3A_10, %get3A_11] : memref<128x512xf32, #tpu.memory_space<vmem>>, vector<128x512xf32>
    %dot_general3A_13 = arith.constant dense<0.000000e+00> : vector<1000x512xf32>
    %dot_general3A_14 = tpu.matmul %get3A_1, %get3A_12, %dot_general3A_13 {dimension_numbers = #tpu.dot_dimension_numbers<[1], [0], [0], [1], [0, 0, 1, 1], [], []>, transpose_lhs_hint = false} : vector<1000x128xf32>, vector<128x512xf32>, vector<1000x512xf32> -> vector<1000x512xf32>
    %get3A_15 = arith.constant 0 : index
    %get3A_16 = arith.constant 0 : index
    %get3A_17 = vector.load %arg5[%get3A_15, %get3A_16] : memref<1x512xf32, #tpu.memory_space<vmem>>, vector<1x512xf32>
    %add3A_18 = vector.broadcast %get3A_17 : vector<1x512xf32> to vector<1000x512xf32>
    %add3A_19 = arith.addf %dot_general3A_14, %add3A_18 : vector<1000x512xf32>
    %get3A_20 = arith.constant 0 : index
    %get3A_21 = arith.constant 0 : index
    %get3A_22 = vector.load %arg6[%get3A_20, %get3A_21] : memref<128x512xf32, #tpu.memory_space<vmem>>, vector<128x512xf32>
    %dot_general3A_23 = arith.constant dense<0.000000e+00> : vector<1000x512xf32>
    %dot_general3A_24 = tpu.matmul %get3A_1, %get3A_22, %dot_general3A_23 {dimension_numbers = #tpu.dot_dimension_numbers<[1], [0], [0], [1], [0, 0, 1, 1], [], []>, transpose_lhs_hint = false} : vector<1000x128xf32>, vector<128x512xf32>, vector<1000x512xf32> -> vector<1000x512xf32>
    %get3A_25 = arith.constant 0 : index
    %get3A_26 = arith.constant 0 : index
    %get3A_27 = vector.load %arg7[%get3A_25, %get3A_26] : memref<1x512xf32, #tpu.memory_space<vmem>>, vector<1x512xf32>
    %add3A_28 = vector.broadcast %get3A_27 : vector<1x512xf32> to vector<1000x512xf32>
    %add3A_29 = arith.addf %dot_general3A_24, %add3A_28 : vector<1000x512xf32>
    %slice3A = vector.extract_strided_slice %add3A_9 {offsets = [0, 0], sizes = [1000, 128], strides = [1, 1]} : vector<1000x512xf32> to vector<1000x128xf32>
    %get3A_30 = arith.constant 0 : index
    %get3A_31 = arith.constant 0 : index
    %get3A_32 = vector.load %arg8[%get3A_30, %get3A_31] : memref<16x512xf32, #tpu.memory_space<vmem>>, vector<16x128xf32>
    %dot_general3A_33 = arith.constant dense<0.000000e+00> : vector<1000x16xf32>
    %dot_general3A_34 = tpu.matmul %slice3A, %get3A_32, %dot_general3A_33 {dimension_numbers = #tpu.dot_dimension_numbers<[1], [1], [0], [0], [0, 0, 1, 0], [], []>, transpose_lhs_hint = false} : vector<1000x128xf32>, vector<16x128xf32>, vector<1000x16xf32> -> vector<1000x16xf32>
    %concatenate3A = tpu.concatenate %slice3A, %dot_general3A_34 in 1 : vector<1000x128xf32>, vector<1000x16xf32> -> vector<1000x144xf32>
    %swap3A = arith.constant 0 : index
    %swap3A_35 = arith.constant 0 : index
    %swap3A_36 = arith.constant 0 : index
    %swap3A_37 = vector.load %arg9[%swap3A, %swap3A_35, %swap3A_36] : memref<4x1000x144xf32, #tpu.memory_space<vmem>>, vector<1x1000x144xf32>
    %swap3A_38 = vector.shape_cast %swap3A_37 : vector<1x1000x144xf32> to vector<1000x144xf32>
    %swap3A_39 = vector.shape_cast %concatenate3A : vector<1000x144xf32> to vector<1x1000x144xf32>
    tpu.vector_store %arg9[%swap3A, %swap3A_35, %swap3A_36], %swap3A_39 {strides = array<i32>} : memref<4x1000x144xf32, #tpu.memory_space<vmem>>, vector<1x1000x144xf32>,
    %slice3A_40 = vector.extract_strided_slice %add3A_19 {offsets = [0, 0], sizes = [1000, 128], strides = [1, 1]} : vector<1000x512xf32> to vector<1000x128xf32>
    %slice3A_41 = vector.extract_strided_slice %add3A_29 {offsets = [0, 0], sizes = [1000, 128], strides = [1, 1]} : vector<1000x512xf32> to vector<1000x128xf32>
    %concatenate3A_42 = tpu.concatenate %slice3A_40, %slice3A_41 in 1 : vector<1000x128xf32>, vector<1000x128xf32> -> vector<1000x256xf32>
    %swap3A_43 = arith.constant 0 : index
    %swap3A_44 = arith.constant 0 : index
    %swap3A_45 = arith.constant 0 : index
    %swap3A_46 = vector.load %arg10[%swap3A_43, %swap3A_44, %swap3A_45] : memref<4x1000x256xf32, #tpu.memory_space<vmem>>, vector<1x1000x256xf32>
    %swap3A_47 = vector.shape_cast %swap3A_46 : vector<1x1000x256xf32> to vector<1000x256xf32>
    %swap3A_48 = vector.shape_cast %concatenate3A_42 : vector<1000x256xf32> to vector<1x1000x256xf32>
    tpu.vector_store %arg10[%swap3A_43, %swap3A_44, %swap3A_45], %swap3A_48 {strides = array<i32>} : memref<4x1000x256xf32, #tpu.memory_space<vmem>>, vector<1x1000x256xf32>,
    %slice3A_49 = vector.extract_strided_slice %add3A_9 {offsets = [0, 128], sizes = [1000, 128], strides = [1, 1]} : vector<1000x512xf32> to vector<1000x128xf32>
    %get3A_50 = arith.constant 0 : index
    %get3A_51 = arith.constant 128 : index
    %get3A_52 = vector.load %arg8[%get3A_50, %get3A_51] : memref<16x512xf32, #tpu.memory_space<vmem>>, vector<16x128xf32>
    %dot_general3A_53 = arith.constant dense<0.000000e+00> : vector<1000x16xf32>
    %dot_general3A_54 = tpu.matmul %slice3A_49, %get3A_52, %dot_general3A_53 {dimension_numbers = #tpu.dot_dimension_numbers<[1], [1], [0], [0], [0, 0, 1, 0], [], []>, transpose_lhs_hint = false} : vector<1000x128xf32>, vector<16x128xf32>, vector<1000x16xf32> -> vector<1000x16xf32>
    %concatenate3A_55 = tpu.concatenate %slice3A_49, %dot_general3A_54 in 1 : vector<1000x128xf32>, vector<1000x16xf32> -> vector<1000x144xf32>
    %swap3A_56 = arith.constant 1 : index
    %swap3A_57 = arith.constant 0 : index
    %swap3A_58 = arith.constant 0 : index
    %swap3A_59 = vector.load %arg9[%swap3A_56, %swap3A_57, %swap3A_58] : memref<4x1000x144xf32, #tpu.memory_space<vmem>>, vector<1x1000x144xf32>
    %swap3A_60 = vector.shape_cast %swap3A_59 : vector<1x1000x144xf32> to vector<1000x144xf32>
    %swap3A_61 = vector.shape_cast %concatenate3A_55 : vector<1000x144xf32> to vector<1x1000x144xf32>
    tpu.vector_store %arg9[%swap3A_56, %swap3A_57, %swap3A_58], %swap3A_61 {strides = array<i32>} : memref<4x1000x144xf32, #tpu.memory_space<vmem>>, vector<1x1000x144xf32>,
    %slice3A_62 = vector.extract_strided_slice %add3A_19 {offsets = [0, 128], sizes = [1000, 128], strides = [1, 1]} : vector<1000x512xf32> to vector<1000x128xf32>
    %slice3A_63 = vector.extract_strided_slice %add3A_29 {offsets = [0, 128], sizes = [1000, 128], strides = [1, 1]} : vector<1000x512xf32> to vector<1000x128xf32>
    %concatenate3A_64 = tpu.concatenate %slice3A_62, %slice3A_63 in 1 : vector<1000x128xf32>, vector<1000x128xf32> -> vector<1000x256xf32>
    %swap3A_65 = arith.constant 1 : index
    %swap3A_66 = arith.constant 0 : index
    %swap3A_67 = arith.constant 0 : index
    %swap3A_68 = vector.load %arg10[%swap3A_65, %swap3A_66, %swap3A_67] : memref<4x1000x256xf32, #tpu.memory_space<vmem>>, vector<1x1000x256xf32>
    %swap3A_69 = vector.shape_cast %swap3A_68 : vector<1x1000x256xf32> to vector<1000x256xf32>
    %swap3A_70 = vector.shape_cast %concatenate3A_64 : vector<1000x256xf32> to vector<1x1000x256xf32>
    tpu.vector_store %arg10[%swap3A_65, %swap3A_66, %swap3A_67], %swap3A_70 {strides = array<i32>} : memref<4x1000x256xf32, #tpu.memory_space<vmem>>, vector<1x1000x256xf32>,
    %slice3A_71 = vector.extract_strided_slice %add3A_9 {offsets = [0, 256], sizes = [1000, 128], strides = [1, 1]} : vector<1000x512xf32> to vector<1000x128xf32>
    %get3A_72 = arith.constant 0 : index
    %get3A_73 = arith.constant 256 : index
    %get3A_74 = vector.load %arg8[%get3A_72, %get3A_73] : memref<16x512xf32, #tpu.memory_space<vmem>>, vector<16x128xf32>
    %dot_general3A_75 = arith.constant dense<0.000000e+00> : vector<1000x16xf32>
    %dot_general3A_76 = tpu.matmul %slice3A_71, %get3A_74, %dot_general3A_75 {dimension_numbers = #tpu.dot_dimension_numbers<[1], [1], [0], [0], [0, 0, 1, 0], [], []>, transpose_lhs_hint = false} : vector<1000x128xf32>, vector<16x128xf32>, vector<1000x16xf32> -> vector<1000x16xf32>
    %concatenate3A_77 = tpu.concatenate %slice3A_71, %dot_general3A_76 in 1 : vector<1000x128xf32>, vector<1000x16xf32> -> vector<1000x144xf32>
    %swap3A_78 = arith.constant 2 : index
    %swap3A_79 = arith.constant 0 : index
    %swap3A_80 = arith.constant 0 : index
    %swap3A_81 = vector.load %arg9[%swap3A_78, %swap3A_79, %swap3A_80] : memref<4x1000x144xf32, #tpu.memory_space<vmem>>, vector<1x1000x144xf32>
    %swap3A_82 = vector.shape_cast %swap3A_81 : vector<1x1000x144xf32> to vector<1000x144xf32>
    %swap3A_83 = vector.shape_cast %concatenate3A_77 : vector<1000x144xf32> to vector<1x1000x144xf32>
    tpu.vector_store %arg9[%swap3A_78, %swap3A_79, %swap3A_80], %swap3A_83 {strides = array<i32>} : memref<4x1000x144xf32, #tpu.memory_space<vmem>>, vector<1x1000x144xf32>,
    %slice3A_84 = vector.extract_strided_slice %add3A_19 {offsets = [0, 256], sizes = [1000, 128], strides = [1, 1]} : vector<1000x512xf32> to vector<1000x128xf32>
    %slice3A_85 = vector.extract_strided_slice %add3A_29 {offsets = [0, 256], sizes = [1000, 128], strides = [1, 1]} : vector<1000x512xf32> to vector<1000x128xf32>
    %concatenate3A_86 = tpu.concatenate %slice3A_84, %slice3A_85 in 1 : vector<1000x128xf32>, vector<1000x128xf32> -> vector<1000x256xf32>
    %swap3A_87 = arith.constant 2 : index
    %swap3A_88 = arith.constant 0 : index
    %swap3A_89 = arith.constant 0 : index
    %swap3A_90 = vector.load %arg10[%swap3A_87, %swap3A_88, %swap3A_89] : memref<4x1000x256xf32, #tpu.memory_space<vmem>>, vector<1x1000x256xf32>
    %swap3A_91 = vector.shape_cast %swap3A_90 : vector<1x1000x256xf32> to vector<1000x256xf32>
    %swap3A_92 = vector.shape_cast %concatenate3A_86 : vector<1000x256xf32> to vector<1x1000x256xf32>
    tpu.vector_store %arg10[%swap3A_87, %swap3A_88, %swap3A_89], %swap3A_92 {strides = array<i32>} : memref<4x1000x256xf32, #tpu.memory_space<vmem>>, vector<1x1000x256xf32>,
    %slice3A_93 = vector.extract_strided_slice %add3A_9 {offsets = [0, 384], sizes = [1000, 128], strides = [1, 1]} : vector<1000x512xf32> to vector<1000x128xf32>
    %get3A_94 = arith.constant 0 : index
    %get3A_95 = arith.constant 384 : index
    %get3A_96 = vector.load %arg8[%get3A_94, %get3A_95] : memref<16x512xf32, #tpu.memory_space<vmem>>, vector<16x128xf32>
    %dot_general3A_97 = arith.constant dense<0.000000e+00> : vector<1000x16xf32>
    %dot_general3A_98 = tpu.matmul %slice3A_93, %get3A_96, %dot_general3A_97 {dimension_numbers = #tpu.dot_dimension_numbers<[1], [1], [0], [0], [0, 0, 1, 0], [], []>, transpose_lhs_hint = false} : vector<1000x128xf32>, vector<16x128xf32>, vector<1000x16xf32> -> vector<1000x16xf32>
    %concatenate3A_99 = tpu.concatenate %slice3A_93, %dot_general3A_98 in 1 : vector<1000x128xf32>, vector<1000x16xf32> -> vector<1000x144xf32>
    %swap3A_100 = arith.constant 3 : index
    %swap3A_101 = arith.constant 0 : index
    %swap3A_102 = arith.constant 0 : index
    %swap3A_103 = vector.load %arg9[%swap3A_100, %swap3A_101, %swap3A_102] : memref<4x1000x144xf32, #tpu.memory_space<vmem>>, vector<1x1000x144xf32>
    %swap3A_104 = vector.shape_cast %swap3A_103 : vector<1x1000x144xf32> to vector<1000x144xf32>
    %swap3A_105 = vector.shape_cast %concatenate3A_99 : vector<1000x144xf32> to vector<1x1000x144xf32>
    tpu.vector_store %arg9[%swap3A_100, %swap3A_101, %swap3A_102], %swap3A_105 {strides = array<i32>} : memref<4x1000x144xf32, #tpu.memory_space<vmem>>, vector<1x1000x144xf32>,
    %slice3A_106 = vector.extract_strided_slice %add3A_19 {offsets = [0, 384], sizes = [1000, 128], strides = [1, 1]} : vector<1000x512xf32> to vector<1000x128xf32>
    %slice3A_107 = vector.extract_strided_slice %add3A_29 {offsets = [0, 384], sizes = [1000, 128], strides = [1, 1]} : vector<1000x512xf32> to vector<1000x128xf32>
    %concatenate3A_108 = tpu.concatenate %slice3A_106, %slice3A_107 in 1 : vector<1000x128xf32>, vector<1000x128xf32> -> vector<1000x256xf32>
    %swap3A_109 = arith.constant 3 : index
    %swap3A_110 = arith.constant 0 : index
    %swap3A_111 = arith.constant 0 : index
    %swap3A_112 = vector.load %arg10[%swap3A_109, %swap3A_110, %swap3A_111] : memref<4x1000x256xf32, #tpu.memory_space<vmem>>, vector<1x1000x256xf32>
    %swap3A_113 = vector.shape_cast %swap3A_112 : vector<1x1000x256xf32> to vector<1000x256xf32>
    %swap3A_114 = vector.shape_cast %concatenate3A_108 : vector<1000x256xf32> to vector<1x1000x256xf32>
    tpu.vector_store %arg10[%swap3A_109, %swap3A_110, %swap3A_111], %swap3A_114 {strides = array<i32>} : memref<4x1000x256xf32, #tpu.memory_space<vmem>>, vector<1x1000x256xf32>,
    return
  }
  func.func @transform_0(%arg0: i32) -> (i32, i32) {
    %c0_i32 = arith.constant 0 : i32
    %c0_i32_0 = arith.constant 0 : i32
    return %arg0, %c0_i32 : i32, i32
  }
  func.func @transform_1(%arg0: i32) -> (i32, i32) {
    %c0_i32 = arith.constant 0 : i32
    %c0_i32_0 = arith.constant 0 : i32
    %c0_i32_1 = arith.constant 0 : i32
    return %c0_i32, %c0_i32_0 : i32, i32
  }
  func.func @transform_2(%arg0: i32) -> (i32, i32) {
    %c0_i32 = arith.constant 0 : i32
    %c0_i32_0 = arith.constant 0 : i32
    %c0_i32_1 = arith.constant 0 : i32
    return %c0_i32, %c0_i32_0 : i32, i32
  }
  func.func @transform_3(%arg0: i32) -> (i32, i32) {
    %c0_i32 = arith.constant 0 : i32
    %c0_i32_0 = arith.constant 0 : i32
    %c0_i32_1 = arith.constant 0 : i32
    return %c0_i32, %c0_i32_0 : i32, i32
  }
  func.func @transform_4(%arg0: i32) -> (i32, i32) {
    %c0_i32 = arith.constant 0 : i32
    %c0_i32_0 = arith.constant 0 : i32
    %c0_i32_1 = arith.constant 0 : i32
    return %c0_i32, %c0_i32_0 : i32, i32
  }
  func.func @transform_5(%arg0: i32) -> (i32, i32) {
    %c0_i32 = arith.constant 0 : i32
    %c0_i32_0 = arith.constant 0 : i32
    %c0_i32_1 = arith.constant 0 : i32
    return %c0_i32, %c0_i32_0 : i32, i32
  }
  func.func @transform_6(%arg0: i32) -> (i32, i32) {
    %c0_i32 = arith.constant 0 : i32
    %c0_i32_0 = arith.constant 0 : i32
    %c0_i32_1 = arith.constant 0 : i32
    return %c0_i32, %c0_i32_0 : i32, i32
  }
  func.func @transform_7(%arg0: i32) -> (i32, i32) {
    %c0_i32 = arith.constant 0 : i32
    %c0_i32_0 = arith.constant 0 : i32
    %c0_i32_1 = arith.constant 0 : i32
    return %c0_i32, %c0_i32_0 : i32, i32
  }
  func.func @transform_8(%arg0: i32) -> (i32, i32, i32) {
    %c0_i32 = arith.constant 0 : i32
    %c0_i32_0 = arith.constant 0 : i32
    %c0_i32_1 = arith.constant 0 : i32
    return %c0_i32, %arg0, %c0_i32_0 : i32, i32, i32
  }
  func.func @transform_9(%arg0: i32) -> (i32, i32, i32) {
    %c0_i32 = arith.constant 0 : i32
    %c0_i32_0 = arith.constant 0 : i32
    %c0_i32_1 = arith.constant 0 : i32
    return %c0_i32, %arg0, %c0_i32_0 : i32, i32, i32
  }
}

module attributes {stable_mosaic.version = 14 : i64} {
  func.func @_epi_body(%arg0: i32, %arg1: memref<1000x128xf32, #tpu.memory_space<vmem>>, %arg2: memref<4x1000x160xf32, #tpu.memory_space<vmem>>, %arg3: memref<16x512xf32, #tpu.memory_space<vmem>>, %arg4: memref<128x128xf32, #tpu.memory_space<vmem>>, %arg5: memref<1x128xf32, #tpu.memory_space<vmem>>, %arg6: memref<1x128xf32, #tpu.memory_space<vmem>>, %arg7: memref<1x128xf32, #tpu.memory_space<vmem>>, %arg8: memref<128x256xf32, #tpu.memory_space<vmem>>, %arg9: memref<1x256xf32, #tpu.memory_space<vmem>>, %arg10: memref<256x128xf32, #tpu.memory_space<vmem>>, %arg11: memref<1x128xf32, #tpu.memory_space<vmem>>, %arg12: memref<1x128xf32, #tpu.memory_space<vmem>>, %arg13: memref<1x128xf32, #tpu.memory_space<vmem>>, %arg14: memref<1000x128xf32, #tpu.memory_space<vmem>>) attributes {dimension_semantics = [#tpu.dimension_semantics<arbitrary>], iteration_bounds = array<i64: 10>, scalar_prefetch = 0 : i64, scratch_operands = 0 : i64, tpu.core_type = #tpu.core_type<tc>, window_params = [{transform_indices = @transform_0, window_bounds = array<i64: 1000, 128>}, {transform_indices = @transform_1, window_bounds = array<i64: 4, 1000, 160>}, {pipeline_mode = #tpu.pipeline_mode<synchronous>, transform_indices = @transform_2, window_bounds = array<i64: 16, 512>}, {pipeline_mode = #tpu.pipeline_mode<synchronous>, transform_indices = @transform_3, window_bounds = array<i64: 128, 128>}, {pipeline_mode = #tpu.pipeline_mode<synchronous>, transform_indices = @transform_4, window_bounds = array<i64: 1, 128>}, {pipeline_mode = #tpu.pipeline_mode<synchronous>, transform_indices = @transform_5, window_bounds = array<i64: 1, 128>}, {pipeline_mode = #tpu.pipeline_mode<synchronous>, transform_indices = @transform_6, window_bounds = array<i64: 1, 128>}, {pipeline_mode = #tpu.pipeline_mode<synchronous>, transform_indices = @transform_7, window_bounds = array<i64: 128, 256>}, {pipeline_mode = #tpu.pipeline_mode<synchronous>, transform_indices = @transform_8, window_bounds = array<i64: 1, 256>}, {pipeline_mode = #tpu.pipeline_mode<synchronous>, transform_indices = @transform_9, window_bounds = array<i64: 256, 128>}, {pipeline_mode = #tpu.pipeline_mode<synchronous>, transform_indices = @transform_10, window_bounds = array<i64: 1, 128>}, {pipeline_mode = #tpu.pipeline_mode<synchronous>, transform_indices = @transform_11, window_bounds = array<i64: 1, 128>}, {pipeline_mode = #tpu.pipeline_mode<synchronous>, transform_indices = @transform_12, window_bounds = array<i64: 1, 128>}, {transform_indices = @transform_13, window_bounds = array<i64: 1000, 128>}]} {
    %get3A = arith.constant 0 : index
    %get3A_0 = arith.constant 0 : index
    %get3A_1 = vector.load %arg1[%get3A, %get3A_0] : memref<1000x128xf32, #tpu.memory_space<vmem>>, vector<1000x128xf32>
    %broadcast_in_dim3A = arith.constant 0.000000e+00 : f32
    %broadcast_in_dim3A_2 = vector.broadcast %broadcast_in_dim3A : f32 to vector<1000x128xf32>
    %get3A_3 = arith.constant 0 : index
    %get3A_4 = arith.constant 0 : index
    %get3A_5 = arith.constant 128 : index
    %get3A_6 = vector.load %arg2[%get3A_3, %get3A_4, %get3A_5] : memref<4x1000x160xf32, #tpu.memory_space<vmem>>, vector<1x1000x16xf32>
    %get3A_7 = vector.shape_cast %get3A_6 : vector<1x1000x16xf32> to vector<1000x16xf32>
    %get3A_8 = arith.constant 0 : index
    %get3A_9 = arith.constant 0 : index
    %get3A_10 = vector.load %arg3[%get3A_8, %get3A_9] : memref<16x512xf32, #tpu.memory_space<vmem>>, vector<16x128xf32>
    %dot_general3A = arith.constant dense<0.000000e+00> : vector<1000x128xf32>
    %dot_general3A_11 = tpu.matmul %get3A_7, %get3A_10, %dot_general3A {dimension_numbers = #tpu.dot_dimension_numbers<[1], [0], [0], [1], [0, 0, 1, 1], [], []>, transpose_lhs_hint = false} : vector<1000x16xf32>, vector<16x128xf32>, vector<1000x128xf32> -> vector<1000x128xf32>
    %get3A_12 = arith.constant 0 : index
    %get3A_13 = arith.constant 0 : index
    %get3A_14 = arith.constant 144 : index
    %get3A_15 = vector.load %arg2[%get3A_12, %get3A_13, %get3A_14] : memref<4x1000x160xf32, #tpu.memory_space<vmem>>, vector<1x1000x1xf32>
    %get3A_16 = vector.shape_cast %get3A_15 : vector<1x1000x1xf32> to vector<1000x1xf32>
    %get3A_17 = arith.constant 0 : index
    %get3A_18 = arith.constant 0 : index
    %get3A_19 = arith.constant 0 : index
    %get3A_20 = vector.load %arg2[%get3A_17, %get3A_18, %get3A_19] : memref<4x1000x160xf32, #tpu.memory_space<vmem>>, vector<1x1000x128xf32>
    %get3A_21 = vector.shape_cast %get3A_20 : vector<1x1000x128xf32> to vector<1000x128xf32>
    %add3A = arith.addf %get3A_21, %dot_general3A_11 : vector<1000x128xf32>
    %add3A_22 = arith.constant 1.000000e-16 : f32
    %add3A_23 = vector.broadcast %add3A_22 : f32 to vector<1000x1xf32>
    %add3A_24 = arith.addf %get3A_16, %add3A_23 : vector<1000x1xf32>
    %div3A = vector.broadcast %add3A_24 : vector<1000x1xf32> to vector<1000x128xf32>
    %div3A_25 = arith.divf %add3A, %div3A : vector<1000x128xf32>
    %add3A_26 = arith.addf %broadcast_in_dim3A_2, %div3A_25 : vector<1000x128xf32>
    %get3A_27 = arith.constant 1 : index
    %get3A_28 = arith.constant 0 : index
    %get3A_29 = arith.constant 128 : index
    %get3A_30 = vector.load %arg2[%get3A_27, %get3A_28, %get3A_29] : memref<4x1000x160xf32, #tpu.memory_space<vmem>>, vector<1x1000x16xf32>
    %get3A_31 = vector.shape_cast %get3A_30 : vector<1x1000x16xf32> to vector<1000x16xf32>
    %get3A_32 = arith.constant 0 : index
    %get3A_33 = arith.constant 128 : index
    %get3A_34 = vector.load %arg3[%get3A_32, %get3A_33] : memref<16x512xf32, #tpu.memory_space<vmem>>, vector<16x128xf32>
    %dot_general3A_35 = arith.constant dense<0.000000e+00> : vector<1000x128xf32>
    %dot_general3A_36 = tpu.matmul %get3A_31, %get3A_34, %dot_general3A_35 {dimension_numbers = #tpu.dot_dimension_numbers<[1], [0], [0], [1], [0, 0, 1, 1], [], []>, transpose_lhs_hint = false} : vector<1000x16xf32>, vector<16x128xf32>, vector<1000x128xf32> -> vector<1000x128xf32>
    %get3A_37 = arith.constant 1 : index
    %get3A_38 = arith.constant 0 : index
    %get3A_39 = arith.constant 144 : index
    %get3A_40 = vector.load %arg2[%get3A_37, %get3A_38, %get3A_39] : memref<4x1000x160xf32, #tpu.memory_space<vmem>>, vector<1x1000x1xf32>
    %get3A_41 = vector.shape_cast %get3A_40 : vector<1x1000x1xf32> to vector<1000x1xf32>
    %get3A_42 = arith.constant 1 : index
    %get3A_43 = arith.constant 0 : index
    %get3A_44 = arith.constant 0 : index
    %get3A_45 = vector.load %arg2[%get3A_42, %get3A_43, %get3A_44] : memref<4x1000x160xf32, #tpu.memory_space<vmem>>, vector<1x1000x128xf32>
    %get3A_46 = vector.shape_cast %get3A_45 : vector<1x1000x128xf32> to vector<1000x128xf32>
    %add3A_47 = arith.addf %get3A_46, %dot_general3A_36 : vector<1000x128xf32>
    %add3A_48 = arith.constant 1.000000e-16 : f32
    %add3A_49 = vector.broadcast %add3A_48 : f32 to vector<1000x1xf32>
    %add3A_50 = arith.addf %get3A_41, %add3A_49 : vector<1000x1xf32>
    %div3A_51 = vector.broadcast %add3A_50 : vector<1000x1xf32> to vector<1000x128xf32>
    %div3A_52 = arith.divf %add3A_47, %div3A_51 : vector<1000x128xf32>
    %add3A_53 = arith.addf %add3A_26, %div3A_52 : vector<1000x128xf32>
    %get3A_54 = arith.constant 2 : index
    %get3A_55 = arith.constant 0 : index
    %get3A_56 = arith.constant 128 : index
    %get3A_57 = vector.load %arg2[%get3A_54, %get3A_55, %get3A_56] : memref<4x1000x160xf32, #tpu.memory_space<vmem>>, vector<1x1000x16xf32>
    %get3A_58 = vector.shape_cast %get3A_57 : vector<1x1000x16xf32> to vector<1000x16xf32>
    %get3A_59 = arith.constant 0 : index
    %get3A_60 = arith.constant 256 : index
    %get3A_61 = vector.load %arg3[%get3A_59, %get3A_60] : memref<16x512xf32, #tpu.memory_space<vmem>>, vector<16x128xf32>
    %dot_general3A_62 = arith.constant dense<0.000000e+00> : vector<1000x128xf32>
    %dot_general3A_63 = tpu.matmul %get3A_58, %get3A_61, %dot_general3A_62 {dimension_numbers = #tpu.dot_dimension_numbers<[1], [0], [0], [1], [0, 0, 1, 1], [], []>, transpose_lhs_hint = false} : vector<1000x16xf32>, vector<16x128xf32>, vector<1000x128xf32> -> vector<1000x128xf32>
    %get3A_64 = arith.constant 2 : index
    %get3A_65 = arith.constant 0 : index
    %get3A_66 = arith.constant 144 : index
    %get3A_67 = vector.load %arg2[%get3A_64, %get3A_65, %get3A_66] : memref<4x1000x160xf32, #tpu.memory_space<vmem>>, vector<1x1000x1xf32>
    %get3A_68 = vector.shape_cast %get3A_67 : vector<1x1000x1xf32> to vector<1000x1xf32>
    %get3A_69 = arith.constant 2 : index
    %get3A_70 = arith.constant 0 : index
    %get3A_71 = arith.constant 0 : index
    %get3A_72 = vector.load %arg2[%get3A_69, %get3A_70, %get3A_71] : memref<4x1000x160xf32, #tpu.memory_space<vmem>>, vector<1x1000x128xf32>
    %get3A_73 = vector.shape_cast %get3A_72 : vector<1x1000x128xf32> to vector<1000x128xf32>
    %add3A_74 = arith.addf %get3A_73, %dot_general3A_63 : vector<1000x128xf32>
    %add3A_75 = arith.constant 1.000000e-16 : f32
    %add3A_76 = vector.broadcast %add3A_75 : f32 to vector<1000x1xf32>
    %add3A_77 = arith.addf %get3A_68, %add3A_76 : vector<1000x1xf32>
    %div3A_78 = vector.broadcast %add3A_77 : vector<1000x1xf32> to vector<1000x128xf32>
    %div3A_79 = arith.divf %add3A_74, %div3A_78 : vector<1000x128xf32>
    %add3A_80 = arith.addf %add3A_53, %div3A_79 : vector<1000x128xf32>
    %get3A_81 = arith.constant 3 : index
    %get3A_82 = arith.constant 0 : index
    %get3A_83 = arith.constant 128 : index
    %get3A_84 = vector.load %arg2[%get3A_81, %get3A_82, %get3A_83] : memref<4x1000x160xf32, #tpu.memory_space<vmem>>, vector<1x1000x16xf32>
    %get3A_85 = vector.shape_cast %get3A_84 : vector<1x1000x16xf32> to vector<1000x16xf32>
    %get3A_86 = arith.constant 0 : index
    %get3A_87 = arith.constant 384 : index
    %get3A_88 = vector.load %arg3[%get3A_86, %get3A_87] : memref<16x512xf32, #tpu.memory_space<vmem>>, vector<16x128xf32>
    %dot_general3A_89 = arith.constant dense<0.000000e+00> : vector<1000x128xf32>
    %dot_general3A_90 = tpu.matmul %get3A_85, %get3A_88, %dot_general3A_89 {dimension_numbers = #tpu.dot_dimension_numbers<[1], [0], [0], [1], [0, 0, 1, 1], [], []>, transpose_lhs_hint = false} : vector<1000x16xf32>, vector<16x128xf32>, vector<1000x128xf32> -> vector<1000x128xf32>
    %get3A_91 = arith.constant 3 : index
    %get3A_92 = arith.constant 0 : index
    %get3A_93 = arith.constant 144 : index
    %get3A_94 = vector.load %arg2[%get3A_91, %get3A_92, %get3A_93] : memref<4x1000x160xf32, #tpu.memory_space<vmem>>, vector<1x1000x1xf32>
    %get3A_95 = vector.shape_cast %get3A_94 : vector<1x1000x1xf32> to vector<1000x1xf32>
    %get3A_96 = arith.constant 3 : index
    %get3A_97 = arith.constant 0 : index
    %get3A_98 = arith.constant 0 : index
    %get3A_99 = vector.load %arg2[%get3A_96, %get3A_97, %get3A_98] : memref<4x1000x160xf32, #tpu.memory_space<vmem>>, vector<1x1000x128xf32>
    %get3A_100 = vector.shape_cast %get3A_99 : vector<1x1000x128xf32> to vector<1000x128xf32>
    %add3A_101 = arith.addf %get3A_100, %dot_general3A_90 : vector<1000x128xf32>
    %add3A_102 = arith.constant 1.000000e-16 : f32
    %add3A_103 = vector.broadcast %add3A_102 : f32 to vector<1000x1xf32>
    %add3A_104 = arith.addf %get3A_95, %add3A_103 : vector<1000x1xf32>
    %div3A_105 = vector.broadcast %add3A_104 : vector<1000x1xf32> to vector<1000x128xf32>
    %div3A_106 = arith.divf %add3A_101, %div3A_105 : vector<1000x128xf32>
    %add3A_107 = arith.addf %add3A_80, %div3A_106 : vector<1000x128xf32>
    %mul3A = arith.constant 2.500000e-01 : f32
    %mul3A_108 = vector.broadcast %mul3A : f32 to vector<1000x128xf32>
    %mul3A_109 = arith.mulf %add3A_107, %mul3A_108 : vector<1000x128xf32>
    %get3A_110 = arith.constant 0 : index
    %get3A_111 = arith.constant 0 : index
    %get3A_112 = vector.load %arg4[%get3A_110, %get3A_111] : memref<128x128xf32, #tpu.memory_space<vmem>>, vector<128x128xf32>
    %dot_general3A_113 = arith.constant dense<0.000000e+00> : vector<1000x128xf32>
    %dot_general3A_114 = tpu.matmul %get3A_1, %get3A_112, %dot_general3A_113 {dimension_numbers = #tpu.dot_dimension_numbers<[1], [0], [0], [1], [0, 0, 1, 1], [], []>, transpose_lhs_hint = false} : vector<1000x128xf32>, vector<128x128xf32>, vector<1000x128xf32> -> vector<1000x128xf32>
    %add3A_115 = arith.addf %mul3A_109, %dot_general3A_114 : vector<1000x128xf32>
    %get3A_116 = arith.constant 0 : index
    %get3A_117 = arith.constant 0 : index
    %get3A_118 = vector.load %arg5[%get3A_116, %get3A_117] : memref<1x128xf32, #tpu.memory_space<vmem>>, vector<1x128xf32>
    %add3A_119 = vector.broadcast %get3A_118 : vector<1x128xf32> to vector<1000x128xf32>
    %add3A_120 = arith.addf %add3A_115, %add3A_119 : vector<1000x128xf32>
    %add3A_121 = arith.addf %get3A_1, %add3A_120 : vector<1000x128xf32>
    %get3A_122 = arith.constant 0 : index
    %get3A_123 = arith.constant 0 : index
    %get3A_124 = vector.load %arg6[%get3A_122, %get3A_123] : memref<1x128xf32, #tpu.memory_space<vmem>>, vector<1x128xf32>
    %get3A_125 = arith.constant 0 : index
    %get3A_126 = arith.constant 0 : index
    %get3A_127 = vector.load %arg7[%get3A_125, %get3A_126] : memref<1x128xf32, #tpu.memory_space<vmem>>, vector<1x128xf32>
    %reduce_sum3A = arith.constant dense<0.000000e+00> : vector<1000xf32>
    %reduce_sum3A_128 = vector.multi_reduction <add>, %add3A_121, %reduce_sum3A [1] : vector<1000x128xf32> to vector<1000xf32>
    %broadcast_in_dim3A_129 = vector.shape_cast %reduce_sum3A_128 : vector<1000xf32> to vector<1000x1xf32>
    %div3A_130 = arith.constant 1.280000e+02 : f32
    %div3A_131 = vector.broadcast %div3A_130 : f32 to vector<1000x1xf32>
    %div3A_132 = arith.divf %broadcast_in_dim3A_129, %div3A_131 : vector<1000x1xf32>
    %sub3A = vector.broadcast %div3A_132 : vector<1000x1xf32> to vector<1000x128xf32>
    %sub3A_133 = arith.subf %add3A_121, %sub3A : vector<1000x128xf32>
    %integer_pow3A = arith.mulf %sub3A_133, %sub3A_133 : vector<1000x128xf32>
    %reduce_sum3A_134 = arith.constant dense<0.000000e+00> : vector<1000xf32>
    %reduce_sum3A_135 = vector.multi_reduction <add>, %integer_pow3A, %reduce_sum3A_134 [1] : vector<1000x128xf32> to vector<1000xf32>
    %broadcast_in_dim3A_136 = vector.shape_cast %reduce_sum3A_135 : vector<1000xf32> to vector<1000x1xf32>
    %div3A_137 = arith.constant 1.280000e+02 : f32
    %div3A_138 = vector.broadcast %div3A_137 : f32 to vector<1000x1xf32>
    %div3A_139 = arith.divf %broadcast_in_dim3A_136, %div3A_138 : vector<1000x1xf32>
    %sub3A_140 = vector.broadcast %div3A_132 : vector<1000x1xf32> to vector<1000x128xf32>
    %sub3A_141 = arith.subf %add3A_121, %sub3A_140 : vector<1000x128xf32>
    %add3A_142 = arith.constant 9.99999974E-6 : f32
    %add3A_143 = vector.broadcast %add3A_142 : f32 to vector<1000x1xf32>
    %add3A_144 = arith.addf %div3A_139, %add3A_143 : vector<1000x1xf32>
    %rsqrt3A = math.rsqrt %add3A_144 : vector<1000x1xf32>
    %mul3A_145 = vector.broadcast %rsqrt3A : vector<1000x1xf32> to vector<1000x128xf32>
    %mul3A_146 = arith.mulf %sub3A_141, %mul3A_145 : vector<1000x128xf32>
    %mul3A_147 = vector.broadcast %get3A_124 : vector<1x128xf32> to vector<1000x128xf32>
    %mul3A_148 = arith.mulf %mul3A_146, %mul3A_147 : vector<1000x128xf32>
    %add3A_149 = vector.broadcast %get3A_127 : vector<1x128xf32> to vector<1000x128xf32>
    %add3A_150 = arith.addf %mul3A_148, %add3A_149 : vector<1000x128xf32>
    %get3A_151 = arith.constant 0 : index
    %get3A_152 = arith.constant 0 : index
    %get3A_153 = vector.load %arg8[%get3A_151, %get3A_152] : memref<128x256xf32, #tpu.memory_space<vmem>>, vector<128x256xf32>
    %dot_general3A_154 = arith.constant dense<0.000000e+00> : vector<1000x256xf32>
    %dot_general3A_155 = tpu.matmul %add3A_150, %get3A_153, %dot_general3A_154 {dimension_numbers = #tpu.dot_dimension_numbers<[1], [0], [0], [1], [0, 0, 1, 1], [], []>, transpose_lhs_hint = false} : vector<1000x128xf32>, vector<128x256xf32>, vector<1000x256xf32> -> vector<1000x256xf32>
    %get3A_156 = arith.constant 0 : index
    %get3A_157 = arith.constant 0 : index
    %get3A_158 = vector.load %arg9[%get3A_156, %get3A_157] : memref<1x256xf32, #tpu.memory_space<vmem>>, vector<1x256xf32>
    %add3A_159 = vector.broadcast %get3A_158 : vector<1x256xf32> to vector<1000x256xf32>
    %add3A_160 = arith.addf %dot_general3A_155, %add3A_159 : vector<1000x256xf32>
    %gt3A = arith.constant 0.000000e+00 : f32
    %gt3A_161 = vector.broadcast %gt3A : f32 to vector<1000x256xf32>
    %gt3A_162 = arith.cmpf ogt, %add3A_160, %gt3A_161 : vector<1000x256xf32>
    %mul3A_163 = arith.constant 0.00999999977 : f32
    %mul3A_164 = vector.broadcast %mul3A_163 : f32 to vector<1000x256xf32>
    %mul3A_165 = arith.mulf %mul3A_164, %add3A_160 : vector<1000x256xf32>
    %select_n3A = arith.select %gt3A_162, %add3A_160, %mul3A_165 : vector<1000x256xi1>, vector<1000x256xf32>
    %get3A_166 = arith.constant 0 : index
    %get3A_167 = arith.constant 0 : index
    %get3A_168 = vector.load %arg10[%get3A_166, %get3A_167] : memref<256x128xf32, #tpu.memory_space<vmem>>, vector<256x128xf32>
    %dot_general3A_169 = arith.constant dense<0.000000e+00> : vector<1000x128xf32>
    %dot_general3A_170 = tpu.matmul %select_n3A, %get3A_168, %dot_general3A_169 {dimension_numbers = #tpu.dot_dimension_numbers<[1], [0], [0], [1], [0, 0, 1, 1], [], []>, transpose_lhs_hint = false} : vector<1000x256xf32>, vector<256x128xf32>, vector<1000x128xf32> -> vector<1000x128xf32>
    %get3A_171 = arith.constant 0 : index
    %get3A_172 = arith.constant 0 : index
    %get3A_173 = vector.load %arg11[%get3A_171, %get3A_172] : memref<1x128xf32, #tpu.memory_space<vmem>>, vector<1x128xf32>
    %add3A_174 = vector.broadcast %get3A_173 : vector<1x128xf32> to vector<1000x128xf32>
    %add3A_175 = arith.addf %dot_general3A_170, %add3A_174 : vector<1000x128xf32>
    %add3A_176 = arith.addf %add3A_150, %add3A_175 : vector<1000x128xf32>
    %get3A_177 = arith.constant 0 : index
    %get3A_178 = arith.constant 0 : index
    %get3A_179 = vector.load %arg12[%get3A_177, %get3A_178] : memref<1x128xf32, #tpu.memory_space<vmem>>, vector<1x128xf32>
    %get3A_180 = arith.constant 0 : index
    %get3A_181 = arith.constant 0 : index
    %get3A_182 = vector.load %arg13[%get3A_180, %get3A_181] : memref<1x128xf32, #tpu.memory_space<vmem>>, vector<1x128xf32>
    %reduce_sum3A_183 = arith.constant dense<0.000000e+00> : vector<1000xf32>
    %reduce_sum3A_184 = vector.multi_reduction <add>, %add3A_176, %reduce_sum3A_183 [1] : vector<1000x128xf32> to vector<1000xf32>
    %broadcast_in_dim3A_185 = vector.shape_cast %reduce_sum3A_184 : vector<1000xf32> to vector<1000x1xf32>
    %div3A_186 = arith.constant 1.280000e+02 : f32
    %div3A_187 = vector.broadcast %div3A_186 : f32 to vector<1000x1xf32>
    %div3A_188 = arith.divf %broadcast_in_dim3A_185, %div3A_187 : vector<1000x1xf32>
    %sub3A_189 = vector.broadcast %div3A_188 : vector<1000x1xf32> to vector<1000x128xf32>
    %sub3A_190 = arith.subf %add3A_176, %sub3A_189 : vector<1000x128xf32>
    %integer_pow3A_191 = arith.mulf %sub3A_190, %sub3A_190 : vector<1000x128xf32>
    %reduce_sum3A_192 = arith.constant dense<0.000000e+00> : vector<1000xf32>
    %reduce_sum3A_193 = vector.multi_reduction <add>, %integer_pow3A_191, %reduce_sum3A_192 [1] : vector<1000x128xf32> to vector<1000xf32>
    %broadcast_in_dim3A_194 = vector.shape_cast %reduce_sum3A_193 : vector<1000xf32> to vector<1000x1xf32>
    %div3A_195 = arith.constant 1.280000e+02 : f32
    %div3A_196 = vector.broadcast %div3A_195 : f32 to vector<1000x1xf32>
    %div3A_197 = arith.divf %broadcast_in_dim3A_194, %div3A_196 : vector<1000x1xf32>
    %sub3A_198 = vector.broadcast %div3A_188 : vector<1000x1xf32> to vector<1000x128xf32>
    %sub3A_199 = arith.subf %add3A_176, %sub3A_198 : vector<1000x128xf32>
    %add3A_200 = arith.constant 9.99999974E-6 : f32
    %add3A_201 = vector.broadcast %add3A_200 : f32 to vector<1000x1xf32>
    %add3A_202 = arith.addf %div3A_197, %add3A_201 : vector<1000x1xf32>
    %rsqrt3A_203 = math.rsqrt %add3A_202 : vector<1000x1xf32>
    %mul3A_204 = vector.broadcast %rsqrt3A_203 : vector<1000x1xf32> to vector<1000x128xf32>
    %mul3A_205 = arith.mulf %sub3A_199, %mul3A_204 : vector<1000x128xf32>
    %mul3A_206 = vector.broadcast %get3A_179 : vector<1x128xf32> to vector<1000x128xf32>
    %mul3A_207 = arith.mulf %mul3A_205, %mul3A_206 : vector<1000x128xf32>
    %add3A_208 = vector.broadcast %get3A_182 : vector<1x128xf32> to vector<1000x128xf32>
    %add3A_209 = arith.addf %mul3A_207, %add3A_208 : vector<1000x128xf32>
    %swap3A = arith.constant 0 : index
    %swap3A_210 = arith.constant 0 : index
    %swap3A_211 = vector.load %arg14[%swap3A, %swap3A_210] : memref<1000x128xf32, #tpu.memory_space<vmem>>, vector<1000x128xf32>
    tpu.vector_store %arg14[%swap3A, %swap3A_210], %add3A_209 {strides = array<i32>} : memref<1000x128xf32, #tpu.memory_space<vmem>>, vector<1000x128xf32>,
    return
  }
  func.func @transform_0(%arg0: i32) -> (i32, i32) {
    %c0_i32 = arith.constant 0 : i32
    %c0_i32_0 = arith.constant 0 : i32
    return %arg0, %c0_i32 : i32, i32
  }
  func.func @transform_1(%arg0: i32) -> (i32, i32, i32) {
    %c0_i32 = arith.constant 0 : i32
    %c0_i32_0 = arith.constant 0 : i32
    %c0_i32_1 = arith.constant 0 : i32
    return %c0_i32, %arg0, %c0_i32_0 : i32, i32, i32
  }
  func.func @transform_2(%arg0: i32) -> (i32, i32) {
    %c0_i32 = arith.constant 0 : i32
    %c0_i32_0 = arith.constant 0 : i32
    %c0_i32_1 = arith.constant 0 : i32
    return %c0_i32, %c0_i32_0 : i32, i32
  }
  func.func @transform_3(%arg0: i32) -> (i32, i32) {
    %c0_i32 = arith.constant 0 : i32
    %c0_i32_0 = arith.constant 0 : i32
    %c0_i32_1 = arith.constant 0 : i32
    return %c0_i32, %c0_i32_0 : i32, i32
  }
  func.func @transform_4(%arg0: i32) -> (i32, i32) {
    %c0_i32 = arith.constant 0 : i32
    %c0_i32_0 = arith.constant 0 : i32
    %c0_i32_1 = arith.constant 0 : i32
    return %c0_i32, %c0_i32_0 : i32, i32
  }
  func.func @transform_5(%arg0: i32) -> (i32, i32) {
    %c0_i32 = arith.constant 0 : i32
    %c0_i32_0 = arith.constant 0 : i32
    %c0_i32_1 = arith.constant 0 : i32
    return %c0_i32, %c0_i32_0 : i32, i32
  }
  func.func @transform_6(%arg0: i32) -> (i32, i32) {
    %c0_i32 = arith.constant 0 : i32
    %c0_i32_0 = arith.constant 0 : i32
    %c0_i32_1 = arith.constant 0 : i32
    return %c0_i32, %c0_i32_0 : i32, i32
  }
  func.func @transform_7(%arg0: i32) -> (i32, i32) {
    %c0_i32 = arith.constant 0 : i32
    %c0_i32_0 = arith.constant 0 : i32
    %c0_i32_1 = arith.constant 0 : i32
    return %c0_i32, %c0_i32_0 : i32, i32
  }
  func.func @transform_8(%arg0: i32) -> (i32, i32) {
    %c0_i32 = arith.constant 0 : i32
    %c0_i32_0 = arith.constant 0 : i32
    %c0_i32_1 = arith.constant 0 : i32
    return %c0_i32, %c0_i32_0 : i32, i32
  }
  func.func @transform_9(%arg0: i32) -> (i32, i32) {
    %c0_i32 = arith.constant 0 : i32
    %c0_i32_0 = arith.constant 0 : i32
    %c0_i32_1 = arith.constant 0 : i32
    return %c0_i32, %c0_i32_0 : i32, i32
  }
  func.func @transform_10(%arg0: i32) -> (i32, i32) {
    %c0_i32 = arith.constant 0 : i32
    %c0_i32_0 = arith.constant 0 : i32
    %c0_i32_1 = arith.constant 0 : i32
    return %c0_i32, %c0_i32_0 : i32, i32
  }
  func.func @transform_11(%arg0: i32) -> (i32, i32) {
    %c0_i32 = arith.constant 0 : i32
    %c0_i32_0 = arith.constant 0 : i32
    %c0_i32_1 = arith.constant 0 : i32
    return %c0_i32, %c0_i32_0 : i32, i32
  }
  func.func @transform_12(%arg0: i32) -> (i32, i32) {
    %c0_i32 = arith.constant 0 : i32
    %c0_i32_0 = arith.constant 0 : i32
    %c0_i32_1 = arith.constant 0 : i32
    return %c0_i32, %c0_i32_0 : i32, i32
  }
  func.func @transform_13(%arg0: i32) -> (i32, i32) {
    %c0_i32 = arith.constant 0 : i32
    %c0_i32_0 = arith.constant 0 : i32
    return %arg0, %c0_i32 : i32, i32
  }
}

</mosaic_0001>

<sc_bundles>
// kernel: kernel.5.cloned.1.call-start
scs
__scs_entry_jumppad:
0x0: {  	(pc) =	sbr.rel $0x88, $3  }
0x1: {  	(tag) =	ssettag $0x0;
	lr =	simm.s32 $0x1  }
0x2: {  	[smem:$0x3F8D] =	sst lr;
	_ =	strace $0xD0000000  }
0x3: {  	_ = 	snop  }
0x4: {  	_ = 	snop  }
0x5: {  	_ = 	snop  }
0x6: {  	_ = 	snop  }
0x7: {  	_ = 	snop  }
__scs_overlays_trampoline_lowered:
0x8: {  	[smem:$0x3F9C] =	sst s0  }
0x9: {  	[smem:$0x3F9D] =	sst s1  }
0xa: {  	[smem:$0x3F9E] =	sst s2  }
0xb: {  	[smem:$0x3F9F] =	sst s3  }
0xc: {  	[smem:$0x3FA0] =	sst s4  }
0xd: {  	[smem:$0x3FA1] =	sst s5  }
0xe: {  	[smem:$0x3FA2] =	sst s6  }
0xf: {  	[smem:$0x3FA3] =	sst s7  }
0x10: {  	[smem:$0x3FA4] =	sst s8  }
0x11: {  	[smem:$0x3FA5] =	sst s9;
	s0 =	simm.s32 @!p0 $0x0  }
0x12: {  	s1 =	sld [smem:$0x3F8B];
	s0 =	simm.s32 @p0 $0x1  }
0x13: {  	[smem:$0x3FA6] =	sst s0;
	s0 =	simm.s32 @!p1 $0x0  }
0x14: {  	s2 =	sld [smem:$0x3F8A];
	s0 =	simm.s32 @p1 $0x1  }
0x15: {  	[smem:$0x3FA7] =	sst s0;
	s0 =	simm.s32 @!p2 $0x0  }
0x16: {  	s3 =	sld [smem:$0x3FDB];
	s0 =	simm.s32 @p2 $0x1  }
0x17: {  	s4 =	simm.s32 $0x1BF5;
	[smem:$0x3FA9] =	sst s0  }
0x18: {  	s0 =	sld [smem:$0x3F8C];
	_ =	swait.ge [sflag:s4], $0x0  }
0x19: {  	s7 =	sld [smem:$0x3F8D]  }
0x1a: {  	s8 =	sadd.s32 $0xFFFFE003, lr  }
0x1b: {  	s9 =	sadd.s32 $0xFFFFFEF7, lr;
	s5 =	simm.s32 $0xFFFFFFFF;
	p2 =	slt.u32 s8, $0xFFFFF086  }
0x1c: {  	p1 =	slt.u32 s9, $0xF7A;
	s5 =	simm.s32 @!p2 $0x0  }
0x1d: {  	s5 =	simm.s32 @p1 $0x1;
	p0 =	seq.s32 s7, s2  }
0x1e: {  	s7 =	smul.u32 @!p0 $0xF7A, s2;
	p2 =	seq.s32 @!p0 s5, $0x0  }
0x1f: {  	s9 =	smul.u32 $0xF7A, s1;
	s8 =	simm.s32 @!p0 $0x1BF5;
	p2 =	por !p2, p0  }
0x20: {  	[sflag:s8] =	ssyncset.s32 @!p0 $0xFFFFF086;
	s6 =	sadd.s32 @!p0 s3, s7;
	s7 =	simm.s32 @!p0 $0x108  }
0x21: {  	s3 =	sadd.s32 s3, s9;
	s6 =	sadd.s32 @!p0 $0x88, s6;
	s7 =	simm.s32 @p2 $0x1082  }
0x22: {  	[simem:s7], [sflag:s8] =	dma.local @!p0 [hbm:s6], $0xF7A  }
0x23: {  	s9 =	sor.u32 $0xD0000000, s2;
	s6 =	simm.s32 $0x108;
	_ =	swait.ge @!p0 [sflag:s8], $0x0  }
0x24: {  	s3 =	sadd.s32 $0x88, s3;
	s6 =	simm.s32 @!p1 $0x1082;
	[sflag:s4] =	ssyncset.s32 $0xFFFFF086  }
0x25: {  	[simem:s6], [sflag:s4] =	dma.local [hbm:s3], $0xF7A  }
0x26: {  	[smem:$0x3F8D] =	sst s1;
	(tag) =	ssettag s2;
	_ =	strace s9  }
0x27: {  	s1 =	sld [smem:$0x3F9D]  }
0x28: {  	s2 =	sld [smem:$0x3F9E]  }
0x29: {  	s4 =	sld [smem:$0x3FA0]  }
0x2a: {  	p0 =	seq.s32 s5, $0x0;
	s5 =	sld [smem:$0x3FA1]  }
0x2b: {  	s6 =	sld [smem:$0x3FA2]  }
0x2c: {  	s7 =	sld [smem:$0x3FA3]  }
0x2d: {  	s3 =	simm.s32 $0x108;
	s8 =	sld [smem:$0x3FA4]  }
0x2e: {  	s3 =	simm.s32 @!p0 $0x1082;
	s9 =	sld [smem:$0x3FA5]  }
0x2f: {  	lr =	sadd.s32 s0, s3;
	s0 =	sld [smem:$0x3F9C]  }
0x30: {  	s3 =	sld [smem:$0x3F9F]  }
0x31: {  	[smem:$0x3FA8] =	sst s10  }
0x32: {  	s10 =	sld [smem:$0x3FA6];
	_ =	sdelay $0x3  }
0x33: {  	p0 =	seq.s32 s10, $0x1;
	s10 =	sld [smem:$0x3FA8];
	_ =	sdelay $0x3  }
0x34: {  	[smem:$0x3FA8] =	sst s10  }
0x35: {  	s10 =	sld [smem:$0x3FA7];
	_ =	sdelay $0x3  }
0x36: {  	p1 =	seq.s32 s10, $0x1;
	s10 =	sld [smem:$0x3FA8];
	_ =	sdelay $0x3  }
0x37: {  	[smem:$0x3FA8] =	sst s10  }
0x38: {  	s10 =	sld [smem:$0x3FA9]  }
0x39: {  	_ = 	snop;
	(pc) =	sbr.ind lr, $3  }
0x3a: {  	_ = 	snop  }
0x3b: {  	_ = 	snop  }
0x3c: {  	p2 =	seq.s32 s10, $0x1;
	s10 =	sld [smem:$0x3FA8]  }
0x3d: {  	_ =	shalt  }
0x3e: {  	_ =	shalt  }
0x3f: {  	_ =	shalt  }
0x40: {  	_ =	shalt  }
0x41: {  	_ =	shalt  }
0x42: {  	_ =	shalt  }
0x43: {  	_ =	shalt  }
0x44: {  	_ =	shalt  }
0x45: {  	_ =	shalt  }
0x46: {  	_ =	shalt  }
0x47: {  	_ =	shalt  }
0x48: {  	_ =	shalt  }
0x49: {  	_ =	shalt  }
0x4a: {  	_ =	shalt  }
0x4b: {  	_ =	shalt  }
0x4c: {  	_ =	shalt  }
0x4d: {  	_ =	shalt  }
0x4e: {  	_ =	shalt  }
0x4f: {  	_ =	shalt  }
0x50: {  	_ =	shalt  }
0x51: {  	_ =	shalt  }
0x52: {  	_ =	shalt  }
0x53: {  	_ =	shalt  }
0x54: {  	_ =	shalt  }
0x55: {  	_ =	shalt  }
0x56: {  	_ =	shalt  }
0x57: {  	_ =	shalt  }
0x58: {  	_ =	shalt  }
0x59: {  	_ =	shalt  }
0x5a: {  	_ =	shalt  }
0x5b: {  	_ =	shalt  }
0x5c: {  	_ =	shalt  }
0x5d: {  	_ =	shalt  }
0x5e: {  	_ =	shalt  }
0x5f: {  	_ =	shalt  }
0x60: {  	_ =	shalt  }
0x61: {  	_ =	shalt  }
0x62: {  	_ =	shalt  }
0x63: {  	_ =	shalt  }
0x64: {  	_ =	shalt  }
0x65: {  	_ =	shalt  }
0x66: {  	_ =	shalt  }
0x67: {  	_ =	shalt  }
0x68: {  	_ =	shalt  }
0x69: {  	_ =	shalt  }
0x6a: {  	_ =	shalt  }
0x6b: {  	_ =	shalt  }
0x6c: {  	_ =	shalt  }
0x6d: {  	_ =	shalt  }
0x6e: {  	_ =	shalt  }
0x6f: {  	_ =	shalt  }
0x70: {  	_ =	shalt  }
0x71: {  	_ =	shalt  }
0x72: {  	_ =	shalt  }
0x73: {  	_ =	shalt  }
0x74: {  	_ =	shalt  }
0x75: {  	_ =	shalt  }
0x76: {  	_ =	shalt  }
0x77: {  	_ =	shalt  }
0x78: {  	_ =	shalt  }
0x79: {  	_ =	shalt  }
0x7a: {  	_ =	shalt  }
0x7b: {  	_ =	shalt  }
0x7c: {  	_ =	shalt  }
0x7d: {  	_ =	shalt  }
0x7e: {  	_ =	shalt  }
0x7f: {  	_ =	shalt  }
0x80: {  	_ =	shalt  }
0x81: {  	_ =	shalt  }
0x82: {  	_ =	shalt  }
0x83: {  	_ =	shalt  }
0x84: {  	_ =	shalt  }
0x85: {  	_ =	shalt  }
0x86: {  	_ =	shalt  }
0x87: {  	_ =	shalt  }
.Lfunc_end0:
.L_simem_size_0:
called_computation.1_lowered:
.L_overlay_start_0:
0x88: {  	s2 =	sld [smem:$0x3FD9]  }
0x89: {  	s3 =	sld [smem:$0x3FFE];
	_ =	sdelay $0x1  }
0x8a: {  	s1 =	srdreg.scid  }
0x8b: {  	s0 =	sand.u32 $0x1, s1  }
0x8c: {  	s17 =	sshll.u32 s0, $0xA;
	s2 =	sadd.s32 s3, s2  }
0x8d: {  	s2 =	sadd.s32 s2, s17  }
0x8e: {  	[smem:$0x3FB4] =	sst s2  }
0x8f: {  	_ = 	snop  }
0x90: {  	s2 =	sld [smem:$0x3FD0];
	(tm) =	ssettm $0x1  }
0x91: {  	s18 =	sld [smem:$0x3FFB];
	_ =	sdelay $0x3  }
0x92: {  	_ =	strace s18  }
0x93: {  	s3 =	sld [smem:$0x3FFC];
	_ =	sdelay $0x3  }
0x94: {  	_ =	strace s3  }
0x95: {  	s3 =	sld [smem:$0x3FFD];
	_ =	sdelay $0x3  }
0x96: {  	_ =	strace s3  }
0x97: {  	_ =	strace $0x8FFFFFFF  }
0x98: {  	s19 =	sld [smem:$0x3FDB];
	_ =	sdelay $0x1  }
0x99: {  	s4 =	simm.s32 $_scs_section_size  }
0x9a: {  	s5 =	simm.s32 $_size__tile_overlayer_lowered;
	s6 =	simm.s32 $_tile_overlayer_lowered  }
0x9b: {  	s22 =	simm.s32 $0x1BFF;
	s21 =	sshll.u32 s6, $0x1;
	s3 =	sadd.s32 s4, s19  }
0x9c: {  	s7 =	simm.s32 $0x0;
	s20 =	sshll.u32 s5, $0x1;
	s5 =	sadd.s32 s21, s3  }
0x9d: {  	[timem:s7], [sflag:s22] =	dma.local [hbm:s5], s20  }
0x9e: {  	_ =	swait.ge [sflag:s22], s20  }
0x9f: {  	s4 =	ssub.s32 $0x0, s20;
	[sflag:s22] =	ssyncset.done $0x0  }
0xa0: {  	[sflag:s22] =	ssyncadd.s32 s4;
	_ =	sdelay $0x1  }
0xa1: {  	s23 =	simm.s32 $0x1B8B  }
0xa2: {  	_ =	swait.ge [sflag:s23], $0x1  }
0xa3: {  	[sflag:s23] =	ssyncset.done $0x0  }
0xa4: {  	s25 =	simm.s32 $0x1B8E;
	s24 =	sld [smem:$0x3FFE];
	[sflag:s23] =	ssyncadd.s32 $0xFFFFFFFF  }
0xa5: {  	s26 =	simm.s32 $execute0_lowered;
	[smem:$0x3FD2] =	sst s25  }
0xa6: {  	s5 =	sshll.u32 s26, $0x1;
	_ =	strace $0x80000049;
	[dreg:$0x1] =	wrdreg $0xFFFFFFFF  }
0xa7: {  	s28 =	simm.s32 $_size_execute0_lowered;
	s3 =	sadd.s32 s3, s5;
	[dreg:$0x0] =	wrdreg $0x0  }
0xa8: {  	s5 =	sshll.u32 s28, $0x1;
	[dreg:$0x2] =	wrdreg s3  }
0xa9: {  	[dreg:$0x3] =	wrdreg s5  }
0xaa: {  	[dreg:$0x4] =	wrdreg $0xC0  }
0xab: {  	_ =	task [dreg:s7], $0x5FFFF  }
0xac: {  	[dreg:$0x1] =	wrdreg $0xFFFFFFFF  }
0xad: {  	[dreg:$0x0] =	wrdreg $0x60  }
0xae: {  	[dreg:$0x2] =	wrdreg s24  }
0xaf: {  	[dreg:$0x3] =	wrdreg s2  }
0xb0: {  	[dreg:$0x4] =	wrdreg $0x66600  }
0xb1: {  	[dreg:$0x5] =	wrdreg $0x9  }
0xb2: {  	_ =	task.clear_ibuf [dreg:s7], $0x6FFFF;
	_ =	strace $0x90000049  }
0xb3: {  	s29 =	simm.s32 $0x9;
	_ =	strace $0x8000004B  }
0xb4: {  	_ =	swait.ge [sflag:s29], $0x1  }
0xb5: {  	[sflag:s29] =	ssyncadd.s32 $0xFFFFFFFF  }
0xb6: {  	_ =	strace $0x9000004B  }
0xb7: {  	_ =	sfence  }
0xb8: {  	s30 =	sld [smem:$0x0];
	_ =	sdelay $0x2  }
0xb9: {  	s31 =	sshll.u32 s1, $0xD;
	s1 =	sshrl.u32 s1, $0x2  }
0xba: {  	s3 =	sand.u32 $0x4000, s31;
	s1 =	sadd.s32 s1, s30  }
0xbb: {  	s0 =	sor.u32 s3, s0;
	s1 =	sshll.u32 s1, $0x11  }
0xbc: {  	s0 =	sor.u32 s1, s0  }
0xbd: {  	s0 =	sadd.s32 $0x8F2B, s0  }
0xbe: {  	[sflag:s0] =	ssyncadd.remote.s32 $0x1  }
0xbf: {  	_ =	sfence.sel $0xFFFF  }
0xc0: {  	[dreg:$0x0] =	wrdreg $0xFFFFFFFF;
	(pc) =	sbr.abs _section_cstart, $3  }
0xc1: {  	[dreg:$0x1] =	wrdreg $0xFFFFFFFF  }
0xc2: {  	_ =	task.clear_ibuf [dreg:s7], $0x2FFFF;
	_ =	strace $0x9FFFFFFF  }
0xc3: {  	(tm) =	ssettm $0x7FFFFFFF  }
tec
execute0_lowered:
.L_overlay_start_1:
0x0: {  	(tag) =	ssettag $0x1  }
0x1: {  	s0 =	rddreg [dreg:$0x0]  }
0x2: {  	s1 =	rddreg [dreg:$0x1]  }
0x3: {  	s2 =	rddreg [dreg:$0x2];
	s3 =	simm.s32 $0x0  }
0x4: {  	s13 =	srdreg.scid;
	s15 =	stileid.u32;
	s30 =	simm.s32 $0x20  }
0x5: {  	s31 =	simm.s32 $0x60;
	s5 =	sadd.s32 $0x3C3E00, s0;
	s4 =	smul.u32 $0x64000, s15  }
0x6: {  	[smem:$0x7FF] =	sst s3;
	s6 =	sadd.s32 $0x283E00, s0;
	s11 =	smul.u32 $0x19000, s15  }
0x7: {  	s3 =	sand.u32 $0x1, s13;
	s8 =	sadd.s32 $0x634E00, s0;
	s25 =	smul.u32 $0x4E20, s15  }
0x8: {  	s7 =	sadd.s32 $0x3E00, s0;
	s0 =	sadd.s32 $0x477E00, s0;
	s12 =	smul.u32 $0x5000, s3  }
0x9: {  	s9 =	ssub.s32 $0x2, s3;
	s17 =	smul.u32 $0x320000, s3;
	s3 =	sshllo.u32 s3, $0x1  }
0xa: {  	_ =	strace $0x8000004A;
	s10 =	sshrl.u32 s9, $0x1;
	s19 =	smul.u32 $0x190000, s3  }
0xb: {  	s4 =	sshrl.u32 s4, $0x2;
	s13 =	sadd.s32 s11, s2;
	s3 =	smul.u32 $0x2800, s3  }
0xc: {  	s10 =	ssub.s32 s9, s10;
	s9 =	smul.u32 $0x2710, s15;
	s4 =	sadd.s32 s4, s2  }
0xd: {  	[dreg:$0x4] =	wrdreg s13;
	s13 =	sadd.s32 s11, s17;
	s17 =	simm.s32 $0x2460  }
0xe: {  	s14 =	sadd.s32 $0x2800, s4;
	s16 =	sadd.s32 $0x5000, s4;
	s18 =	sadd.s32 $0xA000, s4  }
0xf: {  	s20 =	sadd.s32 $0xF000, s4;
	s21 =	sadd.s32 $0x11800, s4;
	[dreg:$0x5] =	wrdreg s14  }
0x10: {  	s11 =	sadd.s32 s11, s19;
	s22 =	sadd.s32 $0x14000, s4;
	[dreg:$0x6] =	wrdreg s16  }
0x11: {  	s13 =	sshrl.u32 s13, $0x3;
	s29 =	smax.u32 s10, $0x1;
	[dreg:$0x8] =	wrdreg s18  }
0x12: {  	v0 =	vimm.s32 $0xEFCDAB89;
	s19 =	simm.s32 $0x40;
	s10 =	simm.s32 $0x0;
	[dreg:$0xa] =	wrdreg s20  }
0x13: {  	v4 =	vimm.s32 $0x54761032;
	v5 =	vimm.s32 $0xBA98FEDC;
	s14 =	sadd.s32 $0x7800, s4;
	s16 =	sadd.s32 $0xC800, s4;
	[dreg:$0xb] =	wrdreg s21  }
0x14: {  	v6 =	vimm.s32 $0x32107654;
	v7 =	vimm.s32 $0xFEDCBA98;
	v8 =	vimm.s32 $0x76543210;
	[dreg:$0xc] =	wrdreg s22;
	s11 =	sshrl.u32 s11, $0x3;
	s23 =	sshrl.u32 s9, $0x3  }
0x15: {  	vm0 =	vmmov $0x1;
	v1 =	vunpack.c.l.s4.s8 v0;
	v0 =	vimm.s32 $0x67452301;
	s24 =	sadd.s32 s0, s13;
	s4 =	sadd.s32 $0x16800, s4;
	[dreg:$0x13] =	wrdreg s29  }
0x16: {  	v4 =	vunpack.c.l.s4.s8 v4;
	v5 =	vunpack.c.l.s4.s8 v5;
	v6 =	vunpack.c.l.s4.s8 v6;
	s20 =	simm.s32 $0x260;
	s13 =	simm.s32 $0x3;
	[dreg:$0x7] =	wrdreg s14  }
0x17: {  	v2 =	vunpack.c.l.s4.s8 v0;
	v3 =	vunpack.c.0.s8.s32 v1;
	v1 =	vimm.s32 $0xDCFE98BA;
	s18 =	simm.s32 $0x3460;
	s21 =	simm.s32 $0x6;
	[dreg:$0x9] =	wrdreg s16  }
0x18: {  	v7 =	vunpack.c.l.s4.s8 v7;
	v8 =	vunpack.c.l.s4.s8 v8;
	v1 =	vunpack.c.l.s4.s8 v1;
	s22 =	simm.s32 $0x4;
	[dreg:$0xd] =	wrdreg s24;
	s0 =	sadd.s32 s0, s11  }
0x19: {  	v4 =	vunpack.c.0.s8.s32 v4;
	v5 =	vunpack.c.0.s8.s32 v5;
	v2 =	vunpack.c.0.s8.s32 v2;
	[dreg:$0xf] =	wrdreg s4;
	s26 =	sadd.s32 s7, s23;
	s28 =	sadd.s32 s1, s23  }
0x1a: {  	v6 =	vunpack.c.0.s8.s32 v6;
	v7 =	vunpack.c.0.s8.s32 v7;
	v9 =	vunpack.c.0.s8.s32 v1;
	s4 =	simm.s32 $0x10;
	s11 =	simm.s32 $0x30;
	[dreg:$0xe] =	wrdreg s0  }
0x1b: {  	v8 =	vunpack.c.0.s8.s32 v8;
	v0 =	vmov s12;
	v2 =	vcombine.low v2, v3;
	s14 =	simm.s32 $0x2;
	s16 =	simm.s32 $0xB60;
	[dreg:$0x10] =	wrdreg s26  }
0x1c: {  	[dreg:$0x11] =	wrdreg s28;
	s0 =	sadd.s32 s8, s25;
	s26 =	sadd.s32 $0x20, s9;
	v3 =	vcombine.low v4, v9;
	v4 =	vcombine.low v6, v5;
	v6 =	vand.u32 $0xF, v7  }
0x1d: {  	v1 =	vmov s3;
	s25 =	simm.s32 $0x1460;
	v5 =	vimm.f32 $0.0e+00;
	[dreg:$0x12] =	wrdreg s0;
	s0 =	simm.s32 $0x1;
	v6 =	vcombine.low v6, v8  }
.LBB2_1:
0x1e: {  	[dreg:$0x14] =	wrdreg s10;
	s3 =	simm.s32 $0x0;
	s10 =	simm.s32 $0x280  }
.LBB2_2:
0x1f: {  	p0 =	sne.s32 s10, $0x9D80;
	[tilespmem:s3+$0x3EF0] =	vst v5  }
0x20: {  	[tilespmem:s3+$0x3E60] =	vst v5  }
0x21: {  	[tilespmem:s3+$0x3E70] =	vst v5  }
0x22: {  	[tilespmem:s3+$0x3E80] =	vst v5  }
0x23: {  	[tilespmem:s3+$0x3E90] =	vst v5  }
.Ltmp0:
0x24: {  	[tilespmem:s3+$0x3EA0] =	vst v5;
	(pc) =	sbr.rel @p0 .LBB2_2-.Ltmp0, $4  }
0x25: {  	[tilespmem:s3+$0x3EB0] =	vst v5  }
0x26: {  	[tilespmem:s3+$0x3EC0] =	vst v5  }
0x27: {  	[tilespmem:s3+$0x3ED0] =	vst v5  }
0x28: {  	[tilespmem:s3+$0x3EE0] =	vst v5;
	s3 =	sshra.s32 s10, $0x2;
	s10 =	sadd.s32 $0x280, s10  }
0x29: {  	[tilespmem:s3+$0x3EF0] =	vst v5  }
0x2a: {  	[tilespmem:s3+$0x3E60] =	vst v5  }
0x2b: {  	[tilespmem:s3+$0x3E70] =	vst v5  }
0x2c: {  	[tilespmem:s3+$0x3E80] =	vst v5  }
0x2d: {  	[tilespmem:s3+$0x3E90] =	vst v5  }
0x2e: {  	[tilespmem:s3+$0x3EA0] =	vst v5  }
0x2f: {  	[tilespmem:s3+$0x3EB0] =	vst v5  }
0x30: {  	[tilespmem:s3+$0x3EC0] =	vst v5  }
0x31: {  	[tilespmem:s3+$0x3ED0] =	vst v5  }
0x32: {  	[tilespmem:s3+$0x3EE0] =	vst v5;
	s28 =	rddreg [dreg:$0x4];
	s10 =	simm.s32 $0x3E60  }
0x33: {  	[spmem:s28] =	stream.linear.scatter [tilespmem:s10], [sflag:$0x5], $0x2800, $0x38;
	[tilespmem:$0x1F660] =	vst v63  }
0x34: {  	s29 =	rddreg [dreg:$0x5]  }
0x35: {  	[spmem:s29] =	stream.linear.scatter [tilespmem:s10], [sflag:$0x5], $0x2800, $0x38;
	[tilespmem:$0x1F660] =	vst v63  }
0x36: {  	s12 =	rddreg [dreg:$0x6]  }
0x37: {  	[spmem:s12] =	stream.linear.scatter [tilespmem:s10], [sflag:$0x5], $0x2800, $0x38;
	[tilespmem:$0x1F660] =	vst v63  }
0x38: {  	s15 =	rddreg [dreg:$0x7]  }
0x39: {  	[spmem:s15] =	stream.linear.scatter [tilespmem:s10], [sflag:$0x5], $0x2800, $0x38;
	[tilespmem:$0x1F660] =	vst v63  }
0x3a: {  	s23 =	rddreg [dreg:$0x8]  }
0x3b: {  	[spmem:s23] =	stream.linear.scatter [tilespmem:s10], [sflag:$0x5], $0x2800, $0x38;
	[tilespmem:$0x1F660] =	vst v63  }
0x3c: {  	s24 =	rddreg [dreg:$0x9]  }
0x3d: {  	[spmem:s24] =	stream.linear.scatter [tilespmem:s10], [sflag:$0x5], $0x2800, $0x38;
	[tilespmem:$0x1F660] =	vst v63  }
0x3e: {  	s28 =	rddreg [dreg:$0xa]  }
0x3f: {  	[spmem:s28] =	stream.linear.scatter [tilespmem:s10], [sflag:$0x5], $0x2800, $0x38;
	[tilespmem:$0x1F660] =	vst v63  }
0x40: {  	s29 =	rddreg [dreg:$0xb]  }
0x41: {  	[spmem:s29] =	stream.linear.scatter [tilespmem:s10], [sflag:$0x5], $0x2800, $0x38;
	[tilespmem:$0x1F660] =	vst v63  }
0x42: {  	s12 =	rddreg [dreg:$0xc]  }
0x43: {  	[spmem:s12] =	stream.linear.scatter [tilespmem:s10], [sflag:$0x5], $0x2800, $0x38;
	[tilespmem:$0x1F660] =	vst v63  }
0x44: {  	s15 =	rddreg [dreg:$0xf];
	s23 =	simm.s32 $0x5  }
0x45: {  	[spmem:s15] =	stream.linear.scatter [tilespmem:s10], [sflag:$0x5], $0x2800, $0x38;
	[tilespmem:$0x1F660] =	vst v63  }
0x46: {  	_ =	swait.ge [sflag:s23], $0x2800  }
0x47: {  	[sflag:s23] =	ssyncset.done $0x0  }
0x48: {  	[sflag:s23] =	ssyncadd.s32 $0xFFFFD800  }
0x49: {  	_ =	swait.ge [sflag:s23], $0x2800  }
0x4a: {  	[sflag:s23] =	ssyncset.done $0x0  }
0x4b: {  	[sflag:s23] =	ssyncadd.s32 $0xFFFFD800  }
0x4c: {  	_ =	swait.ge [sflag:s23], $0x2800  }
0x4d: {  	[sflag:s23] =	ssyncset.done $0x0  }
0x4e: {  	[sflag:s23] =	ssyncadd.s32 $0xFFFFD800  }
0x4f: {  	_ =	swait.ge [sflag:s23], $0x2800  }
0x50: {  	[sflag:s23] =	ssyncset.done $0x0  }
0x51: {  	[sflag:s23] =	ssyncadd.s32 $0xFFFFD800  }
0x52: {  	_ =	swait.ge [sflag:s23], $0x2800  }
0x53: {  	[sflag:s23] =	ssyncset.done $0x0  }
0x54: {  	[sflag:s23] =	ssyncadd.s32 $0xFFFFD800  }
0x55: {  	_ =	swait.ge [sflag:s23], $0x2800  }
0x56: {  	[sflag:s23] =	ssyncset.done $0x0  }
0x57: {  	[sflag:s23] =	ssyncadd.s32 $0xFFFFD800  }
0x58: {  	_ =	swait.ge [sflag:s23], $0x2800  }
0x59: {  	[sflag:s23] =	ssyncset.done $0x0  }
0x5a: {  	[sflag:s23] =	ssyncadd.s32 $0xFFFFD800  }
0x5b: {  	_ =	swait.ge [sflag:s23], $0x2800  }
0x5c: {  	[sflag:s23] =	ssyncset.done $0x0  }
0x5d: {  	[sflag:s23] =	ssyncadd.s32 $0xFFFFD800  }
0x5e: {  	_ =	swait.ge [sflag:s23], $0x2800  }
0x5f: {  	[sflag:s23] =	ssyncset.done $0x0  }
0x60: {  	[sflag:s23] =	ssyncadd.s32 $0xFFFFD800  }
0x61: {  	_ =	swait.ge [sflag:s23], $0x2800  }
0x62: {  	[sflag:s23] =	ssyncset.done $0x0  }
0x63: {  	[sflag:s23] =	ssyncadd.s32 $0xFFFFD800  }
0x64: {  	[bflag:$0x0] =	sbarrier.arrive $0xFFFF  }
0x65: {  	s10 =	simm.s32 $0x0;
	s24 =	rddreg [dreg:$0x10]  }
0x66: {  	[tilespmem:s10], [sflag:$0x1] =	stream.linear.gather [hbm4b:s24+s10], $0x10, $0x38;
	[tilespmem:$0x1F660] =	vst v63  }
0x67: {  	s28 =	rddreg [dreg:$0x11]  }
0x68: {  	[tilespmem:s30], [sflag:$0x1] =	stream.linear.gather [hbm4b:s28+s10], $0x10, $0x38;
	[tilespmem:$0x1F660] =	vst v63  }
0x69: {  	s29 =	rddreg [dreg:$0x12]  }
0x6a: {  	[tilespmem:s31], [sflag:$0x1] =	stream.linear.gather [hbm4b:s29+s10], $0x100, $0x38;
	[tilespmem:$0x1F660] =	vst v63  }
0x6b: {  	_ =	swait.ge [sflag:s0], $0x10  }
0x6c: {  	[sflag:s0] =	ssyncset.done $0x0  }
0x6d: {  	[sflag:s0] =	ssyncadd.s32 $0xFFFFFFF0  }
0x6e: {  	_ =	swait.ge [sflag:s0], $0x10  }
0x6f: {  	[sflag:s0] =	ssyncset.done $0x0  }
0x70: {  	[sflag:s0] =	ssyncadd.s32 $0xFFFFFFF0  }
0x71: {  	_ =	swait.ge [sflag:s0], $0x100  }
0x72: {  	[sflag:s0] =	ssyncset.done $0x0  }
0x73: {  	[sflag:s0] =	ssyncadd.s32 $0xFFFFFF00  }
0x74: {  	v7 =	vld [tilespmem:$0x0]  }
0x75: {  	v8 =	vld [tilespmem:$0x20];
	_ =	sdelay $0x3  }
0x76: {  	v7 =	vadd.s32 v0, v7  }
0x77: {  	[tilespmem:$0x0] =	vst v7;
	v7 =	vadd.s32 v0, v8  }
0x78: {  	[tilespmem:$0x40] =	vst v7  }
0x79: {  	[tilespmem:s20], [sflag:$0x3] =	stream.indirect.gather [hbm4b:s5+s4], $0x90, s19, s4, $0xb8;
	[tilespmem:$0x1F660] =	vst v63  }
0x7a: {  	s24 =	simm.s32 $0x0  }
0x7b: {  	[tilespmem:s25], [sflag:$0x3] =	stream.indirect.gather [hbm4b:s6+s4], $0x100, s10, s4, $0xb8;
	[tilespmem:$0x1F660] =	vst v63  }
.LBB2_4:
0x7c: {  	s23 =	sshll.u32 s24, $0x5  }
0x7d: {  	s3 =	sadd.s32 s23, s9  }
0x7e: {  	s3 =	sadd.s32 $0x10, s3  }
0x7f: {  	s12 =	sshrl.u32 s3, $0x3  }
0x80: {  	s28 =	sadd.s32 s7, s12  }
0x81: {  	[tilespmem:s4], [sflag:$0x2] =	stream.linear.gather [hbm4b:s28+s10], $0x10, $0x38;
	[tilespmem:$0x1F660] =	vst v63  }
0x82: {  	s3 =	sshll.u32 s3, $0x1;
	s12 =	sadd.s32 s1, s12  }
0x83: {  	[tilespmem:s11], [sflag:$0x2] =	stream.linear.gather [hbm4b:s12+s10], $0x10, $0x38;
	[tilespmem:$0x1F660] =	vst v63  }
0x84: {  	s15 =	simm.s32 $0x160;
	s3 =	sadd.s32 s8, s3  }
0x85: {  	[tilespmem:s15], [sflag:$0x2] =	stream.linear.gather [hbm4b:s3+s10], $0x100, $0x38;
	[tilespmem:$0x1F660] =	vst v63  }
0x86: {  	_ =	swait.ge [sflag:s13], $0x900  }
0x87: {  	[sflag:s13] =	ssyncset.done $0x0  }
0x88: {  	[sflag:s13] =	ssyncadd.s32 $0xFFFFF700  }
0x89: {  	_ =	swait.ge [sflag:s13], $0x1000  }
0x8a: {  	[sflag:s13] =	ssyncset.done $0x0  }
0x8b: {  	s28 =	simm.s32 $0x14E0;
	[sflag:s13] =	ssyncadd.s32 $0xFFFFF000  }
0x8c: {  	s29 =	simm.s32 $0x2A0;
	v7 =	vld [tilespmem:s28+$0xFFFFFFE0]  }
0x8d: {  	v8 =	vld [tilespmem:s29+$0x20]  }
0x8e: {  	v9 =	vld [tilespmem:s28+$0xFFFFFFC0]  }
0x8f: {  	v10 =	vld [tilespmem:s29+$0x0]  }
0x90: {  	v11 =	vld [tilespmem:s28+$0xFFFFFFA0]  }
0x91: {  	v12 =	vld [tilespmem:s29+$0xFFFFFFE0]  }
0x92: {  	v13 =	vld [tilespmem:s28+$0xFFFFFFB0]  }
0x93: {  	v14 =	vld [tilespmem:s29+$0xFFFFFFF0]  }
0x94: {  	v15 =	vld [tilespmem:s28+$0xFFFFFF90]  }
0x95: {  	v16 =	vld [tilespmem:s29+$0xFFFFFFD0]  }
0x96: {  	s15 =	simm.s32 $0x0;
	v17 =	vld [tilespmem:s29+$0x40]  }
0x97: {  	v18 =	vld [tilespmem:s15+$0x60]  }
0x98: {  	v19 =	vld [tilespmem:s28+$0xFFFFFF80]  }
0x99: {  	v20 =	vld [tilespmem:s29+$0xFFFFFFC0]  }
0x9a: {  	v21 =	vld [tilespmem:s28+$0xFFFFFFD0]  }
0x9b: {  	v22 =	vld [tilespmem:s29+$0x10]  }
0x9c: {  	v56 =	vld [tilespmem:s28+$0xFFFFFFF0];
	v15 =	vmul.f32 v15, v16;
	v55 =	vmul.f32 v17, v18  }
0x9d: {  	v57 =	vld [tilespmem:s29+$0x30];
	v11 =	vmul.f32 v11, v12  }
0x9e: {  	v13 =	vmul.f32 v13, v14;
	v58 =	vmul.f32 v19, v20;
	v15 =	vadd.f32 v15, v55  }
0x9f: {  	v9 =	vmul.f32 v9, v10  }
0xa0: {  	v60 =	vmul.f32 v21, v22;
	v11 =	vadd.f32 v11, v58;
	v59 =	vadd.f32 v13, v15  }
0xa1: {  	v7 =	vmul.f32 v7, v8  }
0xa2: {  	v61 =	vmul.f32 v56, v57;
	v9 =	vadd.f32 v9, v11;
	v8 =	vadd.f32 v60, v59;
	_ =	sdelay $0x1  }
0xa3: {  	v7 =	vadd.f32 v7, v9;
	v8 =	vadd.f32 v61, v8;
	_ =	sdelay $0x1  }
0xa4: {  	v7 =	vadd.f32 v7, v8;
	_ =	sdelay $0x1  }
0xa5: {  	v8 =	vperm.xlane v7, v2;
	_ =	sdelay $0x1  }
0xa6: {  	v7 =	vadd.f32 v7, v8;
	_ =	sdelay $0x1  }
0xa7: {  	v8 =	vperm.xlane v7, v3;
	_ =	sdelay $0x1  }
0xa8: {  	v7 =	vadd.f32 v7, v8;
	_ =	sdelay $0x1  }
0xa9: {  	v8 =	vperm.xlane v7, v4;
	_ =	sdelay $0x1  }
0xaa: {  	v7 =	vadd.f32 v7, v8;
	_ =	sdelay $0x1  }
0xab: {  	v8 =	vperm.xlane v7, v6;
	_ =	sdelay $0x1  }
0xac: {  	v7 =	vadd.f32 v7, v8;
	_ =	sdelay $0x1  }
0xad: {  	v7 =	vmul.f32 $8.838834610e-02, v7;
	_ =	sdelay $0x1  }
0xae: {  	v7 =	vmul.f32 $1.442695020e+00, v7;
	_ =	sdelay $0x1  }
0xaf: {  	(erf) = vpow2.f32 v7;
	_ =	sdelay $0x4  }
0xb0: {  	v7 =	vld [tilespmem:s28+$0x0];
	_ =	sdelay $0x3  }
0xb1: {  	v8 =	vpop (erf)  }
0xb2: {  	v7 =	vmul.f32 v8, v7  }
0xb3: {  	s3 =	simm.s32 $0x34B0  }
0xb4: {  	[tilespmem:s3+$0xFFFFFFB0] =	vst v7  }
0xb5: {  	v7 =	vld [tilespmem:s28+$0x10];
	_ =	sdelay $0x4  }
0xb6: {  	v7 =	vmul.f32 v8, v7;
	_ =	sdelay $0x1  }
0xb7: {  	[tilespmem:s3+$0xFFFFFFC0] =	vst v7  }
0xb8: {  	v7 =	vld [tilespmem:s28+$0x20];
	_ =	sdelay $0x4  }
0xb9: {  	v7 =	vmul.f32 v8, v7;
	_ =	sdelay $0x1  }
0xba: {  	[tilespmem:s3+$0xFFFFFFD0] =	vst v7  }
0xbb: {  	v7 =	vld [tilespmem:s28+$0x30];
	_ =	sdelay $0x4  }
0xbc: {  	v7 =	vmul.f32 v7, v8;
	_ =	sdelay $0x1  }
0xbd: {  	[tilespmem:s3+$0xFFFFFFE0] =	vst v7  }
0xbe: {  	v7 =	vld [tilespmem:s28+$0x40];
	_ =	sdelay $0x4  }
0xbf: {  	v7 =	vmul.f32 v7, v8;
	_ =	sdelay $0x1  }
0xc0: {  	[tilespmem:s3+$0xFFFFFFF0] =	vst v7  }
0xc1: {  	v7 =	vld [tilespmem:s28+$0x50];
	_ =	sdelay $0x4  }
0xc2: {  	v7 =	vmul.f32 v7, v8;
	_ =	sdelay $0x1  }
0xc3: {  	[tilespmem:s3+$0x0] =	vst v7  }
0xc4: {  	v7 =	vld [tilespmem:s28+$0x60];
	_ =	sdelay $0x4  }
0xc5: {  	v7 =	vmul.f32 v7, v8;
	_ =	sdelay $0x1  }
0xc6: {  	[tilespmem:s3+$0x10] =	vst v7  }
0xc7: {  	v7 =	vld [tilespmem:s28+$0x70];
	_ =	sdelay $0x2  }
0xc8: {  	v62 =	vmul.f32 v8, v18;
	v63 =	vnsel vm0, $0x0, v8  }
0xc9: {  	[tilespmem:s3+$0x40] =	vst v63  }
0xca: {  	s12 =	simm.s32 $0x40;
	[tilespmem:s3+$0x30] =	vst v62;
	v7 =	vmul.f32 v7, v8  }
.LBB2_5:
0xcb: {  	_ = 	snop  }
0xcc: {  	s28 =	sadd.s32 $0x100, s28;
	s29 =	sadd.s32 $0x90, s29;
	[tilespmem:s3+$0x20] =	vst v7;
	s3 =	sadd.s32 $0xA0, s3  }
0xcd: {  	p0 =	sne.s32 s12, $0x3C0;
	s15 =	smov.u32 s12;
	s12 =	sadd.s32 $0x40, s12;
	v7 =	vld [tilespmem:s28+$0xFFFFFFE0]  }
0xce: {  	v8 =	vld [tilespmem:s29+$0x20]  }
0xcf: {  	v9 =	vld [tilespmem:s28+$0xFFFFFFC0]  }
0xd0: {  	v10 =	vld [tilespmem:s29+$0x0]  }
0xd1: {  	v11 =	vld [tilespmem:s28+$0xFFFFFFA0]  }
0xd2: {  	v12 =	vld [tilespmem:s29+$0xFFFFFFE0]  }
0xd3: {  	v13 =	vld [tilespmem:s28+$0xFFFFFFB0]  }
0xd4: {  	v14 =	vld [tilespmem:s29+$0xFFFFFFF0]  }
0xd5: {  	v15 =	vld [tilespmem:s28+$0xFFFFFF90];
	v9 =	vmul.f32 v9, v10  }
0xd6: {  	v10 =	vld [tilespmem:s29+$0xFFFFFFD0]  }
0xd7: {  	s15 =	sshra.s32 s15, $0x2;
	v16 =	vld [tilespmem:s29+$0x40];
	v11 =	vmul.f32 v11, v12  }
0xd8: {  	v12 =	vld [tilespmem:s15+$0x60]  }
0xd9: {  	v17 =	vld [tilespmem:s28+$0xFFFFFF80];
	v13 =	vmul.f32 v13, v14  }
0xda: {  	v14 =	vld [tilespmem:s29+$0xFFFFFFC0]  }
0xdb: {  	v10 =	vmul.f32 v15, v10;
	v15 =	vld [tilespmem:s28+$0xFFFFFFD0]  }
0xdc: {  	v18 =	vld [tilespmem:s29+$0x10]  }
0xdd: {  	v16 =	vmul.f32 v16, v12;
	v19 =	vld [tilespmem:s28+$0xFFFFFFF0]  }
0xde: {  	v20 =	vld [tilespmem:s29+$0x30]  }
0xdf: {  	v14 =	vmul.f32 v17, v14;
	v10 =	vadd.f32 v10, v16;
	_ =	sdelay $0x1  }
0xe0: {  	v10 =	vadd.f32 v13, v10;
	v13 =	vmul.f32 v15, v18;
	v11 =	vadd.f32 v11, v14  }
0xe1: {  	v7 =	vmul.f32 v7, v8  }
0xe2: {  	v8 =	vadd.f32 v13, v10;
	v10 =	vmul.f32 v19, v20;
	v9 =	vadd.f32 v9, v11;
	_ =	sdelay $0x1  }
0xe3: {  	v8 =	vadd.f32 v10, v8;
	v7 =	vadd.f32 v7, v9;
	_ =	sdelay $0x1  }
0xe4: {  	v7 =	vadd.f32 v7, v8;
	_ =	sdelay $0x1  }
0xe5: {  	v8 =	vperm.xlane v7, v2;
	_ =	sdelay $0x1  }
0xe6: {  	v7 =	vadd.f32 v7, v8;
	_ =	sdelay $0x1  }
0xe7: {  	v8 =	vperm.xlane v7, v3;
	_ =	sdelay $0x1  }
0xe8: {  	v7 =	vadd.f32 v7, v8;
	_ =	sdelay $0x1  }
0xe9: {  	v8 =	vperm.xlane v7, v4;
	_ =	sdelay $0x1  }
0xea: {  	v7 =	vadd.f32 v7, v8;
	_ =	sdelay $0x1  }
0xeb: {  	v8 =	vperm.xlane v7, v6;
	_ =	sdelay $0x1  }
0xec: {  	v7 =	vadd.f32 v7, v8;
	_ =	sdelay $0x1  }
0xed: {  	v7 =	vmul.f32 $8.838834610e-02, v7;
	_ =	sdelay $0x1  }
0xee: {  	v7 =	vmul.f32 $1.442695020e+00, v7;
	_ =	sdelay $0x1  }
0xef: {  	(erf) = vpow2.f32 v7;
	_ =	sdelay $0x4  }
0xf0: {  	v7 =	vld [tilespmem:s28+$0x0];
	_ =	sdelay $0x3  }
0xf1: {  	v8 =	vpop (erf)  }
0xf2: {  	v7 =	vmul.f32 v8, v7;
	v9 =	vmul.f32 v8, v12;
	_ =	sdelay $0x1  }
0xf3: {  	[tilespmem:s3+$0xFFFFFFB0] =	vst v7  }
0xf4: {  	v7 =	vld [tilespmem:s28+$0x10];
	_ =	sdelay $0x4  }
0xf5: {  	v7 =	vmul.f32 v8, v7;
	_ =	sdelay $0x1  }
0xf6: {  	[tilespmem:s3+$0xFFFFFFC0] =	vst v7  }
0xf7: {  	v7 =	vld [tilespmem:s28+$0x20];
	_ =	sdelay $0x4  }
0xf8: {  	v7 =	vmul.f32 v8, v7;
	_ =	sdelay $0x1  }
0xf9: {  	[tilespmem:s3+$0xFFFFFFD0] =	vst v7  }
0xfa: {  	v7 =	vld [tilespmem:s28+$0x30];
	_ =	sdelay $0x4  }
0xfb: {  	v7 =	vmul.f32 v7, v8;
	_ =	sdelay $0x1  }
0xfc: {  	[tilespmem:s3+$0xFFFFFFE0] =	vst v7  }
0xfd: {  	v7 =	vld [tilespmem:s28+$0x40];
	_ =	sdelay $0x4  }
0xfe: {  	v7 =	vmul.f32 v7, v8;
	_ =	sdelay $0x1  }
0xff: {  	[tilespmem:s3+$0xFFFFFFF0] =	vst v7  }
0x100: {  	v7 =	vld [tilespmem:s28+$0x50];
	_ =	sdelay $0x4  }
0x101: {  	v7 =	vmul.f32 v7, v8;
	_ =	sdelay $0x1  }
0x102: {  	[tilespmem:s3+$0x0] =	vst v7  }
0x103: {  	v7 =	vld [tilespmem:s28+$0x60];
	_ =	sdelay $0x4  }
0x104: {  	v7 =	vmul.f32 v7, v8;
	_ =	sdelay $0x1  }
0x105: {  	[tilespmem:s3+$0x10] =	vst v7  }
0x106: {  	v10 =	vnsel vm0, $0x0, v8;
	v7 =	vld [tilespmem:s28+$0x70]  }
.Ltmp1:
0x107: {  	[tilespmem:s3+$0x40] =	vst v10;
	(pc) =	sbr.rel @p0 .LBB2_5-.Ltmp1, $2  }
0x108: {  	[tilespmem:s3+$0x30] =	vst v9;
	_ =	sdelay $0x2  }
0x109: {  	v7 =	vmul.f32 v7, v8  }
0x10a: {  	_ = 	snop  }
0x10b: {  	[tilespmem:s3+$0x20] =	vst v7  }
0x10c: {  	_ =	swait.ge [sflag:s14], $0x10  }
0x10d: {  	[sflag:s14] =	ssyncset.done $0x0  }
0x10e: {  	[sflag:s14] =	ssyncadd.s32 $0xFFFFFFF0  }
0x10f: {  	_ =	swait.ge [sflag:s14], $0x10  }
0x110: {  	[sflag:s14] =	ssyncset.done $0x0  }
0x111: {  	[sflag:s14] =	ssyncadd.s32 $0xFFFFFFF0  }
0x112: {  	_ =	swait.ge [sflag:s14], $0x100  }
0x113: {  	[sflag:s14] =	ssyncset.done $0x0  }
0x114: {  	[sflag:s14] =	ssyncadd.s32 $0xFFFFFF00  }
0x115: {  	v7 =	vld [tilespmem:$0x10]  }
0x116: {  	v8 =	vld [tilespmem:$0x30];
	_ =	sdelay $0x3  }
0x117: {  	v7 =	vadd.s32 v0, v7  }
0x118: {  	[tilespmem:$0x10] =	vst v7;
	v7 =	vadd.s32 v0, v8  }
0x119: {  	s15 =	simm.s32 $0x50;
	[tilespmem:$0x50] =	vst v7  }
0x11a: {  	[tilespmem:s16], [sflag:$0x4] =	stream.indirect.gather [hbm4b:s5+s4], $0x90, s15, s4, $0xb8;
	[tilespmem:$0x1F660] =	vst v63  }
0x11b: {  	_ = 	snop  }
0x11c: {  	[tilespmem:s17], [sflag:$0x4] =	stream.indirect.gather [hbm4b:s6+s4], $0x100, s4, s4, $0xb8;
	[tilespmem:$0x1F660] =	vst v63  }
0x11d: {  	_ = 	snop  }
0x11e: {  	[spmem:s2] =	stream.indirect.scatter.add.f32 [tilespmem:s18], [sflag:$0x6], $0xA0, s30, s4, $0xb8;
	[tilespmem:$0x1F660] =	vst v63  }
0x11f: {  	s23 =	sadd.s32 s23, s26;
	_ =	swait.ge [sflag:s21], $0xA00  }
0x120: {  	s12 =	sshrl.u32 s23, $0x3;
	[sflag:s21] =	ssyncset.done $0x0  }
0x121: {  	s29 =	simm.s32 $0x0;
	s15 =	sadd.s32 s7, s12;
	[sflag:s21] =	ssyncadd.s32 $0xFFFFF600  }
0x122: {  	[tilespmem:s29], [sflag:$0x1] =	stream.linear.gather [hbm4b:s15+s29], $0x10, $0x38;
	[tilespmem:$0x1F660] =	vst v63  }
0x123: {  	s3 =	sshll.u32 s23, $0x1;
	s12 =	sadd.s32 s1, s12  }
0x124: {  	[tilespmem:s30], [sflag:$0x1] =	stream.linear.gather [hbm4b:s12+s29], $0x10, $0x38;
	[tilespmem:$0x1F660] =	vst v63  }
0x125: {  	s3 =	sadd.s32 s8, s3  }
0x126: {  	[tilespmem:s31], [sflag:$0x1] =	stream.linear.gather [hbm4b:s3+s29], $0x100, $0x38;
	[tilespmem:$0x1F660] =	vst v63  }
0x127: {  	_ =	swait.ge [sflag:s22], $0x900  }
0x128: {  	[sflag:s22] =	ssyncset.done $0x0  }
0x129: {  	[sflag:s22] =	ssyncadd.s32 $0xFFFFF700  }
0x12a: {  	_ =	swait.ge [sflag:s22], $0x1000  }
0x12b: {  	[sflag:s22] =	ssyncset.done $0x0  }
0x12c: {  	s23 =	simm.s32 $0x24E0;
	[sflag:s22] =	ssyncadd.s32 $0xFFFFF000  }
0x12d: {  	s28 =	simm.s32 $0xBA0;
	v7 =	vld [tilespmem:s23+$0xFFFFFFE0]  }
0x12e: {  	v8 =	vld [tilespmem:s28+$0x20]  }
0x12f: {  	v9 =	vld [tilespmem:s23+$0xFFFFFFC0]  }
0x130: {  	v10 =	vld [tilespmem:s28+$0x0]  }
0x131: {  	v11 =	vld [tilespmem:s23+$0xFFFFFFA0]  }
0x132: {  	v12 =	vld [tilespmem:s28+$0xFFFFFFE0]  }
0x133: {  	v13 =	vld [tilespmem:s23+$0xFFFFFFB0]  }
0x134: {  	v14 =	vld [tilespmem:s28+$0xFFFFFFF0]  }
0x135: {  	v15 =	vld [tilespmem:s23+$0xFFFFFF90]  }
0x136: {  	v16 =	vld [tilespmem:s28+$0xFFFFFFD0]  }
0x137: {  	s29 =	simm.s32 $0x0;
	v17 =	vld [tilespmem:s28+$0x40]  }
0x138: {  	v18 =	vld [tilespmem:s29+$0x160]  }
0x139: {  	v19 =	vld [tilespmem:s23+$0xFFFFFF80]  }
0x13a: {  	v20 =	vld [tilespmem:s28+$0xFFFFFFC0]  }
0x13b: {  	v21 =	vld [tilespmem:s23+$0xFFFFFFD0]  }
0x13c: {  	v22 =	vld [tilespmem:s28+$0x10]  }
0x13d: {  	v56 =	vld [tilespmem:s23+$0xFFFFFFF0];
	v15 =	vmul.f32 v15, v16;
	v55 =	vmul.f32 v17, v18  }
0x13e: {  	v57 =	vld [tilespmem:s28+$0x30];
	v11 =	vmul.f32 v11, v12  }
0x13f: {  	v13 =	vmul.f32 v13, v14;
	v58 =	vmul.f32 v19, v20;
	v15 =	vadd.f32 v15, v55  }
0x140: {  	v9 =	vmul.f32 v9, v10  }
0x141: {  	v60 =	vmul.f32 v21, v22;
	v11 =	vadd.f32 v11, v58;
	v59 =	vadd.f32 v13, v15  }
0x142: {  	v7 =	vmul.f32 v7, v8  }
0x143: {  	v61 =	vmul.f32 v56, v57;
	v9 =	vadd.f32 v9, v11;
	v8 =	vadd.f32 v60, v59;
	_ =	sdelay $0x1  }
0x144: {  	v7 =	vadd.f32 v7, v9;
	v8 =	vadd.f32 v61, v8;
	_ =	sdelay $0x1  }
0x145: {  	v7 =	vadd.f32 v7, v8;
	_ =	sdelay $0x1  }
0x146: {  	v8 =	vperm.xlane v7, v2;
	_ =	sdelay $0x1  }
0x147: {  	v7 =	vadd.f32 v7, v8;
	_ =	sdelay $0x1  }
0x148: {  	v8 =	vperm.xlane v7, v3;
	_ =	sdelay $0x1  }
0x149: {  	v7 =	vadd.f32 v7, v8;
	_ =	sdelay $0x1  }
0x14a: {  	v8 =	vperm.xlane v7, v4;
	_ =	sdelay $0x1  }
0x14b: {  	v7 =	vadd.f32 v7, v8;
	_ =	sdelay $0x1  }
0x14c: {  	v8 =	vperm.xlane v7, v6;
	_ =	sdelay $0x1  }
0x14d: {  	v7 =	vadd.f32 v7, v8;
	_ =	sdelay $0x1  }
0x14e: {  	v7 =	vmul.f32 $8.838834610e-02, v7;
	_ =	sdelay $0x1  }
0x14f: {  	v7 =	vmul.f32 $1.442695020e+00, v7;
	_ =	sdelay $0x1  }
0x150: {  	(erf) = vpow2.f32 v7;
	_ =	sdelay $0x4  }
0x151: {  	v7 =	vld [tilespmem:s23+$0x0];
	_ =	sdelay $0x3  }
0x152: {  	v8 =	vpop (erf)  }
0x153: {  	v7 =	vmul.f32 v8, v7  }
0x154: {  	s3 =	simm.s32 $0x34B0  }
0x155: {  	[tilespmem:s3+$0xFFFFFFB0] =	vst v7  }
0x156: {  	v7 =	vld [tilespmem:s23+$0x10];
	_ =	sdelay $0x4  }
0x157: {  	v7 =	vmul.f32 v8, v7;
	_ =	sdelay $0x1  }
0x158: {  	[tilespmem:s3+$0xFFFFFFC0] =	vst v7  }
0x159: {  	v7 =	vld [tilespmem:s23+$0x20];
	_ =	sdelay $0x4  }
0x15a: {  	v7 =	vmul.f32 v8, v7;
	_ =	sdelay $0x1  }
0x15b: {  	[tilespmem:s3+$0xFFFFFFD0] =	vst v7  }
0x15c: {  	v7 =	vld [tilespmem:s23+$0x30];
	_ =	sdelay $0x4  }
0x15d: {  	v7 =	vmul.f32 v7, v8;
	_ =	sdelay $0x1  }
0x15e: {  	[tilespmem:s3+$0xFFFFFFE0] =	vst v7  }
0x15f: {  	v7 =	vld [tilespmem:s23+$0x40];
	_ =	sdelay $0x4  }
0x160: {  	v7 =	vmul.f32 v7, v8;
	_ =	sdelay $0x1  }
0x161: {  	[tilespmem:s3+$0xFFFFFFF0] =	vst v7  }
0x162: {  	v7 =	vld [tilespmem:s23+$0x50];
	_ =	sdelay $0x4  }
0x163: {  	v7 =	vmul.f32 v7, v8;
	_ =	sdelay $0x1  }
0x164: {  	[tilespmem:s3+$0x0] =	vst v7  }
0x165: {  	v7 =	vld [tilespmem:s23+$0x60];
	_ =	sdelay $0x4  }
0x166: {  	v7 =	vmul.f32 v7, v8;
	_ =	sdelay $0x1  }
0x167: {  	[tilespmem:s3+$0x10] =	vst v7  }
0x168: {  	v7 =	vld [tilespmem:s23+$0x70];
	_ =	sdelay $0x2  }
0x169: {  	v62 =	vmul.f32 v8, v18;
	v63 =	vnsel vm0, $0x0, v8  }
0x16a: {  	[tilespmem:s3+$0x40] =	vst v63  }
0x16b: {  	s12 =	simm.s32 $0x40;
	[tilespmem:s3+$0x30] =	vst v62;
	v7 =	vmul.f32 v7, v8  }
.LBB2_7:
0x16c: {  	_ = 	snop  }
0x16d: {  	s23 =	sadd.s32 $0x100, s23;
	s28 =	sadd.s32 $0x90, s28;
	[tilespmem:s3+$0x20] =	vst v7;
	s3 =	sadd.s32 $0xA0, s3  }
0x16e: {  	p0 =	sne.s32 s12, $0x3C0;
	s15 =	smov.u32 s12;
	s12 =	sadd.s32 $0x40, s12;
	v7 =	vld [tilespmem:s23+$0xFFFFFFE0]  }
0x16f: {  	v8 =	vld [tilespmem:s28+$0x20]  }
0x170: {  	v9 =	vld [tilespmem:s23+$0xFFFFFFC0]  }
0x171: {  	v10 =	vld [tilespmem:s28+$0x0]  }
0x172: {  	v11 =	vld [tilespmem:s23+$0xFFFFFFA0]  }
0x173: {  	v12 =	vld [tilespmem:s28+$0xFFFFFFE0]  }
0x174: {  	v13 =	vld [tilespmem:s23+$0xFFFFFFB0]  }
0x175: {  	v14 =	vld [tilespmem:s28+$0xFFFFFFF0]  }
0x176: {  	v15 =	vld [tilespmem:s23+$0xFFFFFF90];
	v9 =	vmul.f32 v9, v10  }
0x177: {  	v10 =	vld [tilespmem:s28+$0xFFFFFFD0]  }
0x178: {  	s15 =	sshra.s32 s15, $0x2;
	v16 =	vld [tilespmem:s28+$0x40];
	v11 =	vmul.f32 v11, v12  }
0x179: {  	v12 =	vld [tilespmem:s15+$0x160]  }
0x17a: {  	v17 =	vld [tilespmem:s23+$0xFFFFFF80];
	v13 =	vmul.f32 v13, v14  }
0x17b: {  	v14 =	vld [tilespmem:s28+$0xFFFFFFC0]  }
0x17c: {  	v10 =	vmul.f32 v15, v10;
	v15 =	vld [tilespmem:s23+$0xFFFFFFD0]  }
0x17d: {  	v18 =	vld [tilespmem:s28+$0x10]  }
0x17e: {  	v16 =	vmul.f32 v16, v12;
	v19 =	vld [tilespmem:s23+$0xFFFFFFF0]  }
0x17f: {  	v20 =	vld [tilespmem:s28+$0x30]  }
0x180: {  	v14 =	vmul.f32 v17, v14;
	v10 =	vadd.f32 v10, v16;
	_ =	sdelay $0x1  }
0x181: {  	v10 =	vadd.f32 v13, v10;
	v13 =	vmul.f32 v15, v18;
	v11 =	vadd.f32 v11, v14  }
0x182: {  	v7 =	vmul.f32 v7, v8  }
0x183: {  	v8 =	vadd.f32 v13, v10;
	v10 =	vmul.f32 v19, v20;
	v9 =	vadd.f32 v9, v11;
	_ =	sdelay $0x1  }
0x184: {  	v8 =	vadd.f32 v10, v8;
	v7 =	vadd.f32 v7, v9;
	_ =	sdelay $0x1  }
0x185: {  	v7 =	vadd.f32 v7, v8;
	_ =	sdelay $0x1  }
0x186: {  	v8 =	vperm.xlane v7, v2;
	_ =	sdelay $0x1  }
0x187: {  	v7 =	vadd.f32 v7, v8;
	_ =	sdelay $0x1  }
0x188: {  	v8 =	vperm.xlane v7, v3;
	_ =	sdelay $0x1  }
0x189: {  	v7 =	vadd.f32 v7, v8;
	_ =	sdelay $0x1  }
0x18a: {  	v8 =	vperm.xlane v7, v4;
	_ =	sdelay $0x1  }
0x18b: {  	v7 =	vadd.f32 v7, v8;
	_ =	sdelay $0x1  }
0x18c: {  	v8 =	vperm.xlane v7, v6;
	_ =	sdelay $0x1  }
0x18d: {  	v7 =	vadd.f32 v7, v8;
	_ =	sdelay $0x1  }
0x18e: {  	v7 =	vmul.f32 $8.838834610e-02, v7;
	_ =	sdelay $0x1  }
0x18f: {  	v7 =	vmul.f32 $1.442695020e+00, v7;
	_ =	sdelay $0x1  }
0x190: {  	(erf) = vpow2.f32 v7;
	_ =	sdelay $0x4  }
0x191: {  	v7 =	vld [tilespmem:s23+$0x0];
	_ =	sdelay $0x3  }
0x192: {  	v8 =	vpop (erf)  }
0x193: {  	v7 =	vmul.f32 v8, v7;
	v9 =	vmul.f32 v8, v12;
	_ =	sdelay $0x1  }
0x194: {  	[tilespmem:s3+$0xFFFFFFB0] =	vst v7  }
0x195: {  	v7 =	vld [tilespmem:s23+$0x10];
	_ =	sdelay $0x4  }
0x196: {  	v7 =	vmul.f32 v8, v7;
	_ =	sdelay $0x1  }
0x197: {  	[tilespmem:s3+$0xFFFFFFC0] =	vst v7  }
0x198: {  	v7 =	vld [tilespmem:s23+$0x20];
	_ =	sdelay $0x4  }
0x199: {  	v7 =	vmul.f32 v8, v7;
	_ =	sdelay $0x1  }
0x19a: {  	[tilespmem:s3+$0xFFFFFFD0] =	vst v7  }
0x19b: {  	v7 =	vld [tilespmem:s23+$0x30];
	_ =	sdelay $0x4  }
0x19c: {  	v7 =	vmul.f32 v7, v8;
	_ =	sdelay $0x1  }
0x19d: {  	[tilespmem:s3+$0xFFFFFFE0] =	vst v7  }
0x19e: {  	v7 =	vld [tilespmem:s23+$0x40];
	_ =	sdelay $0x4  }
0x19f: {  	v7 =	vmul.f32 v7, v8;
	_ =	sdelay $0x1  }
0x1a0: {  	[tilespmem:s3+$0xFFFFFFF0] =	vst v7  }
0x1a1: {  	v7 =	vld [tilespmem:s23+$0x50];
	_ =	sdelay $0x4  }
0x1a2: {  	v7 =	vmul.f32 v7, v8;
	_ =	sdelay $0x1  }
0x1a3: {  	[tilespmem:s3+$0x0] =	vst v7  }
0x1a4: {  	v7 =	vld [tilespmem:s23+$0x60];
	_ =	sdelay $0x4  }
0x1a5: {  	v7 =	vmul.f32 v7, v8;
	_ =	sdelay $0x1  }
0x1a6: {  	[tilespmem:s3+$0x10] =	vst v7  }
0x1a7: {  	v10 =	vnsel vm0, $0x0, v8;
	v7 =	vld [tilespmem:s23+$0x70]  }
.Ltmp2:
0x1a8: {  	[tilespmem:s3+$0x40] =	vst v10;
	(pc) =	sbr.rel @p0 .LBB2_7-.Ltmp2, $2  }
0x1a9: {  	[tilespmem:s3+$0x30] =	vst v9;
	_ =	sdelay $0x2  }
0x1aa: {  	v7 =	vmul.f32 v7, v8  }
0x1ab: {  	_ = 	snop  }
0x1ac: {  	[tilespmem:s3+$0x20] =	vst v7  }
0x1ad: {  	_ =	swait.ge [sflag:s0], $0x10  }
0x1ae: {  	[sflag:s0] =	ssyncset.done $0x0  }
0x1af: {  	[sflag:s0] =	ssyncadd.s32 $0xFFFFFFF0  }
0x1b0: {  	_ =	swait.ge [sflag:s0], $0x10  }
0x1b1: {  	[sflag:s0] =	ssyncset.done $0x0  }
0x1b2: {  	[sflag:s0] =	ssyncadd.s32 $0xFFFFFFF0  }
0x1b3: {  	_ =	swait.ge [sflag:s0], $0x100  }
0x1b4: {  	[sflag:s0] =	ssyncset.done $0x0  }
0x1b5: {  	[sflag:s0] =	ssyncadd.s32 $0xFFFFFF00  }
0x1b6: {  	v7 =	vld [tilespmem:$0x0]  }
0x1b7: {  	v8 =	vld [tilespmem:$0x20];
	_ =	sdelay $0x3  }
0x1b8: {  	v7 =	vadd.s32 v0, v7  }
0x1b9: {  	[tilespmem:$0x0] =	vst v7;
	v7 =	vadd.s32 v0, v8  }
0x1ba: {  	s24 =	sadd.s32 $0x1, s24;
	[tilespmem:$0x40] =	vst v7  }
0x1bb: {  	[tilespmem:s20], [sflag:$0x3] =	stream.indirect.gather [hbm4b:s5+s4], $0x90, s19, s4, $0xb8;
	[tilespmem:$0x1F660] =	vst v63  }
0x1bc: {  	s29 =	simm.s32 $0x0;
	p0 =	sne.s32 s24, $0x138  }
0x1bd: {  	[tilespmem:s25], [sflag:$0x3] =	stream.indirect.gather [hbm4b:s6+s4], $0x100, s29, s4, $0xb8;
	[tilespmem:$0x1F660] =	vst v63  }
.Ltmp3:
0x1be: {  	_ = 	snop;
	(pc) =	sbr.rel @p0 .LBB2_4-.Ltmp3, $4  }
0x1bf: {  	[spmem:s2] =	stream.indirect.scatter.add.f32 [tilespmem:s18], [sflag:$0x6], $0xA0, s11, s4, $0xb8;
	[tilespmem:$0x1F660] =	vst v63  }
0x1c0: {  	_ =	swait.ge [sflag:s21], $0xA00  }
0x1c1: {  	[sflag:s21] =	ssyncset.done $0x0  }
0x1c2: {  	[sflag:s21] =	ssyncadd.s32 $0xFFFFF600  }
0x1c3: {  	_ =	swait.ge [sflag:s13], $0x900  }
0x1c4: {  	[sflag:s13] =	ssyncset.done $0x0  }
0x1c5: {  	[sflag:s13] =	ssyncadd.s32 $0xFFFFF700  }
0x1c6: {  	_ =	swait.ge [sflag:s13], $0x1000  }
0x1c7: {  	[sflag:s13] =	ssyncset.done $0x0  }
0x1c8: {  	s10 =	simm.s32 $0x14E0;
	[sflag:s13] =	ssyncadd.s32 $0xFFFFF000  }
0x1c9: {  	s23 =	simm.s32 $0x2A0;
	v7 =	vld [tilespmem:s10+$0xFFFFFFE0]  }
0x1ca: {  	v8 =	vld [tilespmem:s23+$0x20]  }
0x1cb: {  	v9 =	vld [tilespmem:s10+$0xFFFFFFC0]  }
0x1cc: {  	v10 =	vld [tilespmem:s23+$0x0]  }
0x1cd: {  	v11 =	vld [tilespmem:s10+$0xFFFFFFA0]  }
0x1ce: {  	v12 =	vld [tilespmem:s23+$0xFFFFFFE0]  }
0x1cf: {  	v13 =	vld [tilespmem:s10+$0xFFFFFFB0]  }
0x1d0: {  	v14 =	vld [tilespmem:s23+$0xFFFFFFF0]  }
0x1d1: {  	v15 =	vld [tilespmem:s10+$0xFFFFFF90]  }
0x1d2: {  	v16 =	vld [tilespmem:s23+$0xFFFFFFD0]  }
0x1d3: {  	s3 =	simm.s32 $0x0;
	v17 =	vld [tilespmem:s23+$0x40]  }
0x1d4: {  	v18 =	vld [tilespmem:s3+$0x60]  }
0x1d5: {  	v19 =	vld [tilespmem:s10+$0xFFFFFF80]  }
0x1d6: {  	v20 =	vld [tilespmem:s23+$0xFFFFFFC0]  }
0x1d7: {  	v21 =	vld [tilespmem:s10+$0xFFFFFFD0]  }
0x1d8: {  	v22 =	vld [tilespmem:s23+$0x10]  }
0x1d9: {  	v56 =	vld [tilespmem:s10+$0xFFFFFFF0];
	v15 =	vmul.f32 v15, v16;
	v55 =	vmul.f32 v17, v18  }
0x1da: {  	v57 =	vld [tilespmem:s23+$0x30];
	v11 =	vmul.f32 v11, v12  }
0x1db: {  	v13 =	vmul.f32 v13, v14;
	v58 =	vmul.f32 v19, v20;
	v15 =	vadd.f32 v15, v55  }
0x1dc: {  	v9 =	vmul.f32 v9, v10  }
0x1dd: {  	v60 =	vmul.f32 v21, v22;
	v11 =	vadd.f32 v11, v58;
	v59 =	vadd.f32 v13, v15  }
0x1de: {  	v7 =	vmul.f32 v7, v8  }
0x1df: {  	v61 =	vmul.f32 v56, v57;
	v9 =	vadd.f32 v9, v11;
	v8 =	vadd.f32 v60, v59;
	_ =	sdelay $0x1  }
0x1e0: {  	v7 =	vadd.f32 v7, v9;
	v8 =	vadd.f32 v61, v8;
	_ =	sdelay $0x1  }
0x1e1: {  	v7 =	vadd.f32 v7, v8;
	_ =	sdelay $0x1  }
0x1e2: {  	v8 =	vperm.xlane v7, v2;
	_ =	sdelay $0x1  }
0x1e3: {  	v7 =	vadd.f32 v7, v8;
	_ =	sdelay $0x1  }
0x1e4: {  	v8 =	vperm.xlane v7, v3;
	_ =	sdelay $0x1  }
0x1e5: {  	v7 =	vadd.f32 v7, v8;
	_ =	sdelay $0x1  }
0x1e6: {  	v8 =	vperm.xlane v7, v4;
	_ =	sdelay $0x1  }
0x1e7: {  	v7 =	vadd.f32 v7, v8;
	_ =	sdelay $0x1  }
0x1e8: {  	v8 =	vperm.xlane v7, v6;
	_ =	sdelay $0x1  }
0x1e9: {  	v7 =	vadd.f32 v7, v8;
	_ =	sdelay $0x1  }
0x1ea: {  	v7 =	vmul.f32 $8.838834610e-02, v7;
	_ =	sdelay $0x1  }
0x1eb: {  	v7 =	vmul.f32 $1.442695020e+00, v7;
	_ =	sdelay $0x1  }
0x1ec: {  	(erf) = vpow2.f32 v7;
	_ =	sdelay $0x4  }
0x1ed: {  	v7 =	vld [tilespmem:s10+$0x0];
	_ =	sdelay $0x3  }
0x1ee: {  	v8 =	vpop (erf)  }
0x1ef: {  	v7 =	vmul.f32 v8, v7  }
0x1f0: {  	s3 =	simm.s32 $0x34B0  }
0x1f1: {  	[tilespmem:s3+$0xFFFFFFB0] =	vst v7  }
0x1f2: {  	v7 =	vld [tilespmem:s10+$0x10];
	_ =	sdelay $0x4  }
0x1f3: {  	v7 =	vmul.f32 v8, v7;
	_ =	sdelay $0x1  }
0x1f4: {  	[tilespmem:s3+$0xFFFFFFC0] =	vst v7  }
0x1f5: {  	v7 =	vld [tilespmem:s10+$0x20];
	_ =	sdelay $0x4  }
0x1f6: {  	v7 =	vmul.f32 v8, v7;
	_ =	sdelay $0x1  }
0x1f7: {  	[tilespmem:s3+$0xFFFFFFD0] =	vst v7  }
0x1f8: {  	v7 =	vld [tilespmem:s10+$0x30];
	_ =	sdelay $0x4  }
0x1f9: {  	v7 =	vmul.f32 v7, v8;
	_ =	sdelay $0x1  }
0x1fa: {  	[tilespmem:s3+$0xFFFFFFE0] =	vst v7  }
0x1fb: {  	v7 =	vld [tilespmem:s10+$0x40];
	_ =	sdelay $0x4  }
0x1fc: {  	v7 =	vmul.f32 v7, v8;
	_ =	sdelay $0x1  }
0x1fd: {  	[tilespmem:s3+$0xFFFFFFF0] =	vst v7  }
0x1fe: {  	v7 =	vld [tilespmem:s10+$0x50];
	_ =	sdelay $0x4  }
0x1ff: {  	v7 =	vmul.f32 v7, v8;
	_ =	sdelay $0x1  }
0x200: {  	[tilespmem:s3+$0x0] =	vst v7  }
0x201: {  	v7 =	vld [tilespmem:s10+$0x60];
	_ =	sdelay $0x4  }
0x202: {  	v7 =	vmul.f32 v7, v8;
	_ =	sdelay $0x1  }
0x203: {  	[tilespmem:s3+$0x10] =	vst v7  }
0x204: {  	v7 =	vld [tilespmem:s10+$0x70];
	_ =	sdelay $0x2  }
0x205: {  	v62 =	vmul.f32 v8, v18;
	v63 =	vnsel vm0, $0x0, v8  }
0x206: {  	[tilespmem:s3+$0x40] =	vst v63  }
0x207: {  	s12 =	simm.s32 $0x40;
	[tilespmem:s3+$0x30] =	vst v62;
	v7 =	vmul.f32 v7, v8  }
.LBB2_10:
0x208: {  	_ = 	snop  }
0x209: {  	s10 =	sadd.s32 $0x100, s10;
	s23 =	sadd.s32 $0x90, s23;
	[tilespmem:s3+$0x20] =	vst v7;
	s3 =	sadd.s32 $0xA0, s3  }
0x20a: {  	p0 =	sne.s32 s12, $0x3C0;
	s15 =	smov.u32 s12;
	s12 =	sadd.s32 $0x40, s12;
	v7 =	vld [tilespmem:s10+$0xFFFFFFE0]  }
0x20b: {  	v8 =	vld [tilespmem:s23+$0x20]  }
0x20c: {  	v9 =	vld [tilespmem:s10+$0xFFFFFFC0]  }
0x20d: {  	v10 =	vld [tilespmem:s23+$0x0]  }
0x20e: {  	v11 =	vld [tilespmem:s10+$0xFFFFFFA0]  }
0x20f: {  	v12 =	vld [tilespmem:s23+$0xFFFFFFE0]  }
0x210: {  	v13 =	vld [tilespmem:s10+$0xFFFFFFB0]  }
0x211: {  	v14 =	vld [tilespmem:s23+$0xFFFFFFF0]  }
0x212: {  	v15 =	vld [tilespmem:s10+$0xFFFFFF90];
	v9 =	vmul.f32 v9, v10  }
0x213: {  	v10 =	vld [tilespmem:s23+$0xFFFFFFD0]  }
0x214: {  	s15 =	sshra.s32 s15, $0x2;
	v16 =	vld [tilespmem:s23+$0x40];
	v11 =	vmul.f32 v11, v12  }
0x215: {  	v12 =	vld [tilespmem:s15+$0x60]  }
0x216: {  	v17 =	vld [tilespmem:s10+$0xFFFFFF80];
	v13 =	vmul.f32 v13, v14  }
0x217: {  	v14 =	vld [tilespmem:s23+$0xFFFFFFC0]  }
0x218: {  	v10 =	vmul.f32 v15, v10;
	v15 =	vld [tilespmem:s10+$0xFFFFFFD0]  }
0x219: {  	v18 =	vld [tilespmem:s23+$0x10]  }
0x21a: {  	v16 =	vmul.f32 v16, v12;
	v19 =	vld [tilespmem:s10+$0xFFFFFFF0]  }
0x21b: {  	v20 =	vld [tilespmem:s23+$0x30]  }
0x21c: {  	v14 =	vmul.f32 v17, v14;
	v10 =	vadd.f32 v10, v16;
	_ =	sdelay $0x1  }
0x21d: {  	v10 =	vadd.f32 v13, v10;
	v13 =	vmul.f32 v15, v18;
	v11 =	vadd.f32 v11, v14  }
0x21e: {  	v7 =	vmul.f32 v7, v8  }
0x21f: {  	v8 =	vadd.f32 v13, v10;
	v10 =	vmul.f32 v19, v20;
	v9 =	vadd.f32 v9, v11;
	_ =	sdelay $0x1  }
0x220: {  	v8 =	vadd.f32 v10, v8;
	v7 =	vadd.f32 v7, v9;
	_ =	sdelay $0x1  }
0x221: {  	v7 =	vadd.f32 v7, v8;
	_ =	sdelay $0x1  }
0x222: {  	v8 =	vperm.xlane v7, v2;
	_ =	sdelay $0x1  }
0x223: {  	v7 =	vadd.f32 v7, v8;
	_ =	sdelay $0x1  }
0x224: {  	v8 =	vperm.xlane v7, v3;
	_ =	sdelay $0x1  }
0x225: {  	v7 =	vadd.f32 v7, v8;
	_ =	sdelay $0x1  }
0x226: {  	v8 =	vperm.xlane v7, v4;
	_ =	sdelay $0x1  }
0x227: {  	v7 =	vadd.f32 v7, v8;
	_ =	sdelay $0x1  }
0x228: {  	v8 =	vperm.xlane v7, v6;
	_ =	sdelay $0x1  }
0x229: {  	v7 =	vadd.f32 v7, v8;
	_ =	sdelay $0x1  }
0x22a: {  	v7 =	vmul.f32 $8.838834610e-02, v7;
	_ =	sdelay $0x1  }
0x22b: {  	v7 =	vmul.f32 $1.442695020e+00, v7;
	_ =	sdelay $0x1  }
0x22c: {  	(erf) = vpow2.f32 v7;
	_ =	sdelay $0x4  }
0x22d: {  	v7 =	vld [tilespmem:s10+$0x0];
	_ =	sdelay $0x3  }
0x22e: {  	v8 =	vpop (erf)  }
0x22f: {  	v7 =	vmul.f32 v8, v7;
	v9 =	vmul.f32 v8, v12;
	_ =	sdelay $0x1  }
0x230: {  	[tilespmem:s3+$0xFFFFFFB0] =	vst v7  }
0x231: {  	v7 =	vld [tilespmem:s10+$0x10];
	_ =	sdelay $0x4  }
0x232: {  	v7 =	vmul.f32 v8, v7;
	_ =	sdelay $0x1  }
0x233: {  	[tilespmem:s3+$0xFFFFFFC0] =	vst v7  }
0x234: {  	v7 =	vld [tilespmem:s10+$0x20];
	_ =	sdelay $0x4  }
0x235: {  	v7 =	vmul.f32 v8, v7;
	_ =	sdelay $0x1  }
0x236: {  	[tilespmem:s3+$0xFFFFFFD0] =	vst v7  }
0x237: {  	v7 =	vld [tilespmem:s10+$0x30];
	_ =	sdelay $0x4  }
0x238: {  	v7 =	vmul.f32 v7, v8;
	_ =	sdelay $0x1  }
0x239: {  	[tilespmem:s3+$0xFFFFFFE0] =	vst v7  }
0x23a: {  	v7 =	vld [tilespmem:s10+$0x40];
	_ =	sdelay $0x4  }
0x23b: {  	v7 =	vmul.f32 v7, v8;
	_ =	sdelay $0x1  }
0x23c: {  	[tilespmem:s3+$0xFFFFFFF0] =	vst v7  }
0x23d: {  	v7 =	vld [tilespmem:s10+$0x50];
	_ =	sdelay $0x4  }
0x23e: {  	v7 =	vmul.f32 v7, v8;
	_ =	sdelay $0x1  }
0x23f: {  	[tilespmem:s3+$0x0] =	vst v7  }
0x240: {  	v7 =	vld [tilespmem:s10+$0x60];
	_ =	sdelay $0x4  }
0x241: {  	v7 =	vmul.f32 v7, v8;
	_ =	sdelay $0x1  }
0x242: {  	[tilespmem:s3+$0x10] =	vst v7  }
0x243: {  	v10 =	vnsel vm0, $0x0, v8;
	v7 =	vld [tilespmem:s10+$0x70]  }
.Ltmp4:
0x244: {  	[tilespmem:s3+$0x40] =	vst v10;
	(pc) =	sbr.rel @p0 .LBB2_10-.Ltmp4, $2  }
0x245: {  	[tilespmem:s3+$0x30] =	vst v9;
	_ =	sdelay $0x2  }
0x246: {  	v7 =	vmul.f32 v7, v8  }
0x247: {  	_ = 	snop  }
0x248: {  	[tilespmem:s3+$0x20] =	vst v7  }
0x249: {  	[spmem:s2] =	stream.indirect.scatter.add.f32 [tilespmem:s18], [sflag:$0x6], $0xA0, s30, s4, $0xb8;
	[tilespmem:$0x1F660] =	vst v63  }
0x24a: {  	_ =	swait.ge [sflag:s21], $0xA00  }
0x24b: {  	[sflag:s21] =	ssyncset.done $0x0  }
0x24c: {  	[sflag:s21] =	ssyncadd.s32 $0xFFFFF600  }
0x24d: {  	s23 =	stileid.u32;
	[bflag:$0x0] =	sbarrier.arrive $0xFFFF  }
0x24e: {  	s3 =	sshll.u32 s23, $0x6;
	s24 =	rddreg [dreg:$0x4]  }
0x24f: {  	s12 =	sor.u32 $0x1C06, s3;
	s10 =	rddreg [dreg:$0xd]  }
0x250: {  	[dreg:$0x15] =	wrdreg s12;
	s15 =	sshrl.u32 s24, $0x3  }
0x251: {  	[dreg:$0x16] =	wrdreg s15  }
0x252: {  	[hbm:s10], [sflag:s12] =	dma.local [spmem:s15], $0x3200  }
0x253: {  	_ =	swait.ge [sflag:s21], $0x3200  }
0x254: {  	[sflag:s21] =	ssyncset.done $0x0  }
0x255: {  	[sflag:s21] =	ssyncadd.s32 $0xFFFFCE00  }
0x256: {  	s10 =	simm.s32 $0x3E60;
	[bflag:$0x0] =	sbarrier.arrive $0xFFFF  }
0x257: {  	[spmem:s24] =	stream.linear.scatter [tilespmem:s10], [sflag:$0x5], $0x2800, $0x38;
	[tilespmem:$0x1F660] =	vst v63  }
0x258: {  	s28 =	rddreg [dreg:$0x5]  }
0x259: {  	[spmem:s28] =	stream.linear.scatter [tilespmem:s10], [sflag:$0x5], $0x2800, $0x38;
	[tilespmem:$0x1F660] =	vst v63  }
0x25a: {  	s29 =	rddreg [dreg:$0x6]  }
0x25b: {  	[spmem:s29] =	stream.linear.scatter [tilespmem:s10], [sflag:$0x5], $0x2800, $0x38;
	[tilespmem:$0x1F660] =	vst v63  }
0x25c: {  	s12 =	rddreg [dreg:$0x7]  }
0x25d: {  	[spmem:s12] =	stream.linear.scatter [tilespmem:s10], [sflag:$0x5], $0x2800, $0x38;
	[tilespmem:$0x1F660] =	vst v63  }
0x25e: {  	s15 =	rddreg [dreg:$0x8]  }
0x25f: {  	[spmem:s15] =	stream.linear.scatter [tilespmem:s10], [sflag:$0x5], $0x2800, $0x38;
	[tilespmem:$0x1F660] =	vst v63  }
0x260: {  	s23 =	rddreg [dreg:$0x9]  }
0x261: {  	[spmem:s23] =	stream.linear.scatter [tilespmem:s10], [sflag:$0x5], $0x2800, $0x38;
	[tilespmem:$0x1F660] =	vst v63  }
0x262: {  	s24 =	rddreg [dreg:$0xa]  }
0x263: {  	[spmem:s24] =	stream.linear.scatter [tilespmem:s10], [sflag:$0x5], $0x2800, $0x38;
	[tilespmem:$0x1F660] =	vst v63  }
0x264: {  	s28 =	rddreg [dreg:$0xb]  }
0x265: {  	[spmem:s28] =	stream.linear.scatter [tilespmem:s10], [sflag:$0x5], $0x2800, $0x38;
	[tilespmem:$0x1F660] =	vst v63  }
0x266: {  	s29 =	rddreg [dreg:$0xc]  }
0x267: {  	[spmem:s29] =	stream.linear.scatter [tilespmem:s10], [sflag:$0x5], $0x2800, $0x38;
	[tilespmem:$0x1F660] =	vst v63  }
0x268: {  	s12 =	rddreg [dreg:$0xf];
	s15 =	simm.s32 $0x5  }
0x269: {  	[spmem:s12] =	stream.linear.scatter [tilespmem:s10], [sflag:$0x5], $0x2800, $0x38;
	[tilespmem:$0x1F660] =	vst v63  }
0x26a: {  	_ =	swait.ge [sflag:s15], $0x2800  }
0x26b: {  	[sflag:s15] =	ssyncset.done $0x0  }
0x26c: {  	[sflag:s15] =	ssyncadd.s32 $0xFFFFD800  }
0x26d: {  	_ =	swait.ge [sflag:s15], $0x2800  }
0x26e: {  	[sflag:s15] =	ssyncset.done $0x0  }
0x26f: {  	[sflag:s15] =	ssyncadd.s32 $0xFFFFD800  }
0x270: {  	_ =	swait.ge [sflag:s15], $0x2800  }
0x271: {  	[sflag:s15] =	ssyncset.done $0x0  }
0x272: {  	[sflag:s15] =	ssyncadd.s32 $0xFFFFD800  }
0x273: {  	_ =	swait.ge [sflag:s15], $0x2800  }
0x274: {  	[sflag:s15] =	ssyncset.done $0x0  }
0x275: {  	[sflag:s15] =	ssyncadd.s32 $0xFFFFD800  }
0x276: {  	_ =	swait.ge [sflag:s15], $0x2800  }
0x277: {  	[sflag:s15] =	ssyncset.done $0x0  }
0x278: {  	[sflag:s15] =	ssyncadd.s32 $0xFFFFD800  }
0x279: {  	_ =	swait.ge [sflag:s15], $0x2800  }
0x27a: {  	[sflag:s15] =	ssyncset.done $0x0  }
0x27b: {  	[sflag:s15] =	ssyncadd.s32 $0xFFFFD800  }
0x27c: {  	_ =	swait.ge [sflag:s15], $0x2800  }
0x27d: {  	[sflag:s15] =	ssyncset.done $0x0  }
0x27e: {  	[sflag:s15] =	ssyncadd.s32 $0xFFFFD800  }
0x27f: {  	_ =	swait.ge [sflag:s15], $0x2800  }
0x280: {  	[sflag:s15] =	ssyncset.done $0x0  }
0x281: {  	[sflag:s15] =	ssyncadd.s32 $0xFFFFD800  }
0x282: {  	_ =	swait.ge [sflag:s15], $0x2800  }
0x283: {  	[sflag:s15] =	ssyncset.done $0x0  }
0x284: {  	[sflag:s15] =	ssyncadd.s32 $0xFFFFD800  }
0x285: {  	_ =	swait.ge [sflag:s15], $0x2800  }
0x286: {  	[sflag:s15] =	ssyncset.done $0x0  }
0x287: {  	[sflag:s15] =	ssyncadd.s32 $0xFFFFD800  }
0x288: {  	[bflag:$0x0] =	sbarrier.arrive $0xFFFF  }
0x289: {  	s24 =	simm.s32 $0x0;
	s23 =	rddreg [dreg:$0x10]  }
0x28a: {  	[tilespmem:s24], [sflag:$0x1] =	stream.linear.gather [hbm4b:s23+s24], $0x10, $0x38;
	[tilespmem:$0x1F660] =	vst v63  }
0x28b: {  	s28 =	rddreg [dreg:$0x11]  }
0x28c: {  	[tilespmem:s30], [sflag:$0x1] =	stream.linear.gather [hbm4b:s28+s24], $0x10, $0x38;
	[tilespmem:$0x1F660] =	vst v63  }
0x28d: {  	s29 =	rddreg [dreg:$0x12]  }
0x28e: {  	[tilespmem:s31], [sflag:$0x1] =	stream.linear.gather [hbm4b:s29+s24], $0x100, $0x38;
	[tilespmem:$0x1F660] =	vst v63  }
0x28f: {  	_ =	swait.ge [sflag:s0], $0x10  }
0x290: {  	[sflag:s0] =	ssyncset.done $0x0  }
0x291: {  	[sflag:s0] =	ssyncadd.s32 $0xFFFFFFF0  }
0x292: {  	_ =	swait.ge [sflag:s0], $0x10  }
0x293: {  	[sflag:s0] =	ssyncset.done $0x0  }
0x294: {  	[sflag:s0] =	ssyncadd.s32 $0xFFFFFFF0  }
0x295: {  	_ =	swait.ge [sflag:s0], $0x100  }
0x296: {  	[sflag:s0] =	ssyncset.done $0x0  }
0x297: {  	[sflag:s0] =	ssyncadd.s32 $0xFFFFFF00  }
0x298: {  	v7 =	vld [tilespmem:$0x0]  }
0x299: {  	v8 =	vld [tilespmem:$0x20];
	_ =	sdelay $0x3  }
0x29a: {  	v7 =	vadd.s32 v1, v7  }
0x29b: {  	[tilespmem:$0x0] =	vst v7;
	v7 =	vadd.s32 v1, v8  }
0x29c: {  	[tilespmem:$0x40] =	vst v7  }
0x29d: {  	[tilespmem:s20], [sflag:$0x3] =	stream.indirect.gather [hbm4b:s5+s4], $0x90, s19, s4, $0xb8;
	[tilespmem:$0x1F660] =	vst v63  }
0x29e: {  	s10 =	simm.s32 $0x0  }
0x29f: {  	[tilespmem:s25], [sflag:$0x3] =	stream.indirect.gather [hbm4b:s6+s4], $0x100, s24, s4, $0xb8;
	[tilespmem:$0x1F660] =	vst v63  }
.LBB2_12:
0x2a0: {  	s23 =	sshll.u32 s10, $0x5  }
0x2a1: {  	s3 =	sadd.s32 s23, s9  }
0x2a2: {  	s3 =	sadd.s32 $0x10, s3  }
0x2a3: {  	s12 =	sshrl.u32 s3, $0x3  }
0x2a4: {  	s15 =	sadd.s32 s7, s12  }
0x2a5: {  	[tilespmem:s4], [sflag:$0x2] =	stream.linear.gather [hbm4b:s15+s24], $0x10, $0x38;
	[tilespmem:$0x1F660] =	vst v63  }
0x2a6: {  	s3 =	sshll.u32 s3, $0x1;
	s12 =	sadd.s32 s1, s12  }
0x2a7: {  	[tilespmem:s11], [sflag:$0x2] =	stream.linear.gather [hbm4b:s12+s24], $0x10, $0x38;
	[tilespmem:$0x1F660] =	vst v63  }
0x2a8: {  	s3 =	sadd.s32 s8, s3;
	s15 =	simm.s32 $0x160  }
0x2a9: {  	[tilespmem:s15], [sflag:$0x2] =	stream.linear.gather [hbm4b:s3+s24], $0x100, $0x38;
	[tilespmem:$0x1F660] =	vst v63  }
0x2aa: {  	_ =	swait.ge [sflag:s13], $0x900  }
0x2ab: {  	[sflag:s13] =	ssyncset.done $0x0  }
0x2ac: {  	[sflag:s13] =	ssyncadd.s32 $0xFFFFF700  }
0x2ad: {  	_ =	swait.ge [sflag:s13], $0x1000  }
0x2ae: {  	[sflag:s13] =	ssyncset.done $0x0  }
0x2af: {  	s28 =	simm.s32 $0x14E0;
	[sflag:s13] =	ssyncadd.s32 $0xFFFFF000  }
0x2b0: {  	s29 =	simm.s32 $0x2A0;
	v7 =	vld [tilespmem:s28+$0xFFFFFFE0]  }
0x2b1: {  	v8 =	vld [tilespmem:s29+$0x20]  }
0x2b2: {  	v9 =	vld [tilespmem:s28+$0xFFFFFFC0]  }
0x2b3: {  	v10 =	vld [tilespmem:s29+$0x0]  }
0x2b4: {  	v11 =	vld [tilespmem:s28+$0xFFFFFFA0]  }
0x2b5: {  	v12 =	vld [tilespmem:s29+$0xFFFFFFE0]  }
0x2b6: {  	v13 =	vld [tilespmem:s28+$0xFFFFFFB0]  }
0x2b7: {  	v14 =	vld [tilespmem:s29+$0xFFFFFFF0]  }
0x2b8: {  	v15 =	vld [tilespmem:s28+$0xFFFFFF90]  }
0x2b9: {  	v16 =	vld [tilespmem:s29+$0xFFFFFFD0]  }
0x2ba: {  	s15 =	simm.s32 $0x0;
	v17 =	vld [tilespmem:s29+$0x40]  }
0x2bb: {  	v18 =	vld [tilespmem:s15+$0x60]  }
0x2bc: {  	v19 =	vld [tilespmem:s28+$0xFFFFFF80]  }
0x2bd: {  	v20 =	vld [tilespmem:s29+$0xFFFFFFC0]  }
0x2be: {  	v21 =	vld [tilespmem:s28+$0xFFFFFFD0]  }
0x2bf: {  	v22 =	vld [tilespmem:s29+$0x10]  }
0x2c0: {  	v56 =	vld [tilespmem:s28+$0xFFFFFFF0];
	v15 =	vmul.f32 v15, v16;
	v55 =	vmul.f32 v17, v18  }
0x2c1: {  	v57 =	vld [tilespmem:s29+$0x30];
	v11 =	vmul.f32 v11, v12  }
0x2c2: {  	v13 =	vmul.f32 v13, v14;
	v58 =	vmul.f32 v19, v20;
	v15 =	vadd.f32 v15, v55  }
0x2c3: {  	v9 =	vmul.f32 v9, v10  }
0x2c4: {  	v60 =	vmul.f32 v21, v22;
	v11 =	vadd.f32 v11, v58;
	v59 =	vadd.f32 v13, v15  }
0x2c5: {  	v7 =	vmul.f32 v7, v8  }
0x2c6: {  	v61 =	vmul.f32 v56, v57;
	v9 =	vadd.f32 v9, v11;
	v8 =	vadd.f32 v60, v59;
	_ =	sdelay $0x1  }
0x2c7: {  	v7 =	vadd.f32 v7, v9;
	v8 =	vadd.f32 v61, v8;
	_ =	sdelay $0x1  }
0x2c8: {  	v7 =	vadd.f32 v7, v8;
	_ =	sdelay $0x1  }
0x2c9: {  	v8 =	vperm.xlane v7, v2;
	_ =	sdelay $0x1  }
0x2ca: {  	v7 =	vadd.f32 v7, v8;
	_ =	sdelay $0x1  }
0x2cb: {  	v8 =	vperm.xlane v7, v3;
	_ =	sdelay $0x1  }
0x2cc: {  	v7 =	vadd.f32 v7, v8;
	_ =	sdelay $0x1  }
0x2cd: {  	v8 =	vperm.xlane v7, v4;
	_ =	sdelay $0x1  }
0x2ce: {  	v7 =	vadd.f32 v7, v8;
	_ =	sdelay $0x1  }
0x2cf: {  	v8 =	vperm.xlane v7, v6;
	_ =	sdelay $0x1  }
0x2d0: {  	v7 =	vadd.f32 v7, v8;
	_ =	sdelay $0x1  }
0x2d1: {  	v7 =	vmul.f32 $8.838834610e-02, v7;
	_ =	sdelay $0x1  }
0x2d2: {  	v7 =	vmul.f32 $1.442695020e+00, v7;
	_ =	sdelay $0x1  }
0x2d3: {  	(erf) = vpow2.f32 v7;
	_ =	sdelay $0x4  }
0x2d4: {  	v7 =	vld [tilespmem:s28+$0x0];
	_ =	sdelay $0x3  }
0x2d5: {  	v8 =	vpop (erf)  }
0x2d6: {  	v7 =	vmul.f32 v8, v7  }
0x2d7: {  	s3 =	simm.s32 $0x34B0  }
0x2d8: {  	[tilespmem:s3+$0xFFFFFFB0] =	vst v7  }
0x2d9: {  	v7 =	vld [tilespmem:s28+$0x10];
	_ =	sdelay $0x4  }
0x2da: {  	v7 =	vmul.f32 v8, v7;
	_ =	sdelay $0x1  }
0x2db: {  	[tilespmem:s3+$0xFFFFFFC0] =	vst v7  }
0x2dc: {  	v7 =	vld [tilespmem:s28+$0x20];
	_ =	sdelay $0x4  }
0x2dd: {  	v7 =	vmul.f32 v8, v7;
	_ =	sdelay $0x1  }
0x2de: {  	[tilespmem:s3+$0xFFFFFFD0] =	vst v7  }
0x2df: {  	v7 =	vld [tilespmem:s28+$0x30];
	_ =	sdelay $0x4  }
0x2e0: {  	v7 =	vmul.f32 v7, v8;
	_ =	sdelay $0x1  }
0x2e1: {  	[tilespmem:s3+$0xFFFFFFE0] =	vst v7  }
0x2e2: {  	v7 =	vld [tilespmem:s28+$0x40];
	_ =	sdelay $0x4  }
0x2e3: {  	v7 =	vmul.f32 v7, v8;
	_ =	sdelay $0x1  }
0x2e4: {  	[tilespmem:s3+$0xFFFFFFF0] =	vst v7  }
0x2e5: {  	v7 =	vld [tilespmem:s28+$0x50];
	_ =	sdelay $0x4  }
0x2e6: {  	v7 =	vmul.f32 v7, v8;
	_ =	sdelay $0x1  }
0x2e7: {  	[tilespmem:s3+$0x0] =	vst v7  }
0x2e8: {  	v7 =	vld [tilespmem:s28+$0x60];
	_ =	sdelay $0x4  }
0x2e9: {  	v7 =	vmul.f32 v7, v8;
	_ =	sdelay $0x1  }
0x2ea: {  	[tilespmem:s3+$0x10] =	vst v7  }
0x2eb: {  	v7 =	vld [tilespmem:s28+$0x70];
	_ =	sdelay $0x2  }
0x2ec: {  	v62 =	vmul.f32 v8, v18;
	v63 =	vnsel vm0, $0x0, v8  }
0x2ed: {  	[tilespmem:s3+$0x40] =	vst v63  }
0x2ee: {  	s12 =	simm.s32 $0x40;
	[tilespmem:s3+$0x30] =	vst v62;
	v7 =	vmul.f32 v7, v8  }
.LBB2_13:
0x2ef: {  	_ = 	snop  }
0x2f0: {  	s28 =	sadd.s32 $0x100, s28;
	s29 =	sadd.s32 $0x90, s29;
	[tilespmem:s3+$0x20] =	vst v7;
	s3 =	sadd.s32 $0xA0, s3  }
0x2f1: {  	p0 =	sne.s32 s12, $0x3C0;
	s15 =	smov.u32 s12;
	s12 =	sadd.s32 $0x40, s12;
	v7 =	vld [tilespmem:s28+$0xFFFFFFE0]  }
0x2f2: {  	v8 =	vld [tilespmem:s29+$0x20]  }
0x2f3: {  	v9 =	vld [tilespmem:s28+$0xFFFFFFC0]  }
0x2f4: {  	v10 =	vld [tilespmem:s29+$0x0]  }
0x2f5: {  	v11 =	vld [tilespmem:s28+$0xFFFFFFA0]  }
0x2f6: {  	v12 =	vld [tilespmem:s29+$0xFFFFFFE0]  }
0x2f7: {  	v13 =	vld [tilespmem:s28+$0xFFFFFFB0]  }
0x2f8: {  	v14 =	vld [tilespmem:s29+$0xFFFFFFF0]  }
0x2f9: {  	v15 =	vld [tilespmem:s28+$0xFFFFFF90];
	v9 =	vmul.f32 v9, v10  }
0x2fa: {  	v10 =	vld [tilespmem:s29+$0xFFFFFFD0]  }
0x2fb: {  	s15 =	sshra.s32 s15, $0x2;
	v16 =	vld [tilespmem:s29+$0x40];
	v11 =	vmul.f32 v11, v12  }
0x2fc: {  	v12 =	vld [tilespmem:s15+$0x60]  }
0x2fd: {  	v17 =	vld [tilespmem:s28+$0xFFFFFF80];
	v13 =	vmul.f32 v13, v14  }
0x2fe: {  	v14 =	vld [tilespmem:s29+$0xFFFFFFC0]  }
0x2ff: {  	v10 =	vmul.f32 v15, v10;
	v15 =	vld [tilespmem:s28+$0xFFFFFFD0]  }
0x300: {  	v18 =	vld [tilespmem:s29+$0x10]  }
0x301: {  	v16 =	vmul.f32 v16, v12;
	v19 =	vld [tilespmem:s28+$0xFFFFFFF0]  }
0x302: {  	v20 =	vld [tilespmem:s29+$0x30]  }
0x303: {  	v14 =	vmul.f32 v17, v14;
	v10 =	vadd.f32 v10, v16;
	_ =	sdelay $0x1  }
0x304: {  	v10 =	vadd.f32 v13, v10;
	v13 =	vmul.f32 v15, v18;
	v11 =	vadd.f32 v11, v14  }
0x305: {  	v7 =	vmul.f32 v7, v8  }
0x306: {  	v8 =	vadd.f32 v13, v10;
	v10 =	vmul.f32 v19, v20;
	v9 =	vadd.f32 v9, v11;
	_ =	sdelay $0x1  }
0x307: {  	v8 =	vadd.f32 v10, v8;
	v7 =	vadd.f32 v7, v9;
	_ =	sdelay $0x1  }
0x308: {  	v7 =	vadd.f32 v7, v8;
	_ =	sdelay $0x1  }
0x309: {  	v8 =	vperm.xlane v7, v2;
	_ =	sdelay $0x1  }
0x30a: {  	v7 =	vadd.f32 v7, v8;
	_ =	sdelay $0x1  }
0x30b: {  	v8 =	vperm.xlane v7, v3;
	_ =	sdelay $0x1  }
0x30c: {  	v7 =	vadd.f32 v7, v8;
	_ =	sdelay $0x1  }
0x30d: {  	v8 =	vperm.xlane v7, v4;
	_ =	sdelay $0x1  }
0x30e: {  	v7 =	vadd.f32 v7, v8;
	_ =	sdelay $0x1  }
0x30f: {  	v8 =	vperm.xlane v7, v6;
	_ =	sdelay $0x1  }
0x310: {  	v7 =	vadd.f32 v7, v8;
	_ =	sdelay $0x1  }
0x311: {  	v7 =	vmul.f32 $8.838834610e-02, v7;
	_ =	sdelay $0x1  }
0x312: {  	v7 =	vmul.f32 $1.442695020e+00, v7;
	_ =	sdelay $0x1  }
0x313: {  	(erf) = vpow2.f32 v7;
	_ =	sdelay $0x4  }
0x314: {  	v7 =	vld [tilespmem:s28+$0x0];
	_ =	sdelay $0x3  }
0x315: {  	v8 =	vpop (erf)  }
0x316: {  	v7 =	vmul.f32 v8, v7;
	v9 =	vmul.f32 v8, v12;
	_ =	sdelay $0x1  }
0x317: {  	[tilespmem:s3+$0xFFFFFFB0] =	vst v7  }
0x318: {  	v7 =	vld [tilespmem:s28+$0x10];
	_ =	sdelay $0x4  }
0x319: {  	v7 =	vmul.f32 v8, v7;
	_ =	sdelay $0x1  }
0x31a: {  	[tilespmem:s3+$0xFFFFFFC0] =	vst v7  }
0x31b: {  	v7 =	vld [tilespmem:s28+$0x20];
	_ =	sdelay $0x4  }
0x31c: {  	v7 =	vmul.f32 v8, v7;
	_ =	sdelay $0x1  }
0x31d: {  	[tilespmem:s3+$0xFFFFFFD0] =	vst v7  }
0x31e: {  	v7 =	vld [tilespmem:s28+$0x30];
	_ =	sdelay $0x4  }
0x31f: {  	v7 =	vmul.f32 v7, v8;
	_ =	sdelay $0x1  }
0x320: {  	[tilespmem:s3+$0xFFFFFFE0] =	vst v7  }
0x321: {  	v7 =	vld [tilespmem:s28+$0x40];
	_ =	sdelay $0x4  }
0x322: {  	v7 =	vmul.f32 v7, v8;
	_ =	sdelay $0x1  }
0x323: {  	[tilespmem:s3+$0xFFFFFFF0] =	vst v7  }
0x324: {  	v7 =	vld [tilespmem:s28+$0x50];
	_ =	sdelay $0x4  }
0x325: {  	v7 =	vmul.f32 v7, v8;
	_ =	sdelay $0x1  }
0x326: {  	[tilespmem:s3+$0x0] =	vst v7  }
0x327: {  	v7 =	vld [tilespmem:s28+$0x60];
	_ =	sdelay $0x4  }
0x328: {  	v7 =	vmul.f32 v7, v8;
	_ =	sdelay $0x1  }
0x329: {  	[tilespmem:s3+$0x10] =	vst v7  }
0x32a: {  	v10 =	vnsel vm0, $0x0, v8;
	v7 =	vld [tilespmem:s28+$0x70]  }
.Ltmp5:
0x32b: {  	[tilespmem:s3+$0x40] =	vst v10;
	(pc) =	sbr.rel @p0 .LBB2_13-.Ltmp5, $2  }
0x32c: {  	[tilespmem:s3+$0x30] =	vst v9;
	_ =	sdelay $0x2  }
0x32d: {  	v7 =	vmul.f32 v7, v8  }
0x32e: {  	_ = 	snop  }
0x32f: {  	[tilespmem:s3+$0x20] =	vst v7  }
0x330: {  	_ =	swait.ge [sflag:s14], $0x10  }
0x331: {  	[sflag:s14] =	ssyncset.done $0x0  }
0x332: {  	[sflag:s14] =	ssyncadd.s32 $0xFFFFFFF0  }
0x333: {  	_ =	swait.ge [sflag:s14], $0x10  }
0x334: {  	[sflag:s14] =	ssyncset.done $0x0  }
0x335: {  	[sflag:s14] =	ssyncadd.s32 $0xFFFFFFF0  }
0x336: {  	_ =	swait.ge [sflag:s14], $0x100  }
0x337: {  	[sflag:s14] =	ssyncset.done $0x0  }
0x338: {  	[sflag:s14] =	ssyncadd.s32 $0xFFFFFF00  }
0x339: {  	v7 =	vld [tilespmem:$0x10]  }
0x33a: {  	v8 =	vld [tilespmem:$0x30];
	_ =	sdelay $0x3  }
0x33b: {  	v7 =	vadd.s32 v1, v7  }
0x33c: {  	[tilespmem:$0x10] =	vst v7;
	v7 =	vadd.s32 v1, v8  }
0x33d: {  	s15 =	simm.s32 $0x50;
	[tilespmem:$0x50] =	vst v7  }
0x33e: {  	[tilespmem:s16], [sflag:$0x4] =	stream.indirect.gather [hbm4b:s5+s4], $0x90, s15, s4, $0xb8;
	[tilespmem:$0x1F660] =	vst v63  }
0x33f: {  	_ = 	snop  }
0x340: {  	[tilespmem:s17], [sflag:$0x4] =	stream.indirect.gather [hbm4b:s6+s4], $0x100, s4, s4, $0xb8;
	[tilespmem:$0x1F660] =	vst v63  }
0x341: {  	_ = 	snop  }
0x342: {  	[spmem:s2] =	stream.indirect.scatter.add.f32 [tilespmem:s18], [sflag:$0x6], $0xA0, s30, s4, $0xb8;
	[tilespmem:$0x1F660] =	vst v63  }
0x343: {  	s23 =	sadd.s32 s23, s26;
	_ =	swait.ge [sflag:s21], $0xA00  }
0x344: {  	s12 =	sshrl.u32 s23, $0x3;
	[sflag:s21] =	ssyncset.done $0x0  }
0x345: {  	s29 =	simm.s32 $0x0;
	s15 =	sadd.s32 s7, s12;
	[sflag:s21] =	ssyncadd.s32 $0xFFFFF600  }
0x346: {  	[tilespmem:s29], [sflag:$0x1] =	stream.linear.gather [hbm4b:s15+s29], $0x10, $0x38;
	[tilespmem:$0x1F660] =	vst v63  }
0x347: {  	s3 =	sshll.u32 s23, $0x1;
	s12 =	sadd.s32 s1, s12  }
0x348: {  	[tilespmem:s30], [sflag:$0x1] =	stream.linear.gather [hbm4b:s12+s29], $0x10, $0x38;
	[tilespmem:$0x1F660] =	vst v63  }
0x349: {  	s3 =	sadd.s32 s8, s3  }
0x34a: {  	[tilespmem:s31], [sflag:$0x1] =	stream.linear.gather [hbm4b:s3+s29], $0x100, $0x38;
	[tilespmem:$0x1F660] =	vst v63  }
0x34b: {  	_ =	swait.ge [sflag:s22], $0x900  }
0x34c: {  	[sflag:s22] =	ssyncset.done $0x0  }
0x34d: {  	[sflag:s22] =	ssyncadd.s32 $0xFFFFF700  }
0x34e: {  	_ =	swait.ge [sflag:s22], $0x1000  }
0x34f: {  	[sflag:s22] =	ssyncset.done $0x0  }
0x350: {  	s23 =	simm.s32 $0x24E0;
	[sflag:s22] =	ssyncadd.s32 $0xFFFFF000  }
0x351: {  	s28 =	simm.s32 $0xBA0;
	v7 =	vld [tilespmem:s23+$0xFFFFFFE0]  }
0x352: {  	v8 =	vld [tilespmem:s28+$0x20]  }
0x353: {  	v9 =	vld [tilespmem:s23+$0xFFFFFFC0]  }
0x354: {  	v10 =	vld [tilespmem:s28+$0x0]  }
0x355: {  	v11 =	vld [tilespmem:s23+$0xFFFFFFA0]  }
0x356: {  	v12 =	vld [tilespmem:s28+$0xFFFFFFE0]  }
0x357: {  	v13 =	vld [tilespmem:s23+$0xFFFFFFB0]  }
0x358: {  	v14 =	vld [tilespmem:s28+$0xFFFFFFF0]  }
0x359: {  	v15 =	vld [tilespmem:s23+$0xFFFFFF90]  }
0x35a: {  	v16 =	vld [tilespmem:s28+$0xFFFFFFD0]  }
0x35b: {  	s29 =	simm.s32 $0x0;
	v17 =	vld [tilespmem:s28+$0x40]  }
0x35c: {  	v18 =	vld [tilespmem:s29+$0x160]  }
0x35d: {  	v19 =	vld [tilespmem:s23+$0xFFFFFF80]  }
0x35e: {  	v20 =	vld [tilespmem:s28+$0xFFFFFFC0]  }
0x35f: {  	v21 =	vld [tilespmem:s23+$0xFFFFFFD0]  }
0x360: {  	v22 =	vld [tilespmem:s28+$0x10]  }
0x361: {  	v56 =	vld [tilespmem:s23+$0xFFFFFFF0];
	v15 =	vmul.f32 v15, v16;
	v55 =	vmul.f32 v17, v18  }
0x362: {  	v57 =	vld [tilespmem:s28+$0x30];
	v11 =	vmul.f32 v11, v12  }
0x363: {  	v13 =	vmul.f32 v13, v14;
	v58 =	vmul.f32 v19, v20;
	v15 =	vadd.f32 v15, v55  }
0x364: {  	v9 =	vmul.f32 v9, v10  }
0x365: {  	v60 =	vmul.f32 v21, v22;
	v11 =	vadd.f32 v11, v58;
	v59 =	vadd.f32 v13, v15  }
0x366: {  	v7 =	vmul.f32 v7, v8  }
0x367: {  	v61 =	vmul.f32 v56, v57;
	v9 =	vadd.f32 v9, v11;
	v8 =	vadd.f32 v60, v59;
	_ =	sdelay $0x1  }
0x368: {  	v7 =	vadd.f32 v7, v9;
	v8 =	vadd.f32 v61, v8;
	_ =	sdelay $0x1  }
0x369: {  	v7 =	vadd.f32 v7, v8;
	_ =	sdelay $0x1  }
0x36a: {  	v8 =	vperm.xlane v7, v2;
	_ =	sdelay $0x1  }
0x36b: {  	v7 =	vadd.f32 v7, v8;
	_ =	sdelay $0x1  }
0x36c: {  	v8 =	vperm.xlane v7, v3;
	_ =	sdelay $0x1  }
0x36d: {  	v7 =	vadd.f32 v7, v8;
	_ =	sdelay $0x1  }
0x36e: {  	v8 =	vperm.xlane v7, v4;
	_ =	sdelay $0x1  }
0x36f: {  	v7 =	vadd.f32 v7, v8;
	_ =	sdelay $0x1  }
0x370: {  	v8 =	vperm.xlane v7, v6;
	_ =	sdelay $0x1  }
0x371: {  	v7 =	vadd.f32 v7, v8;
	_ =	sdelay $0x1  }
0x372: {  	v7 =	vmul.f32 $8.838834610e-02, v7;
	_ =	sdelay $0x1  }
0x373: {  	v7 =	vmul.f32 $1.442695020e+00, v7;
	_ =	sdelay $0x1  }
0x374: {  	(erf) = vpow2.f32 v7;
	_ =	sdelay $0x4  }
0x375: {  	v7 =	vld [tilespmem:s23+$0x0];
	_ =	sdelay $0x3  }
0x376: {  	v8 =	vpop (erf)  }
0x377: {  	v7 =	vmul.f32 v8, v7  }
0x378: {  	s3 =	simm.s32 $0x34B0  }
0x379: {  	[tilespmem:s3+$0xFFFFFFB0] =	vst v7  }
0x37a: {  	v7 =	vld [tilespmem:s23+$0x10];
	_ =	sdelay $0x4  }
0x37b: {  	v7 =	vmul.f32 v8, v7;
	_ =	sdelay $0x1  }
0x37c: {  	[tilespmem:s3+$0xFFFFFFC0] =	vst v7  }
0x37d: {  	v7 =	vld [tilespmem:s23+$0x20];
	_ =	sdelay $0x4  }
0x37e: {  	v7 =	vmul.f32 v8, v7;
	_ =	sdelay $0x1  }
0x37f: {  	[tilespmem:s3+$0xFFFFFFD0] =	vst v7  }
0x380: {  	v7 =	vld [tilespmem:s23+$0x30];
	_ =	sdelay $0x4  }
0x381: {  	v7 =	vmul.f32 v7, v8;
	_ =	sdelay $0x1  }
0x382: {  	[tilespmem:s3+$0xFFFFFFE0] =	vst v7  }
0x383: {  	v7 =	vld [tilespmem:s23+$0x40];
	_ =	sdelay $0x4  }
0x384: {  	v7 =	vmul.f32 v7, v8;
	_ =	sdelay $0x1  }
0x385: {  	[tilespmem:s3+$0xFFFFFFF0] =	vst v7  }
0x386: {  	v7 =	vld [tilespmem:s23+$0x50];
	_ =	sdelay $0x4  }
0x387: {  	v7 =	vmul.f32 v7, v8;
	_ =	sdelay $0x1  }
0x388: {  	[tilespmem:s3+$0x0] =	vst v7  }
0x389: {  	v7 =	vld [tilespmem:s23+$0x60];
	_ =	sdelay $0x4  }
0x38a: {  	v7 =	vmul.f32 v7, v8;
	_ =	sdelay $0x1  }
0x38b: {  	[tilespmem:s3+$0x10] =	vst v7  }
0x38c: {  	v7 =	vld [tilespmem:s23+$0x70];
	_ =	sdelay $0x2  }
0x38d: {  	v62 =	vmul.f32 v8, v18;
	v63 =	vnsel vm0, $0x0, v8  }
0x38e: {  	[tilespmem:s3+$0x40] =	vst v63  }
0x38f: {  	s12 =	simm.s32 $0x40;
	[tilespmem:s3+$0x30] =	vst v62;
	v7 =	vmul.f32 v7, v8  }
.LBB2_15:
0x390: {  	_ = 	snop  }
0x391: {  	s23 =	sadd.s32 $0x100, s23;
	s28 =	sadd.s32 $0x90, s28;
	[tilespmem:s3+$0x20] =	vst v7;
	s3 =	sadd.s32 $0xA0, s3  }
0x392: {  	p0 =	sne.s32 s12, $0x3C0;
	s15 =	smov.u32 s12;
	s12 =	sadd.s32 $0x40, s12;
	v7 =	vld [tilespmem:s23+$0xFFFFFFE0]  }
0x393: {  	v8 =	vld [tilespmem:s28+$0x20]  }
0x394: {  	v9 =	vld [tilespmem:s23+$0xFFFFFFC0]  }
0x395: {  	v10 =	vld [tilespmem:s28+$0x0]  }
0x396: {  	v11 =	vld [tilespmem:s23+$0xFFFFFFA0]  }
0x397: {  	v12 =	vld [tilespmem:s28+$0xFFFFFFE0]  }
0x398: {  	v13 =	vld [tilespmem:s23+$0xFFFFFFB0]  }
0x399: {  	v14 =	vld [tilespmem:s28+$0xFFFFFFF0]  }
0x39a: {  	v15 =	vld [tilespmem:s23+$0xFFFFFF90];
	v9 =	vmul.f32 v9, v10  }
0x39b: {  	v10 =	vld [tilespmem:s28+$0xFFFFFFD0]  }
0x39c: {  	s15 =	sshra.s32 s15, $0x2;
	v16 =	vld [tilespmem:s28+$0x40];
	v11 =	vmul.f32 v11, v12  }
0x39d: {  	v12 =	vld [tilespmem:s15+$0x160]  }
0x39e: {  	v17 =	vld [tilespmem:s23+$0xFFFFFF80];
	v13 =	vmul.f32 v13, v14  }
0x39f: {  	v14 =	vld [tilespmem:s28+$0xFFFFFFC0]  }
0x3a0: {  	v10 =	vmul.f32 v15, v10;
	v15 =	vld [tilespmem:s23+$0xFFFFFFD0]  }
0x3a1: {  	v18 =	vld [tilespmem:s28+$0x10]  }
0x3a2: {  	v16 =	vmul.f32 v16, v12;
	v19 =	vld [tilespmem:s23+$0xFFFFFFF0]  }
0x3a3: {  	v20 =	vld [tilespmem:s28+$0x30]  }
0x3a4: {  	v14 =	vmul.f32 v17, v14;
	v10 =	vadd.f32 v10, v16;
	_ =	sdelay $0x1  }
0x3a5: {  	v10 =	vadd.f32 v13, v10;
	v13 =	vmul.f32 v15, v18;
	v11 =	vadd.f32 v11, v14  }
0x3a6: {  	v7 =	vmul.f32 v7, v8  }
0x3a7: {  	v8 =	vadd.f32 v13, v10;
	v10 =	vmul.f32 v19, v20;
	v9 =	vadd.f32 v9, v11;
	_ =	sdelay $0x1  }
0x3a8: {  	v8 =	vadd.f32 v10, v8;
	v7 =	vadd.f32 v7, v9;
	_ =	sdelay $0x1  }
0x3a9: {  	v7 =	vadd.f32 v7, v8;
	_ =	sdelay $0x1  }
0x3aa: {  	v8 =	vperm.xlane v7, v2;
	_ =	sdelay $0x1  }
0x3ab: {  	v7 =	vadd.f32 v7, v8;
	_ =	sdelay $0x1  }
0x3ac: {  	v8 =	vperm.xlane v7, v3;
	_ =	sdelay $0x1  }
0x3ad: {  	v7 =	vadd.f32 v7, v8;
	_ =	sdelay $0x1  }
0x3ae: {  	v8 =	vperm.xlane v7, v4;
	_ =	sdelay $0x1  }
0x3af: {  	v7 =	vadd.f32 v7, v8;
	_ =	sdelay $0x1  }
0x3b0: {  	v8 =	vperm.xlane v7, v6;
	_ =	sdelay $0x1  }
0x3b1: {  	v7 =	vadd.f32 v7, v8;
	_ =	sdelay $0x1  }
0x3b2: {  	v7 =	vmul.f32 $8.838834610e-02, v7;
	_ =	sdelay $0x1  }
0x3b3: {  	v7 =	vmul.f32 $1.442695020e+00, v7;
	_ =	sdelay $0x1  }
0x3b4: {  	(erf) = vpow2.f32 v7;
	_ =	sdelay $0x4  }
0x3b5: {  	v7 =	vld [tilespmem:s23+$0x0];
	_ =	sdelay $0x3  }
0x3b6: {  	v8 =	vpop (erf)  }
0x3b7: {  	v7 =	vmul.f32 v8, v7;
	v9 =	vmul.f32 v8, v12;
	_ =	sdelay $0x1  }
0x3b8: {  	[tilespmem:s3+$0xFFFFFFB0] =	vst v7  }
0x3b9: {  	v7 =	vld [tilespmem:s23+$0x10];
	_ =	sdelay $0x4  }
0x3ba: {  	v7 =	vmul.f32 v8, v7;
	_ =	sdelay $0x1  }
0x3bb: {  	[tilespmem:s3+$0xFFFFFFC0] =	vst v7  }
0x3bc: {  	v7 =	vld [tilespmem:s23+$0x20];
	_ =	sdelay $0x4  }
0x3bd: {  	v7 =	vmul.f32 v8, v7;
	_ =	sdelay $0x1  }
0x3be: {  	[tilespmem:s3+$0xFFFFFFD0] =	vst v7  }
0x3bf: {  	v7 =	vld [tilespmem:s23+$0x30];
	_ =	sdelay $0x4  }
0x3c0: {  	v7 =	vmul.f32 v7, v8;
	_ =	sdelay $0x1  }
0x3c1: {  	[tilespmem:s3+$0xFFFFFFE0] =	vst v7  }
0x3c2: {  	v7 =	vld [tilespmem:s23+$0x40];
	_ =	sdelay $0x4  }
0x3c3: {  	v7 =	vmul.f32 v7, v8;
	_ =	sdelay $0x1  }
0x3c4: {  	[tilespmem:s3+$0xFFFFFFF0] =	vst v7  }
0x3c5: {  	v7 =	vld [tilespmem:s23+$0x50];
	_ =	sdelay $0x4  }
0x3c6: {  	v7 =	vmul.f32 v7, v8;
	_ =	sdelay $0x1  }
0x3c7: {  	[tilespmem:s3+$0x0] =	vst v7  }
0x3c8: {  	v7 =	vld [tilespmem:s23+$0x60];
	_ =	sdelay $0x4  }
0x3c9: {  	v7 =	vmul.f32 v7, v8;
	_ =	sdelay $0x1  }
0x3ca: {  	[tilespmem:s3+$0x10] =	vst v7  }
0x3cb: {  	v10 =	vnsel vm0, $0x0, v8;
	v7 =	vld [tilespmem:s23+$0x70]  }
.Ltmp6:
0x3cc: {  	[tilespmem:s3+$0x40] =	vst v10;
	(pc) =	sbr.rel @p0 .LBB2_15-.Ltmp6, $2  }
0x3cd: {  	[tilespmem:s3+$0x30] =	vst v9;
	_ =	sdelay $0x2  }
0x3ce: {  	v7 =	vmul.f32 v7, v8  }
0x3cf: {  	_ = 	snop  }
0x3d0: {  	[tilespmem:s3+$0x20] =	vst v7  }
0x3d1: {  	_ =	swait.ge [sflag:s0], $0x10  }
0x3d2: {  	[sflag:s0] =	ssyncset.done $0x0  }
0x3d3: {  	[sflag:s0] =	ssyncadd.s32 $0xFFFFFFF0  }
0x3d4: {  	_ =	swait.ge [sflag:s0], $0x10  }
0x3d5: {  	[sflag:s0] =	ssyncset.done $0x0  }
0x3d6: {  	[sflag:s0] =	ssyncadd.s32 $0xFFFFFFF0  }
0x3d7: {  	_ =	swait.ge [sflag:s0], $0x100  }
0x3d8: {  	[sflag:s0] =	ssyncset.done $0x0  }
0x3d9: {  	[sflag:s0] =	ssyncadd.s32 $0xFFFFFF00  }
0x3da: {  	v7 =	vld [tilespmem:$0x0]  }
0x3db: {  	v8 =	vld [tilespmem:$0x20];
	_ =	sdelay $0x3  }
0x3dc: {  	v7 =	vadd.s32 v1, v7  }
0x3dd: {  	[tilespmem:$0x0] =	vst v7;
	v7 =	vadd.s32 v1, v8  }
0x3de: {  	s10 =	sadd.s32 $0x1, s10;
	[tilespmem:$0x40] =	vst v7  }
0x3df: {  	[tilespmem:s20], [sflag:$0x3] =	stream.indirect.gather [hbm4b:s5+s4], $0x90, s19, s4, $0xb8;
	[tilespmem:$0x1F660] =	vst v63  }
0x3e0: {  	s29 =	simm.s32 $0x0;
	p0 =	sne.s32 s10, $0x138  }
0x3e1: {  	[tilespmem:s25], [sflag:$0x3] =	stream.indirect.gather [hbm4b:s6+s4], $0x100, s29, s4, $0xb8;
	[tilespmem:$0x1F660] =	vst v63  }
.Ltmp7:
0x3e2: {  	_ = 	snop;
	(pc) =	sbr.rel @p0 .LBB2_12-.Ltmp7, $4  }
0x3e3: {  	[spmem:s2] =	stream.indirect.scatter.add.f32 [tilespmem:s18], [sflag:$0x6], $0xA0, s11, s4, $0xb8;
	[tilespmem:$0x1F660] =	vst v63  }
0x3e4: {  	_ =	swait.ge [sflag:s21], $0xA00  }
0x3e5: {  	[sflag:s21] =	ssyncset.done $0x0  }
0x3e6: {  	[sflag:s21] =	ssyncadd.s32 $0xFFFFF600  }
0x3e7: {  	_ =	swait.ge [sflag:s13], $0x900  }
0x3e8: {  	[sflag:s13] =	ssyncset.done $0x0  }
0x3e9: {  	[sflag:s13] =	ssyncadd.s32 $0xFFFFF700  }
0x3ea: {  	_ =	swait.ge [sflag:s13], $0x1000  }
0x3eb: {  	[sflag:s13] =	ssyncset.done $0x0  }
0x3ec: {  	s10 =	simm.s32 $0x14E0;
	[sflag:s13] =	ssyncadd.s32 $0xFFFFF000  }
0x3ed: {  	s23 =	simm.s32 $0x2A0;
	v7 =	vld [tilespmem:s10+$0xFFFFFFE0]  }
0x3ee: {  	v8 =	vld [tilespmem:s23+$0x20]  }
0x3ef: {  	v9 =	vld [tilespmem:s10+$0xFFFFFFC0]  }
0x3f0: {  	v10 =	vld [tilespmem:s23+$0x0]  }
0x3f1: {  	v11 =	vld [tilespmem:s10+$0xFFFFFFA0]  }
0x3f2: {  	v12 =	vld [tilespmem:s23+$0xFFFFFFE0]  }
0x3f3: {  	v13 =	vld [tilespmem:s10+$0xFFFFFFB0]  }
0x3f4: {  	v14 =	vld [tilespmem:s23+$0xFFFFFFF0]  }
0x3f5: {  	v15 =	vld [tilespmem:s10+$0xFFFFFF90]  }
0x3f6: {  	v16 =	vld [tilespmem:s23+$0xFFFFFFD0]  }
0x3f7: {  	s3 =	simm.s32 $0x0;
	v17 =	vld [tilespmem:s23+$0x40]  }
0x3f8: {  	v18 =	vld [tilespmem:s3+$0x60]  }
0x3f9: {  	v19 =	vld [tilespmem:s10+$0xFFFFFF80]  }
0x3fa: {  	v20 =	vld [tilespmem:s23+$0xFFFFFFC0]  }
0x3fb: {  	v21 =	vld [tilespmem:s10+$0xFFFFFFD0]  }
0x3fc: {  	v22 =	vld [tilespmem:s23+$0x10]  }
0x3fd: {  	v56 =	vld [tilespmem:s10+$0xFFFFFFF0];
	v15 =	vmul.f32 v15, v16;
	v55 =	vmul.f32 v17, v18  }
0x3fe: {  	v57 =	vld [tilespmem:s23+$0x30];
	v11 =	vmul.f32 v11, v12  }
0x3ff: {  	v13 =	vmul.f32 v13, v14;
	v58 =	vmul.f32 v19, v20;
	v15 =	vadd.f32 v15, v55  }
0x400: {  	v9 =	vmul.f32 v9, v10  }
0x401: {  	v60 =	vmul.f32 v21, v22;
	v11 =	vadd.f32 v11, v58;
	v59 =	vadd.f32 v13, v15  }
0x402: {  	v7 =	vmul.f32 v7, v8  }
0x403: {  	v61 =	vmul.f32 v56, v57;
	v9 =	vadd.f32 v9, v11;
	v8 =	vadd.f32 v60, v59;
	_ =	sdelay $0x1  }
0x404: {  	v7 =	vadd.f32 v7, v9;
	v8 =	vadd.f32 v61, v8;
	_ =	sdelay $0x1  }
0x405: {  	v7 =	vadd.f32 v7, v8;
	_ =	sdelay $0x1  }
0x406: {  	v8 =	vperm.xlane v7, v2;
	_ =	sdelay $0x1  }
0x407: {  	v7 =	vadd.f32 v7, v8;
	_ =	sdelay $0x1  }
0x408: {  	v8 =	vperm.xlane v7, v3;
	_ =	sdelay $0x1  }
0x409: {  	v7 =	vadd.f32 v7, v8;
	_ =	sdelay $0x1  }
0x40a: {  	v8 =	vperm.xlane v7, v4;
	_ =	sdelay $0x1  }
0x40b: {  	v7 =	vadd.f32 v7, v8;
	_ =	sdelay $0x1  }
0x40c: {  	v8 =	vperm.xlane v7, v6;
	_ =	sdelay $0x1  }
0x40d: {  	v7 =	vadd.f32 v7, v8;
	_ =	sdelay $0x1  }
0x40e: {  	v7 =	vmul.f32 $8.838834610e-02, v7;
	_ =	sdelay $0x1  }
0x40f: {  	v7 =	vmul.f32 $1.442695020e+00, v7;
	_ =	sdelay $0x1  }
0x410: {  	(erf) = vpow2.f32 v7;
	_ =	sdelay $0x4  }
0x411: {  	v7 =	vld [tilespmem:s10+$0x0];
	_ =	sdelay $0x3  }
0x412: {  	v8 =	vpop (erf)  }
0x413: {  	v7 =	vmul.f32 v8, v7  }
0x414: {  	s3 =	simm.s32 $0x34B0  }
0x415: {  	[tilespmem:s3+$0xFFFFFFB0] =	vst v7  }
0x416: {  	v7 =	vld [tilespmem:s10+$0x10];
	_ =	sdelay $0x4  }
0x417: {  	v7 =	vmul.f32 v8, v7;
	_ =	sdelay $0x1  }
0x418: {  	[tilespmem:s3+$0xFFFFFFC0] =	vst v7  }
0x419: {  	v7 =	vld [tilespmem:s10+$0x20];
	_ =	sdelay $0x4  }
0x41a: {  	v7 =	vmul.f32 v8, v7;
	_ =	sdelay $0x1  }
0x41b: {  	[tilespmem:s3+$0xFFFFFFD0] =	vst v7  }
0x41c: {  	v7 =	vld [tilespmem:s10+$0x30];
	_ =	sdelay $0x4  }
0x41d: {  	v7 =	vmul.f32 v7, v8;
	_ =	sdelay $0x1  }
0x41e: {  	[tilespmem:s3+$0xFFFFFFE0] =	vst v7  }
0x41f: {  	v7 =	vld [tilespmem:s10+$0x40];
	_ =	sdelay $0x4  }
0x420: {  	v7 =	vmul.f32 v7, v8;
	_ =	sdelay $0x1  }
0x421: {  	[tilespmem:s3+$0xFFFFFFF0] =	vst v7  }
0x422: {  	v7 =	vld [tilespmem:s10+$0x50];
	_ =	sdelay $0x4  }
0x423: {  	v7 =	vmul.f32 v7, v8;
	_ =	sdelay $0x1  }
0x424: {  	[tilespmem:s3+$0x0] =	vst v7  }
0x425: {  	v7 =	vld [tilespmem:s10+$0x60];
	_ =	sdelay $0x4  }
0x426: {  	v7 =	vmul.f32 v7, v8;
	_ =	sdelay $0x1  }
0x427: {  	[tilespmem:s3+$0x10] =	vst v7  }
0x428: {  	v7 =	vld [tilespmem:s10+$0x70];
	_ =	sdelay $0x2  }
0x429: {  	v62 =	vmul.f32 v8, v18;
	v63 =	vnsel vm0, $0x0, v8  }
0x42a: {  	[tilespmem:s3+$0x40] =	vst v63  }
0x42b: {  	s12 =	simm.s32 $0x40;
	[tilespmem:s3+$0x30] =	vst v62;
	v7 =	vmul.f32 v7, v8  }
.LBB2_18:
0x42c: {  	_ = 	snop  }
0x42d: {  	s10 =	sadd.s32 $0x100, s10;
	s23 =	sadd.s32 $0x90, s23;
	[tilespmem:s3+$0x20] =	vst v7;
	s3 =	sadd.s32 $0xA0, s3  }
0x42e: {  	p0 =	sne.s32 s12, $0x3C0;
	s15 =	smov.u32 s12;
	s12 =	sadd.s32 $0x40, s12;
	v7 =	vld [tilespmem:s10+$0xFFFFFFE0]  }
0x42f: {  	v8 =	vld [tilespmem:s23+$0x20]  }
0x430: {  	v9 =	vld [tilespmem:s10+$0xFFFFFFC0]  }
0x431: {  	v10 =	vld [tilespmem:s23+$0x0]  }
0x432: {  	v11 =	vld [tilespmem:s10+$0xFFFFFFA0]  }
0x433: {  	v12 =	vld [tilespmem:s23+$0xFFFFFFE0]  }
0x434: {  	v13 =	vld [tilespmem:s10+$0xFFFFFFB0]  }
0x435: {  	v14 =	vld [tilespmem:s23+$0xFFFFFFF0]  }
0x436: {  	v15 =	vld [tilespmem:s10+$0xFFFFFF90];
	v9 =	vmul.f32 v9, v10  }
0x437: {  	v10 =	vld [tilespmem:s23+$0xFFFFFFD0]  }
0x438: {  	s15 =	sshra.s32 s15, $0x2;
	v16 =	vld [tilespmem:s23+$0x40];
	v11 =	vmul.f32 v11, v12  }
0x439: {  	v12 =	vld [tilespmem:s15+$0x60]  }
0x43a: {  	v17 =	vld [tilespmem:s10+$0xFFFFFF80];
	v13 =	vmul.f32 v13, v14  }
0x43b: {  	v14 =	vld [tilespmem:s23+$0xFFFFFFC0]  }
0x43c: {  	v10 =	vmul.f32 v15, v10;
	v15 =	vld [tilespmem:s10+$0xFFFFFFD0]  }
0x43d: {  	v18 =	vld [tilespmem:s23+$0x10]  }
0x43e: {  	v16 =	vmul.f32 v16, v12;
	v19 =	vld [tilespmem:s10+$0xFFFFFFF0]  }
0x43f: {  	v20 =	vld [tilespmem:s23+$0x30]  }
0x440: {  	v14 =	vmul.f32 v17, v14;
	v10 =	vadd.f32 v10, v16;
	_ =	sdelay $0x1  }
0x441: {  	v10 =	vadd.f32 v13, v10;
	v13 =	vmul.f32 v15, v18;
	v11 =	vadd.f32 v11, v14  }
0x442: {  	v7 =	vmul.f32 v7, v8  }
0x443: {  	v8 =	vadd.f32 v13, v10;
	v10 =	vmul.f32 v19, v20;
	v9 =	vadd.f32 v9, v11;
	_ =	sdelay $0x1  }
0x444: {  	v8 =	vadd.f32 v10, v8;
	v7 =	vadd.f32 v7, v9;
	_ =	sdelay $0x1  }
0x445: {  	v7 =	vadd.f32 v7, v8;
	_ =	sdelay $0x1  }
0x446: {  	v8 =	vperm.xlane v7, v2;
	_ =	sdelay $0x1  }
0x447: {  	v7 =	vadd.f32 v7, v8;
	_ =	sdelay $0x1  }
0x448: {  	v8 =	vperm.xlane v7, v3;
	_ =	sdelay $0x1  }
0x449: {  	v7 =	vadd.f32 v7, v8;
	_ =	sdelay $0x1  }
0x44a: {  	v8 =	vperm.xlane v7, v4;
	_ =	sdelay $0x1  }
0x44b: {  	v7 =	vadd.f32 v7, v8;
	_ =	sdelay $0x1  }
0x44c: {  	v8 =	vperm.xlane v7, v6;
	_ =	sdelay $0x1  }
0x44d: {  	v7 =	vadd.f32 v7, v8;
	_ =	sdelay $0x1  }
0x44e: {  	v7 =	vmul.f32 $8.838834610e-02, v7;
	_ =	sdelay $0x1  }
0x44f: {  	v7 =	vmul.f32 $1.442695020e+00, v7;
	_ =	sdelay $0x1  }
0x450: {  	(erf) = vpow2.f32 v7;
	_ =	sdelay $0x4  }
0x451: {  	v7 =	vld [tilespmem:s10+$0x0];
	_ =	sdelay $0x3  }
0x452: {  	v8 =	vpop (erf)  }
0x453: {  	v7 =	vmul.f32 v8, v7;
	v9 =	vmul.f32 v8, v12;
	_ =	sdelay $0x1  }
0x454: {  	[tilespmem:s3+$0xFFFFFFB0] =	vst v7  }
0x455: {  	v7 =	vld [tilespmem:s10+$0x10];
	_ =	sdelay $0x4  }
0x456: {  	v7 =	vmul.f32 v8, v7;
	_ =	sdelay $0x1  }
0x457: {  	[tilespmem:s3+$0xFFFFFFC0] =	vst v7  }
0x458: {  	v7 =	vld [tilespmem:s10+$0x20];
	_ =	sdelay $0x4  }
0x459: {  	v7 =	vmul.f32 v8, v7;
	_ =	sdelay $0x1  }
0x45a: {  	[tilespmem:s3+$0xFFFFFFD0] =	vst v7  }
0x45b: {  	v7 =	vld [tilespmem:s10+$0x30];
	_ =	sdelay $0x4  }
0x45c: {  	v7 =	vmul.f32 v7, v8;
	_ =	sdelay $0x1  }
0x45d: {  	[tilespmem:s3+$0xFFFFFFE0] =	vst v7  }
0x45e: {  	v7 =	vld [tilespmem:s10+$0x40];
	_ =	sdelay $0x4  }
0x45f: {  	v7 =	vmul.f32 v7, v8;
	_ =	sdelay $0x1  }
0x460: {  	[tilespmem:s3+$0xFFFFFFF0] =	vst v7  }
0x461: {  	v7 =	vld [tilespmem:s10+$0x50];
	_ =	sdelay $0x4  }
0x462: {  	v7 =	vmul.f32 v7, v8;
	_ =	sdelay $0x1  }
0x463: {  	[tilespmem:s3+$0x0] =	vst v7  }
0x464: {  	v7 =	vld [tilespmem:s10+$0x60];
	_ =	sdelay $0x4  }
0x465: {  	v7 =	vmul.f32 v7, v8;
	_ =	sdelay $0x1  }
0x466: {  	[tilespmem:s3+$0x10] =	vst v7  }
0x467: {  	v10 =	vnsel vm0, $0x0, v8;
	v7 =	vld [tilespmem:s10+$0x70]  }
.Ltmp8:
0x468: {  	[tilespmem:s3+$0x40] =	vst v10;
	(pc) =	sbr.rel @p0 .LBB2_18-.Ltmp8, $2  }
0x469: {  	[tilespmem:s3+$0x30] =	vst v9;
	_ =	sdelay $0x2  }
0x46a: {  	v7 =	vmul.f32 v7, v8  }
0x46b: {  	_ = 	snop  }
0x46c: {  	[tilespmem:s3+$0x20] =	vst v7  }
0x46d: {  	[spmem:s2] =	stream.indirect.scatter.add.f32 [tilespmem:s18], [sflag:$0x6], $0xA0, s30, s4, $0xb8;
	[tilespmem:$0x1F660] =	vst v63  }
0x46e: {  	_ =	swait.ge [sflag:s21], $0xA00  }
0x46f: {  	[sflag:s21] =	ssyncset.done $0x0  }
0x470: {  	[sflag:s21] =	ssyncadd.s32 $0xFFFFF600  }
0x471: {  	[bflag:$0x0] =	sbarrier.arrive $0xFFFF  }
0x472: {  	s24 =	rddreg [dreg:$0xe]  }
0x473: {  	s10 =	rddreg [dreg:$0x15]  }
0x474: {  	s12 =	rddreg [dreg:$0x16]  }
0x475: {  	[hbm:s24], [sflag:s10] =	dma.local [spmem:s12], $0x3200  }
0x476: {  	_ =	swait.ge [sflag:s21], $0x3200  }
0x477: {  	s28 =	rddreg [dreg:$0x14]  }
0x478: {  	s29 =	rddreg [dreg:$0x13];
	s10 =	sadd.s32 $0x1, s28  }
0x479: {  	p0 =	sne.s32 s10, s29  }
.Ltmp9:
0x47a: {  	_ = 	snop;
	(pc) =	sbr.rel @p0 .LBB2_1-.Ltmp9, $3  }
0x47b: {  	[sflag:s21] =	ssyncset.done $0x0  }
0x47c: {  	[sflag:s21] =	ssyncadd.s32 $0xFFFFCE00  }
0x47d: {  	[bflag:$0x0] =	sbarrier.arrive $0xFFFF;
	_ =	sdelay $0x1  }
0x47e: {  	_ =	sfence.sel $0x180000  }
0x47f: {  	[bflag:$0x0] =	sbarrier.arrive $0xFFFF  }
0x480: {  	_ =	strace $0x9000004A  }
0x481: {  	s0 =	stileid.u32;
	[bflag:$0x2] =	sbarrier.arrive $0xFFFF  }
0x482: {  	p0 =	sne.s32 s0, $0x0;
	s0 =	rddreg [dreg:$0x3]  }
0x483: {  	s0 =	sadd.s32 @!p0 $0x100000, s0  }
0x484: {  	[sflag:s0] =	ssyncadd.tile.s32 @!p0 $0x1;
	_ =	shalt  }
.Lfunc_end2:
_tile_overlayer_lowered:
.L_overlay_start_2:
0x485: {  	(tag) =	ssettag $0x2  }
0x486: {  	s0 =	rddreg [dreg:$0x0];
	s2 =	stileid.u32  }
0x487: {  	s1 =	rddreg [dreg:$0x1];
	p0 =	sne.s32 s2, $0x0  }
0x488: {  	s3 =	rddreg [dreg:$0x2];
	[bflag:$0x3] =	sbarrier.arrive $0xFFFF;
	s2 =	simm.s32 @!p0 $0x1C06  }
0x489: {  	[timem:s3], [sflag:s2] =	dma.local @!p0 [hbm:s0], s1  }
0x48a: {  	s0 =	simm.s32 @!p0 $0x6  }
0x48b: {  	_ =	swait.ge @!p0 [sflag:s0], s1  }
0x48c: {  	s1 =	ssub.s32 @!p0 $0x0, s1;
	[sflag:s0] =	ssyncset.done @!p0 $0x0  }
0x48d: {  	[sflag:s0] =	ssyncadd.s32 @!p0 s1  }
0x48e: {  	[bflag:$0x3] =	sbarrier.arrive $0xFFFF  }
0x48f: {  	_ =	shalt  }

// kernel: sparse-core-data-format-call.cloned.1.call-start
scs
called_computation_lowered:
.L_overlay_start_0:
0x0: {  	s1 =	sld [smem:$0x3FD9]  }
0x1: {  	s2 =	sld [smem:$0x3FFE];
	_ =	sdelay $0x1  }
0x2: {  	s3 =	srdreg.scid  }
0x3: {  	s0 =	sand.u32 $0x1, s3  }
0x4: {  	s17 =	sshll.u32 s0, $0xA;
	s1 =	sadd.s32 s2, s1  }
0x5: {  	s1 =	sadd.s32 s1, s17  }
0x6: {  	[smem:$0x3FB4] =	sst s1  }
0x7: {  	_ = 	snop  }
0x8: {  	(tm) =	ssettm $0x1  }
0x9: {  	s18 =	sld [smem:$0x3FFB];
	_ =	sdelay $0x3  }
0xa: {  	_ =	strace s18  }
0xb: {  	s1 =	sld [smem:$0x3FFC];
	_ =	sdelay $0x3  }
0xc: {  	_ =	strace s1  }
0xd: {  	s1 =	sld [smem:$0x3FFD];
	_ =	sdelay $0x3  }
0xe: {  	_ =	strace s1  }
0xf: {  	_ =	strace $0x8FFFFFFF  }
0x10: {  	s19 =	sld [smem:$0x3FDB];
	_ =	sdelay $0x1  }
0x11: {  	s20 =	simm.s32 $_scs_section_size  }
0x12: {  	s4 =	simm.s32 $_size__tile_overlayer_lowered;
	s5 =	simm.s32 $_tile_overlayer_lowered  }
0x13: {  	s23 =	simm.s32 $0x1BFF;
	s22 =	sshll.u32 s5, $0x1;
	s1 =	sadd.s32 s20, s19  }
0x14: {  	s6 =	simm.s32 $0x0;
	s21 =	sshll.u32 s4, $0x1;
	s4 =	sadd.s32 s22, s1  }
0x15: {  	[timem:s6], [sflag:s23] =	dma.local [hbm:s4], s21  }
0x16: {  	_ =	swait.ge [sflag:s23], s21  }
0x17: {  	s2 =	ssub.s32 $0x0, s21;
	[sflag:s23] =	ssyncset.done $0x0  }
0x18: {  	[sflag:s23] =	ssyncadd.s32 s2;
	_ =	sdelay $0x1  }
0x19: {  	s24 =	simm.s32 $0x1B8B  }
0x1a: {  	_ =	swait.ge [sflag:s24], $0x1  }
0x1b: {  	[sflag:s24] =	ssyncset.done $0x0  }
0x1c: {  	s26 =	simm.s32 $0x1B8E;
	s25 =	sld [smem:$0x3FFE];
	[sflag:s24] =	ssyncadd.s32 $0xFFFFFFFF  }
0x1d: {  	s27 =	simm.s32 $execute0_lowered;
	[smem:$0x3FD2] =	sst s26  }
0x1e: {  	s4 =	sshll.u32 s27, $0x1;
	_ =	strace $0x80000046;
	[dreg:$0x1] =	wrdreg $0xFFFFFFFF  }
0x1f: {  	s28 =	simm.s32 $_size_execute0_lowered;
	s1 =	sadd.s32 s1, s4;
	[dreg:$0x0] =	wrdreg $0x0  }
0x20: {  	s4 =	sshll.u32 s28, $0x1;
	[dreg:$0x2] =	wrdreg s1  }
0x21: {  	[dreg:$0x3] =	wrdreg s4  }
0x22: {  	[dreg:$0x4] =	wrdreg $0xC0  }
0x23: {  	_ =	task [dreg:s6], $0x5FFFF  }
0x24: {  	[dreg:$0x1] =	wrdreg $0xFFFFFFFF  }
0x25: {  	[dreg:$0x0] =	wrdreg $0x60  }
0x26: {  	[dreg:$0x2] =	wrdreg s25  }
0x27: {  	[dreg:$0x3] =	wrdreg $0x9  }
0x28: {  	_ =	task.clear_ibuf [dreg:s6], $0x4FFFF;
	_ =	strace $0x90000046  }
0x29: {  	s29 =	simm.s32 $0x9;
	_ =	strace $0x80000048  }
0x2a: {  	_ =	swait.ge [sflag:s29], $0x1  }
0x2b: {  	[sflag:s29] =	ssyncadd.s32 $0xFFFFFFFF  }
0x2c: {  	_ =	strace $0x90000048  }
0x2d: {  	_ =	sfence  }
0x2e: {  	s30 =	sld [smem:$0x0];
	_ =	sdelay $0x2  }
0x2f: {  	s31 =	sshll.u32 s3, $0xD;
	s3 =	sshrl.u32 s3, $0x2  }
0x30: {  	s2 =	sand.u32 $0x4000, s31;
	s1 =	sadd.s32 s3, s30  }
0x31: {  	s0 =	sor.u32 s2, s0;
	s1 =	sshll.u32 s1, $0x11  }
0x32: {  	s0 =	sor.u32 s1, s0  }
0x33: {  	s0 =	sadd.s32 $0x8F2B, s0  }
0x34: {  	[sflag:s0] =	ssyncadd.remote.s32 $0x1  }
0x35: {  	_ =	sfence.sel $0xFFFF  }
0x36: {  	[dreg:$0x0] =	wrdreg $0xFFFFFFFF;
	(pc) =	sbr.abs _section_cstart, $3  }
0x37: {  	[dreg:$0x1] =	wrdreg $0xFFFFFFFF  }
0x38: {  	_ =	task.clear_ibuf [dreg:s6], $0x2FFFF;
	_ =	strace $0x9FFFFFFF  }
0x39: {  	(tm) =	ssettm $0x7FFFFFFF  }
tec
execute0_lowered:
.L_overlay_start_1:
0x0: {  	(tag) =	ssettag $0x1  }
0x1: {  	s0 =	srdreg.scid  }
0x2: {  	s1 =	sshll.u32 s0, $0x4  }
0x3: {  	s4 =	rddreg [dreg:$0x0];
	s0 =	stileid.u32;
	s1 =	sand.u32 $0x10, s1  }
0x4: {  	s7 =	simm.s32 $0x1;
	s8 =	simm.s32 $0x2;
	s2 =	sor.u32 s0, s1  }
0x5: {  	s9 =	simm.s32 $0x0;
	s12 =	simm.s32 $0x0;
	s2 =	sshll.u32 s2, $0x3  }
0x6: {  	s11 =	simm.s32 $0x0;
	s3 =	sadd.s32 $0x143E00, s4;
	s6 =	ssub.s32 $0x1400, s2  }
.Ltmp0:
0x7: {  	s4 =	sadd.s32 $0x283E00, s4;
	s5 =	sand.u32 $0xF8, s6;
	(pc) =	sbr.rel .LBB1_1-.Ltmp0, $4  }
0x8: {  	s1 =	rddreg [dreg:$0x1];
	_ =	strace $0x80000047;
	p0 =	sne.s32 s5, $0x0  }
0x9: {  	s6 =	sshrl.u32 s6, $0x8;
	s5 =	simm.s32 $0x1;
	s7 =	simm.s32 @!p0 $0x0  }
0xa: {  	s10 =	smov.u32 s2;
	[sflag:s5] =	ssyncpa.u1 $0x0;
	s6 =	sadd.s32 s7, s6  }
0xb: {  	[sflag:s8] =	ssyncpa.u1 $0x0;
	s8 =	simm.s32 $0x0;
	s7 =	sadd.s32 $0x1, s6  }
.LBB1_9:
0xc: {  	s14 =	sadd.s32 $0x100, s10  }
0xd: {  	p1 =	sgt.s32 s14, $0x13FF  }
0xe: {  	s14 =	smov.u32 @p1 s2;
	p1 =	sne.s32 s11, s7  }
.Ltmp1:
0xf: {  	p0 =	slt.u32 s11, $0x2;
	(pc) =	sbr.rel @!p1 .LBB1_10-.Ltmp1, $4  }
0x10: {  	s13 =	simm.s32 @!p0 $0x2  }
0x11: {  	s15 =	sadd.s32 $0x1, s11;
	_ =	swait.ge @!p0 [sflag:s13], $0x4000  }
0x12: {  	s12 =	smov.u32 s10;
	s9 =	sadd.s32 $0x4000, s9;
	[sflag:s13] =	ssyncset.done @!p0 $0x0  }
0x13: {  	s11 =	smov.u32 s15;
	s10 =	smov.u32 s14;
	[sflag:s13] =	ssyncadd.s32 @!p0 $0xFFFFC000  }
.LBB1_1:
0x14: {  	p0 =	sge.u32 s11, s6  }
0x15: {  	s13 =	sxor.u32 @!p0 $0xFFFFFFFF, s11  }
0x16: {  	s31 =	sadd.s32 $0xFFFFFFFF, s11;
	s14 =	sshll.u32 @!p0 s10, $0x8;
	s13 =	sshll.u32 @!p0 s13, $0xE  }
0x17: {  	s15 =	simm.s32 @!p0 $0x0;
	s14 =	sadd.s32 @!p0 s3, s14;
	s13 =	sand.u32 @!p0 $0x4000, s13  }
0x18: {  	[tilespmem:s13], [sflag:$0x1] =	stream.linear.gather @!p0 [hbm4b:s14+s15], $0x4000, $0x38;
	[tilespmem:$0x10000] =	vst v63  }
0x19: {  	p0 =	sge.u32 s31, s6  }
.Ltmp2:
0x1a: {  	_ = 	snop;
	(pc) =	sbr.rel @p0 .LBB1_9-.Ltmp2, $1  }
0x1b: {  	_ =	sdelay $0x3  }
0x1c: {  	s13 =	sshll.u32 s9, $0x2;
	_ =	swait.ge [sflag:s5], $0x4000;
	s14 =	sshll.u32 s11, $0xE  }
0x1d: {  	s16 =	simm.s32 $0x0;
	s17 =	simm.s32 $0x0;
	s15 =	sand.u32 $0x10000, s13  }
0x1e: {  	[sflag:s5] =	ssyncset.done $0x0;
	s31 =	sand.u32 $0x4000, s14;
	s14 =	sshrl.u32 s15, $0x2  }
0x1f: {  	[sflag:s5] =	ssyncadd.s32 $0xFFFFC000;
	s13 =	sor.u32 $0x8000, s31;
	s15 =	sor.u32 $0x8000, s14  }
.LBB1_3:
0x20: {  	s18 =	sshra.s32 s16, $0x2  }
0x21: {  	v0 =	vmov s18;
	_ =	sdelay $0x3  }
0x22: {  	p1 =	por $0x1, $0x1;
	s18 =	simm.s32 $0x0  }
.LBB1_4:
0x23: {  	_ = 	snop  }
0x24: {  	s19 =	sshll.u32 s18, $0xA  }
0x25: {  	s19 =	sand.u32 $0x3FFFFC00, s19  }
0x26: {  	s19 =	sadd.s32 s19, s14  }
0x27: {  	v5 =	vld.idx.msk [tilespmem:v0+s19+$0x70 ss:$0x1], $0xffff  }
0x28: {  	v6 =	vld.idx.msk [tilespmem:v0+s19+$0x10 ss:$0x1], $0xffff  }
0x29: {  	v7 =	vld.idx.msk [tilespmem:v0+s19+$0x20 ss:$0x1], $0xffff  }
0x2a: {  	s31 =	sshll.u32 s18, $0x7;
	v1 =	vld.idx.msk [tilespmem:v0+s19+$0x30 ss:$0x1], $0xffff  }
0x2b: {  	s18 =	sand.u32 $0x3FFFFF80, s31;
	v2 =	vld.idx.msk [tilespmem:v0+s19+$0x40 ss:$0x1], $0xffff  }
0x2c: {  	s18 =	sadd.s32 s18, s15;
	v3 =	vld.idx.msk [tilespmem:v0+s19+$0x50 ss:$0x1], $0xffff  }
0x2d: {  	v4 =	vld.idx.msk [tilespmem:v0+s19+$0x60 ss:$0x1], $0xffff;
	[tilespmem:v0+s18+$0x70 ss:$0x1] =	vst.idx.msk $0xffff, v5  }
0x2e: {  	v5 =	vld.idx.msk [tilespmem:v0+s19+$0x0 ss:$0x1], $0xffff;
	[tilespmem:v0+s18+$0x10 ss:$0x1] =	vst.idx.msk $0xffff, v6;
	s19 =	sadd.s32 $0x80, s19  }
0x2f: {  	p0 =	por p1, p1;
	s20 =	simm.s32 $0x6;
	[tilespmem:v0+s18+$0x20 ss:$0x1] =	vst.idx.msk $0xffff, v7;
	v6 =	vld.idx.msk [tilespmem:v0+s19+$0x70 ss:$0x1], $0xffff  }
.LBB1_5:
0x30: {  	p1 =	sne.s32 s20, $0x1;
	v7 =	vld.idx.msk [tilespmem:v0+s19+$0x10 ss:$0x1], $0xffff;
	[tilespmem:v0+s18+$0x30 ss:$0x1] =	vst.idx.msk $0xffff, v1  }
0x31: {  	v8 =	vld.idx.msk [tilespmem:v0+s19+$0x20 ss:$0x1], $0xffff;
	[tilespmem:v0+s18+$0x40 ss:$0x1] =	vst.idx.msk $0xffff, v2  }
0x32: {  	v1 =	vld.idx.msk [tilespmem:v0+s19+$0x30 ss:$0x1], $0xffff;
	[tilespmem:v0+s18+$0x50 ss:$0x1] =	vst.idx.msk $0xffff, v3  }
.Ltmp3:
0x33: {  	v2 =	vld.idx.msk [tilespmem:v0+s19+$0x40 ss:$0x1], $0xffff;
	[tilespmem:v0+s18+$0x60 ss:$0x1] =	vst.idx.msk $0xffff, v4;
	(pc) =	sbr.rel @p1 .LBB1_5-.Ltmp3, $4  }
0x34: {  	v3 =	vld.idx.msk [tilespmem:v0+s19+$0x50 ss:$0x1], $0xffff;
	[tilespmem:v0+s18+$0x0 ss:$0x1] =	vst.idx.msk $0xffff, v5;
	s18 =	sadd.s32 $0x100, s18  }
0x35: {  	v4 =	vld.idx.msk [tilespmem:v0+s19+$0x60 ss:$0x1], $0xffff;
	[tilespmem:v0+s18+$0x70 ss:$0x1] =	vst.idx.msk $0xffff, v6  }
0x36: {  	v5 =	vld.idx.msk [tilespmem:v0+s19+$0x0 ss:$0x1], $0xffff;
	[tilespmem:v0+s18+$0x10 ss:$0x1] =	vst.idx.msk $0xffff, v7;
	s19 =	sadd.s32 $0x80, s19  }
0x37: {  	s20 =	sadd.s32 $0xFFFFFFFF, s20;
	v6 =	vld.idx.msk [tilespmem:v0+s19+$0x70 ss:$0x1], $0xffff;
	[tilespmem:v0+s18+$0x20 ss:$0x1] =	vst.idx.msk $0xffff, v8  }
0x38: {  	_ =	sdelay $0x3  }
0x39: {  	[tilespmem:v0+s18+$0x30 ss:$0x1] =	vst.idx.msk $0xffff, v1  }
0x3a: {  	v1 =	vld.idx.msk [tilespmem:v0+s19+$0x10 ss:$0x1], $0xffff;
	[tilespmem:v0+s18+$0x40 ss:$0x1] =	vst.idx.msk $0xffff, v2  }
0x3b: {  	v2 =	vld.idx.msk [tilespmem:v0+s19+$0x20 ss:$0x1], $0xffff;
	[tilespmem:v0+s18+$0x50 ss:$0x1] =	vst.idx.msk $0xffff, v3  }
0x3c: {  	v61 =	vld.idx.msk [tilespmem:v0+s19+$0x40 ss:$0x1], $0xffff;
	[tilespmem:v0+s18+$0x60 ss:$0x1] =	vst.idx.msk $0xffff, v4  }
0x3d: {  	s31 =	sadd.s32 $0x100, s18;
	v62 =	vld.idx.msk [tilespmem:v0+s19+$0x50 ss:$0x1], $0xffff;
	[tilespmem:v0+s18+$0x0 ss:$0x1] =	vst.idx.msk $0xffff, v5  }
0x3e: {  	v63 =	vld.idx.msk [tilespmem:v0+s19+$0x60 ss:$0x1], $0xffff;
	[tilespmem:v0+s31+$0x70 ss:$0x1] =	vst.idx.msk $0xffff, v6  }
0x3f: {  	v3 =	vld.idx.msk [tilespmem:v0+s19+$0x30 ss:$0x1], $0xffff;
	[tilespmem:v0+s31+$0x10 ss:$0x1] =	vst.idx.msk $0xffff, v1  }
0x40: {  	v1 =	vld.idx.msk [tilespmem:v0+s19+$0x0 ss:$0x1], $0xffff;
	[tilespmem:v0+s31+$0x20 ss:$0x1] =	vst.idx.msk $0xffff, v2  }
.Ltmp4:
0x41: {  	[tilespmem:v0+s31+$0x40 ss:$0x1] =	vst.idx.msk $0xffff, v61;
	(pc) =	sbr.rel @p0 .LBB1_4-.Ltmp4, $4  }
0x42: {  	[tilespmem:v0+s31+$0x50 ss:$0x1] =	vst.idx.msk $0xffff, v62  }
0x43: {  	[tilespmem:v0+s31+$0x60 ss:$0x1] =	vst.idx.msk $0xffff, v63  }
0x44: {  	[tilespmem:v0+s31+$0x30 ss:$0x1] =	vst.idx.msk $0xffff, v3  }
0x45: {  	p1 =	por $0x0, $0x0;
	s18 =	simm.s32 $0x1;
	[tilespmem:v0+s31+$0x0 ss:$0x1] =	vst.idx.msk $0xffff, v1  }
0x46: {  	s17 =	sadd.s32 $0x1, s17  }
0x47: {  	p0 =	sne.s32 s17, $0x8  }
.Ltmp5:
0x48: {  	_ = 	snop;
	(pc) =	sbr.rel @p0 .LBB1_3-.Ltmp5, $2  }
0x49: {  	_ =	sdelay $0x2  }
0x4a: {  	s16 =	sadd.s32 $0x2000, s16  }
.Ltmp6:
0x4b: {  	(pc) =	sbr.rel .LBB1_9-.Ltmp6, $4  }
0x4c: {  	_ = 	snop  }
0x4d: {  	s12 =	sshll.u32 s12, $0x8  }
0x4e: {  	s12 =	sadd.s32 s4, s12  }
0x4f: {  	[hbm4b:s12+s8] =	stream.linear.scatter [tilespmem:s13], [sflag:$0x2], $0x4000, $0x38;
	[tilespmem:$0x10000] =	vst v63  }
.LBB1_10:
0x50: {  	_ =	sfence.sel $0x180000  }
0x51: {  	s2 =	simm.s32 $0x1;
	[bflag:$0x0] =	sbarrier.arrive $0xFFFF  }
0x52: {  	s31 =	simm.s32 $0x2;
	[sflag:s2] =	ssyncpa.u1 $0x1  }
0x53: {  	[sflag:s31] =	ssyncpa.u1 $0x1  }
0x54: {  	p0 =	sne.s32 s0, $0x0;
	_ =	strace $0x90000047  }
0x55: {  	s0 =	sadd.s32 @!p0 $0x100000, s1;
	[bflag:$0x2] =	sbarrier.arrive $0xFFFF  }
0x56: {  	[sflag:s0] =	ssyncadd.tile.s32 @!p0 $0x1;
	_ =	shalt  }
.Lfunc_end1:
_tile_overlayer_lowered:
.L_overlay_start_2:
0x57: {  	(tag) =	ssettag $0x2  }
0x58: {  	s0 =	rddreg [dreg:$0x0];
	s2 =	stileid.u32  }
0x59: {  	s1 =	rddreg [dreg:$0x1];
	p0 =	sne.s32 s2, $0x0  }
0x5a: {  	s3 =	rddreg [dreg:$0x2];
	[bflag:$0x3] =	sbarrier.arrive $0xFFFF;
	s2 =	simm.s32 @!p0 $0x1C01  }
0x5b: {  	[timem:s3], [sflag:s2] =	dma.local @!p0 [hbm:s0], s1  }
0x5c: {  	s0 =	simm.s32 @!p0 $0x1  }
0x5d: {  	_ =	swait.ge @!p0 [sflag:s0], s1  }
0x5e: {  	s1 =	ssub.s32 @!p0 $0x0, s1;
	[sflag:s0] =	ssyncset.done @!p0 $0x0  }
0x5f: {  	[sflag:s0] =	ssyncadd.s32 @!p0 s1  }
0x60: {  	[bflag:$0x3] =	sbarrier.arrive $0xFFFF  }
0x61: {  	_ =	shalt  }

</sc_bundles>
